<compile_context>
chip_gen: v7x
topology: tpu7x:2x2x1
jax: 0.10.2.dev20260603
libtpu: 0.0.44.dev20260713+nightly
codegen_flags: <defaults>
</compile_context>

<pallas_src>
import functools

import jax
import jax.numpy as jnp
from jax import lax
from jax.experimental import pallas as pl
from jax.experimental.pallas import tpu as pltpu
from jax.experimental.pallas import tpu_sc as plsc

IOU_THR = 0.4
BI = 512
BJ = 512
BIG = 1e30
NB = 64
NT = 16
PW = 128



def _bucket_body(pk_hbm, bu_hbm, perm_hbm, bstart_hbm, hists_hbm,
                 rowsv, buv, posv, histv, allh, basev, bigv,
                 hist_s, cnt_s, sem):
    wid = lax.axis_index("s")
    npad = bu_hbm.shape[0]
    m = npad // NT
    base = wid * m
    pltpu.sync_copy(pk_hbm.at[pl.ds(base, m)], rowsv)
    pltpu.sync_copy(bu_hbm.at[pl.ds(base, m)], buv)

    lanes = lax.iota(jnp.int32, 16)

    def bigloop(r, carry):
        for c in range(PW // 16):
            bigv[r, pl.ds(c * 16, 16)] = jnp.full((16,), BIG, jnp.float32)
        return carry

    lax.fori_loop(0, 128, bigloop, jnp.int32(0))

    @pl.when(wid == 0)
    def _():
        for q in range(BJ // 128):
            pltpu.sync_copy(bigv, perm_hbm.at[pl.ds(npad + q * 128, 128)])

    for i in range(NB):
        hist_s[i] = jnp.int32(0)

    def hloop(c, carry):
        v = buv[pl.ds(c * 16, 16)]
        for l in range(16):
            b = v[l]
            hist_s[b] = hist_s[b] + 1
        return carry

    lax.fori_loop(0, m // 16, hloop, jnp.int32(0))

    for c in range(NB // 16):
        v = jnp.zeros((16,), jnp.int32)
        for l in range(16):
            v = jnp.where(lanes == l, hist_s[c * 16 + l], v)
        histv[pl.ds(c * 16, 16)] = v

    pltpu.sync_copy(histv, hists_hbm.at[wid])
    plsc.subcore_barrier()
    pltpu.sync_copy(hists_hbm, allh)

    carry = jnp.int32(0)
    for c in range(NB // 16):
        sl = pl.ds(c * 16, 16)
        tot = jnp.zeros((16,), jnp.int32)
        for t in range(NT):
            tot = tot + allh[t, sl]
        excl = jnp.zeros((16,), jnp.int32)
        for l in range(16):
            excl = jnp.where(lanes == l, carry, excl)
            carry = carry + tot[l]

        def mloop(t, mb):
            return mb + allh[t, sl]

        mybase = lax.fori_loop(0, wid, mloop, jnp.zeros((16,), jnp.int32))
        bvec = excl + mybase
        basev[sl] = bvec
        for l in range(16):
            cnt_s[c * 16 + l] = bvec[l]

    @pl.when(wid == 0)
    def _():
        pltpu.sync_copy(basev, bstart_hbm)

    def ploop(c, carry):
        v = buv[pl.ds(c * 16, 16)]
        pv = jnp.zeros((16,), jnp.int32)
        for l in range(16):
            b = v[l]
            p = cnt_s[b]
            cnt_s[b] = p + 1
            pv = jnp.where(lanes == l, p, pv)
        posv[pl.ds(c * 16, 16)] = pv
        return carry

    lax.fori_loop(0, m // 16, ploop, jnp.int32(0))

    pltpu.async_copy(rowsv, perm_hbm.at[posv], sem).wait()


def _bucket_permute(pk, bu):
    npad = bu.shape[0]
    m = npad // NT
    fv = jnp.float32
    iv = jnp.int32
    mesh = plsc.VectorSubcoreMesh(core_axis_name="c", subcore_axis_name="s",
                                  num_cores=1)
    f = pl.kernel(
        _bucket_body,
        mesh=mesh,
        out_type=[
            jax.ShapeDtypeStruct((npad + BJ, PW), fv),
            jax.ShapeDtypeStruct((NB,), iv),
            jax.ShapeDtypeStruct((NT, NB), iv),
        ],
        scratch_types=[
            pltpu.VMEM((m, PW), fv),
            pltpu.VMEM((m,), iv),
            pltpu.VMEM((m,), iv),
            pltpu.VMEM((NB,), iv),
            pltpu.VMEM((NT, NB), iv),
            pltpu.VMEM((NB,), iv),
            pltpu.VMEM((128, PW), fv),
            pltpu.SMEM((NB,), iv),
            pltpu.SMEM((NB,), iv),
            pltpu.SemaphoreType.DMA,
        ],
    )
    return f(pk, bu)



def _nms_decay_body(c0_ref, c1_ref, pk_ref, out_ref):
    b = pl.program_id(0)
    lo = c0_ref[b]
    nch = c1_ref[b]
    bb = pl.multiple_of(b * BI, BI)

    blki = pk_ref[pl.ds(bb, BI), :]
    x1i = blki[:, 0:1]
    y1i = blki[:, 1:2]
    x2i = blki[:, 2:3]
    y2i = blki[:, 3:4]
    si = blki[:, 4:5]
    area_i = (x2i - x1i) * (y2i - y1i)

    def body(c, acc):
        st = pl.ds(pl.multiple_of(lo + c * BJ, 128), BJ)
        blkj = pk_ref[st, :]
        x1j = blkj[:, 0:1].reshape(1, BJ)
        y1j = blkj[:, 1:2].reshape(1, BJ)
        x2j = blkj[:, 2:3].reshape(1, BJ)
        y2j = blkj[:, 3:4].reshape(1, BJ)
        sj = blkj[:, 4:5].reshape(1, BJ)
        area_j = (x2j - x1j) * (y2j - y1j)

        w = jnp.maximum(jnp.minimum(x2i, x2j) - jnp.maximum(x1i, x1j), 0.0)
        h = jnp.maximum(jnp.minimum(y2i, y2j) - jnp.maximum(y1i, y1j), 0.0)
        inter = w * h
        union = (area_i + area_j) - inter
        iou = inter / union
        cond = jnp.logical_and(iou > IOU_THR, sj > si)
        f = jnp.where(cond, 1.0 - iou, 1.0)
        return acc * f

    acc = jax.lax.fori_loop(0, nch, body,
                            jnp.ones((BI, BJ), jnp.float32))

    width = BJ
    while width > 1:
        width //= 2
        acc = acc[:, :width] * acc[:, width:2 * width]

    out_ref[...] = si * acc


@jax.jit
def kernel(boxes, scores):
    n = boxes.shape[0]
    npad = ((n + BI - 1) // BI) * BI
    pad = npad - n

    x1 = boxes[:, 0]
    y1 = boxes[:, 1]
    x2p = boxes[:, 2] + 1.0
    y2p = boxes[:, 3] + 1.0
    maxext = jnp.maximum(jnp.max(x2p - x1), jnp.max(y2p - y1))
    minx = jnp.min(x1)
    cell = jnp.maximum(maxext, (jnp.max(x1) - minx) / NB)

    fullc = lambda a, v: jnp.pad(a, (0, pad), constant_values=v)
    x1f = fullc(x1, BIG)
    bu = jnp.clip((x1f - minx) / cell, 0.0, NB - 1).astype(jnp.int32)

    idxf = jnp.arange(npad, dtype=jnp.float32)
    pk6 = jnp.stack([x1f, fullc(y1, BIG), fullc(x2p, BIG),
                     fullc(y2p, BIG), fullc(scores, -BIG), idxf], axis=1)
    pk = jnp.pad(pk6, ((0, 0), (0, PW - 6)))

    perm, bstart, _ = _bucket_permute(pk, bu)
    order = perm[:npad, 5].astype(jnp.int32)

    nb = npad // BI
    bstart_ext = jnp.concatenate([bstart, jnp.array([npad], jnp.int32)])
    r0 = jnp.arange(nb, dtype=jnp.int32) * BI
    r1 = r0 + BI - 1
    bu0 = jnp.searchsorted(bstart, r0, side='right').astype(jnp.int32) - 1
    bu1 = jnp.searchsorted(bstart, r1, side='right').astype(jnp.int32) - 1
    lo_idx = bstart_ext[jnp.clip(bu0 - 1, 0, NB)]
    hi_idx = bstart_ext[jnp.clip(bu1 + 2, 0, NB)]
    lo_row = (lo_idx // 128 * 128).astype(jnp.int32)
    c0 = lo_row
    c1 = ((hi_idx - lo_row + BJ - 1) // BJ).astype(jnp.int32)

    sspec = pl.BlockSpec(memory_space=pltpu.SMEM)

    out = pl.pallas_call(
        _nms_decay_body,
        grid=(nb,),
        in_specs=[sspec, sspec,
                  pl.BlockSpec((npad + BJ, PW), lambda i: (0, 0))],
        out_specs=pl.BlockSpec((BI, 1), lambda i: (i, 0)),
        out_shape=jax.ShapeDtypeStruct((npad, 1), jnp.float32),
    )(c0, c1, perm)

    return jnp.zeros((npad,), jnp.float32).at[order].set(out[:, 0])[:n]

# --- scband reference (transcript-rebuilt; emitter-appended) ---
"""Pipeline reference for scband-network-12970801234422 (READ-ONLY COPY).

The authoritative reference and input builder live on the scoring server;
editing this copy changes nothing except your own understanding.
"""

import jax, jax.numpy as jnp
import numpy as np

N = 5000
IOU_THRESHOLD = 0.4


def bbox_overlaps(a, b):
    # Faithful to py-faster-rcnn style bbox_overlaps used in _build_graph (+1 convention)
    area_a = (a[:, 2] - a[:, 0] + 1.0) * (a[:, 3] - a[:, 1] + 1.0)
    area_b = (b[:, 2] - b[:, 0] + 1.0) * (b[:, 3] - b[:, 1] + 1.0)
    lt = jnp.maximum(a[:, None, :2], b[None, :, :2])
    rb = jnp.minimum(a[:, None, 2:], b[None, :, 2:])
    wh = jnp.clip(rb - lt + 1.0, 0.0, None)
    inter = wh[..., 0] * wh[..., 1]
    union = area_a[:, None] + area_b[None, :] - inter
    return inter / union


def setup_inputs(seed: int = 0) -> dict:
    key = jax.random.key(seed)
    k1, k2, k3 = jax.random.split(key, 3)
    base = jax.random.uniform(k1, (N, 2), dtype=jnp.float32) * 800.0
    size = jax.random.uniform(k2, (N, 2), dtype=jnp.float32) * 120.0 + 1.0
    boxes = jnp.concatenate([base, base + size], axis=1)
    scores = jax.random.uniform(k3, (N,), dtype=jnp.float32)
    return {"boxes": boxes, "scores": scores}


def reference(boxes, scores):
    # _build_graph: IoU adjacency thresholded at 0.4
    ov = bbox_overlaps(boxes, boxes)
    graph = (ov > IOU_THRESHOLD).astype(jnp.float32)
    # greedy degree-ordered suppression surrogate (soft-NMS style):
    # a box is decayed by every higher-scored box connected to it in the IoU graph
    higher = (scores[None, :] > scores[:, None]).astype(jnp.float32)
    mask = graph * higher
    decay = jnp.prod(1.0 - mask * ov, axis=1)
    decayed_scores = scores * decay
    return decayed_scores

if __name__ == "__main__":
    import jax
    _d = setup_inputs()
    print(jax.jit(kernel)(*tuple(_d.values())))

</pallas_src>

<mosaic_0001>
#map = affine_map<(d0, d1) -> (0, 0)>
#map1 = affine_map<(d0, d1) -> (0)>
module attributes {stable_mosaic.version = 14 : i64} {
  func.func @_bucket_body(%arg0: i32, %arg1: i32, %arg2: memref<5120x128xf32, #tpu.memory_space<hbm>>, %arg3: memref<5120xi32, #tpu.memory_space<hbm>>, %arg4: memref<5632x128xf32, #tpu.memory_space<hbm>>, %arg5: memref<64xi32, #tpu.memory_space<hbm>>, %arg6: memref<16x64xi32, #tpu.memory_space<hbm>>, %arg7: memref<320x128xf32, #tpu.memory_space<vmem>>, %arg8: memref<320xi32, #tpu.memory_space<vmem>>, %arg9: memref<320xi32, #tpu.memory_space<vmem>>, %arg10: memref<64xi32, #tpu.memory_space<vmem>>, %arg11: memref<16x64xi32, #tpu.memory_space<vmem>>, %arg12: memref<64xi32, #tpu.memory_space<vmem>>, %arg13: memref<128x128xf32, #tpu.memory_space<vmem>>, %arg14: memref<64xi32, #tpu.memory_space<smem>>, %arg15: memref<64xi32, #tpu.memory_space<smem>>, %arg16: memref<!tpu.dma_semaphore, #tpu.memory_space<semaphore_mem>>) attributes {dimension_semantics = [#tpu.dimension_semantics<core_parallel>, #tpu.dimension_semantics<subcore_parallel>], iteration_bounds = array<i64: 1, 16>, scalar_prefetch = 0 : i64, scratch_operands = 10 : i64, tpu.core_type = #tpu.core_type<sc_vector_subcore>, window_params = [{transform_indices = #map}, {transform_indices = #map1}, {transform_indices = #map}, {transform_indices = #map1}, {transform_indices = #map}]} {
    %mul3A = arith.constant 320 : i32
    %mul3A_0 = arith.muli %arg1, %mul3A : i32
    "tpu.region"() ({
      %run_scoped3A = tpu.sem_alloc : memref<!tpu.dma_semaphore, #tpu.memory_space<semaphore_mem>>
      %dma_start3A_2118 = arith.constant 0 : i32
      %dma_start3A_2119 = tpu.memref_slice %arg2[%mul3A_0, %dma_start3A_2118] : memref<5120x128xf32, #tpu.memory_space<hbm>> -> memref<320x128xf32, #tpu.memory_space<hbm>>
      %dma_start3A_2120 = arith.constant 0 : i32
      %dma_start3A_2121 = tpu.memref_slice %arg2[%mul3A_0, %dma_start3A_2120] : memref<5120x128xf32, #tpu.memory_space<hbm>> -> memref<320x128xf32, #tpu.memory_space<hbm>>
      tpu.enqueue_dma source(%dma_start3A_2121 : memref<320x128xf32, #tpu.memory_space<hbm>>) target(%arg7 : memref<320x128xf32, #tpu.memory_space<vmem>>) target_semaphore(%run_scoped3A : memref<!tpu.dma_semaphore, #tpu.memory_space<semaphore_mem>>)
      %dma_wait3A_2122 = arith.constant 0 : i32
      %dma_wait3A_2123 = tpu.memref_slice %arg2[%mul3A_0, %dma_wait3A_2122] : memref<5120x128xf32, #tpu.memory_space<hbm>> -> memref<320x128xf32, #tpu.memory_space<hbm>>
      %dma_wait3A_2124 = arith.constant 0 : i32
      %dma_wait3A_2125 = tpu.memref_slice %arg2[%mul3A_0, %dma_wait3A_2124] : memref<5120x128xf32, #tpu.memory_space<hbm>> -> memref<320x128xf32, #tpu.memory_space<hbm>>
      tpu.wait_dma2 semaphore(%run_scoped3A : memref<!tpu.dma_semaphore, #tpu.memory_space<semaphore_mem>>) src(%dma_wait3A_2125 : memref<320x128xf32, #tpu.memory_space<hbm>>) dst(%arg7 : memref<320x128xf32, #tpu.memory_space<vmem>>)
      tpu.yield
    }) : () -> ()
    "tpu.region"() ({
      %run_scoped3A = tpu.sem_alloc : memref<!tpu.dma_semaphore, #tpu.memory_space<semaphore_mem>>
      %dma_start3A_2118 = tpu.memref_slice %arg3[%mul3A_0] : memref<5120xi32, #tpu.memory_space<hbm>> -> memref<320xi32, #tpu.memory_space<hbm>>
      %dma_start3A_2119 = tpu.memref_slice %arg3[%mul3A_0] : memref<5120xi32, #tpu.memory_space<hbm>> -> memref<320xi32, #tpu.memory_space<hbm>>
      tpu.enqueue_dma source(%dma_start3A_2119 : memref<320xi32, #tpu.memory_space<hbm>>) target(%arg8 : memref<320xi32, #tpu.memory_space<vmem>>) target_semaphore(%run_scoped3A : memref<!tpu.dma_semaphore, #tpu.memory_space<semaphore_mem>>)
      %dma_wait3A_2120 = tpu.memref_slice %arg3[%mul3A_0] : memref<5120xi32, #tpu.memory_space<hbm>> -> memref<320xi32, #tpu.memory_space<hbm>>
      %dma_wait3A_2121 = tpu.memref_slice %arg3[%mul3A_0] : memref<5120xi32, #tpu.memory_space<hbm>> -> memref<320xi32, #tpu.memory_space<hbm>>
      tpu.wait_dma2 semaphore(%run_scoped3A : memref<!tpu.dma_semaphore, #tpu.memory_space<semaphore_mem>>) src(%dma_wait3A_2121 : memref<320xi32, #tpu.memory_space<hbm>>) dst(%arg8 : memref<320xi32, #tpu.memory_space<vmem>>)
      tpu.yield
    }) : () -> ()
    %iota3A = tpu.iota {dimensions = array<i32: 0>} : vector<16xi32>
    %scan3A = arith.constant 0 : i32
    %scan3A_1 = arith.constant 0 : i32
    %scan3A_2 = arith.constant 128 : i32
    %scan3A_3 = arith.addi %scan3A_1, %scan3A_2 : i32
    %scan3A_4 = arith.constant 1 : i32
    scf.for %scan3A_2118 = %scan3A_1 to %scan3A_3 step %scan3A_4  : i32 {
      %broadcast_in_dim3A_2119 = arith.constant 1.000000e+30 : f32
      %broadcast_in_dim3A_2120 = vector.broadcast %broadcast_in_dim3A_2119 : f32 to vector<16xf32>
      %swap3A_2121 = arith.index_cast %scan3A_2118 : i32 to index
      %swap3A_2122 = arith.constant 0 : index
      %swap3A_2123 = tpu.vector_load %arg13[%swap3A_2121, %swap3A_2122] {strides = array<i32>} : memref<128x128xf32, #tpu.memory_space<vmem>>, vector<1x16xf32>,
      %swap3A_2124 = vector.shape_cast %swap3A_2123 : vector<1x16xf32> to vector<16xf32>
      %swap3A_2125 = vector.shape_cast %broadcast_in_dim3A_2120 : vector<16xf32> to vector<1x16xf32>
      tpu.vector_store %arg13[%swap3A_2121, %swap3A_2122], %swap3A_2125 {strides = array<i32>} : memref<128x128xf32, #tpu.memory_space<vmem>>, vector<1x16xf32>,
      %broadcast_in_dim3A_2126 = arith.constant 1.000000e+30 : f32
      %broadcast_in_dim3A_2127 = vector.broadcast %broadcast_in_dim3A_2126 : f32 to vector<16xf32>
      %swap3A_2128 = arith.index_cast %scan3A_2118 : i32 to index
      %swap3A_2129 = arith.constant 16 : index
      %swap3A_2130 = tpu.vector_load %arg13[%swap3A_2128, %swap3A_2129] {strides = array<i32>} : memref<128x128xf32, #tpu.memory_space<vmem>>, vector<1x16xf32>,
      %swap3A_2131 = vector.shape_cast %swap3A_2130 : vector<1x16xf32> to vector<16xf32>
      %swap3A_2132 = vector.shape_cast %broadcast_in_dim3A_2127 : vector<16xf32> to vector<1x16xf32>
      tpu.vector_store %arg13[%swap3A_2128, %swap3A_2129], %swap3A_2132 {strides = array<i32>} : memref<128x128xf32, #tpu.memory_space<vmem>>, vector<1x16xf32>,
      %broadcast_in_dim3A_2133 = arith.constant 1.000000e+30 : f32
      %broadcast_in_dim3A_2134 = vector.broadcast %broadcast_in_dim3A_2133 : f32 to vector<16xf32>
      %swap3A_2135 = arith.index_cast %scan3A_2118 : i32 to index
      %swap3A_2136 = arith.constant 32 : index
      %swap3A_2137 = tpu.vector_load %arg13[%swap3A_2135, %swap3A_2136] {strides = array<i32>} : memref<128x128xf32, #tpu.memory_space<vmem>>, vector<1x16xf32>,
      %swap3A_2138 = vector.shape_cast %swap3A_2137 : vector<1x16xf32> to vector<16xf32>
      %swap3A_2139 = vector.shape_cast %broadcast_in_dim3A_2134 : vector<16xf32> to vector<1x16xf32>
      tpu.vector_store %arg13[%swap3A_2135, %swap3A_2136], %swap3A_2139 {strides = array<i32>} : memref<128x128xf32, #tpu.memory_space<vmem>>, vector<1x16xf32>,
      %broadcast_in_dim3A_2140 = arith.constant 1.000000e+30 : f32
      %broadcast_in_dim3A_2141 = vector.broadcast %broadcast_in_dim3A_2140 : f32 to vector<16xf32>
      %swap3A_2142 = arith.index_cast %scan3A_2118 : i32 to index
      %swap3A_2143 = arith.constant 48 : index
      %swap3A_2144 = tpu.vector_load %arg13[%swap3A_2142, %swap3A_2143] {strides = array<i32>} : memref<128x128xf32, #tpu.memory_space<vmem>>, vector<1x16xf32>,
      %swap3A_2145 = vector.shape_cast %swap3A_2144 : vector<1x16xf32> to vector<16xf32>
      %swap3A_2146 = vector.shape_cast %broadcast_in_dim3A_2141 : vector<16xf32> to vector<1x16xf32>
      tpu.vector_store %arg13[%swap3A_2142, %swap3A_2143], %swap3A_2146 {strides = array<i32>} : memref<128x128xf32, #tpu.memory_space<vmem>>, vector<1x16xf32>,
      %broadcast_in_dim3A_2147 = arith.constant 1.000000e+30 : f32
      %broadcast_in_dim3A_2148 = vector.broadcast %broadcast_in_dim3A_2147 : f32 to vector<16xf32>
      %swap3A_2149 = arith.index_cast %scan3A_2118 : i32 to index
      %swap3A_2150 = arith.constant 64 : index
      %swap3A_2151 = tpu.vector_load %arg13[%swap3A_2149, %swap3A_2150] {strides = array<i32>} : memref<128x128xf32, #tpu.memory_space<vmem>>, vector<1x16xf32>,
      %swap3A_2152 = vector.shape_cast %swap3A_2151 : vector<1x16xf32> to vector<16xf32>
      %swap3A_2153 = vector.shape_cast %broadcast_in_dim3A_2148 : vector<16xf32> to vector<1x16xf32>
      tpu.vector_store %arg13[%swap3A_2149, %swap3A_2150], %swap3A_2153 {strides = array<i32>} : memref<128x128xf32, #tpu.memory_space<vmem>>, vector<1x16xf32>,
      %broadcast_in_dim3A_2154 = arith.constant 1.000000e+30 : f32
      %broadcast_in_dim3A_2155 = vector.broadcast %broadcast_in_dim3A_2154 : f32 to vector<16xf32>
      %swap3A_2156 = arith.index_cast %scan3A_2118 : i32 to index
      %swap3A_2157 = arith.constant 80 : index
      %swap3A_2158 = tpu.vector_load %arg13[%swap3A_2156, %swap3A_2157] {strides = array<i32>} : memref<128x128xf32, #tpu.memory_space<vmem>>, vector<1x16xf32>,
      %swap3A_2159 = vector.shape_cast %swap3A_2158 : vector<1x16xf32> to vector<16xf32>
      %swap3A_2160 = vector.shape_cast %broadcast_in_dim3A_2155 : vector<16xf32> to vector<1x16xf32>
      tpu.vector_store %arg13[%swap3A_2156, %swap3A_2157], %swap3A_2160 {strides = array<i32>} : memref<128x128xf32, #tpu.memory_space<vmem>>, vector<1x16xf32>,
      %broadcast_in_dim3A_2161 = arith.constant 1.000000e+30 : f32
      %broadcast_in_dim3A_2162 = vector.broadcast %broadcast_in_dim3A_2161 : f32 to vector<16xf32>
      %swap3A_2163 = arith.index_cast %scan3A_2118 : i32 to index
      %swap3A_2164 = arith.constant 96 : index
      %swap3A_2165 = tpu.vector_load %arg13[%swap3A_2163, %swap3A_2164] {strides = array<i32>} : memref<128x128xf32, #tpu.memory_space<vmem>>, vector<1x16xf32>,
      %swap3A_2166 = vector.shape_cast %swap3A_2165 : vector<1x16xf32> to vector<16xf32>
      %swap3A_2167 = vector.shape_cast %broadcast_in_dim3A_2162 : vector<16xf32> to vector<1x16xf32>
      tpu.vector_store %arg13[%swap3A_2163, %swap3A_2164], %swap3A_2167 {strides = array<i32>} : memref<128x128xf32, #tpu.memory_space<vmem>>, vector<1x16xf32>,
      %broadcast_in_dim3A_2168 = arith.constant 1.000000e+30 : f32
      %broadcast_in_dim3A_2169 = vector.broadcast %broadcast_in_dim3A_2168 : f32 to vector<16xf32>
      %swap3A_2170 = arith.index_cast %scan3A_2118 : i32 to index
      %swap3A_2171 = arith.constant 112 : index
      %swap3A_2172 = tpu.vector_load %arg13[%swap3A_2170, %swap3A_2171] {strides = array<i32>} : memref<128x128xf32, #tpu.memory_space<vmem>>, vector<1x16xf32>,
      %swap3A_2173 = vector.shape_cast %swap3A_2172 : vector<1x16xf32> to vector<16xf32>
      %swap3A_2174 = vector.shape_cast %broadcast_in_dim3A_2169 : vector<16xf32> to vector<1x16xf32>
      tpu.vector_store %arg13[%swap3A_2170, %swap3A_2171], %swap3A_2174 {strides = array<i32>} : memref<128x128xf32, #tpu.memory_space<vmem>>, vector<1x16xf32>,
    }
    %scan3A_5 = arith.constant 128 : i32
    %eq3A = arith.constant 0 : i32
    %eq3A_6 = arith.cmpi eq, %arg1, %eq3A : i32
    %convert_element_type3A = arith.extui %eq3A_6 : i1 to i32
    %cond3A = arith.constant 0 : i32
    %cond3A_7 = arith.cmpi ne, %convert_element_type3A, %cond3A : i32
    scf.if %cond3A_7 {
      "tpu.region"() ({
        %run_scoped3A = tpu.sem_alloc : memref<!tpu.dma_semaphore, #tpu.memory_space<semaphore_mem>>
        %dma_start3A_2118 = arith.constant 5120 : i32
        %dma_start3A_2119 = arith.constant 0 : i32
        %dma_start3A_2120 = tpu.memref_slice %arg4[%dma_start3A_2118, %dma_start3A_2119] : memref<5632x128xf32, #tpu.memory_space<hbm>> -> memref<128x128xf32, #tpu.memory_space<hbm>>
        %dma_start3A_2121 = arith.constant 5120 : i32
        %dma_start3A_2122 = arith.constant 0 : i32
        %dma_start3A_2123 = tpu.memref_slice %arg4[%dma_start3A_2121, %dma_start3A_2122] : memref<5632x128xf32, #tpu.memory_space<hbm>> -> memref<128x128xf32, #tpu.memory_space<hbm>>
        tpu.enqueue_dma source(%arg13 : memref<128x128xf32, #tpu.memory_space<vmem>>) target(%dma_start3A_2123 : memref<128x128xf32, #tpu.memory_space<hbm>>) target_semaphore(%run_scoped3A : memref<!tpu.dma_semaphore, #tpu.memory_space<semaphore_mem>>)
        %dma_wait3A_2124 = arith.constant 5120 : i32
        %dma_wait3A_2125 = arith.constant 0 : i32
        %dma_wait3A_2126 = tpu.memref_slice %arg4[%dma_wait3A_2124, %dma_wait3A_2125] : memref<5632x128xf32, #tpu.memory_space<hbm>> -> memref<128x128xf32, #tpu.memory_space<hbm>>
        %dma_wait3A_2127 = arith.constant 5120 : i32
        %dma_wait3A_2128 = arith.constant 0 : i32
        %dma_wait3A_2129 = tpu.memref_slice %arg4[%dma_wait3A_2127, %dma_wait3A_2128] : memref<5632x128xf32, #tpu.memory_space<hbm>> -> memref<128x128xf32, #tpu.memory_space<hbm>>
        tpu.wait_dma2 semaphore(%run_scoped3A : memref<!tpu.dma_semaphore, #tpu.memory_space<semaphore_mem>>) src(%arg13 : memref<128x128xf32, #tpu.memory_space<vmem>>) dst(%dma_wait3A_2129 : memref<128x128xf32, #tpu.memory_space<hbm>>)
        tpu.yield
      }) : () -> ()
      "tpu.region"() ({
        %run_scoped3A = tpu.sem_alloc : memref<!tpu.dma_semaphore, #tpu.memory_space<semaphore_mem>>
        %dma_start3A_2118 = arith.constant 5248 : i32
        %dma_start3A_2119 = arith.constant 0 : i32
        %dma_start3A_2120 = tpu.memref_slice %arg4[%dma_start3A_2118, %dma_start3A_2119] : memref<5632x128xf32, #tpu.memory_space<hbm>> -> memref<128x128xf32, #tpu.memory_space<hbm>>
        %dma_start3A_2121 = arith.constant 5248 : i32
        %dma_start3A_2122 = arith.constant 0 : i32
        %dma_start3A_2123 = tpu.memref_slice %arg4[%dma_start3A_2121, %dma_start3A_2122] : memref<5632x128xf32, #tpu.memory_space<hbm>> -> memref<128x128xf32, #tpu.memory_space<hbm>>
        tpu.enqueue_dma source(%arg13 : memref<128x128xf32, #tpu.memory_space<vmem>>) target(%dma_start3A_2123 : memref<128x128xf32, #tpu.memory_space<hbm>>) target_semaphore(%run_scoped3A : memref<!tpu.dma_semaphore, #tpu.memory_space<semaphore_mem>>)
        %dma_wait3A_2124 = arith.constant 5248 : i32
        %dma_wait3A_2125 = arith.constant 0 : i32
        %dma_wait3A_2126 = tpu.memref_slice %arg4[%dma_wait3A_2124, %dma_wait3A_2125] : memref<5632x128xf32, #tpu.memory_space<hbm>> -> memref<128x128xf32, #tpu.memory_space<hbm>>
        %dma_wait3A_2127 = arith.constant 5248 : i32
        %dma_wait3A_2128 = arith.constant 0 : i32
        %dma_wait3A_2129 = tpu.memref_slice %arg4[%dma_wait3A_2127, %dma_wait3A_2128] : memref<5632x128xf32, #tpu.memory_space<hbm>> -> memref<128x128xf32, #tpu.memory_space<hbm>>
        tpu.wait_dma2 semaphore(%run_scoped3A : memref<!tpu.dma_semaphore, #tpu.memory_space<semaphore_mem>>) src(%arg13 : memref<128x128xf32, #tpu.memory_space<vmem>>) dst(%dma_wait3A_2129 : memref<128x128xf32, #tpu.memory_space<hbm>>)
        tpu.yield
      }) : () -> ()
      "tpu.region"() ({
        %run_scoped3A = tpu.sem_alloc : memref<!tpu.dma_semaphore, #tpu.memory_space<semaphore_mem>>
        %dma_start3A_2118 = arith.constant 5376 : i32
        %dma_start3A_2119 = arith.constant 0 : i32
        %dma_start3A_2120 = tpu.memref_slice %arg4[%dma_start3A_2118, %dma_start3A_2119] : memref<5632x128xf32, #tpu.memory_space<hbm>> -> memref<128x128xf32, #tpu.memory_space<hbm>>
        %dma_start3A_2121 = arith.constant 5376 : i32
        %dma_start3A_2122 = arith.constant 0 : i32
        %dma_start3A_2123 = tpu.memref_slice %arg4[%dma_start3A_2121, %dma_start3A_2122] : memref<5632x128xf32, #tpu.memory_space<hbm>> -> memref<128x128xf32, #tpu.memory_space<hbm>>
        tpu.enqueue_dma source(%arg13 : memref<128x128xf32, #tpu.memory_space<vmem>>) target(%dma_start3A_2123 : memref<128x128xf32, #tpu.memory_space<hbm>>) target_semaphore(%run_scoped3A : memref<!tpu.dma_semaphore, #tpu.memory_space<semaphore_mem>>)
        %dma_wait3A_2124 = arith.constant 5376 : i32
        %dma_wait3A_2125 = arith.constant 0 : i32
        %dma_wait3A_2126 = tpu.memref_slice %arg4[%dma_wait3A_2124, %dma_wait3A_2125] : memref<5632x128xf32, #tpu.memory_space<hbm>> -> memref<128x128xf32, #tpu.memory_space<hbm>>
        %dma_wait3A_2127 = arith.constant 5376 : i32
        %dma_wait3A_2128 = arith.constant 0 : i32
        %dma_wait3A_2129 = tpu.memref_slice %arg4[%dma_wait3A_2127, %dma_wait3A_2128] : memref<5632x128xf32, #tpu.memory_space<hbm>> -> memref<128x128xf32, #tpu.memory_space<hbm>>
        tpu.wait_dma2 semaphore(%run_scoped3A : memref<!tpu.dma_semaphore, #tpu.memory_space<semaphore_mem>>) src(%arg13 : memref<128x128xf32, #tpu.memory_space<vmem>>) dst(%dma_wait3A_2129 : memref<128x128xf32, #tpu.memory_space<hbm>>)
        tpu.yield
      }) : () -> ()
      "tpu.region"() ({
        %run_scoped3A = tpu.sem_alloc : memref<!tpu.dma_semaphore, #tpu.memory_space<semaphore_mem>>
        %dma_start3A_2118 = arith.constant 5504 : i32
        %dma_start3A_2119 = arith.constant 0 : i32
        %dma_start3A_2120 = tpu.memref_slice %arg4[%dma_start3A_2118, %dma_start3A_2119] : memref<5632x128xf32, #tpu.memory_space<hbm>> -> memref<128x128xf32, #tpu.memory_space<hbm>>
        %dma_start3A_2121 = arith.constant 5504 : i32
        %dma_start3A_2122 = arith.constant 0 : i32
        %dma_start3A_2123 = tpu.memref_slice %arg4[%dma_start3A_2121, %dma_start3A_2122] : memref<5632x128xf32, #tpu.memory_space<hbm>> -> memref<128x128xf32, #tpu.memory_space<hbm>>
        tpu.enqueue_dma source(%arg13 : memref<128x128xf32, #tpu.memory_space<vmem>>) target(%dma_start3A_2123 : memref<128x128xf32, #tpu.memory_space<hbm>>) target_semaphore(%run_scoped3A : memref<!tpu.dma_semaphore, #tpu.memory_space<semaphore_mem>>)
        %dma_wait3A_2124 = arith.constant 5504 : i32
        %dma_wait3A_2125 = arith.constant 0 : i32
        %dma_wait3A_2126 = tpu.memref_slice %arg4[%dma_wait3A_2124, %dma_wait3A_2125] : memref<5632x128xf32, #tpu.memory_space<hbm>> -> memref<128x128xf32, #tpu.memory_space<hbm>>
        %dma_wait3A_2127 = arith.constant 5504 : i32
        %dma_wait3A_2128 = arith.constant 0 : i32
        %dma_wait3A_2129 = tpu.memref_slice %arg4[%dma_wait3A_2127, %dma_wait3A_2128] : memref<5632x128xf32, #tpu.memory_space<hbm>> -> memref<128x128xf32, #tpu.memory_space<hbm>>
        tpu.wait_dma2 semaphore(%run_scoped3A : memref<!tpu.dma_semaphore, #tpu.memory_space<semaphore_mem>>) src(%arg13 : memref<128x128xf32, #tpu.memory_space<vmem>>) dst(%dma_wait3A_2129 : memref<128x128xf32, #tpu.memory_space<hbm>>)
        tpu.yield
      }) : () -> ()
    } else {
    }
    %swap3A = arith.constant 0 : i32
    %swap3A_8 = arith.constant 0 : i32
    %swap3A_9 = arith.index_cast %swap3A_8 : i32 to index
    %swap3A_10 = memref.load %arg14[%swap3A_9] : memref<64xi32, #tpu.memory_space<smem>>
    memref.store %swap3A, %arg14[%swap3A_9] : memref<64xi32, #tpu.memory_space<smem>>
    %swap3A_11 = arith.constant 0 : i32
    %swap3A_12 = arith.constant 1 : i32
    %swap3A_13 = arith.index_cast %swap3A_12 : i32 to index
    %swap3A_14 = memref.load %arg14[%swap3A_13] : memref<64xi32, #tpu.memory_space<smem>>
    memref.store %swap3A_11, %arg14[%swap3A_13] : memref<64xi32, #tpu.memory_space<smem>>
    %swap3A_15 = arith.constant 0 : i32
    %swap3A_16 = arith.constant 2 : i32
    %swap3A_17 = arith.index_cast %swap3A_16 : i32 to index
    %swap3A_18 = memref.load %arg14[%swap3A_17] : memref<64xi32, #tpu.memory_space<smem>>
    memref.store %swap3A_15, %arg14[%swap3A_17] : memref<64xi32, #tpu.memory_space<smem>>
    %swap3A_19 = arith.constant 0 : i32
    %swap3A_20 = arith.constant 3 : i32
    %swap3A_21 = arith.index_cast %swap3A_20 : i32 to index
    %swap3A_22 = memref.load %arg14[%swap3A_21] : memref<64xi32, #tpu.memory_space<smem>>
    memref.store %swap3A_19, %arg14[%swap3A_21] : memref<64xi32, #tpu.memory_space<smem>>
    %swap3A_23 = arith.constant 0 : i32
    %swap3A_24 = arith.constant 4 : i32
    %swap3A_25 = arith.index_cast %swap3A_24 : i32 to index
    %swap3A_26 = memref.load %arg14[%swap3A_25] : memref<64xi32, #tpu.memory_space<smem>>
    memref.store %swap3A_23, %arg14[%swap3A_25] : memref<64xi32, #tpu.memory_space<smem>>
    %swap3A_27 = arith.constant 0 : i32
    %swap3A_28 = arith.constant 5 : i32
    %swap3A_29 = arith.index_cast %swap3A_28 : i32 to index
    %swap3A_30 = memref.load %arg14[%swap3A_29] : memref<64xi32, #tpu.memory_space<smem>>
    memref.store %swap3A_27, %arg14[%swap3A_29] : memref<64xi32, #tpu.memory_space<smem>>
    %swap3A_31 = arith.constant 0 : i32
    %swap3A_32 = arith.constant 6 : i32
    %swap3A_33 = arith.index_cast %swap3A_32 : i32 to index
    %swap3A_34 = memref.load %arg14[%swap3A_33] : memref<64xi32, #tpu.memory_space<smem>>
    memref.store %swap3A_31, %arg14[%swap3A_33] : memref<64xi32, #tpu.memory_space<smem>>
    %swap3A_35 = arith.constant 0 : i32
    %swap3A_36 = arith.constant 7 : i32
    %swap3A_37 = arith.index_cast %swap3A_36 : i32 to index
    %swap3A_38 = memref.load %arg14[%swap3A_37] : memref<64xi32, #tpu.memory_space<smem>>
    memref.store %swap3A_35, %arg14[%swap3A_37] : memref<64xi32, #tpu.memory_space<smem>>
    %swap3A_39 = arith.constant 0 : i32
    %swap3A_40 = arith.constant 8 : i32
    %swap3A_41 = arith.index_cast %swap3A_40 : i32 to index
    %swap3A_42 = memref.load %arg14[%swap3A_41] : memref<64xi32, #tpu.memory_space<smem>>
    memref.store %swap3A_39, %arg14[%swap3A_41] : memref<64xi32, #tpu.memory_space<smem>>
    %swap3A_43 = arith.constant 0 : i32
    %swap3A_44 = arith.constant 9 : i32
    %swap3A_45 = arith.index_cast %swap3A_44 : i32 to index
    %swap3A_46 = memref.load %arg14[%swap3A_45] : memref<64xi32, #tpu.memory_space<smem>>
    memref.store %swap3A_43, %arg14[%swap3A_45] : memref<64xi32, #tpu.memory_space<smem>>
    %swap3A_47 = arith.constant 0 : i32
    %swap3A_48 = arith.constant 10 : i32
    %swap3A_49 = arith.index_cast %swap3A_48 : i32 to index
    %swap3A_50 = memref.load %arg14[%swap3A_49] : memref<64xi32, #tpu.memory_space<smem>>
    memref.store %swap3A_47, %arg14[%swap3A_49] : memref<64xi32, #tpu.memory_space<smem>>
    %swap3A_51 = arith.constant 0 : i32
    %swap3A_52 = arith.constant 11 : i32
    %swap3A_53 = arith.index_cast %swap3A_52 : i32 to index
    %swap3A_54 = memref.load %arg14[%swap3A_53] : memref<64xi32, #tpu.memory_space<smem>>
    memref.store %swap3A_51, %arg14[%swap3A_53] : memref<64xi32, #tpu.memory_space<smem>>
    %swap3A_55 = arith.constant 0 : i32
    %swap3A_56 = arith.constant 12 : i32
    %swap3A_57 = arith.index_cast %swap3A_56 : i32 to index
    %swap3A_58 = memref.load %arg14[%swap3A_57] : memref<64xi32, #tpu.memory_space<smem>>
    memref.store %swap3A_55, %arg14[%swap3A_57] : memref<64xi32, #tpu.memory_space<smem>>
    %swap3A_59 = arith.constant 0 : i32
    %swap3A_60 = arith.constant 13 : i32
    %swap3A_61 = arith.index_cast %swap3A_60 : i32 to index
    %swap3A_62 = memref.load %arg14[%swap3A_61] : memref<64xi32, #tpu.memory_space<smem>>
    memref.store %swap3A_59, %arg14[%swap3A_61] : memref<64xi32, #tpu.memory_space<smem>>
    %swap3A_63 = arith.constant 0 : i32
    %swap3A_64 = arith.constant 14 : i32
    %swap3A_65 = arith.index_cast %swap3A_64 : i32 to index
    %swap3A_66 = memref.load %arg14[%swap3A_65] : memref<64xi32, #tpu.memory_space<smem>>
    memref.store %swap3A_63, %arg14[%swap3A_65] : memref<64xi32, #tpu.memory_space<smem>>
    %swap3A_67 = arith.constant 0 : i32
    %swap3A_68 = arith.constant 15 : i32
    %swap3A_69 = arith.index_cast %swap3A_68 : i32 to index
    %swap3A_70 = memref.load %arg14[%swap3A_69] : memref<64xi32, #tpu.memory_space<smem>>
    memref.store %swap3A_67, %arg14[%swap3A_69] : memref<64xi32, #tpu.memory_space<smem>>
    %swap3A_71 = arith.constant 0 : i32
    %swap3A_72 = arith.constant 16 : i32
    %swap3A_73 = arith.index_cast %swap3A_72 : i32 to index
    %swap3A_74 = memref.load %arg14[%swap3A_73] : memref<64xi32, #tpu.memory_space<smem>>
    memref.store %swap3A_71, %arg14[%swap3A_73] : memref<64xi32, #tpu.memory_space<smem>>
    %swap3A_75 = arith.constant 0 : i32
    %swap3A_76 = arith.constant 17 : i32
    %swap3A_77 = arith.index_cast %swap3A_76 : i32 to index
    %swap3A_78 = memref.load %arg14[%swap3A_77] : memref<64xi32, #tpu.memory_space<smem>>
    memref.store %swap3A_75, %arg14[%swap3A_77] : memref<64xi32, #tpu.memory_space<smem>>
    %swap3A_79 = arith.constant 0 : i32
    %swap3A_80 = arith.constant 18 : i32
    %swap3A_81 = arith.index_cast %swap3A_80 : i32 to index
    %swap3A_82 = memref.load %arg14[%swap3A_81] : memref<64xi32, #tpu.memory_space<smem>>
    memref.store %swap3A_79, %arg14[%swap3A_81] : memref<64xi32, #tpu.memory_space<smem>>
    %swap3A_83 = arith.constant 0 : i32
    %swap3A_84 = arith.constant 19 : i32
    %swap3A_85 = arith.index_cast %swap3A_84 : i32 to index
    %swap3A_86 = memref.load %arg14[%swap3A_85] : memref<64xi32, #tpu.memory_space<smem>>
    memref.store %swap3A_83, %arg14[%swap3A_85] : memref<64xi32, #tpu.memory_space<smem>>
    %swap3A_87 = arith.constant 0 : i32
    %swap3A_88 = arith.constant 20 : i32
    %swap3A_89 = arith.index_cast %swap3A_88 : i32 to index
    %swap3A_90 = memref.load %arg14[%swap3A_89] : memref<64xi32, #tpu.memory_space<smem>>
    memref.store %swap3A_87, %arg14[%swap3A_89] : memref<64xi32, #tpu.memory_space<smem>>
    %swap3A_91 = arith.constant 0 : i32
    %swap3A_92 = arith.constant 21 : i32
    %swap3A_93 = arith.index_cast %swap3A_92 : i32 to index
    %swap3A_94 = memref.load %arg14[%swap3A_93] : memref<64xi32, #tpu.memory_space<smem>>
    memref.store %swap3A_91, %arg14[%swap3A_93] : memref<64xi32, #tpu.memory_space<smem>>
    %swap3A_95 = arith.constant 0 : i32
    %swap3A_96 = arith.constant 22 : i32
    %swap3A_97 = arith.index_cast %swap3A_96 : i32 to index
    %swap3A_98 = memref.load %arg14[%swap3A_97] : memref<64xi32, #tpu.memory_space<smem>>
    memref.store %swap3A_95, %arg14[%swap3A_97] : memref<64xi32, #tpu.memory_space<smem>>
    %swap3A_99 = arith.constant 0 : i32
    %swap3A_100 = arith.constant 23 : i32
    %swap3A_101 = arith.index_cast %swap3A_100 : i32 to index
    %swap3A_102 = memref.load %arg14[%swap3A_101] : memref<64xi32, #tpu.memory_space<smem>>
    memref.store %swap3A_99, %arg14[%swap3A_101] : memref<64xi32, #tpu.memory_space<smem>>
    %swap3A_103 = arith.constant 0 : i32
    %swap3A_104 = arith.constant 24 : i32
    %swap3A_105 = arith.index_cast %swap3A_104 : i32 to index
    %swap3A_106 = memref.load %arg14[%swap3A_105] : memref<64xi32, #tpu.memory_space<smem>>
    memref.store %swap3A_103, %arg14[%swap3A_105] : memref<64xi32, #tpu.memory_space<smem>>
    %swap3A_107 = arith.constant 0 : i32
    %swap3A_108 = arith.constant 25 : i32
    %swap3A_109 = arith.index_cast %swap3A_108 : i32 to index
    %swap3A_110 = memref.load %arg14[%swap3A_109] : memref<64xi32, #tpu.memory_space<smem>>
    memref.store %swap3A_107, %arg14[%swap3A_109] : memref<64xi32, #tpu.memory_space<smem>>
    %swap3A_111 = arith.constant 0 : i32
    %swap3A_112 = arith.constant 26 : i32
    %swap3A_113 = arith.index_cast %swap3A_112 : i32 to index
    %swap3A_114 = memref.load %arg14[%swap3A_113] : memref<64xi32, #tpu.memory_space<smem>>
    memref.store %swap3A_111, %arg14[%swap3A_113] : memref<64xi32, #tpu.memory_space<smem>>
    %swap3A_115 = arith.constant 0 : i32
    %swap3A_116 = arith.constant 27 : i32
    %swap3A_117 = arith.index_cast %swap3A_116 : i32 to index
    %swap3A_118 = memref.load %arg14[%swap3A_117] : memref<64xi32, #tpu.memory_space<smem>>
    memref.store %swap3A_115, %arg14[%swap3A_117] : memref<64xi32, #tpu.memory_space<smem>>
    %swap3A_119 = arith.constant 0 : i32
    %swap3A_120 = arith.constant 28 : i32
    %swap3A_121 = arith.index_cast %swap3A_120 : i32 to index
    %swap3A_122 = memref.load %arg14[%swap3A_121] : memref<64xi32, #tpu.memory_space<smem>>
    memref.store %swap3A_119, %arg14[%swap3A_121] : memref<64xi32, #tpu.memory_space<smem>>
    %swap3A_123 = arith.constant 0 : i32
    %swap3A_124 = arith.constant 29 : i32
    %swap3A_125 = arith.index_cast %swap3A_124 : i32 to index
    %swap3A_126 = memref.load %arg14[%swap3A_125] : memref<64xi32, #tpu.memory_space<smem>>
    memref.store %swap3A_123, %arg14[%swap3A_125] : memref<64xi32, #tpu.memory_space<smem>>
    %swap3A_127 = arith.constant 0 : i32
    %swap3A_128 = arith.constant 30 : i32
    %swap3A_129 = arith.index_cast %swap3A_128 : i32 to index
    %swap3A_130 = memref.load %arg14[%swap3A_129] : memref<64xi32, #tpu.memory_space<smem>>
    memref.store %swap3A_127, %arg14[%swap3A_129] : memref<64xi32, #tpu.memory_space<smem>>
    %swap3A_131 = arith.constant 0 : i32
    %swap3A_132 = arith.constant 31 : i32
    %swap3A_133 = arith.index_cast %swap3A_132 : i32 to index
    %swap3A_134 = memref.load %arg14[%swap3A_133] : memref<64xi32, #tpu.memory_space<smem>>
    memref.store %swap3A_131, %arg14[%swap3A_133] : memref<64xi32, #tpu.memory_space<smem>>
    %swap3A_135 = arith.constant 0 : i32
    %swap3A_136 = arith.constant 32 : i32
    %swap3A_137 = arith.index_cast %swap3A_136 : i32 to index
    %swap3A_138 = memref.load %arg14[%swap3A_137] : memref<64xi32, #tpu.memory_space<smem>>
    memref.store %swap3A_135, %arg14[%swap3A_137] : memref<64xi32, #tpu.memory_space<smem>>
    %swap3A_139 = arith.constant 0 : i32
    %swap3A_140 = arith.constant 33 : i32
    %swap3A_141 = arith.index_cast %swap3A_140 : i32 to index
    %swap3A_142 = memref.load %arg14[%swap3A_141] : memref<64xi32, #tpu.memory_space<smem>>
    memref.store %swap3A_139, %arg14[%swap3A_141] : memref<64xi32, #tpu.memory_space<smem>>
    %swap3A_143 = arith.constant 0 : i32
    %swap3A_144 = arith.constant 34 : i32
    %swap3A_145 = arith.index_cast %swap3A_144 : i32 to index
    %swap3A_146 = memref.load %arg14[%swap3A_145] : memref<64xi32, #tpu.memory_space<smem>>
    memref.store %swap3A_143, %arg14[%swap3A_145] : memref<64xi32, #tpu.memory_space<smem>>
    %swap3A_147 = arith.constant 0 : i32
    %swap3A_148 = arith.constant 35 : i32
    %swap3A_149 = arith.index_cast %swap3A_148 : i32 to index
    %swap3A_150 = memref.load %arg14[%swap3A_149] : memref<64xi32, #tpu.memory_space<smem>>
    memref.store %swap3A_147, %arg14[%swap3A_149] : memref<64xi32, #tpu.memory_space<smem>>
    %swap3A_151 = arith.constant 0 : i32
    %swap3A_152 = arith.constant 36 : i32
    %swap3A_153 = arith.index_cast %swap3A_152 : i32 to index
    %swap3A_154 = memref.load %arg14[%swap3A_153] : memref<64xi32, #tpu.memory_space<smem>>
    memref.store %swap3A_151, %arg14[%swap3A_153] : memref<64xi32, #tpu.memory_space<smem>>
    %swap3A_155 = arith.constant 0 : i32
    %swap3A_156 = arith.constant 37 : i32
    %swap3A_157 = arith.index_cast %swap3A_156 : i32 to index
    %swap3A_158 = memref.load %arg14[%swap3A_157] : memref<64xi32, #tpu.memory_space<smem>>
    memref.store %swap3A_155, %arg14[%swap3A_157] : memref<64xi32, #tpu.memory_space<smem>>
    %swap3A_159 = arith.constant 0 : i32
    %swap3A_160 = arith.constant 38 : i32
    %swap3A_161 = arith.index_cast %swap3A_160 : i32 to index
    %swap3A_162 = memref.load %arg14[%swap3A_161] : memref<64xi32, #tpu.memory_space<smem>>
    memref.store %swap3A_159, %arg14[%swap3A_161] : memref<64xi32, #tpu.memory_space<smem>>
    %swap3A_163 = arith.constant 0 : i32
    %swap3A_164 = arith.constant 39 : i32
    %swap3A_165 = arith.index_cast %swap3A_164 : i32 to index
    %swap3A_166 = memref.load %arg14[%swap3A_165] : memref<64xi32, #tpu.memory_space<smem>>
    memref.store %swap3A_163, %arg14[%swap3A_165] : memref<64xi32, #tpu.memory_space<smem>>
    %swap3A_167 = arith.constant 0 : i32
    %swap3A_168 = arith.constant 40 : i32
    %swap3A_169 = arith.index_cast %swap3A_168 : i32 to index
    %swap3A_170 = memref.load %arg14[%swap3A_169] : memref<64xi32, #tpu.memory_space<smem>>
    memref.store %swap3A_167, %arg14[%swap3A_169] : memref<64xi32, #tpu.memory_space<smem>>
    %swap3A_171 = arith.constant 0 : i32
    %swap3A_172 = arith.constant 41 : i32
    %swap3A_173 = arith.index_cast %swap3A_172 : i32 to index
    %swap3A_174 = memref.load %arg14[%swap3A_173] : memref<64xi32, #tpu.memory_space<smem>>
    memref.store %swap3A_171, %arg14[%swap3A_173] : memref<64xi32, #tpu.memory_space<smem>>
    %swap3A_175 = arith.constant 0 : i32
    %swap3A_176 = arith.constant 42 : i32
    %swap3A_177 = arith.index_cast %swap3A_176 : i32 to index
    %swap3A_178 = memref.load %arg14[%swap3A_177] : memref<64xi32, #tpu.memory_space<smem>>
    memref.store %swap3A_175, %arg14[%swap3A_177] : memref<64xi32, #tpu.memory_space<smem>>
    %swap3A_179 = arith.constant 0 : i32
    %swap3A_180 = arith.constant 43 : i32
    %swap3A_181 = arith.index_cast %swap3A_180 : i32 to index
    %swap3A_182 = memref.load %arg14[%swap3A_181] : memref<64xi32, #tpu.memory_space<smem>>
    memref.store %swap3A_179, %arg14[%swap3A_181] : memref<64xi32, #tpu.memory_space<smem>>
    %swap3A_183 = arith.constant 0 : i32
    %swap3A_184 = arith.constant 44 : i32
    %swap3A_185 = arith.index_cast %swap3A_184 : i32 to index
    %swap3A_186 = memref.load %arg14[%swap3A_185] : memref<64xi32, #tpu.memory_space<smem>>
    memref.store %swap3A_183, %arg14[%swap3A_185] : memref<64xi32, #tpu.memory_space<smem>>
    %swap3A_187 = arith.constant 0 : i32
    %swap3A_188 = arith.constant 45 : i32
    %swap3A_189 = arith.index_cast %swap3A_188 : i32 to index
    %swap3A_190 = memref.load %arg14[%swap3A_189] : memref<64xi32, #tpu.memory_space<smem>>
    memref.store %swap3A_187, %arg14[%swap3A_189] : memref<64xi32, #tpu.memory_space<smem>>
    %swap3A_191 = arith.constant 0 : i32
    %swap3A_192 = arith.constant 46 : i32
    %swap3A_193 = arith.index_cast %swap3A_192 : i32 to index
    %swap3A_194 = memref.load %arg14[%swap3A_193] : memref<64xi32, #tpu.memory_space<smem>>
    memref.store %swap3A_191, %arg14[%swap3A_193] : memref<64xi32, #tpu.memory_space<smem>>
    %swap3A_195 = arith.constant 0 : i32
    %swap3A_196 = arith.constant 47 : i32
    %swap3A_197 = arith.index_cast %swap3A_196 : i32 to index
    %swap3A_198 = memref.load %arg14[%swap3A_197] : memref<64xi32, #tpu.memory_space<smem>>
    memref.store %swap3A_195, %arg14[%swap3A_197] : memref<64xi32, #tpu.memory_space<smem>>
    %swap3A_199 = arith.constant 0 : i32
    %swap3A_200 = arith.constant 48 : i32
    %swap3A_201 = arith.index_cast %swap3A_200 : i32 to index
    %swap3A_202 = memref.load %arg14[%swap3A_201] : memref<64xi32, #tpu.memory_space<smem>>
    memref.store %swap3A_199, %arg14[%swap3A_201] : memref<64xi32, #tpu.memory_space<smem>>
    %swap3A_203 = arith.constant 0 : i32
    %swap3A_204 = arith.constant 49 : i32
    %swap3A_205 = arith.index_cast %swap3A_204 : i32 to index
    %swap3A_206 = memref.load %arg14[%swap3A_205] : memref<64xi32, #tpu.memory_space<smem>>
    memref.store %swap3A_203, %arg14[%swap3A_205] : memref<64xi32, #tpu.memory_space<smem>>
    %swap3A_207 = arith.constant 0 : i32
    %swap3A_208 = arith.constant 50 : i32
    %swap3A_209 = arith.index_cast %swap3A_208 : i32 to index
    %swap3A_210 = memref.load %arg14[%swap3A_209] : memref<64xi32, #tpu.memory_space<smem>>
    memref.store %swap3A_207, %arg14[%swap3A_209] : memref<64xi32, #tpu.memory_space<smem>>
    %swap3A_211 = arith.constant 0 : i32
    %swap3A_212 = arith.constant 51 : i32
    %swap3A_213 = arith.index_cast %swap3A_212 : i32 to index
    %swap3A_214 = memref.load %arg14[%swap3A_213] : memref<64xi32, #tpu.memory_space<smem>>
    memref.store %swap3A_211, %arg14[%swap3A_213] : memref<64xi32, #tpu.memory_space<smem>>
    %swap3A_215 = arith.constant 0 : i32
    %swap3A_216 = arith.constant 52 : i32
    %swap3A_217 = arith.index_cast %swap3A_216 : i32 to index
    %swap3A_218 = memref.load %arg14[%swap3A_217] : memref<64xi32, #tpu.memory_space<smem>>
    memref.store %swap3A_215, %arg14[%swap3A_217] : memref<64xi32, #tpu.memory_space<smem>>
    %swap3A_219 = arith.constant 0 : i32
    %swap3A_220 = arith.constant 53 : i32
    %swap3A_221 = arith.index_cast %swap3A_220 : i32 to index
    %swap3A_222 = memref.load %arg14[%swap3A_221] : memref<64xi32, #tpu.memory_space<smem>>
    memref.store %swap3A_219, %arg14[%swap3A_221] : memref<64xi32, #tpu.memory_space<smem>>
    %swap3A_223 = arith.constant 0 : i32
    %swap3A_224 = arith.constant 54 : i32
    %swap3A_225 = arith.index_cast %swap3A_224 : i32 to index
    %swap3A_226 = memref.load %arg14[%swap3A_225] : memref<64xi32, #tpu.memory_space<smem>>
    memref.store %swap3A_223, %arg14[%swap3A_225] : memref<64xi32, #tpu.memory_space<smem>>
    %swap3A_227 = arith.constant 0 : i32
    %swap3A_228 = arith.constant 55 : i32
    %swap3A_229 = arith.index_cast %swap3A_228 : i32 to index
    %swap3A_230 = memref.load %arg14[%swap3A_229] : memref<64xi32, #tpu.memory_space<smem>>
    memref.store %swap3A_227, %arg14[%swap3A_229] : memref<64xi32, #tpu.memory_space<smem>>
    %swap3A_231 = arith.constant 0 : i32
    %swap3A_232 = arith.constant 56 : i32
    %swap3A_233 = arith.index_cast %swap3A_232 : i32 to index
    %swap3A_234 = memref.load %arg14[%swap3A_233] : memref<64xi32, #tpu.memory_space<smem>>
    memref.store %swap3A_231, %arg14[%swap3A_233] : memref<64xi32, #tpu.memory_space<smem>>
    %swap3A_235 = arith.constant 0 : i32
    %swap3A_236 = arith.constant 57 : i32
    %swap3A_237 = arith.index_cast %swap3A_236 : i32 to index
    %swap3A_238 = memref.load %arg14[%swap3A_237] : memref<64xi32, #tpu.memory_space<smem>>
    memref.store %swap3A_235, %arg14[%swap3A_237] : memref<64xi32, #tpu.memory_space<smem>>
    %swap3A_239 = arith.constant 0 : i32
    %swap3A_240 = arith.constant 58 : i32
    %swap3A_241 = arith.index_cast %swap3A_240 : i32 to index
    %swap3A_242 = memref.load %arg14[%swap3A_241] : memref<64xi32, #tpu.memory_space<smem>>
    memref.store %swap3A_239, %arg14[%swap3A_241] : memref<64xi32, #tpu.memory_space<smem>>
    %swap3A_243 = arith.constant 0 : i32
    %swap3A_244 = arith.constant 59 : i32
    %swap3A_245 = arith.index_cast %swap3A_244 : i32 to index
    %swap3A_246 = memref.load %arg14[%swap3A_245] : memref<64xi32, #tpu.memory_space<smem>>
    memref.store %swap3A_243, %arg14[%swap3A_245] : memref<64xi32, #tpu.memory_space<smem>>
    %swap3A_247 = arith.constant 0 : i32
    %swap3A_248 = arith.constant 60 : i32
    %swap3A_249 = arith.index_cast %swap3A_248 : i32 to index
    %swap3A_250 = memref.load %arg14[%swap3A_249] : memref<64xi32, #tpu.memory_space<smem>>
    memref.store %swap3A_247, %arg14[%swap3A_249] : memref<64xi32, #tpu.memory_space<smem>>
    %swap3A_251 = arith.constant 0 : i32
    %swap3A_252 = arith.constant 61 : i32
    %swap3A_253 = arith.index_cast %swap3A_252 : i32 to index
    %swap3A_254 = memref.load %arg14[%swap3A_253] : memref<64xi32, #tpu.memory_space<smem>>
    memref.store %swap3A_251, %arg14[%swap3A_253] : memref<64xi32, #tpu.memory_space<smem>>
    %swap3A_255 = arith.constant 0 : i32
    %swap3A_256 = arith.constant 62 : i32
    %swap3A_257 = arith.index_cast %swap3A_256 : i32 to index
    %swap3A_258 = memref.load %arg14[%swap3A_257] : memref<64xi32, #tpu.memory_space<smem>>
    memref.store %swap3A_255, %arg14[%swap3A_257] : memref<64xi32, #tpu.memory_space<smem>>
    %swap3A_259 = arith.constant 0 : i32
    %swap3A_260 = arith.constant 63 : i32
    %swap3A_261 = arith.index_cast %swap3A_260 : i32 to index
    %swap3A_262 = memref.load %arg14[%swap3A_261] : memref<64xi32, #tpu.memory_space<smem>>
    memref.store %swap3A_259, %arg14[%swap3A_261] : memref<64xi32, #tpu.memory_space<smem>>
    %scan3A_263 = arith.constant 0 : i32
    %scan3A_264 = arith.constant 0 : i32
    %scan3A_265 = arith.constant 20 : i32
    %scan3A_266 = arith.addi %scan3A_264, %scan3A_265 : i32
    %scan3A_267 = arith.constant 1 : i32
    scf.for %scan3A_2118 = %scan3A_264 to %scan3A_266 step %scan3A_267  : i32 {
      %mul3A_2119 = arith.constant 16 : i32
      %mul3A_2120 = arith.muli %scan3A_2118, %mul3A_2119 : i32
      %get3A_2121 = arith.index_cast %mul3A_2120 : i32 to index
      %get3A_2122 = tpu.vector_load %arg8[%get3A_2121] {strides = array<i32>} : memref<320xi32, #tpu.memory_space<vmem>>, vector<16xi32>,
      %get3A_2123 = vector.shape_cast %get3A_2122 : vector<16xi32> to vector<16xi32>
      %slice3A_2124 = vector.extract_strided_slice %get3A_2123 {offsets = [0], sizes = [1], strides = [1]} : vector<16xi32> to vector<1xi32>
      %squeeze3A_2125 = vector.extract %slice3A_2124[0] : i32 from vector<1xi32>
      %get3A_2126 = arith.index_cast %squeeze3A_2125 : i32 to index
      %get3A_2127 = memref.load %arg14[%get3A_2126] : memref<64xi32, #tpu.memory_space<smem>>
      %add3A_2128 = arith.constant 1 : i32
      %add3A_2129 = arith.addi %get3A_2127, %add3A_2128 : i32
      %swap3A_2130 = arith.index_cast %squeeze3A_2125 : i32 to index
      %swap3A_2131 = memref.load %arg14[%swap3A_2130] : memref<64xi32, #tpu.memory_space<smem>>
      memref.store %add3A_2129, %arg14[%swap3A_2130] : memref<64xi32, #tpu.memory_space<smem>>
      %slice3A_2132 = vector.extract_strided_slice %get3A_2123 {offsets = [1], sizes = [1], strides = [1]} : vector<16xi32> to vector<1xi32>
      %squeeze3A_2133 = vector.extract %slice3A_2132[0] : i32 from vector<1xi32>
      %get3A_2134 = arith.index_cast %squeeze3A_2133 : i32 to index
      %get3A_2135 = memref.load %arg14[%get3A_2134] : memref<64xi32, #tpu.memory_space<smem>>
      %add3A_2136 = arith.constant 1 : i32
      %add3A_2137 = arith.addi %get3A_2135, %add3A_2136 : i32
      %swap3A_2138 = arith.index_cast %squeeze3A_2133 : i32 to index
      %swap3A_2139 = memref.load %arg14[%swap3A_2138] : memref<64xi32, #tpu.memory_space<smem>>
      memref.store %add3A_2137, %arg14[%swap3A_2138] : memref<64xi32, #tpu.memory_space<smem>>
      %slice3A_2140 = vector.extract_strided_slice %get3A_2123 {offsets = [2], sizes = [1], strides = [1]} : vector<16xi32> to vector<1xi32>
      %squeeze3A_2141 = vector.extract %slice3A_2140[0] : i32 from vector<1xi32>
      %get3A_2142 = arith.index_cast %squeeze3A_2141 : i32 to index
      %get3A_2143 = memref.load %arg14[%get3A_2142] : memref<64xi32, #tpu.memory_space<smem>>
      %add3A_2144 = arith.constant 1 : i32
      %add3A_2145 = arith.addi %get3A_2143, %add3A_2144 : i32
      %swap3A_2146 = arith.index_cast %squeeze3A_2141 : i32 to index
      %swap3A_2147 = memref.load %arg14[%swap3A_2146] : memref<64xi32, #tpu.memory_space<smem>>
      memref.store %add3A_2145, %arg14[%swap3A_2146] : memref<64xi32, #tpu.memory_space<smem>>
      %slice3A_2148 = vector.extract_strided_slice %get3A_2123 {offsets = [3], sizes = [1], strides = [1]} : vector<16xi32> to vector<1xi32>
      %squeeze3A_2149 = vector.extract %slice3A_2148[0] : i32 from vector<1xi32>
      %get3A_2150 = arith.index_cast %squeeze3A_2149 : i32 to index
      %get3A_2151 = memref.load %arg14[%get3A_2150] : memref<64xi32, #tpu.memory_space<smem>>
      %add3A_2152 = arith.constant 1 : i32
      %add3A_2153 = arith.addi %get3A_2151, %add3A_2152 : i32
      %swap3A_2154 = arith.index_cast %squeeze3A_2149 : i32 to index
      %swap3A_2155 = memref.load %arg14[%swap3A_2154] : memref<64xi32, #tpu.memory_space<smem>>
      memref.store %add3A_2153, %arg14[%swap3A_2154] : memref<64xi32, #tpu.memory_space<smem>>
      %slice3A_2156 = vector.extract_strided_slice %get3A_2123 {offsets = [4], sizes = [1], strides = [1]} : vector<16xi32> to vector<1xi32>
      %squeeze3A_2157 = vector.extract %slice3A_2156[0] : i32 from vector<1xi32>
      %get3A_2158 = arith.index_cast %squeeze3A_2157 : i32 to index
      %get3A_2159 = memref.load %arg14[%get3A_2158] : memref<64xi32, #tpu.memory_space<smem>>
      %add3A_2160 = arith.constant 1 : i32
      %add3A_2161 = arith.addi %get3A_2159, %add3A_2160 : i32
      %swap3A_2162 = arith.index_cast %squeeze3A_2157 : i32 to index
      %swap3A_2163 = memref.load %arg14[%swap3A_2162] : memref<64xi32, #tpu.memory_space<smem>>
      memref.store %add3A_2161, %arg14[%swap3A_2162] : memref<64xi32, #tpu.memory_space<smem>>
      %slice3A_2164 = vector.extract_strided_slice %get3A_2123 {offsets = [5], sizes = [1], strides = [1]} : vector<16xi32> to vector<1xi32>
      %squeeze3A_2165 = vector.extract %slice3A_2164[0] : i32 from vector<1xi32>
      %get3A_2166 = arith.index_cast %squeeze3A_2165 : i32 to index
      %get3A_2167 = memref.load %arg14[%get3A_2166] : memref<64xi32, #tpu.memory_space<smem>>
      %add3A_2168 = arith.constant 1 : i32
      %add3A_2169 = arith.addi %get3A_2167, %add3A_2168 : i32
      %swap3A_2170 = arith.index_cast %squeeze3A_2165 : i32 to index
      %swap3A_2171 = memref.load %arg14[%swap3A_2170] : memref<64xi32, #tpu.memory_space<smem>>
      memref.store %add3A_2169, %arg14[%swap3A_2170] : memref<64xi32, #tpu.memory_space<smem>>
      %slice3A_2172 = vector.extract_strided_slice %get3A_2123 {offsets = [6], sizes = [1], strides = [1]} : vector<16xi32> to vector<1xi32>
      %squeeze3A_2173 = vector.extract %slice3A_2172[0] : i32 from vector<1xi32>
      %get3A_2174 = arith.index_cast %squeeze3A_2173 : i32 to index
      %get3A_2175 = memref.load %arg14[%get3A_2174] : memref<64xi32, #tpu.memory_space<smem>>
      %add3A_2176 = arith.constant 1 : i32
      %add3A_2177 = arith.addi %get3A_2175, %add3A_2176 : i32
      %swap3A_2178 = arith.index_cast %squeeze3A_2173 : i32 to index
      %swap3A_2179 = memref.load %arg14[%swap3A_2178] : memref<64xi32, #tpu.memory_space<smem>>
      memref.store %add3A_2177, %arg14[%swap3A_2178] : memref<64xi32, #tpu.memory_space<smem>>
      %slice3A_2180 = vector.extract_strided_slice %get3A_2123 {offsets = [7], sizes = [1], strides = [1]} : vector<16xi32> to vector<1xi32>
      %squeeze3A_2181 = vector.extract %slice3A_2180[0] : i32 from vector<1xi32>
      %get3A_2182 = arith.index_cast %squeeze3A_2181 : i32 to index
      %get3A_2183 = memref.load %arg14[%get3A_2182] : memref<64xi32, #tpu.memory_space<smem>>
      %add3A_2184 = arith.constant 1 : i32
      %add3A_2185 = arith.addi %get3A_2183, %add3A_2184 : i32
      %swap3A_2186 = arith.index_cast %squeeze3A_2181 : i32 to index
      %swap3A_2187 = memref.load %arg14[%swap3A_2186] : memref<64xi32, #tpu.memory_space<smem>>
      memref.store %add3A_2185, %arg14[%swap3A_2186] : memref<64xi32, #tpu.memory_space<smem>>
      %slice3A_2188 = vector.extract_strided_slice %get3A_2123 {offsets = [8], sizes = [1], strides = [1]} : vector<16xi32> to vector<1xi32>
      %squeeze3A_2189 = vector.extract %slice3A_2188[0] : i32 from vector<1xi32>
      %get3A_2190 = arith.index_cast %squeeze3A_2189 : i32 to index
      %get3A_2191 = memref.load %arg14[%get3A_2190] : memref<64xi32, #tpu.memory_space<smem>>
      %add3A_2192 = arith.constant 1 : i32
      %add3A_2193 = arith.addi %get3A_2191, %add3A_2192 : i32
      %swap3A_2194 = arith.index_cast %squeeze3A_2189 : i32 to index
      %swap3A_2195 = memref.load %arg14[%swap3A_2194] : memref<64xi32, #tpu.memory_space<smem>>
      memref.store %add3A_2193, %arg14[%swap3A_2194] : memref<64xi32, #tpu.memory_space<smem>>
      %slice3A_2196 = vector.extract_strided_slice %get3A_2123 {offsets = [9], sizes = [1], strides = [1]} : vector<16xi32> to vector<1xi32>
      %squeeze3A_2197 = vector.extract %slice3A_2196[0] : i32 from vector<1xi32>
      %get3A_2198 = arith.index_cast %squeeze3A_2197 : i32 to index
      %get3A_2199 = memref.load %arg14[%get3A_2198] : memref<64xi32, #tpu.memory_space<smem>>
      %add3A_2200 = arith.constant 1 : i32
      %add3A_2201 = arith.addi %get3A_2199, %add3A_2200 : i32
      %swap3A_2202 = arith.index_cast %squeeze3A_2197 : i32 to index
      %swap3A_2203 = memref.load %arg14[%swap3A_2202] : memref<64xi32, #tpu.memory_space<smem>>
      memref.store %add3A_2201, %arg14[%swap3A_2202] : memref<64xi32, #tpu.memory_space<smem>>
      %slice3A_2204 = vector.extract_strided_slice %get3A_2123 {offsets = [10], sizes = [1], strides = [1]} : vector<16xi32> to vector<1xi32>
      %squeeze3A_2205 = vector.extract %slice3A_2204[0] : i32 from vector<1xi32>
      %get3A_2206 = arith.index_cast %squeeze3A_2205 : i32 to index
      %get3A_2207 = memref.load %arg14[%get3A_2206] : memref<64xi32, #tpu.memory_space<smem>>
      %add3A_2208 = arith.constant 1 : i32
      %add3A_2209 = arith.addi %get3A_2207, %add3A_2208 : i32
      %swap3A_2210 = arith.index_cast %squeeze3A_2205 : i32 to index
      %swap3A_2211 = memref.load %arg14[%swap3A_2210] : memref<64xi32, #tpu.memory_space<smem>>
      memref.store %add3A_2209, %arg14[%swap3A_2210] : memref<64xi32, #tpu.memory_space<smem>>
      %slice3A_2212 = vector.extract_strided_slice %get3A_2123 {offsets = [11], sizes = [1], strides = [1]} : vector<16xi32> to vector<1xi32>
      %squeeze3A_2213 = vector.extract %slice3A_2212[0] : i32 from vector<1xi32>
      %get3A_2214 = arith.index_cast %squeeze3A_2213 : i32 to index
      %get3A_2215 = memref.load %arg14[%get3A_2214] : memref<64xi32, #tpu.memory_space<smem>>
      %add3A_2216 = arith.constant 1 : i32
      %add3A_2217 = arith.addi %get3A_2215, %add3A_2216 : i32
      %swap3A_2218 = arith.index_cast %squeeze3A_2213 : i32 to index
      %swap3A_2219 = memref.load %arg14[%swap3A_2218] : memref<64xi32, #tpu.memory_space<smem>>
      memref.store %add3A_2217, %arg14[%swap3A_2218] : memref<64xi32, #tpu.memory_space<smem>>
      %slice3A_2220 = vector.extract_strided_slice %get3A_2123 {offsets = [12], sizes = [1], strides = [1]} : vector<16xi32> to vector<1xi32>
      %squeeze3A_2221 = vector.extract %slice3A_2220[0] : i32 from vector<1xi32>
      %get3A_2222 = arith.index_cast %squeeze3A_2221 : i32 to index
      %get3A_2223 = memref.load %arg14[%get3A_2222] : memref<64xi32, #tpu.memory_space<smem>>
      %add3A_2224 = arith.constant 1 : i32
      %add3A_2225 = arith.addi %get3A_2223, %add3A_2224 : i32
      %swap3A_2226 = arith.index_cast %squeeze3A_2221 : i32 to index
      %swap3A_2227 = memref.load %arg14[%swap3A_2226] : memref<64xi32, #tpu.memory_space<smem>>
      memref.store %add3A_2225, %arg14[%swap3A_2226] : memref<64xi32, #tpu.memory_space<smem>>
      %slice3A_2228 = vector.extract_strided_slice %get3A_2123 {offsets = [13], sizes = [1], strides = [1]} : vector<16xi32> to vector<1xi32>
      %squeeze3A_2229 = vector.extract %slice3A_2228[0] : i32 from vector<1xi32>
      %get3A_2230 = arith.index_cast %squeeze3A_2229 : i32 to index
      %get3A_2231 = memref.load %arg14[%get3A_2230] : memref<64xi32, #tpu.memory_space<smem>>
      %add3A_2232 = arith.constant 1 : i32
      %add3A_2233 = arith.addi %get3A_2231, %add3A_2232 : i32
      %swap3A_2234 = arith.index_cast %squeeze3A_2229 : i32 to index
      %swap3A_2235 = memref.load %arg14[%swap3A_2234] : memref<64xi32, #tpu.memory_space<smem>>
      memref.store %add3A_2233, %arg14[%swap3A_2234] : memref<64xi32, #tpu.memory_space<smem>>
      %slice3A_2236 = vector.extract_strided_slice %get3A_2123 {offsets = [14], sizes = [1], strides = [1]} : vector<16xi32> to vector<1xi32>
      %squeeze3A_2237 = vector.extract %slice3A_2236[0] : i32 from vector<1xi32>
      %get3A_2238 = arith.index_cast %squeeze3A_2237 : i32 to index
      %get3A_2239 = memref.load %arg14[%get3A_2238] : memref<64xi32, #tpu.memory_space<smem>>
      %add3A_2240 = arith.constant 1 : i32
      %add3A_2241 = arith.addi %get3A_2239, %add3A_2240 : i32
      %swap3A_2242 = arith.index_cast %squeeze3A_2237 : i32 to index
      %swap3A_2243 = memref.load %arg14[%swap3A_2242] : memref<64xi32, #tpu.memory_space<smem>>
      memref.store %add3A_2241, %arg14[%swap3A_2242] : memref<64xi32, #tpu.memory_space<smem>>
      %slice3A_2244 = vector.extract_strided_slice %get3A_2123 {offsets = [15], sizes = [1], strides = [1]} : vector<16xi32> to vector<1xi32>
      %squeeze3A_2245 = vector.extract %slice3A_2244[0] : i32 from vector<1xi32>
      %get3A_2246 = arith.index_cast %squeeze3A_2245 : i32 to index
      %get3A_2247 = memref.load %arg14[%get3A_2246] : memref<64xi32, #tpu.memory_space<smem>>
      %add3A_2248 = arith.constant 1 : i32
      %add3A_2249 = arith.addi %get3A_2247, %add3A_2248 : i32
      %swap3A_2250 = arith.index_cast %squeeze3A_2245 : i32 to index
      %swap3A_2251 = memref.load %arg14[%swap3A_2250] : memref<64xi32, #tpu.memory_space<smem>>
      memref.store %add3A_2249, %arg14[%swap3A_2250] : memref<64xi32, #tpu.memory_space<smem>>
    }
    %scan3A_268 = arith.constant 20 : i32
    %broadcast_in_dim3A = arith.constant 0 : i32
    %broadcast_in_dim3A_269 = vector.broadcast %broadcast_in_dim3A : i32 to vector<16xi32>
    %eq3A_270 = arith.constant 0 : i32
    %eq3A_271 = vector.broadcast %eq3A_270 : i32 to vector<16xi32>
    %eq3A_272 = arith.cmpi eq, %iota3A, %eq3A_271 : vector<16xi32>
    %get3A = arith.constant 0 : i32
    %get3A_273 = arith.index_cast %get3A : i32 to index
    %get3A_274 = memref.load %arg14[%get3A_273] : memref<64xi32, #tpu.memory_space<smem>>
    %broadcast_in_dim3A_275 = vector.broadcast %get3A_274 : i32 to vector<16xi32>
    %select_n3A = arith.select %eq3A_272, %broadcast_in_dim3A_275, %broadcast_in_dim3A_269 : vector<16xi1>, vector<16xi32>
    %eq3A_276 = arith.constant 1 : i32
    %eq3A_277 = vector.broadcast %eq3A_276 : i32 to vector<16xi32>
    %eq3A_278 = arith.cmpi eq, %iota3A, %eq3A_277 : vector<16xi32>
    %get3A_279 = arith.constant 1 : i32
    %get3A_280 = arith.index_cast %get3A_279 : i32 to index
    %get3A_281 = memref.load %arg14[%get3A_280] : memref<64xi32, #tpu.memory_space<smem>>
    %broadcast_in_dim3A_282 = vector.broadcast %get3A_281 : i32 to vector<16xi32>
    %select_n3A_283 = arith.select %eq3A_278, %broadcast_in_dim3A_282, %select_n3A : vector<16xi1>, vector<16xi32>
    %eq3A_284 = arith.constant 2 : i32
    %eq3A_285 = vector.broadcast %eq3A_284 : i32 to vector<16xi32>
    %eq3A_286 = arith.cmpi eq, %iota3A, %eq3A_285 : vector<16xi32>
    %get3A_287 = arith.constant 2 : i32
    %get3A_288 = arith.index_cast %get3A_287 : i32 to index
    %get3A_289 = memref.load %arg14[%get3A_288] : memref<64xi32, #tpu.memory_space<smem>>
    %broadcast_in_dim3A_290 = vector.broadcast %get3A_289 : i32 to vector<16xi32>
    %select_n3A_291 = arith.select %eq3A_286, %broadcast_in_dim3A_290, %select_n3A_283 : vector<16xi1>, vector<16xi32>
    %eq3A_292 = arith.constant 3 : i32
    %eq3A_293 = vector.broadcast %eq3A_292 : i32 to vector<16xi32>
    %eq3A_294 = arith.cmpi eq, %iota3A, %eq3A_293 : vector<16xi32>
    %get3A_295 = arith.constant 3 : i32
    %get3A_296 = arith.index_cast %get3A_295 : i32 to index
    %get3A_297 = memref.load %arg14[%get3A_296] : memref<64xi32, #tpu.memory_space<smem>>
    %broadcast_in_dim3A_298 = vector.broadcast %get3A_297 : i32 to vector<16xi32>
    %select_n3A_299 = arith.select %eq3A_294, %broadcast_in_dim3A_298, %select_n3A_291 : vector<16xi1>, vector<16xi32>
    %eq3A_300 = arith.constant 4 : i32
    %eq3A_301 = vector.broadcast %eq3A_300 : i32 to vector<16xi32>
    %eq3A_302 = arith.cmpi eq, %iota3A, %eq3A_301 : vector<16xi32>
    %get3A_303 = arith.constant 4 : i32
    %get3A_304 = arith.index_cast %get3A_303 : i32 to index
    %get3A_305 = memref.load %arg14[%get3A_304] : memref<64xi32, #tpu.memory_space<smem>>
    %broadcast_in_dim3A_306 = vector.broadcast %get3A_305 : i32 to vector<16xi32>
    %select_n3A_307 = arith.select %eq3A_302, %broadcast_in_dim3A_306, %select_n3A_299 : vector<16xi1>, vector<16xi32>
    %eq3A_308 = arith.constant 5 : i32
    %eq3A_309 = vector.broadcast %eq3A_308 : i32 to vector<16xi32>
    %eq3A_310 = arith.cmpi eq, %iota3A, %eq3A_309 : vector<16xi32>
    %get3A_311 = arith.constant 5 : i32
    %get3A_312 = arith.index_cast %get3A_311 : i32 to index
    %get3A_313 = memref.load %arg14[%get3A_312] : memref<64xi32, #tpu.memory_space<smem>>
    %broadcast_in_dim3A_314 = vector.broadcast %get3A_313 : i32 to vector<16xi32>
    %select_n3A_315 = arith.select %eq3A_310, %broadcast_in_dim3A_314, %select_n3A_307 : vector<16xi1>, vector<16xi32>
    %eq3A_316 = arith.constant 6 : i32
    %eq3A_317 = vector.broadcast %eq3A_316 : i32 to vector<16xi32>
    %eq3A_318 = arith.cmpi eq, %iota3A, %eq3A_317 : vector<16xi32>
    %get3A_319 = arith.constant 6 : i32
    %get3A_320 = arith.index_cast %get3A_319 : i32 to index
    %get3A_321 = memref.load %arg14[%get3A_320] : memref<64xi32, #tpu.memory_space<smem>>
    %broadcast_in_dim3A_322 = vector.broadcast %get3A_321 : i32 to vector<16xi32>
    %select_n3A_323 = arith.select %eq3A_318, %broadcast_in_dim3A_322, %select_n3A_315 : vector<16xi1>, vector<16xi32>
    %eq3A_324 = arith.constant 7 : i32
    %eq3A_325 = vector.broadcast %eq3A_324 : i32 to vector<16xi32>
    %eq3A_326 = arith.cmpi eq, %iota3A, %eq3A_325 : vector<16xi32>
    %get3A_327 = arith.constant 7 : i32
    %get3A_328 = arith.index_cast %get3A_327 : i32 to index
    %get3A_329 = memref.load %arg14[%get3A_328] : memref<64xi32, #tpu.memory_space<smem>>
    %broadcast_in_dim3A_330 = vector.broadcast %get3A_329 : i32 to vector<16xi32>
    %select_n3A_331 = arith.select %eq3A_326, %broadcast_in_dim3A_330, %select_n3A_323 : vector<16xi1>, vector<16xi32>
    %eq3A_332 = arith.constant 8 : i32
    %eq3A_333 = vector.broadcast %eq3A_332 : i32 to vector<16xi32>
    %eq3A_334 = arith.cmpi eq, %iota3A, %eq3A_333 : vector<16xi32>
    %get3A_335 = arith.constant 8 : i32
    %get3A_336 = arith.index_cast %get3A_335 : i32 to index
    %get3A_337 = memref.load %arg14[%get3A_336] : memref<64xi32, #tpu.memory_space<smem>>
    %broadcast_in_dim3A_338 = vector.broadcast %get3A_337 : i32 to vector<16xi32>
    %select_n3A_339 = arith.select %eq3A_334, %broadcast_in_dim3A_338, %select_n3A_331 : vector<16xi1>, vector<16xi32>
    %eq3A_340 = arith.constant 9 : i32
    %eq3A_341 = vector.broadcast %eq3A_340 : i32 to vector<16xi32>
    %eq3A_342 = arith.cmpi eq, %iota3A, %eq3A_341 : vector<16xi32>
    %get3A_343 = arith.constant 9 : i32
    %get3A_344 = arith.index_cast %get3A_343 : i32 to index
    %get3A_345 = memref.load %arg14[%get3A_344] : memref<64xi32, #tpu.memory_space<smem>>
    %broadcast_in_dim3A_346 = vector.broadcast %get3A_345 : i32 to vector<16xi32>
    %select_n3A_347 = arith.select %eq3A_342, %broadcast_in_dim3A_346, %select_n3A_339 : vector<16xi1>, vector<16xi32>
    %eq3A_348 = arith.constant 10 : i32
    %eq3A_349 = vector.broadcast %eq3A_348 : i32 to vector<16xi32>
    %eq3A_350 = arith.cmpi eq, %iota3A, %eq3A_349 : vector<16xi32>
    %get3A_351 = arith.constant 10 : i32
    %get3A_352 = arith.index_cast %get3A_351 : i32 to index
    %get3A_353 = memref.load %arg14[%get3A_352] : memref<64xi32, #tpu.memory_space<smem>>
    %broadcast_in_dim3A_354 = vector.broadcast %get3A_353 : i32 to vector<16xi32>
    %select_n3A_355 = arith.select %eq3A_350, %broadcast_in_dim3A_354, %select_n3A_347 : vector<16xi1>, vector<16xi32>
    %eq3A_356 = arith.constant 11 : i32
    %eq3A_357 = vector.broadcast %eq3A_356 : i32 to vector<16xi32>
    %eq3A_358 = arith.cmpi eq, %iota3A, %eq3A_357 : vector<16xi32>
    %get3A_359 = arith.constant 11 : i32
    %get3A_360 = arith.index_cast %get3A_359 : i32 to index
    %get3A_361 = memref.load %arg14[%get3A_360] : memref<64xi32, #tpu.memory_space<smem>>
    %broadcast_in_dim3A_362 = vector.broadcast %get3A_361 : i32 to vector<16xi32>
    %select_n3A_363 = arith.select %eq3A_358, %broadcast_in_dim3A_362, %select_n3A_355 : vector<16xi1>, vector<16xi32>
    %eq3A_364 = arith.constant 12 : i32
    %eq3A_365 = vector.broadcast %eq3A_364 : i32 to vector<16xi32>
    %eq3A_366 = arith.cmpi eq, %iota3A, %eq3A_365 : vector<16xi32>
    %get3A_367 = arith.constant 12 : i32
    %get3A_368 = arith.index_cast %get3A_367 : i32 to index
    %get3A_369 = memref.load %arg14[%get3A_368] : memref<64xi32, #tpu.memory_space<smem>>
    %broadcast_in_dim3A_370 = vector.broadcast %get3A_369 : i32 to vector<16xi32>
    %select_n3A_371 = arith.select %eq3A_366, %broadcast_in_dim3A_370, %select_n3A_363 : vector<16xi1>, vector<16xi32>
    %eq3A_372 = arith.constant 13 : i32
    %eq3A_373 = vector.broadcast %eq3A_372 : i32 to vector<16xi32>
    %eq3A_374 = arith.cmpi eq, %iota3A, %eq3A_373 : vector<16xi32>
    %get3A_375 = arith.constant 13 : i32
    %get3A_376 = arith.index_cast %get3A_375 : i32 to index
    %get3A_377 = memref.load %arg14[%get3A_376] : memref<64xi32, #tpu.memory_space<smem>>
    %broadcast_in_dim3A_378 = vector.broadcast %get3A_377 : i32 to vector<16xi32>
    %select_n3A_379 = arith.select %eq3A_374, %broadcast_in_dim3A_378, %select_n3A_371 : vector<16xi1>, vector<16xi32>
    %eq3A_380 = arith.constant 14 : i32
    %eq3A_381 = vector.broadcast %eq3A_380 : i32 to vector<16xi32>
    %eq3A_382 = arith.cmpi eq, %iota3A, %eq3A_381 : vector<16xi32>
    %get3A_383 = arith.constant 14 : i32
    %get3A_384 = arith.index_cast %get3A_383 : i32 to index
    %get3A_385 = memref.load %arg14[%get3A_384] : memref<64xi32, #tpu.memory_space<smem>>
    %broadcast_in_dim3A_386 = vector.broadcast %get3A_385 : i32 to vector<16xi32>
    %select_n3A_387 = arith.select %eq3A_382, %broadcast_in_dim3A_386, %select_n3A_379 : vector<16xi1>, vector<16xi32>
    %eq3A_388 = arith.constant 15 : i32
    %eq3A_389 = vector.broadcast %eq3A_388 : i32 to vector<16xi32>
    %eq3A_390 = arith.cmpi eq, %iota3A, %eq3A_389 : vector<16xi32>
    %get3A_391 = arith.constant 15 : i32
    %get3A_392 = arith.index_cast %get3A_391 : i32 to index
    %get3A_393 = memref.load %arg14[%get3A_392] : memref<64xi32, #tpu.memory_space<smem>>
    %broadcast_in_dim3A_394 = vector.broadcast %get3A_393 : i32 to vector<16xi32>
    %select_n3A_395 = arith.select %eq3A_390, %broadcast_in_dim3A_394, %select_n3A_387 : vector<16xi1>, vector<16xi32>
    %swap3A_396 = arith.constant 0 : index
    %swap3A_397 = tpu.vector_load %arg10[%swap3A_396] {strides = array<i32>} : memref<64xi32, #tpu.memory_space<vmem>>, vector<16xi32>,
    %swap3A_398 = vector.shape_cast %swap3A_397 : vector<16xi32> to vector<16xi32>
    %swap3A_399 = vector.shape_cast %select_n3A_395 : vector<16xi32> to vector<16xi32>
    tpu.vector_store %arg10[%swap3A_396], %swap3A_399 {strides = array<i32>} : memref<64xi32, #tpu.memory_space<vmem>>, vector<16xi32>,
    %broadcast_in_dim3A_400 = arith.constant 0 : i32
    %broadcast_in_dim3A_401 = vector.broadcast %broadcast_in_dim3A_400 : i32 to vector<16xi32>
    %eq3A_402 = arith.constant 0 : i32
    %eq3A_403 = vector.broadcast %eq3A_402 : i32 to vector<16xi32>
    %eq3A_404 = arith.cmpi eq, %iota3A, %eq3A_403 : vector<16xi32>
    %get3A_405 = arith.constant 16 : i32
    %get3A_406 = arith.index_cast %get3A_405 : i32 to index
    %get3A_407 = memref.load %arg14[%get3A_406] : memref<64xi32, #tpu.memory_space<smem>>
    %broadcast_in_dim3A_408 = vector.broadcast %get3A_407 : i32 to vector<16xi32>
    %select_n3A_409 = arith.select %eq3A_404, %broadcast_in_dim3A_408, %broadcast_in_dim3A_401 : vector<16xi1>, vector<16xi32>
    %eq3A_410 = arith.constant 1 : i32
    %eq3A_411 = vector.broadcast %eq3A_410 : i32 to vector<16xi32>
    %eq3A_412 = arith.cmpi eq, %iota3A, %eq3A_411 : vector<16xi32>
    %get3A_413 = arith.constant 17 : i32
    %get3A_414 = arith.index_cast %get3A_413 : i32 to index
    %get3A_415 = memref.load %arg14[%get3A_414] : memref<64xi32, #tpu.memory_space<smem>>
    %broadcast_in_dim3A_416 = vector.broadcast %get3A_415 : i32 to vector<16xi32>
    %select_n3A_417 = arith.select %eq3A_412, %broadcast_in_dim3A_416, %select_n3A_409 : vector<16xi1>, vector<16xi32>
    %eq3A_418 = arith.constant 2 : i32
    %eq3A_419 = vector.broadcast %eq3A_418 : i32 to vector<16xi32>
    %eq3A_420 = arith.cmpi eq, %iota3A, %eq3A_419 : vector<16xi32>
    %get3A_421 = arith.constant 18 : i32
    %get3A_422 = arith.index_cast %get3A_421 : i32 to index
    %get3A_423 = memref.load %arg14[%get3A_422] : memref<64xi32, #tpu.memory_space<smem>>
    %broadcast_in_dim3A_424 = vector.broadcast %get3A_423 : i32 to vector<16xi32>
    %select_n3A_425 = arith.select %eq3A_420, %broadcast_in_dim3A_424, %select_n3A_417 : vector<16xi1>, vector<16xi32>
    %eq3A_426 = arith.constant 3 : i32
    %eq3A_427 = vector.broadcast %eq3A_426 : i32 to vector<16xi32>
    %eq3A_428 = arith.cmpi eq, %iota3A, %eq3A_427 : vector<16xi32>
    %get3A_429 = arith.constant 19 : i32
    %get3A_430 = arith.index_cast %get3A_429 : i32 to index
    %get3A_431 = memref.load %arg14[%get3A_430] : memref<64xi32, #tpu.memory_space<smem>>
    %broadcast_in_dim3A_432 = vector.broadcast %get3A_431 : i32 to vector<16xi32>
    %select_n3A_433 = arith.select %eq3A_428, %broadcast_in_dim3A_432, %select_n3A_425 : vector<16xi1>, vector<16xi32>
    %eq3A_434 = arith.constant 4 : i32
    %eq3A_435 = vector.broadcast %eq3A_434 : i32 to vector<16xi32>
    %eq3A_436 = arith.cmpi eq, %iota3A, %eq3A_435 : vector<16xi32>
    %get3A_437 = arith.constant 20 : i32
    %get3A_438 = arith.index_cast %get3A_437 : i32 to index
    %get3A_439 = memref.load %arg14[%get3A_438] : memref<64xi32, #tpu.memory_space<smem>>
    %broadcast_in_dim3A_440 = vector.broadcast %get3A_439 : i32 to vector<16xi32>
    %select_n3A_441 = arith.select %eq3A_436, %broadcast_in_dim3A_440, %select_n3A_433 : vector<16xi1>, vector<16xi32>
    %eq3A_442 = arith.constant 5 : i32
    %eq3A_443 = vector.broadcast %eq3A_442 : i32 to vector<16xi32>
    %eq3A_444 = arith.cmpi eq, %iota3A, %eq3A_443 : vector<16xi32>
    %get3A_445 = arith.constant 21 : i32
    %get3A_446 = arith.index_cast %get3A_445 : i32 to index
    %get3A_447 = memref.load %arg14[%get3A_446] : memref<64xi32, #tpu.memory_space<smem>>
    %broadcast_in_dim3A_448 = vector.broadcast %get3A_447 : i32 to vector<16xi32>
    %select_n3A_449 = arith.select %eq3A_444, %broadcast_in_dim3A_448, %select_n3A_441 : vector<16xi1>, vector<16xi32>
    %eq3A_450 = arith.constant 6 : i32
    %eq3A_451 = vector.broadcast %eq3A_450 : i32 to vector<16xi32>
    %eq3A_452 = arith.cmpi eq, %iota3A, %eq3A_451 : vector<16xi32>
    %get3A_453 = arith.constant 22 : i32
    %get3A_454 = arith.index_cast %get3A_453 : i32 to index
    %get3A_455 = memref.load %arg14[%get3A_454] : memref<64xi32, #tpu.memory_space<smem>>
    %broadcast_in_dim3A_456 = vector.broadcast %get3A_455 : i32 to vector<16xi32>
    %select_n3A_457 = arith.select %eq3A_452, %broadcast_in_dim3A_456, %select_n3A_449 : vector<16xi1>, vector<16xi32>
    %eq3A_458 = arith.constant 7 : i32
    %eq3A_459 = vector.broadcast %eq3A_458 : i32 to vector<16xi32>
    %eq3A_460 = arith.cmpi eq, %iota3A, %eq3A_459 : vector<16xi32>
    %get3A_461 = arith.constant 23 : i32
    %get3A_462 = arith.index_cast %get3A_461 : i32 to index
    %get3A_463 = memref.load %arg14[%get3A_462] : memref<64xi32, #tpu.memory_space<smem>>
    %broadcast_in_dim3A_464 = vector.broadcast %get3A_463 : i32 to vector<16xi32>
    %select_n3A_465 = arith.select %eq3A_460, %broadcast_in_dim3A_464, %select_n3A_457 : vector<16xi1>, vector<16xi32>
    %eq3A_466 = arith.constant 8 : i32
    %eq3A_467 = vector.broadcast %eq3A_466 : i32 to vector<16xi32>
    %eq3A_468 = arith.cmpi eq, %iota3A, %eq3A_467 : vector<16xi32>
    %get3A_469 = arith.constant 24 : i32
    %get3A_470 = arith.index_cast %get3A_469 : i32 to index
    %get3A_471 = memref.load %arg14[%get3A_470] : memref<64xi32, #tpu.memory_space<smem>>
    %broadcast_in_dim3A_472 = vector.broadcast %get3A_471 : i32 to vector<16xi32>
    %select_n3A_473 = arith.select %eq3A_468, %broadcast_in_dim3A_472, %select_n3A_465 : vector<16xi1>, vector<16xi32>
    %eq3A_474 = arith.constant 9 : i32
    %eq3A_475 = vector.broadcast %eq3A_474 : i32 to vector<16xi32>
    %eq3A_476 = arith.cmpi eq, %iota3A, %eq3A_475 : vector<16xi32>
    %get3A_477 = arith.constant 25 : i32
    %get3A_478 = arith.index_cast %get3A_477 : i32 to index
    %get3A_479 = memref.load %arg14[%get3A_478] : memref<64xi32, #tpu.memory_space<smem>>
    %broadcast_in_dim3A_480 = vector.broadcast %get3A_479 : i32 to vector<16xi32>
    %select_n3A_481 = arith.select %eq3A_476, %broadcast_in_dim3A_480, %select_n3A_473 : vector<16xi1>, vector<16xi32>
    %eq3A_482 = arith.constant 10 : i32
    %eq3A_483 = vector.broadcast %eq3A_482 : i32 to vector<16xi32>
    %eq3A_484 = arith.cmpi eq, %iota3A, %eq3A_483 : vector<16xi32>
    %get3A_485 = arith.constant 26 : i32
    %get3A_486 = arith.index_cast %get3A_485 : i32 to index
    %get3A_487 = memref.load %arg14[%get3A_486] : memref<64xi32, #tpu.memory_space<smem>>
    %broadcast_in_dim3A_488 = vector.broadcast %get3A_487 : i32 to vector<16xi32>
    %select_n3A_489 = arith.select %eq3A_484, %broadcast_in_dim3A_488, %select_n3A_481 : vector<16xi1>, vector<16xi32>
    %eq3A_490 = arith.constant 11 : i32
    %eq3A_491 = vector.broadcast %eq3A_490 : i32 to vector<16xi32>
    %eq3A_492 = arith.cmpi eq, %iota3A, %eq3A_491 : vector<16xi32>
    %get3A_493 = arith.constant 27 : i32
    %get3A_494 = arith.index_cast %get3A_493 : i32 to index
    %get3A_495 = memref.load %arg14[%get3A_494] : memref<64xi32, #tpu.memory_space<smem>>
    %broadcast_in_dim3A_496 = vector.broadcast %get3A_495 : i32 to vector<16xi32>
    %select_n3A_497 = arith.select %eq3A_492, %broadcast_in_dim3A_496, %select_n3A_489 : vector<16xi1>, vector<16xi32>
    %eq3A_498 = arith.constant 12 : i32
    %eq3A_499 = vector.broadcast %eq3A_498 : i32 to vector<16xi32>
    %eq3A_500 = arith.cmpi eq, %iota3A, %eq3A_499 : vector<16xi32>
    %get3A_501 = arith.constant 28 : i32
    %get3A_502 = arith.index_cast %get3A_501 : i32 to index
    %get3A_503 = memref.load %arg14[%get3A_502] : memref<64xi32, #tpu.memory_space<smem>>
    %broadcast_in_dim3A_504 = vector.broadcast %get3A_503 : i32 to vector<16xi32>
    %select_n3A_505 = arith.select %eq3A_500, %broadcast_in_dim3A_504, %select_n3A_497 : vector<16xi1>, vector<16xi32>
    %eq3A_506 = arith.constant 13 : i32
    %eq3A_507 = vector.broadcast %eq3A_506 : i32 to vector<16xi32>
    %eq3A_508 = arith.cmpi eq, %iota3A, %eq3A_507 : vector<16xi32>
    %get3A_509 = arith.constant 29 : i32
    %get3A_510 = arith.index_cast %get3A_509 : i32 to index
    %get3A_511 = memref.load %arg14[%get3A_510] : memref<64xi32, #tpu.memory_space<smem>>
    %broadcast_in_dim3A_512 = vector.broadcast %get3A_511 : i32 to vector<16xi32>
    %select_n3A_513 = arith.select %eq3A_508, %broadcast_in_dim3A_512, %select_n3A_505 : vector<16xi1>, vector<16xi32>
    %eq3A_514 = arith.constant 14 : i32
    %eq3A_515 = vector.broadcast %eq3A_514 : i32 to vector<16xi32>
    %eq3A_516 = arith.cmpi eq, %iota3A, %eq3A_515 : vector<16xi32>
    %get3A_517 = arith.constant 30 : i32
    %get3A_518 = arith.index_cast %get3A_517 : i32 to index
    %get3A_519 = memref.load %arg14[%get3A_518] : memref<64xi32, #tpu.memory_space<smem>>
    %broadcast_in_dim3A_520 = vector.broadcast %get3A_519 : i32 to vector<16xi32>
    %select_n3A_521 = arith.select %eq3A_516, %broadcast_in_dim3A_520, %select_n3A_513 : vector<16xi1>, vector<16xi32>
    %eq3A_522 = arith.constant 15 : i32
    %eq3A_523 = vector.broadcast %eq3A_522 : i32 to vector<16xi32>
    %eq3A_524 = arith.cmpi eq, %iota3A, %eq3A_523 : vector<16xi32>
    %get3A_525 = arith.constant 31 : i32
    %get3A_526 = arith.index_cast %get3A_525 : i32 to index
    %get3A_527 = memref.load %arg14[%get3A_526] : memref<64xi32, #tpu.memory_space<smem>>
    %broadcast_in_dim3A_528 = vector.broadcast %get3A_527 : i32 to vector<16xi32>
    %select_n3A_529 = arith.select %eq3A_524, %broadcast_in_dim3A_528, %select_n3A_521 : vector<16xi1>, vector<16xi32>
    %swap3A_530 = arith.constant 16 : index
    %swap3A_531 = tpu.vector_load %arg10[%swap3A_530] {strides = array<i32>} : memref<64xi32, #tpu.memory_space<vmem>>, vector<16xi32>,
    %swap3A_532 = vector.shape_cast %swap3A_531 : vector<16xi32> to vector<16xi32>
    %swap3A_533 = vector.shape_cast %select_n3A_529 : vector<16xi32> to vector<16xi32>
    tpu.vector_store %arg10[%swap3A_530], %swap3A_533 {strides = array<i32>} : memref<64xi32, #tpu.memory_space<vmem>>, vector<16xi32>,
    %broadcast_in_dim3A_534 = arith.constant 0 : i32
    %broadcast_in_dim3A_535 = vector.broadcast %broadcast_in_dim3A_534 : i32 to vector<16xi32>
    %eq3A_536 = arith.constant 0 : i32
    %eq3A_537 = vector.broadcast %eq3A_536 : i32 to vector<16xi32>
    %eq3A_538 = arith.cmpi eq, %iota3A, %eq3A_537 : vector<16xi32>
    %get3A_539 = arith.constant 32 : i32
    %get3A_540 = arith.index_cast %get3A_539 : i32 to index
    %get3A_541 = memref.load %arg14[%get3A_540] : memref<64xi32, #tpu.memory_space<smem>>
    %broadcast_in_dim3A_542 = vector.broadcast %get3A_541 : i32 to vector<16xi32>
    %select_n3A_543 = arith.select %eq3A_538, %broadcast_in_dim3A_542, %broadcast_in_dim3A_535 : vector<16xi1>, vector<16xi32>
    %eq3A_544 = arith.constant 1 : i32
    %eq3A_545 = vector.broadcast %eq3A_544 : i32 to vector<16xi32>
    %eq3A_546 = arith.cmpi eq, %iota3A, %eq3A_545 : vector<16xi32>
    %get3A_547 = arith.constant 33 : i32
    %get3A_548 = arith.index_cast %get3A_547 : i32 to index
    %get3A_549 = memref.load %arg14[%get3A_548] : memref<64xi32, #tpu.memory_space<smem>>
    %broadcast_in_dim3A_550 = vector.broadcast %get3A_549 : i32 to vector<16xi32>
    %select_n3A_551 = arith.select %eq3A_546, %broadcast_in_dim3A_550, %select_n3A_543 : vector<16xi1>, vector<16xi32>
    %eq3A_552 = arith.constant 2 : i32
    %eq3A_553 = vector.broadcast %eq3A_552 : i32 to vector<16xi32>
    %eq3A_554 = arith.cmpi eq, %iota3A, %eq3A_553 : vector<16xi32>
    %get3A_555 = arith.constant 34 : i32
    %get3A_556 = arith.index_cast %get3A_555 : i32 to index
    %get3A_557 = memref.load %arg14[%get3A_556] : memref<64xi32, #tpu.memory_space<smem>>
    %broadcast_in_dim3A_558 = vector.broadcast %get3A_557 : i32 to vector<16xi32>
    %select_n3A_559 = arith.select %eq3A_554, %broadcast_in_dim3A_558, %select_n3A_551 : vector<16xi1>, vector<16xi32>
    %eq3A_560 = arith.constant 3 : i32
    %eq3A_561 = vector.broadcast %eq3A_560 : i32 to vector<16xi32>
    %eq3A_562 = arith.cmpi eq, %iota3A, %eq3A_561 : vector<16xi32>
    %get3A_563 = arith.constant 35 : i32
    %get3A_564 = arith.index_cast %get3A_563 : i32 to index
    %get3A_565 = memref.load %arg14[%get3A_564] : memref<64xi32, #tpu.memory_space<smem>>
    %broadcast_in_dim3A_566 = vector.broadcast %get3A_565 : i32 to vector<16xi32>
    %select_n3A_567 = arith.select %eq3A_562, %broadcast_in_dim3A_566, %select_n3A_559 : vector<16xi1>, vector<16xi32>
    %eq3A_568 = arith.constant 4 : i32
    %eq3A_569 = vector.broadcast %eq3A_568 : i32 to vector<16xi32>
    %eq3A_570 = arith.cmpi eq, %iota3A, %eq3A_569 : vector<16xi32>
    %get3A_571 = arith.constant 36 : i32
    %get3A_572 = arith.index_cast %get3A_571 : i32 to index
    %get3A_573 = memref.load %arg14[%get3A_572] : memref<64xi32, #tpu.memory_space<smem>>
    %broadcast_in_dim3A_574 = vector.broadcast %get3A_573 : i32 to vector<16xi32>
    %select_n3A_575 = arith.select %eq3A_570, %broadcast_in_dim3A_574, %select_n3A_567 : vector<16xi1>, vector<16xi32>
    %eq3A_576 = arith.constant 5 : i32
    %eq3A_577 = vector.broadcast %eq3A_576 : i32 to vector<16xi32>
    %eq3A_578 = arith.cmpi eq, %iota3A, %eq3A_577 : vector<16xi32>
    %get3A_579 = arith.constant 37 : i32
    %get3A_580 = arith.index_cast %get3A_579 : i32 to index
    %get3A_581 = memref.load %arg14[%get3A_580] : memref<64xi32, #tpu.memory_space<smem>>
    %broadcast_in_dim3A_582 = vector.broadcast %get3A_581 : i32 to vector<16xi32>
    %select_n3A_583 = arith.select %eq3A_578, %broadcast_in_dim3A_582, %select_n3A_575 : vector<16xi1>, vector<16xi32>
    %eq3A_584 = arith.constant 6 : i32
    %eq3A_585 = vector.broadcast %eq3A_584 : i32 to vector<16xi32>
    %eq3A_586 = arith.cmpi eq, %iota3A, %eq3A_585 : vector<16xi32>
    %get3A_587 = arith.constant 38 : i32
    %get3A_588 = arith.index_cast %get3A_587 : i32 to index
    %get3A_589 = memref.load %arg14[%get3A_588] : memref<64xi32, #tpu.memory_space<smem>>
    %broadcast_in_dim3A_590 = vector.broadcast %get3A_589 : i32 to vector<16xi32>
    %select_n3A_591 = arith.select %eq3A_586, %broadcast_in_dim3A_590, %select_n3A_583 : vector<16xi1>, vector<16xi32>
    %eq3A_592 = arith.constant 7 : i32
    %eq3A_593 = vector.broadcast %eq3A_592 : i32 to vector<16xi32>
    %eq3A_594 = arith.cmpi eq, %iota3A, %eq3A_593 : vector<16xi32>
    %get3A_595 = arith.constant 39 : i32
    %get3A_596 = arith.index_cast %get3A_595 : i32 to index
    %get3A_597 = memref.load %arg14[%get3A_596] : memref<64xi32, #tpu.memory_space<smem>>
    %broadcast_in_dim3A_598 = vector.broadcast %get3A_597 : i32 to vector<16xi32>
    %select_n3A_599 = arith.select %eq3A_594, %broadcast_in_dim3A_598, %select_n3A_591 : vector<16xi1>, vector<16xi32>
    %eq3A_600 = arith.constant 8 : i32
    %eq3A_601 = vector.broadcast %eq3A_600 : i32 to vector<16xi32>
    %eq3A_602 = arith.cmpi eq, %iota3A, %eq3A_601 : vector<16xi32>
    %get3A_603 = arith.constant 40 : i32
    %get3A_604 = arith.index_cast %get3A_603 : i32 to index
    %get3A_605 = memref.load %arg14[%get3A_604] : memref<64xi32, #tpu.memory_space<smem>>
    %broadcast_in_dim3A_606 = vector.broadcast %get3A_605 : i32 to vector<16xi32>
    %select_n3A_607 = arith.select %eq3A_602, %broadcast_in_dim3A_606, %select_n3A_599 : vector<16xi1>, vector<16xi32>
    %eq3A_608 = arith.constant 9 : i32
    %eq3A_609 = vector.broadcast %eq3A_608 : i32 to vector<16xi32>
    %eq3A_610 = arith.cmpi eq, %iota3A, %eq3A_609 : vector<16xi32>
    %get3A_611 = arith.constant 41 : i32
    %get3A_612 = arith.index_cast %get3A_611 : i32 to index
    %get3A_613 = memref.load %arg14[%get3A_612] : memref<64xi32, #tpu.memory_space<smem>>
    %broadcast_in_dim3A_614 = vector.broadcast %get3A_613 : i32 to vector<16xi32>
    %select_n3A_615 = arith.select %eq3A_610, %broadcast_in_dim3A_614, %select_n3A_607 : vector<16xi1>, vector<16xi32>
    %eq3A_616 = arith.constant 10 : i32
    %eq3A_617 = vector.broadcast %eq3A_616 : i32 to vector<16xi32>
    %eq3A_618 = arith.cmpi eq, %iota3A, %eq3A_617 : vector<16xi32>
    %get3A_619 = arith.constant 42 : i32
    %get3A_620 = arith.index_cast %get3A_619 : i32 to index
    %get3A_621 = memref.load %arg14[%get3A_620] : memref<64xi32, #tpu.memory_space<smem>>
    %broadcast_in_dim3A_622 = vector.broadcast %get3A_621 : i32 to vector<16xi32>
    %select_n3A_623 = arith.select %eq3A_618, %broadcast_in_dim3A_622, %select_n3A_615 : vector<16xi1>, vector<16xi32>
    %eq3A_624 = arith.constant 11 : i32
    %eq3A_625 = vector.broadcast %eq3A_624 : i32 to vector<16xi32>
    %eq3A_626 = arith.cmpi eq, %iota3A, %eq3A_625 : vector<16xi32>
    %get3A_627 = arith.constant 43 : i32
    %get3A_628 = arith.index_cast %get3A_627 : i32 to index
    %get3A_629 = memref.load %arg14[%get3A_628] : memref<64xi32, #tpu.memory_space<smem>>
    %broadcast_in_dim3A_630 = vector.broadcast %get3A_629 : i32 to vector<16xi32>
    %select_n3A_631 = arith.select %eq3A_626, %broadcast_in_dim3A_630, %select_n3A_623 : vector<16xi1>, vector<16xi32>
    %eq3A_632 = arith.constant 12 : i32
    %eq3A_633 = vector.broadcast %eq3A_632 : i32 to vector<16xi32>
    %eq3A_634 = arith.cmpi eq, %iota3A, %eq3A_633 : vector<16xi32>
    %get3A_635 = arith.constant 44 : i32
    %get3A_636 = arith.index_cast %get3A_635 : i32 to index
    %get3A_637 = memref.load %arg14[%get3A_636] : memref<64xi32, #tpu.memory_space<smem>>
    %broadcast_in_dim3A_638 = vector.broadcast %get3A_637 : i32 to vector<16xi32>
    %select_n3A_639 = arith.select %eq3A_634, %broadcast_in_dim3A_638, %select_n3A_631 : vector<16xi1>, vector<16xi32>
    %eq3A_640 = arith.constant 13 : i32
    %eq3A_641 = vector.broadcast %eq3A_640 : i32 to vector<16xi32>
    %eq3A_642 = arith.cmpi eq, %iota3A, %eq3A_641 : vector<16xi32>
    %get3A_643 = arith.constant 45 : i32
    %get3A_644 = arith.index_cast %get3A_643 : i32 to index
    %get3A_645 = memref.load %arg14[%get3A_644] : memref<64xi32, #tpu.memory_space<smem>>
    %broadcast_in_dim3A_646 = vector.broadcast %get3A_645 : i32 to vector<16xi32>
    %select_n3A_647 = arith.select %eq3A_642, %broadcast_in_dim3A_646, %select_n3A_639 : vector<16xi1>, vector<16xi32>
    %eq3A_648 = arith.constant 14 : i32
    %eq3A_649 = vector.broadcast %eq3A_648 : i32 to vector<16xi32>
    %eq3A_650 = arith.cmpi eq, %iota3A, %eq3A_649 : vector<16xi32>
    %get3A_651 = arith.constant 46 : i32
    %get3A_652 = arith.index_cast %get3A_651 : i32 to index
    %get3A_653 = memref.load %arg14[%get3A_652] : memref<64xi32, #tpu.memory_space<smem>>
    %broadcast_in_dim3A_654 = vector.broadcast %get3A_653 : i32 to vector<16xi32>
    %select_n3A_655 = arith.select %eq3A_650, %broadcast_in_dim3A_654, %select_n3A_647 : vector<16xi1>, vector<16xi32>
    %eq3A_656 = arith.constant 15 : i32
    %eq3A_657 = vector.broadcast %eq3A_656 : i32 to vector<16xi32>
    %eq3A_658 = arith.cmpi eq, %iota3A, %eq3A_657 : vector<16xi32>
    %get3A_659 = arith.constant 47 : i32
    %get3A_660 = arith.index_cast %get3A_659 : i32 to index
    %get3A_661 = memref.load %arg14[%get3A_660] : memref<64xi32, #tpu.memory_space<smem>>
    %broadcast_in_dim3A_662 = vector.broadcast %get3A_661 : i32 to vector<16xi32>
    %select_n3A_663 = arith.select %eq3A_658, %broadcast_in_dim3A_662, %select_n3A_655 : vector<16xi1>, vector<16xi32>
    %swap3A_664 = arith.constant 32 : index
    %swap3A_665 = tpu.vector_load %arg10[%swap3A_664] {strides = array<i32>} : memref<64xi32, #tpu.memory_space<vmem>>, vector<16xi32>,
    %swap3A_666 = vector.shape_cast %swap3A_665 : vector<16xi32> to vector<16xi32>
    %swap3A_667 = vector.shape_cast %select_n3A_663 : vector<16xi32> to vector<16xi32>
    tpu.vector_store %arg10[%swap3A_664], %swap3A_667 {strides = array<i32>} : memref<64xi32, #tpu.memory_space<vmem>>, vector<16xi32>,
    %broadcast_in_dim3A_668 = arith.constant 0 : i32
    %broadcast_in_dim3A_669 = vector.broadcast %broadcast_in_dim3A_668 : i32 to vector<16xi32>
    %eq3A_670 = arith.constant 0 : i32
    %eq3A_671 = vector.broadcast %eq3A_670 : i32 to vector<16xi32>
    %eq3A_672 = arith.cmpi eq, %iota3A, %eq3A_671 : vector<16xi32>
    %get3A_673 = arith.constant 48 : i32
    %get3A_674 = arith.index_cast %get3A_673 : i32 to index
    %get3A_675 = memref.load %arg14[%get3A_674] : memref<64xi32, #tpu.memory_space<smem>>
    %broadcast_in_dim3A_676 = vector.broadcast %get3A_675 : i32 to vector<16xi32>
    %select_n3A_677 = arith.select %eq3A_672, %broadcast_in_dim3A_676, %broadcast_in_dim3A_669 : vector<16xi1>, vector<16xi32>
    %eq3A_678 = arith.constant 1 : i32
    %eq3A_679 = vector.broadcast %eq3A_678 : i32 to vector<16xi32>
    %eq3A_680 = arith.cmpi eq, %iota3A, %eq3A_679 : vector<16xi32>
    %get3A_681 = arith.constant 49 : i32
    %get3A_682 = arith.index_cast %get3A_681 : i32 to index
    %get3A_683 = memref.load %arg14[%get3A_682] : memref<64xi32, #tpu.memory_space<smem>>
    %broadcast_in_dim3A_684 = vector.broadcast %get3A_683 : i32 to vector<16xi32>
    %select_n3A_685 = arith.select %eq3A_680, %broadcast_in_dim3A_684, %select_n3A_677 : vector<16xi1>, vector<16xi32>
    %eq3A_686 = arith.constant 2 : i32
    %eq3A_687 = vector.broadcast %eq3A_686 : i32 to vector<16xi32>
    %eq3A_688 = arith.cmpi eq, %iota3A, %eq3A_687 : vector<16xi32>
    %get3A_689 = arith.constant 50 : i32
    %get3A_690 = arith.index_cast %get3A_689 : i32 to index
    %get3A_691 = memref.load %arg14[%get3A_690] : memref<64xi32, #tpu.memory_space<smem>>
    %broadcast_in_dim3A_692 = vector.broadcast %get3A_691 : i32 to vector<16xi32>
    %select_n3A_693 = arith.select %eq3A_688, %broadcast_in_dim3A_692, %select_n3A_685 : vector<16xi1>, vector<16xi32>
    %eq3A_694 = arith.constant 3 : i32
    %eq3A_695 = vector.broadcast %eq3A_694 : i32 to vector<16xi32>
    %eq3A_696 = arith.cmpi eq, %iota3A, %eq3A_695 : vector<16xi32>
    %get3A_697 = arith.constant 51 : i32
    %get3A_698 = arith.index_cast %get3A_697 : i32 to index
    %get3A_699 = memref.load %arg14[%get3A_698] : memref<64xi32, #tpu.memory_space<smem>>
    %broadcast_in_dim3A_700 = vector.broadcast %get3A_699 : i32 to vector<16xi32>
    %select_n3A_701 = arith.select %eq3A_696, %broadcast_in_dim3A_700, %select_n3A_693 : vector<16xi1>, vector<16xi32>
    %eq3A_702 = arith.constant 4 : i32
    %eq3A_703 = vector.broadcast %eq3A_702 : i32 to vector<16xi32>
    %eq3A_704 = arith.cmpi eq, %iota3A, %eq3A_703 : vector<16xi32>
    %get3A_705 = arith.constant 52 : i32
    %get3A_706 = arith.index_cast %get3A_705 : i32 to index
    %get3A_707 = memref.load %arg14[%get3A_706] : memref<64xi32, #tpu.memory_space<smem>>
    %broadcast_in_dim3A_708 = vector.broadcast %get3A_707 : i32 to vector<16xi32>
    %select_n3A_709 = arith.select %eq3A_704, %broadcast_in_dim3A_708, %select_n3A_701 : vector<16xi1>, vector<16xi32>
    %eq3A_710 = arith.constant 5 : i32
    %eq3A_711 = vector.broadcast %eq3A_710 : i32 to vector<16xi32>
    %eq3A_712 = arith.cmpi eq, %iota3A, %eq3A_711 : vector<16xi32>
    %get3A_713 = arith.constant 53 : i32
    %get3A_714 = arith.index_cast %get3A_713 : i32 to index
    %get3A_715 = memref.load %arg14[%get3A_714] : memref<64xi32, #tpu.memory_space<smem>>
    %broadcast_in_dim3A_716 = vector.broadcast %get3A_715 : i32 to vector<16xi32>
    %select_n3A_717 = arith.select %eq3A_712, %broadcast_in_dim3A_716, %select_n3A_709 : vector<16xi1>, vector<16xi32>
    %eq3A_718 = arith.constant 6 : i32
    %eq3A_719 = vector.broadcast %eq3A_718 : i32 to vector<16xi32>
    %eq3A_720 = arith.cmpi eq, %iota3A, %eq3A_719 : vector<16xi32>
    %get3A_721 = arith.constant 54 : i32
    %get3A_722 = arith.index_cast %get3A_721 : i32 to index
    %get3A_723 = memref.load %arg14[%get3A_722] : memref<64xi32, #tpu.memory_space<smem>>
    %broadcast_in_dim3A_724 = vector.broadcast %get3A_723 : i32 to vector<16xi32>
    %select_n3A_725 = arith.select %eq3A_720, %broadcast_in_dim3A_724, %select_n3A_717 : vector<16xi1>, vector<16xi32>
    %eq3A_726 = arith.constant 7 : i32
    %eq3A_727 = vector.broadcast %eq3A_726 : i32 to vector<16xi32>
    %eq3A_728 = arith.cmpi eq, %iota3A, %eq3A_727 : vector<16xi32>
    %get3A_729 = arith.constant 55 : i32
    %get3A_730 = arith.index_cast %get3A_729 : i32 to index
    %get3A_731 = memref.load %arg14[%get3A_730] : memref<64xi32, #tpu.memory_space<smem>>
    %broadcast_in_dim3A_732 = vector.broadcast %get3A_731 : i32 to vector<16xi32>
    %select_n3A_733 = arith.select %eq3A_728, %broadcast_in_dim3A_732, %select_n3A_725 : vector<16xi1>, vector<16xi32>
    %eq3A_734 = arith.constant 8 : i32
    %eq3A_735 = vector.broadcast %eq3A_734 : i32 to vector<16xi32>
    %eq3A_736 = arith.cmpi eq, %iota3A, %eq3A_735 : vector<16xi32>
    %get3A_737 = arith.constant 56 : i32
    %get3A_738 = arith.index_cast %get3A_737 : i32 to index
    %get3A_739 = memref.load %arg14[%get3A_738] : memref<64xi32, #tpu.memory_space<smem>>
    %broadcast_in_dim3A_740 = vector.broadcast %get3A_739 : i32 to vector<16xi32>
    %select_n3A_741 = arith.select %eq3A_736, %broadcast_in_dim3A_740, %select_n3A_733 : vector<16xi1>, vector<16xi32>
    %eq3A_742 = arith.constant 9 : i32
    %eq3A_743 = vector.broadcast %eq3A_742 : i32 to vector<16xi32>
    %eq3A_744 = arith.cmpi eq, %iota3A, %eq3A_743 : vector<16xi32>
    %get3A_745 = arith.constant 57 : i32
    %get3A_746 = arith.index_cast %get3A_745 : i32 to index
    %get3A_747 = memref.load %arg14[%get3A_746] : memref<64xi32, #tpu.memory_space<smem>>
    %broadcast_in_dim3A_748 = vector.broadcast %get3A_747 : i32 to vector<16xi32>
    %select_n3A_749 = arith.select %eq3A_744, %broadcast_in_dim3A_748, %select_n3A_741 : vector<16xi1>, vector<16xi32>
    %eq3A_750 = arith.constant 10 : i32
    %eq3A_751 = vector.broadcast %eq3A_750 : i32 to vector<16xi32>
    %eq3A_752 = arith.cmpi eq, %iota3A, %eq3A_751 : vector<16xi32>
    %get3A_753 = arith.constant 58 : i32
    %get3A_754 = arith.index_cast %get3A_753 : i32 to index
    %get3A_755 = memref.load %arg14[%get3A_754] : memref<64xi32, #tpu.memory_space<smem>>
    %broadcast_in_dim3A_756 = vector.broadcast %get3A_755 : i32 to vector<16xi32>
    %select_n3A_757 = arith.select %eq3A_752, %broadcast_in_dim3A_756, %select_n3A_749 : vector<16xi1>, vector<16xi32>
    %eq3A_758 = arith.constant 11 : i32
    %eq3A_759 = vector.broadcast %eq3A_758 : i32 to vector<16xi32>
    %eq3A_760 = arith.cmpi eq, %iota3A, %eq3A_759 : vector<16xi32>
    %get3A_761 = arith.constant 59 : i32
    %get3A_762 = arith.index_cast %get3A_761 : i32 to index
    %get3A_763 = memref.load %arg14[%get3A_762] : memref<64xi32, #tpu.memory_space<smem>>
    %broadcast_in_dim3A_764 = vector.broadcast %get3A_763 : i32 to vector<16xi32>
    %select_n3A_765 = arith.select %eq3A_760, %broadcast_in_dim3A_764, %select_n3A_757 : vector<16xi1>, vector<16xi32>
    %eq3A_766 = arith.constant 12 : i32
    %eq3A_767 = vector.broadcast %eq3A_766 : i32 to vector<16xi32>
    %eq3A_768 = arith.cmpi eq, %iota3A, %eq3A_767 : vector<16xi32>
    %get3A_769 = arith.constant 60 : i32
    %get3A_770 = arith.index_cast %get3A_769 : i32 to index
    %get3A_771 = memref.load %arg14[%get3A_770] : memref<64xi32, #tpu.memory_space<smem>>
    %broadcast_in_dim3A_772 = vector.broadcast %get3A_771 : i32 to vector<16xi32>
    %select_n3A_773 = arith.select %eq3A_768, %broadcast_in_dim3A_772, %select_n3A_765 : vector<16xi1>, vector<16xi32>
    %eq3A_774 = arith.constant 13 : i32
    %eq3A_775 = vector.broadcast %eq3A_774 : i32 to vector<16xi32>
    %eq3A_776 = arith.cmpi eq, %iota3A, %eq3A_775 : vector<16xi32>
    %get3A_777 = arith.constant 61 : i32
    %get3A_778 = arith.index_cast %get3A_777 : i32 to index
    %get3A_779 = memref.load %arg14[%get3A_778] : memref<64xi32, #tpu.memory_space<smem>>
    %broadcast_in_dim3A_780 = vector.broadcast %get3A_779 : i32 to vector<16xi32>
    %select_n3A_781 = arith.select %eq3A_776, %broadcast_in_dim3A_780, %select_n3A_773 : vector<16xi1>, vector<16xi32>
    %eq3A_782 = arith.constant 14 : i32
    %eq3A_783 = vector.broadcast %eq3A_782 : i32 to vector<16xi32>
    %eq3A_784 = arith.cmpi eq, %iota3A, %eq3A_783 : vector<16xi32>
    %get3A_785 = arith.constant 62 : i32
    %get3A_786 = arith.index_cast %get3A_785 : i32 to index
    %get3A_787 = memref.load %arg14[%get3A_786] : memref<64xi32, #tpu.memory_space<smem>>
    %broadcast_in_dim3A_788 = vector.broadcast %get3A_787 : i32 to vector<16xi32>
    %select_n3A_789 = arith.select %eq3A_784, %broadcast_in_dim3A_788, %select_n3A_781 : vector<16xi1>, vector<16xi32>
    %eq3A_790 = arith.constant 15 : i32
    %eq3A_791 = vector.broadcast %eq3A_790 : i32 to vector<16xi32>
    %eq3A_792 = arith.cmpi eq, %iota3A, %eq3A_791 : vector<16xi32>
    %get3A_793 = arith.constant 63 : i32
    %get3A_794 = arith.index_cast %get3A_793 : i32 to index
    %get3A_795 = memref.load %arg14[%get3A_794] : memref<64xi32, #tpu.memory_space<smem>>
    %broadcast_in_dim3A_796 = vector.broadcast %get3A_795 : i32 to vector<16xi32>
    %select_n3A_797 = arith.select %eq3A_792, %broadcast_in_dim3A_796, %select_n3A_789 : vector<16xi1>, vector<16xi32>
    %swap3A_798 = arith.constant 48 : index
    %swap3A_799 = tpu.vector_load %arg10[%swap3A_798] {strides = array<i32>} : memref<64xi32, #tpu.memory_space<vmem>>, vector<16xi32>,
    %swap3A_800 = vector.shape_cast %swap3A_799 : vector<16xi32> to vector<16xi32>
    %swap3A_801 = vector.shape_cast %select_n3A_797 : vector<16xi32> to vector<16xi32>
    tpu.vector_store %arg10[%swap3A_798], %swap3A_801 {strides = array<i32>} : memref<64xi32, #tpu.memory_space<vmem>>, vector<16xi32>,
    "tpu.region"() ({
      %run_scoped3A = tpu.sem_alloc : memref<!tpu.dma_semaphore, #tpu.memory_space<semaphore_mem>>
      %dma_start3A_2118 = arith.constant 0 : i32
      %dma_start3A_2119 = tpu.memref_slice %arg6[%arg1, %dma_start3A_2118] : memref<16x64xi32, #tpu.memory_space<hbm>> -> memref<1x64xi32, #tpu.memory_space<hbm>>
      %dma_start3A_2120 = tpu.memref_squeeze %dma_start3A_2119 : memref<1x64xi32, #tpu.memory_space<hbm>> -> memref<64xi32, #tpu.memory_space<hbm>>
      %dma_start3A_2121 = arith.constant 0 : i32
      %dma_start3A_2122 = tpu.memref_slice %arg6[%arg1, %dma_start3A_2121] : memref<16x64xi32, #tpu.memory_space<hbm>> -> memref<1x64xi32, #tpu.memory_space<hbm>>
      %dma_start3A_2123 = tpu.memref_squeeze %dma_start3A_2122 : memref<1x64xi32, #tpu.memory_space<hbm>> -> memref<64xi32, #tpu.memory_space<hbm>>
      tpu.enqueue_dma source(%arg10 : memref<64xi32, #tpu.memory_space<vmem>>) target(%dma_start3A_2123 : memref<64xi32, #tpu.memory_space<hbm>>) target_semaphore(%run_scoped3A : memref<!tpu.dma_semaphore, #tpu.memory_space<semaphore_mem>>)
      %dma_wait3A_2124 = arith.constant 0 : i32
      %dma_wait3A_2125 = tpu.memref_slice %arg6[%arg1, %dma_wait3A_2124] : memref<16x64xi32, #tpu.memory_space<hbm>> -> memref<1x64xi32, #tpu.memory_space<hbm>>
      %dma_wait3A_2126 = tpu.memref_squeeze %dma_wait3A_2125 : memref<1x64xi32, #tpu.memory_space<hbm>> -> memref<64xi32, #tpu.memory_space<hbm>>
      %dma_wait3A_2127 = arith.constant 0 : i32
      %dma_wait3A_2128 = tpu.memref_slice %arg6[%arg1, %dma_wait3A_2127] : memref<16x64xi32, #tpu.memory_space<hbm>> -> memref<1x64xi32, #tpu.memory_space<hbm>>
      %dma_wait3A_2129 = tpu.memref_squeeze %dma_wait3A_2128 : memref<1x64xi32, #tpu.memory_space<hbm>> -> memref<64xi32, #tpu.memory_space<hbm>>
      tpu.wait_dma2 semaphore(%run_scoped3A : memref<!tpu.dma_semaphore, #tpu.memory_space<semaphore_mem>>) src(%arg10 : memref<64xi32, #tpu.memory_space<vmem>>) dst(%dma_wait3A_2129 : memref<64xi32, #tpu.memory_space<hbm>>)
      tpu.yield
    }) : () -> ()
    %barrier3A = arith.constant 0 : index
    tpu.barrier barrier_id(%barrier3A)
    "tpu.region"() ({
      %run_scoped3A = tpu.sem_alloc : memref<!tpu.dma_semaphore, #tpu.memory_space<semaphore_mem>>
      tpu.enqueue_dma source(%arg6 : memref<16x64xi32, #tpu.memory_space<hbm>>) target(%arg11 : memref<16x64xi32, #tpu.memory_space<vmem>>) target_semaphore(%run_scoped3A : memref<!tpu.dma_semaphore, #tpu.memory_space<semaphore_mem>>)
      tpu.wait_dma2 semaphore(%run_scoped3A : memref<!tpu.dma_semaphore, #tpu.memory_space<semaphore_mem>>) src(%arg6 : memref<16x64xi32, #tpu.memory_space<hbm>>) dst(%arg11 : memref<16x64xi32, #tpu.memory_space<vmem>>)
      tpu.yield
    }) : () -> ()
    %broadcast_in_dim3A_802 = arith.constant 0 : i32
    %broadcast_in_dim3A_803 = vector.broadcast %broadcast_in_dim3A_802 : i32 to vector<16xi32>
    %get3A_804 = arith.constant 0 : i32
    %get3A_805 = arith.index_cast %get3A_804 : i32 to index
    %get3A_806 = arith.constant 0 : index
    %get3A_807 = tpu.vector_load %arg11[%get3A_805, %get3A_806] {strides = array<i32>} : memref<16x64xi32, #tpu.memory_space<vmem>>, vector<1x16xi32>,
    %get3A_808 = vector.shape_cast %get3A_807 : vector<1x16xi32> to vector<16xi32>
    %add3A = arith.addi %broadcast_in_dim3A_803, %get3A_808 : vector<16xi32>
    %get3A_809 = arith.constant 1 : i32
    %get3A_810 = arith.index_cast %get3A_809 : i32 to index
    %get3A_811 = arith.constant 0 : index
    %get3A_812 = tpu.vector_load %arg11[%get3A_810, %get3A_811] {strides = array<i32>} : memref<16x64xi32, #tpu.memory_space<vmem>>, vector<1x16xi32>,
    %get3A_813 = vector.shape_cast %get3A_812 : vector<1x16xi32> to vector<16xi32>
    %add3A_814 = arith.addi %add3A, %get3A_813 : vector<16xi32>
    %get3A_815 = arith.constant 2 : i32
    %get3A_816 = arith.index_cast %get3A_815 : i32 to index
    %get3A_817 = arith.constant 0 : index
    %get3A_818 = tpu.vector_load %arg11[%get3A_816, %get3A_817] {strides = array<i32>} : memref<16x64xi32, #tpu.memory_space<vmem>>, vector<1x16xi32>,
    %get3A_819 = vector.shape_cast %get3A_818 : vector<1x16xi32> to vector<16xi32>
    %add3A_820 = arith.addi %add3A_814, %get3A_819 : vector<16xi32>
    %get3A_821 = arith.constant 3 : i32
    %get3A_822 = arith.index_cast %get3A_821 : i32 to index
    %get3A_823 = arith.constant 0 : index
    %get3A_824 = tpu.vector_load %arg11[%get3A_822, %get3A_823] {strides = array<i32>} : memref<16x64xi32, #tpu.memory_space<vmem>>, vector<1x16xi32>,
    %get3A_825 = vector.shape_cast %get3A_824 : vector<1x16xi32> to vector<16xi32>
    %add3A_826 = arith.addi %add3A_820, %get3A_825 : vector<16xi32>
    %get3A_827 = arith.constant 4 : i32
    %get3A_828 = arith.index_cast %get3A_827 : i32 to index
    %get3A_829 = arith.constant 0 : index
    %get3A_830 = tpu.vector_load %arg11[%get3A_828, %get3A_829] {strides = array<i32>} : memref<16x64xi32, #tpu.memory_space<vmem>>, vector<1x16xi32>,
    %get3A_831 = vector.shape_cast %get3A_830 : vector<1x16xi32> to vector<16xi32>
    %add3A_832 = arith.addi %add3A_826, %get3A_831 : vector<16xi32>
    %get3A_833 = arith.constant 5 : i32
    %get3A_834 = arith.index_cast %get3A_833 : i32 to index
    %get3A_835 = arith.constant 0 : index
    %get3A_836 = tpu.vector_load %arg11[%get3A_834, %get3A_835] {strides = array<i32>} : memref<16x64xi32, #tpu.memory_space<vmem>>, vector<1x16xi32>,
    %get3A_837 = vector.shape_cast %get3A_836 : vector<1x16xi32> to vector<16xi32>
    %add3A_838 = arith.addi %add3A_832, %get3A_837 : vector<16xi32>
    %get3A_839 = arith.constant 6 : i32
    %get3A_840 = arith.index_cast %get3A_839 : i32 to index
    %get3A_841 = arith.constant 0 : index
    %get3A_842 = tpu.vector_load %arg11[%get3A_840, %get3A_841] {strides = array<i32>} : memref<16x64xi32, #tpu.memory_space<vmem>>, vector<1x16xi32>,
    %get3A_843 = vector.shape_cast %get3A_842 : vector<1x16xi32> to vector<16xi32>
    %add3A_844 = arith.addi %add3A_838, %get3A_843 : vector<16xi32>
    %get3A_845 = arith.constant 7 : i32
    %get3A_846 = arith.index_cast %get3A_845 : i32 to index
    %get3A_847 = arith.constant 0 : index
    %get3A_848 = tpu.vector_load %arg11[%get3A_846, %get3A_847] {strides = array<i32>} : memref<16x64xi32, #tpu.memory_space<vmem>>, vector<1x16xi32>,
    %get3A_849 = vector.shape_cast %get3A_848 : vector<1x16xi32> to vector<16xi32>
    %add3A_850 = arith.addi %add3A_844, %get3A_849 : vector<16xi32>
    %get3A_851 = arith.constant 8 : i32
    %get3A_852 = arith.index_cast %get3A_851 : i32 to index
    %get3A_853 = arith.constant 0 : index
    %get3A_854 = tpu.vector_load %arg11[%get3A_852, %get3A_853] {strides = array<i32>} : memref<16x64xi32, #tpu.memory_space<vmem>>, vector<1x16xi32>,
    %get3A_855 = vector.shape_cast %get3A_854 : vector<1x16xi32> to vector<16xi32>
    %add3A_856 = arith.addi %add3A_850, %get3A_855 : vector<16xi32>
    %get3A_857 = arith.constant 9 : i32
    %get3A_858 = arith.index_cast %get3A_857 : i32 to index
    %get3A_859 = arith.constant 0 : index
    %get3A_860 = tpu.vector_load %arg11[%get3A_858, %get3A_859] {strides = array<i32>} : memref<16x64xi32, #tpu.memory_space<vmem>>, vector<1x16xi32>,
    %get3A_861 = vector.shape_cast %get3A_860 : vector<1x16xi32> to vector<16xi32>
    %add3A_862 = arith.addi %add3A_856, %get3A_861 : vector<16xi32>
    %get3A_863 = arith.constant 10 : i32
    %get3A_864 = arith.index_cast %get3A_863 : i32 to index
    %get3A_865 = arith.constant 0 : index
    %get3A_866 = tpu.vector_load %arg11[%get3A_864, %get3A_865] {strides = array<i32>} : memref<16x64xi32, #tpu.memory_space<vmem>>, vector<1x16xi32>,
    %get3A_867 = vector.shape_cast %get3A_866 : vector<1x16xi32> to vector<16xi32>
    %add3A_868 = arith.addi %add3A_862, %get3A_867 : vector<16xi32>
    %get3A_869 = arith.constant 11 : i32
    %get3A_870 = arith.index_cast %get3A_869 : i32 to index
    %get3A_871 = arith.constant 0 : index
    %get3A_872 = tpu.vector_load %arg11[%get3A_870, %get3A_871] {strides = array<i32>} : memref<16x64xi32, #tpu.memory_space<vmem>>, vector<1x16xi32>,
    %get3A_873 = vector.shape_cast %get3A_872 : vector<1x16xi32> to vector<16xi32>
    %add3A_874 = arith.addi %add3A_868, %get3A_873 : vector<16xi32>
    %get3A_875 = arith.constant 12 : i32
    %get3A_876 = arith.index_cast %get3A_875 : i32 to index
    %get3A_877 = arith.constant 0 : index
    %get3A_878 = tpu.vector_load %arg11[%get3A_876, %get3A_877] {strides = array<i32>} : memref<16x64xi32, #tpu.memory_space<vmem>>, vector<1x16xi32>,
    %get3A_879 = vector.shape_cast %get3A_878 : vector<1x16xi32> to vector<16xi32>
    %add3A_880 = arith.addi %add3A_874, %get3A_879 : vector<16xi32>
    %get3A_881 = arith.constant 13 : i32
    %get3A_882 = arith.index_cast %get3A_881 : i32 to index
    %get3A_883 = arith.constant 0 : index
    %get3A_884 = tpu.vector_load %arg11[%get3A_882, %get3A_883] {strides = array<i32>} : memref<16x64xi32, #tpu.memory_space<vmem>>, vector<1x16xi32>,
    %get3A_885 = vector.shape_cast %get3A_884 : vector<1x16xi32> to vector<16xi32>
    %add3A_886 = arith.addi %add3A_880, %get3A_885 : vector<16xi32>
    %get3A_887 = arith.constant 14 : i32
    %get3A_888 = arith.index_cast %get3A_887 : i32 to index
    %get3A_889 = arith.constant 0 : index
    %get3A_890 = tpu.vector_load %arg11[%get3A_888, %get3A_889] {strides = array<i32>} : memref<16x64xi32, #tpu.memory_space<vmem>>, vector<1x16xi32>,
    %get3A_891 = vector.shape_cast %get3A_890 : vector<1x16xi32> to vector<16xi32>
    %add3A_892 = arith.addi %add3A_886, %get3A_891 : vector<16xi32>
    %get3A_893 = arith.constant 15 : i32
    %get3A_894 = arith.index_cast %get3A_893 : i32 to index
    %get3A_895 = arith.constant 0 : index
    %get3A_896 = tpu.vector_load %arg11[%get3A_894, %get3A_895] {strides = array<i32>} : memref<16x64xi32, #tpu.memory_space<vmem>>, vector<1x16xi32>,
    %get3A_897 = vector.shape_cast %get3A_896 : vector<1x16xi32> to vector<16xi32>
    %add3A_898 = arith.addi %add3A_892, %get3A_897 : vector<16xi32>
    %broadcast_in_dim3A_899 = arith.constant 0 : i32
    %broadcast_in_dim3A_900 = vector.broadcast %broadcast_in_dim3A_899 : i32 to vector<16xi32>
    %eq3A_901 = arith.constant 0 : i32
    %eq3A_902 = vector.broadcast %eq3A_901 : i32 to vector<16xi32>
    %eq3A_903 = arith.cmpi eq, %iota3A, %eq3A_902 : vector<16xi32>
    %jit3A = arith.constant 0 : i32
    %broadcast_in_dim3A_904 = vector.broadcast %jit3A : i32 to vector<16xi32>
    %select_n3A_905 = arith.select %eq3A_903, %broadcast_in_dim3A_904, %broadcast_in_dim3A_900 : vector<16xi1>, vector<16xi32>
    %slice3A = vector.extract_strided_slice %add3A_898 {offsets = [0], sizes = [1], strides = [1]} : vector<16xi32> to vector<1xi32>
    %squeeze3A = vector.extract %slice3A[0] : i32 from vector<1xi32>
    %add3A_906 = arith.constant 0 : i32
    %add3A_907 = arith.addi %add3A_906, %squeeze3A : i32
    %eq3A_908 = arith.constant 1 : i32
    %eq3A_909 = vector.broadcast %eq3A_908 : i32 to vector<16xi32>
    %eq3A_910 = arith.cmpi eq, %iota3A, %eq3A_909 : vector<16xi32>
    %broadcast_in_dim3A_911 = vector.broadcast %add3A_907 : i32 to vector<16xi32>
    %select_n3A_912 = arith.select %eq3A_910, %broadcast_in_dim3A_911, %select_n3A_905 : vector<16xi1>, vector<16xi32>
    %slice3A_913 = vector.extract_strided_slice %add3A_898 {offsets = [1], sizes = [1], strides = [1]} : vector<16xi32> to vector<1xi32>
    %squeeze3A_914 = vector.extract %slice3A_913[0] : i32 from vector<1xi32>
    %add3A_915 = arith.addi %add3A_907, %squeeze3A_914 : i32
    %eq3A_916 = arith.constant 2 : i32
    %eq3A_917 = vector.broadcast %eq3A_916 : i32 to vector<16xi32>
    %eq3A_918 = arith.cmpi eq, %iota3A, %eq3A_917 : vector<16xi32>
    %broadcast_in_dim3A_919 = vector.broadcast %add3A_915 : i32 to vector<16xi32>
    %select_n3A_920 = arith.select %eq3A_918, %broadcast_in_dim3A_919, %select_n3A_912 : vector<16xi1>, vector<16xi32>
    %slice3A_921 = vector.extract_strided_slice %add3A_898 {offsets = [2], sizes = [1], strides = [1]} : vector<16xi32> to vector<1xi32>
    %squeeze3A_922 = vector.extract %slice3A_921[0] : i32 from vector<1xi32>
    %add3A_923 = arith.addi %add3A_915, %squeeze3A_922 : i32
    %eq3A_924 = arith.constant 3 : i32
    %eq3A_925 = vector.broadcast %eq3A_924 : i32 to vector<16xi32>
    %eq3A_926 = arith.cmpi eq, %iota3A, %eq3A_925 : vector<16xi32>
    %broadcast_in_dim3A_927 = vector.broadcast %add3A_923 : i32 to vector<16xi32>
    %select_n3A_928 = arith.select %eq3A_926, %broadcast_in_dim3A_927, %select_n3A_920 : vector<16xi1>, vector<16xi32>
    %slice3A_929 = vector.extract_strided_slice %add3A_898 {offsets = [3], sizes = [1], strides = [1]} : vector<16xi32> to vector<1xi32>
    %squeeze3A_930 = vector.extract %slice3A_929[0] : i32 from vector<1xi32>
    %add3A_931 = arith.addi %add3A_923, %squeeze3A_930 : i32
    %eq3A_932 = arith.constant 4 : i32
    %eq3A_933 = vector.broadcast %eq3A_932 : i32 to vector<16xi32>
    %eq3A_934 = arith.cmpi eq, %iota3A, %eq3A_933 : vector<16xi32>
    %broadcast_in_dim3A_935 = vector.broadcast %add3A_931 : i32 to vector<16xi32>
    %select_n3A_936 = arith.select %eq3A_934, %broadcast_in_dim3A_935, %select_n3A_928 : vector<16xi1>, vector<16xi32>
    %slice3A_937 = vector.extract_strided_slice %add3A_898 {offsets = [4], sizes = [1], strides = [1]} : vector<16xi32> to vector<1xi32>
    %squeeze3A_938 = vector.extract %slice3A_937[0] : i32 from vector<1xi32>
    %add3A_939 = arith.addi %add3A_931, %squeeze3A_938 : i32
    %eq3A_940 = arith.constant 5 : i32
    %eq3A_941 = vector.broadcast %eq3A_940 : i32 to vector<16xi32>
    %eq3A_942 = arith.cmpi eq, %iota3A, %eq3A_941 : vector<16xi32>
    %broadcast_in_dim3A_943 = vector.broadcast %add3A_939 : i32 to vector<16xi32>
    %select_n3A_944 = arith.select %eq3A_942, %broadcast_in_dim3A_943, %select_n3A_936 : vector<16xi1>, vector<16xi32>
    %slice3A_945 = vector.extract_strided_slice %add3A_898 {offsets = [5], sizes = [1], strides = [1]} : vector<16xi32> to vector<1xi32>
    %squeeze3A_946 = vector.extract %slice3A_945[0] : i32 from vector<1xi32>
    %add3A_947 = arith.addi %add3A_939, %squeeze3A_946 : i32
    %eq3A_948 = arith.constant 6 : i32
    %eq3A_949 = vector.broadcast %eq3A_948 : i32 to vector<16xi32>
    %eq3A_950 = arith.cmpi eq, %iota3A, %eq3A_949 : vector<16xi32>
    %broadcast_in_dim3A_951 = vector.broadcast %add3A_947 : i32 to vector<16xi32>
    %select_n3A_952 = arith.select %eq3A_950, %broadcast_in_dim3A_951, %select_n3A_944 : vector<16xi1>, vector<16xi32>
    %slice3A_953 = vector.extract_strided_slice %add3A_898 {offsets = [6], sizes = [1], strides = [1]} : vector<16xi32> to vector<1xi32>
    %squeeze3A_954 = vector.extract %slice3A_953[0] : i32 from vector<1xi32>
    %add3A_955 = arith.addi %add3A_947, %squeeze3A_954 : i32
    %eq3A_956 = arith.constant 7 : i32
    %eq3A_957 = vector.broadcast %eq3A_956 : i32 to vector<16xi32>
    %eq3A_958 = arith.cmpi eq, %iota3A, %eq3A_957 : vector<16xi32>
    %broadcast_in_dim3A_959 = vector.broadcast %add3A_955 : i32 to vector<16xi32>
    %select_n3A_960 = arith.select %eq3A_958, %broadcast_in_dim3A_959, %select_n3A_952 : vector<16xi1>, vector<16xi32>
    %slice3A_961 = vector.extract_strided_slice %add3A_898 {offsets = [7], sizes = [1], strides = [1]} : vector<16xi32> to vector<1xi32>
    %squeeze3A_962 = vector.extract %slice3A_961[0] : i32 from vector<1xi32>
    %add3A_963 = arith.addi %add3A_955, %squeeze3A_962 : i32
    %eq3A_964 = arith.constant 8 : i32
    %eq3A_965 = vector.broadcast %eq3A_964 : i32 to vector<16xi32>
    %eq3A_966 = arith.cmpi eq, %iota3A, %eq3A_965 : vector<16xi32>
    %broadcast_in_dim3A_967 = vector.broadcast %add3A_963 : i32 to vector<16xi32>
    %select_n3A_968 = arith.select %eq3A_966, %broadcast_in_dim3A_967, %select_n3A_960 : vector<16xi1>, vector<16xi32>
    %slice3A_969 = vector.extract_strided_slice %add3A_898 {offsets = [8], sizes = [1], strides = [1]} : vector<16xi32> to vector<1xi32>
    %squeeze3A_970 = vector.extract %slice3A_969[0] : i32 from vector<1xi32>
    %add3A_971 = arith.addi %add3A_963, %squeeze3A_970 : i32
    %eq3A_972 = arith.constant 9 : i32
    %eq3A_973 = vector.broadcast %eq3A_972 : i32 to vector<16xi32>
    %eq3A_974 = arith.cmpi eq, %iota3A, %eq3A_973 : vector<16xi32>
    %broadcast_in_dim3A_975 = vector.broadcast %add3A_971 : i32 to vector<16xi32>
    %select_n3A_976 = arith.select %eq3A_974, %broadcast_in_dim3A_975, %select_n3A_968 : vector<16xi1>, vector<16xi32>
    %slice3A_977 = vector.extract_strided_slice %add3A_898 {offsets = [9], sizes = [1], strides = [1]} : vector<16xi32> to vector<1xi32>
    %squeeze3A_978 = vector.extract %slice3A_977[0] : i32 from vector<1xi32>
    %add3A_979 = arith.addi %add3A_971, %squeeze3A_978 : i32
    %eq3A_980 = arith.constant 10 : i32
    %eq3A_981 = vector.broadcast %eq3A_980 : i32 to vector<16xi32>
    %eq3A_982 = arith.cmpi eq, %iota3A, %eq3A_981 : vector<16xi32>
    %broadcast_in_dim3A_983 = vector.broadcast %add3A_979 : i32 to vector<16xi32>
    %select_n3A_984 = arith.select %eq3A_982, %broadcast_in_dim3A_983, %select_n3A_976 : vector<16xi1>, vector<16xi32>
    %slice3A_985 = vector.extract_strided_slice %add3A_898 {offsets = [10], sizes = [1], strides = [1]} : vector<16xi32> to vector<1xi32>
    %squeeze3A_986 = vector.extract %slice3A_985[0] : i32 from vector<1xi32>
    %add3A_987 = arith.addi %add3A_979, %squeeze3A_986 : i32
    %eq3A_988 = arith.constant 11 : i32
    %eq3A_989 = vector.broadcast %eq3A_988 : i32 to vector<16xi32>
    %eq3A_990 = arith.cmpi eq, %iota3A, %eq3A_989 : vector<16xi32>
    %broadcast_in_dim3A_991 = vector.broadcast %add3A_987 : i32 to vector<16xi32>
    %select_n3A_992 = arith.select %eq3A_990, %broadcast_in_dim3A_991, %select_n3A_984 : vector<16xi1>, vector<16xi32>
    %slice3A_993 = vector.extract_strided_slice %add3A_898 {offsets = [11], sizes = [1], strides = [1]} : vector<16xi32> to vector<1xi32>
    %squeeze3A_994 = vector.extract %slice3A_993[0] : i32 from vector<1xi32>
    %add3A_995 = arith.addi %add3A_987, %squeeze3A_994 : i32
    %eq3A_996 = arith.constant 12 : i32
    %eq3A_997 = vector.broadcast %eq3A_996 : i32 to vector<16xi32>
    %eq3A_998 = arith.cmpi eq, %iota3A, %eq3A_997 : vector<16xi32>
    %broadcast_in_dim3A_999 = vector.broadcast %add3A_995 : i32 to vector<16xi32>
    %select_n3A_1000 = arith.select %eq3A_998, %broadcast_in_dim3A_999, %select_n3A_992 : vector<16xi1>, vector<16xi32>
    %slice3A_1001 = vector.extract_strided_slice %add3A_898 {offsets = [12], sizes = [1], strides = [1]} : vector<16xi32> to vector<1xi32>
    %squeeze3A_1002 = vector.extract %slice3A_1001[0] : i32 from vector<1xi32>
    %add3A_1003 = arith.addi %add3A_995, %squeeze3A_1002 : i32
    %eq3A_1004 = arith.constant 13 : i32
    %eq3A_1005 = vector.broadcast %eq3A_1004 : i32 to vector<16xi32>
    %eq3A_1006 = arith.cmpi eq, %iota3A, %eq3A_1005 : vector<16xi32>
    %broadcast_in_dim3A_1007 = vector.broadcast %add3A_1003 : i32 to vector<16xi32>
    %select_n3A_1008 = arith.select %eq3A_1006, %broadcast_in_dim3A_1007, %select_n3A_1000 : vector<16xi1>, vector<16xi32>
    %slice3A_1009 = vector.extract_strided_slice %add3A_898 {offsets = [13], sizes = [1], strides = [1]} : vector<16xi32> to vector<1xi32>
    %squeeze3A_1010 = vector.extract %slice3A_1009[0] : i32 from vector<1xi32>
    %add3A_1011 = arith.addi %add3A_1003, %squeeze3A_1010 : i32
    %eq3A_1012 = arith.constant 14 : i32
    %eq3A_1013 = vector.broadcast %eq3A_1012 : i32 to vector<16xi32>
    %eq3A_1014 = arith.cmpi eq, %iota3A, %eq3A_1013 : vector<16xi32>
    %broadcast_in_dim3A_1015 = vector.broadcast %add3A_1011 : i32 to vector<16xi32>
    %select_n3A_1016 = arith.select %eq3A_1014, %broadcast_in_dim3A_1015, %select_n3A_1008 : vector<16xi1>, vector<16xi32>
    %slice3A_1017 = vector.extract_strided_slice %add3A_898 {offsets = [14], sizes = [1], strides = [1]} : vector<16xi32> to vector<1xi32>
    %squeeze3A_1018 = vector.extract %slice3A_1017[0] : i32 from vector<1xi32>
    %add3A_1019 = arith.addi %add3A_1011, %squeeze3A_1018 : i32
    %eq3A_1020 = arith.constant 15 : i32
    %eq3A_1021 = vector.broadcast %eq3A_1020 : i32 to vector<16xi32>
    %eq3A_1022 = arith.cmpi eq, %iota3A, %eq3A_1021 : vector<16xi32>
    %broadcast_in_dim3A_1023 = vector.broadcast %add3A_1019 : i32 to vector<16xi32>
    %select_n3A_1024 = arith.select %eq3A_1022, %broadcast_in_dim3A_1023, %select_n3A_1016 : vector<16xi1>, vector<16xi32>
    %slice3A_1025 = vector.extract_strided_slice %add3A_898 {offsets = [15], sizes = [1], strides = [1]} : vector<16xi32> to vector<1xi32>
    %squeeze3A_1026 = vector.extract %slice3A_1025[0] : i32 from vector<1xi32>
    %add3A_1027 = arith.addi %add3A_1019, %squeeze3A_1026 : i32
    %broadcast_in_dim3A_1028 = arith.constant 0 : i32
    %broadcast_in_dim3A_1029 = vector.broadcast %broadcast_in_dim3A_1028 : i32 to vector<16xi32>
    %while3A = arith.constant 0 : i32
    %while3A_1030 = arith.subi %arg1, %while3A : i32
    %while3A_1031 = arith.addi %while3A, %while3A_1030 : i32
    %while3A_1032 = arith.constant 1 : i32
    %while3A_1033 = arith.divsi %while3A_1030, %while3A_1032 : i32
    %while3A_1034 = arith.muli %while3A_1033, %while3A_1032 : i32
    %while3A_1035 = arith.addi %while3A, %while3A_1034 : i32
    %while3A_1036 = arith.constant 1 : i32
    %while3A_1037 = scf.for %while3A_2118 = %while3A to %while3A_1035 step %while3A_1036 iter_args(%while3A_2119 = %broadcast_in_dim3A_1029) -> (vector<16xi32>)  : i32 {
      %get3A_2120 = arith.index_cast %while3A_2118 : i32 to index
      %get3A_2121 = arith.constant 0 : index
      %get3A_2122 = tpu.vector_load %arg11[%get3A_2120, %get3A_2121] {strides = array<i32>} : memref<16x64xi32, #tpu.memory_space<vmem>>, vector<1x16xi32>,
      %get3A_2123 = vector.shape_cast %get3A_2122 : vector<1x16xi32> to vector<16xi32>
      %add3A_2124 = arith.addi %while3A_2119, %get3A_2123 : vector<16xi32>
      scf.yield %add3A_2124 : vector<16xi32>
    }
    %while3A_1038 = arith.constant 1 : i32
    %while3A_1039 = scf.for %while3A_2118 = %while3A_1035 to %while3A_1031 step %while3A_1038 iter_args(%while3A_2119 = %while3A_1037) -> (vector<16xi32>)  : i32 {
      %get3A_2120 = arith.index_cast %while3A_2118 : i32 to index
      %get3A_2121 = arith.constant 0 : index
      %get3A_2122 = tpu.vector_load %arg11[%get3A_2120, %get3A_2121] {strides = array<i32>} : memref<16x64xi32, #tpu.memory_space<vmem>>, vector<1x16xi32>,
      %get3A_2123 = vector.shape_cast %get3A_2122 : vector<1x16xi32> to vector<16xi32>
      %add3A_2124 = arith.addi %while3A_2119, %get3A_2123 : vector<16xi32>
      scf.yield %add3A_2124 : vector<16xi32>
    }
    %add3A_1040 = arith.addi %select_n3A_1024, %while3A_1039 : vector<16xi32>
    %swap3A_1041 = arith.constant 0 : index
    %swap3A_1042 = tpu.vector_load %arg12[%swap3A_1041] {strides = array<i32>} : memref<64xi32, #tpu.memory_space<vmem>>, vector<16xi32>,
    %swap3A_1043 = vector.shape_cast %swap3A_1042 : vector<16xi32> to vector<16xi32>
    %swap3A_1044 = vector.shape_cast %add3A_1040 : vector<16xi32> to vector<16xi32>
    tpu.vector_store %arg12[%swap3A_1041], %swap3A_1044 {strides = array<i32>} : memref<64xi32, #tpu.memory_space<vmem>>, vector<16xi32>,
    %slice3A_1045 = vector.extract_strided_slice %add3A_1040 {offsets = [0], sizes = [1], strides = [1]} : vector<16xi32> to vector<1xi32>
    %squeeze3A_1046 = vector.extract %slice3A_1045[0] : i32 from vector<1xi32>
    %swap3A_1047 = arith.constant 0 : i32
    %swap3A_1048 = arith.index_cast %swap3A_1047 : i32 to index
    %swap3A_1049 = memref.load %arg15[%swap3A_1048] : memref<64xi32, #tpu.memory_space<smem>>
    memref.store %squeeze3A_1046, %arg15[%swap3A_1048] : memref<64xi32, #tpu.memory_space<smem>>
    %slice3A_1050 = vector.extract_strided_slice %add3A_1040 {offsets = [1], sizes = [1], strides = [1]} : vector<16xi32> to vector<1xi32>
    %squeeze3A_1051 = vector.extract %slice3A_1050[0] : i32 from vector<1xi32>
    %swap3A_1052 = arith.constant 1 : i32
    %swap3A_1053 = arith.index_cast %swap3A_1052 : i32 to index
    %swap3A_1054 = memref.load %arg15[%swap3A_1053] : memref<64xi32, #tpu.memory_space<smem>>
    memref.store %squeeze3A_1051, %arg15[%swap3A_1053] : memref<64xi32, #tpu.memory_space<smem>>
    %slice3A_1055 = vector.extract_strided_slice %add3A_1040 {offsets = [2], sizes = [1], strides = [1]} : vector<16xi32> to vector<1xi32>
    %squeeze3A_1056 = vector.extract %slice3A_1055[0] : i32 from vector<1xi32>
    %swap3A_1057 = arith.constant 2 : i32
    %swap3A_1058 = arith.index_cast %swap3A_1057 : i32 to index
    %swap3A_1059 = memref.load %arg15[%swap3A_1058] : memref<64xi32, #tpu.memory_space<smem>>
    memref.store %squeeze3A_1056, %arg15[%swap3A_1058] : memref<64xi32, #tpu.memory_space<smem>>
    %slice3A_1060 = vector.extract_strided_slice %add3A_1040 {offsets = [3], sizes = [1], strides = [1]} : vector<16xi32> to vector<1xi32>
    %squeeze3A_1061 = vector.extract %slice3A_1060[0] : i32 from vector<1xi32>
    %swap3A_1062 = arith.constant 3 : i32
    %swap3A_1063 = arith.index_cast %swap3A_1062 : i32 to index
    %swap3A_1064 = memref.load %arg15[%swap3A_1063] : memref<64xi32, #tpu.memory_space<smem>>
    memref.store %squeeze3A_1061, %arg15[%swap3A_1063] : memref<64xi32, #tpu.memory_space<smem>>
    %slice3A_1065 = vector.extract_strided_slice %add3A_1040 {offsets = [4], sizes = [1], strides = [1]} : vector<16xi32> to vector<1xi32>
    %squeeze3A_1066 = vector.extract %slice3A_1065[0] : i32 from vector<1xi32>
    %swap3A_1067 = arith.constant 4 : i32
    %swap3A_1068 = arith.index_cast %swap3A_1067 : i32 to index
    %swap3A_1069 = memref.load %arg15[%swap3A_1068] : memref<64xi32, #tpu.memory_space<smem>>
    memref.store %squeeze3A_1066, %arg15[%swap3A_1068] : memref<64xi32, #tpu.memory_space<smem>>
    %slice3A_1070 = vector.extract_strided_slice %add3A_1040 {offsets = [5], sizes = [1], strides = [1]} : vector<16xi32> to vector<1xi32>
    %squeeze3A_1071 = vector.extract %slice3A_1070[0] : i32 from vector<1xi32>
    %swap3A_1072 = arith.constant 5 : i32
    %swap3A_1073 = arith.index_cast %swap3A_1072 : i32 to index
    %swap3A_1074 = memref.load %arg15[%swap3A_1073] : memref<64xi32, #tpu.memory_space<smem>>
    memref.store %squeeze3A_1071, %arg15[%swap3A_1073] : memref<64xi32, #tpu.memory_space<smem>>
    %slice3A_1075 = vector.extract_strided_slice %add3A_1040 {offsets = [6], sizes = [1], strides = [1]} : vector<16xi32> to vector<1xi32>
    %squeeze3A_1076 = vector.extract %slice3A_1075[0] : i32 from vector<1xi32>
    %swap3A_1077 = arith.constant 6 : i32
    %swap3A_1078 = arith.index_cast %swap3A_1077 : i32 to index
    %swap3A_1079 = memref.load %arg15[%swap3A_1078] : memref<64xi32, #tpu.memory_space<smem>>
    memref.store %squeeze3A_1076, %arg15[%swap3A_1078] : memref<64xi32, #tpu.memory_space<smem>>
    %slice3A_1080 = vector.extract_strided_slice %add3A_1040 {offsets = [7], sizes = [1], strides = [1]} : vector<16xi32> to vector<1xi32>
    %squeeze3A_1081 = vector.extract %slice3A_1080[0] : i32 from vector<1xi32>
    %swap3A_1082 = arith.constant 7 : i32
    %swap3A_1083 = arith.index_cast %swap3A_1082 : i32 to index
    %swap3A_1084 = memref.load %arg15[%swap3A_1083] : memref<64xi32, #tpu.memory_space<smem>>
    memref.store %squeeze3A_1081, %arg15[%swap3A_1083] : memref<64xi32, #tpu.memory_space<smem>>
    %slice3A_1085 = vector.extract_strided_slice %add3A_1040 {offsets = [8], sizes = [1], strides = [1]} : vector<16xi32> to vector<1xi32>
    %squeeze3A_1086 = vector.extract %slice3A_1085[0] : i32 from vector<1xi32>
    %swap3A_1087 = arith.constant 8 : i32
    %swap3A_1088 = arith.index_cast %swap3A_1087 : i32 to index
    %swap3A_1089 = memref.load %arg15[%swap3A_1088] : memref<64xi32, #tpu.memory_space<smem>>
    memref.store %squeeze3A_1086, %arg15[%swap3A_1088] : memref<64xi32, #tpu.memory_space<smem>>
    %slice3A_1090 = vector.extract_strided_slice %add3A_1040 {offsets = [9], sizes = [1], strides = [1]} : vector<16xi32> to vector<1xi32>
    %squeeze3A_1091 = vector.extract %slice3A_1090[0] : i32 from vector<1xi32>
    %swap3A_1092 = arith.constant 9 : i32
    %swap3A_1093 = arith.index_cast %swap3A_1092 : i32 to index
    %swap3A_1094 = memref.load %arg15[%swap3A_1093] : memref<64xi32, #tpu.memory_space<smem>>
    memref.store %squeeze3A_1091, %arg15[%swap3A_1093] : memref<64xi32, #tpu.memory_space<smem>>
    %slice3A_1095 = vector.extract_strided_slice %add3A_1040 {offsets = [10], sizes = [1], strides = [1]} : vector<16xi32> to vector<1xi32>
    %squeeze3A_1096 = vector.extract %slice3A_1095[0] : i32 from vector<1xi32>
    %swap3A_1097 = arith.constant 10 : i32
    %swap3A_1098 = arith.index_cast %swap3A_1097 : i32 to index
    %swap3A_1099 = memref.load %arg15[%swap3A_1098] : memref<64xi32, #tpu.memory_space<smem>>
    memref.store %squeeze3A_1096, %arg15[%swap3A_1098] : memref<64xi32, #tpu.memory_space<smem>>
    %slice3A_1100 = vector.extract_strided_slice %add3A_1040 {offsets = [11], sizes = [1], strides = [1]} : vector<16xi32> to vector<1xi32>
    %squeeze3A_1101 = vector.extract %slice3A_1100[0] : i32 from vector<1xi32>
    %swap3A_1102 = arith.constant 11 : i32
    %swap3A_1103 = arith.index_cast %swap3A_1102 : i32 to index
    %swap3A_1104 = memref.load %arg15[%swap3A_1103] : memref<64xi32, #tpu.memory_space<smem>>
    memref.store %squeeze3A_1101, %arg15[%swap3A_1103] : memref<64xi32, #tpu.memory_space<smem>>
    %slice3A_1105 = vector.extract_strided_slice %add3A_1040 {offsets = [12], sizes = [1], strides = [1]} : vector<16xi32> to vector<1xi32>
    %squeeze3A_1106 = vector.extract %slice3A_1105[0] : i32 from vector<1xi32>
    %swap3A_1107 = arith.constant 12 : i32
    %swap3A_1108 = arith.index_cast %swap3A_1107 : i32 to index
    %swap3A_1109 = memref.load %arg15[%swap3A_1108] : memref<64xi32, #tpu.memory_space<smem>>
    memref.store %squeeze3A_1106, %arg15[%swap3A_1108] : memref<64xi32, #tpu.memory_space<smem>>
    %slice3A_1110 = vector.extract_strided_slice %add3A_1040 {offsets = [13], sizes = [1], strides = [1]} : vector<16xi32> to vector<1xi32>
    %squeeze3A_1111 = vector.extract %slice3A_1110[0] : i32 from vector<1xi32>
    %swap3A_1112 = arith.constant 13 : i32
    %swap3A_1113 = arith.index_cast %swap3A_1112 : i32 to index
    %swap3A_1114 = memref.load %arg15[%swap3A_1113] : memref<64xi32, #tpu.memory_space<smem>>
    memref.store %squeeze3A_1111, %arg15[%swap3A_1113] : memref<64xi32, #tpu.memory_space<smem>>
    %slice3A_1115 = vector.extract_strided_slice %add3A_1040 {offsets = [14], sizes = [1], strides = [1]} : vector<16xi32> to vector<1xi32>
    %squeeze3A_1116 = vector.extract %slice3A_1115[0] : i32 from vector<1xi32>
    %swap3A_1117 = arith.constant 14 : i32
    %swap3A_1118 = arith.index_cast %swap3A_1117 : i32 to index
    %swap3A_1119 = memref.load %arg15[%swap3A_1118] : memref<64xi32, #tpu.memory_space<smem>>
    memref.store %squeeze3A_1116, %arg15[%swap3A_1118] : memref<64xi32, #tpu.memory_space<smem>>
    %slice3A_1120 = vector.extract_strided_slice %add3A_1040 {offsets = [15], sizes = [1], strides = [1]} : vector<16xi32> to vector<1xi32>
    %squeeze3A_1121 = vector.extract %slice3A_1120[0] : i32 from vector<1xi32>
    %swap3A_1122 = arith.constant 15 : i32
    %swap3A_1123 = arith.index_cast %swap3A_1122 : i32 to index
    %swap3A_1124 = memref.load %arg15[%swap3A_1123] : memref<64xi32, #tpu.memory_space<smem>>
    memref.store %squeeze3A_1121, %arg15[%swap3A_1123] : memref<64xi32, #tpu.memory_space<smem>>
    %broadcast_in_dim3A_1125 = arith.constant 0 : i32
    %broadcast_in_dim3A_1126 = vector.broadcast %broadcast_in_dim3A_1125 : i32 to vector<16xi32>
    %get3A_1127 = arith.constant 0 : i32
    %get3A_1128 = arith.index_cast %get3A_1127 : i32 to index
    %get3A_1129 = arith.constant 16 : index
    %get3A_1130 = tpu.vector_load %arg11[%get3A_1128, %get3A_1129] {strides = array<i32>} : memref<16x64xi32, #tpu.memory_space<vmem>>, vector<1x16xi32>,
    %get3A_1131 = vector.shape_cast %get3A_1130 : vector<1x16xi32> to vector<16xi32>
    %add3A_1132 = arith.addi %broadcast_in_dim3A_1126, %get3A_1131 : vector<16xi32>
    %get3A_1133 = arith.constant 1 : i32
    %get3A_1134 = arith.index_cast %get3A_1133 : i32 to index
    %get3A_1135 = arith.constant 16 : index
    %get3A_1136 = tpu.vector_load %arg11[%get3A_1134, %get3A_1135] {strides = array<i32>} : memref<16x64xi32, #tpu.memory_space<vmem>>, vector<1x16xi32>,
    %get3A_1137 = vector.shape_cast %get3A_1136 : vector<1x16xi32> to vector<16xi32>
    %add3A_1138 = arith.addi %add3A_1132, %get3A_1137 : vector<16xi32>
    %get3A_1139 = arith.constant 2 : i32
    %get3A_1140 = arith.index_cast %get3A_1139 : i32 to index
    %get3A_1141 = arith.constant 16 : index
    %get3A_1142 = tpu.vector_load %arg11[%get3A_1140, %get3A_1141] {strides = array<i32>} : memref<16x64xi32, #tpu.memory_space<vmem>>, vector<1x16xi32>,
    %get3A_1143 = vector.shape_cast %get3A_1142 : vector<1x16xi32> to vector<16xi32>
    %add3A_1144 = arith.addi %add3A_1138, %get3A_1143 : vector<16xi32>
    %get3A_1145 = arith.constant 3 : i32
    %get3A_1146 = arith.index_cast %get3A_1145 : i32 to index
    %get3A_1147 = arith.constant 16 : index
    %get3A_1148 = tpu.vector_load %arg11[%get3A_1146, %get3A_1147] {strides = array<i32>} : memref<16x64xi32, #tpu.memory_space<vmem>>, vector<1x16xi32>,
    %get3A_1149 = vector.shape_cast %get3A_1148 : vector<1x16xi32> to vector<16xi32>
    %add3A_1150 = arith.addi %add3A_1144, %get3A_1149 : vector<16xi32>
    %get3A_1151 = arith.constant 4 : i32
    %get3A_1152 = arith.index_cast %get3A_1151 : i32 to index
    %get3A_1153 = arith.constant 16 : index
    %get3A_1154 = tpu.vector_load %arg11[%get3A_1152, %get3A_1153] {strides = array<i32>} : memref<16x64xi32, #tpu.memory_space<vmem>>, vector<1x16xi32>,
    %get3A_1155 = vector.shape_cast %get3A_1154 : vector<1x16xi32> to vector<16xi32>
    %add3A_1156 = arith.addi %add3A_1150, %get3A_1155 : vector<16xi32>
    %get3A_1157 = arith.constant 5 : i32
    %get3A_1158 = arith.index_cast %get3A_1157 : i32 to index
    %get3A_1159 = arith.constant 16 : index
    %get3A_1160 = tpu.vector_load %arg11[%get3A_1158, %get3A_1159] {strides = array<i32>} : memref<16x64xi32, #tpu.memory_space<vmem>>, vector<1x16xi32>,
    %get3A_1161 = vector.shape_cast %get3A_1160 : vector<1x16xi32> to vector<16xi32>
    %add3A_1162 = arith.addi %add3A_1156, %get3A_1161 : vector<16xi32>
    %get3A_1163 = arith.constant 6 : i32
    %get3A_1164 = arith.index_cast %get3A_1163 : i32 to index
    %get3A_1165 = arith.constant 16 : index
    %get3A_1166 = tpu.vector_load %arg11[%get3A_1164, %get3A_1165] {strides = array<i32>} : memref<16x64xi32, #tpu.memory_space<vmem>>, vector<1x16xi32>,
    %get3A_1167 = vector.shape_cast %get3A_1166 : vector<1x16xi32> to vector<16xi32>
    %add3A_1168 = arith.addi %add3A_1162, %get3A_1167 : vector<16xi32>
    %get3A_1169 = arith.constant 7 : i32
    %get3A_1170 = arith.index_cast %get3A_1169 : i32 to index
    %get3A_1171 = arith.constant 16 : index
    %get3A_1172 = tpu.vector_load %arg11[%get3A_1170, %get3A_1171] {strides = array<i32>} : memref<16x64xi32, #tpu.memory_space<vmem>>, vector<1x16xi32>,
    %get3A_1173 = vector.shape_cast %get3A_1172 : vector<1x16xi32> to vector<16xi32>
    %add3A_1174 = arith.addi %add3A_1168, %get3A_1173 : vector<16xi32>
    %get3A_1175 = arith.constant 8 : i32
    %get3A_1176 = arith.index_cast %get3A_1175 : i32 to index
    %get3A_1177 = arith.constant 16 : index
    %get3A_1178 = tpu.vector_load %arg11[%get3A_1176, %get3A_1177] {strides = array<i32>} : memref<16x64xi32, #tpu.memory_space<vmem>>, vector<1x16xi32>,
    %get3A_1179 = vector.shape_cast %get3A_1178 : vector<1x16xi32> to vector<16xi32>
    %add3A_1180 = arith.addi %add3A_1174, %get3A_1179 : vector<16xi32>
    %get3A_1181 = arith.constant 9 : i32
    %get3A_1182 = arith.index_cast %get3A_1181 : i32 to index
    %get3A_1183 = arith.constant 16 : index
    %get3A_1184 = tpu.vector_load %arg11[%get3A_1182, %get3A_1183] {strides = array<i32>} : memref<16x64xi32, #tpu.memory_space<vmem>>, vector<1x16xi32>,
    %get3A_1185 = vector.shape_cast %get3A_1184 : vector<1x16xi32> to vector<16xi32>
    %add3A_1186 = arith.addi %add3A_1180, %get3A_1185 : vector<16xi32>
    %get3A_1187 = arith.constant 10 : i32
    %get3A_1188 = arith.index_cast %get3A_1187 : i32 to index
    %get3A_1189 = arith.constant 16 : index
    %get3A_1190 = tpu.vector_load %arg11[%get3A_1188, %get3A_1189] {strides = array<i32>} : memref<16x64xi32, #tpu.memory_space<vmem>>, vector<1x16xi32>,
    %get3A_1191 = vector.shape_cast %get3A_1190 : vector<1x16xi32> to vector<16xi32>
    %add3A_1192 = arith.addi %add3A_1186, %get3A_1191 : vector<16xi32>
    %get3A_1193 = arith.constant 11 : i32
    %get3A_1194 = arith.index_cast %get3A_1193 : i32 to index
    %get3A_1195 = arith.constant 16 : index
    %get3A_1196 = tpu.vector_load %arg11[%get3A_1194, %get3A_1195] {strides = array<i32>} : memref<16x64xi32, #tpu.memory_space<vmem>>, vector<1x16xi32>,
    %get3A_1197 = vector.shape_cast %get3A_1196 : vector<1x16xi32> to vector<16xi32>
    %add3A_1198 = arith.addi %add3A_1192, %get3A_1197 : vector<16xi32>
    %get3A_1199 = arith.constant 12 : i32
    %get3A_1200 = arith.index_cast %get3A_1199 : i32 to index
    %get3A_1201 = arith.constant 16 : index
    %get3A_1202 = tpu.vector_load %arg11[%get3A_1200, %get3A_1201] {strides = array<i32>} : memref<16x64xi32, #tpu.memory_space<vmem>>, vector<1x16xi32>,
    %get3A_1203 = vector.shape_cast %get3A_1202 : vector<1x16xi32> to vector<16xi32>
    %add3A_1204 = arith.addi %add3A_1198, %get3A_1203 : vector<16xi32>
    %get3A_1205 = arith.constant 13 : i32
    %get3A_1206 = arith.index_cast %get3A_1205 : i32 to index
    %get3A_1207 = arith.constant 16 : index
    %get3A_1208 = tpu.vector_load %arg11[%get3A_1206, %get3A_1207] {strides = array<i32>} : memref<16x64xi32, #tpu.memory_space<vmem>>, vector<1x16xi32>,
    %get3A_1209 = vector.shape_cast %get3A_1208 : vector<1x16xi32> to vector<16xi32>
    %add3A_1210 = arith.addi %add3A_1204, %get3A_1209 : vector<16xi32>
    %get3A_1211 = arith.constant 14 : i32
    %get3A_1212 = arith.index_cast %get3A_1211 : i32 to index
    %get3A_1213 = arith.constant 16 : index
    %get3A_1214 = tpu.vector_load %arg11[%get3A_1212, %get3A_1213] {strides = array<i32>} : memref<16x64xi32, #tpu.memory_space<vmem>>, vector<1x16xi32>,
    %get3A_1215 = vector.shape_cast %get3A_1214 : vector<1x16xi32> to vector<16xi32>
    %add3A_1216 = arith.addi %add3A_1210, %get3A_1215 : vector<16xi32>
    %get3A_1217 = arith.constant 15 : i32
    %get3A_1218 = arith.index_cast %get3A_1217 : i32 to index
    %get3A_1219 = arith.constant 16 : index
    %get3A_1220 = tpu.vector_load %arg11[%get3A_1218, %get3A_1219] {strides = array<i32>} : memref<16x64xi32, #tpu.memory_space<vmem>>, vector<1x16xi32>,
    %get3A_1221 = vector.shape_cast %get3A_1220 : vector<1x16xi32> to vector<16xi32>
    %add3A_1222 = arith.addi %add3A_1216, %get3A_1221 : vector<16xi32>
    %broadcast_in_dim3A_1223 = arith.constant 0 : i32
    %broadcast_in_dim3A_1224 = vector.broadcast %broadcast_in_dim3A_1223 : i32 to vector<16xi32>
    %eq3A_1225 = arith.constant 0 : i32
    %eq3A_1226 = vector.broadcast %eq3A_1225 : i32 to vector<16xi32>
    %eq3A_1227 = arith.cmpi eq, %iota3A, %eq3A_1226 : vector<16xi32>
    %broadcast_in_dim3A_1228 = vector.broadcast %add3A_1027 : i32 to vector<16xi32>
    %select_n3A_1229 = arith.select %eq3A_1227, %broadcast_in_dim3A_1228, %broadcast_in_dim3A_1224 : vector<16xi1>, vector<16xi32>
    %slice3A_1230 = vector.extract_strided_slice %add3A_1222 {offsets = [0], sizes = [1], strides = [1]} : vector<16xi32> to vector<1xi32>
    %squeeze3A_1231 = vector.extract %slice3A_1230[0] : i32 from vector<1xi32>
    %add3A_1232 = arith.addi %add3A_1027, %squeeze3A_1231 : i32
    %eq3A_1233 = arith.constant 1 : i32
    %eq3A_1234 = vector.broadcast %eq3A_1233 : i32 to vector<16xi32>
    %eq3A_1235 = arith.cmpi eq, %iota3A, %eq3A_1234 : vector<16xi32>
    %broadcast_in_dim3A_1236 = vector.broadcast %add3A_1232 : i32 to vector<16xi32>
    %select_n3A_1237 = arith.select %eq3A_1235, %broadcast_in_dim3A_1236, %select_n3A_1229 : vector<16xi1>, vector<16xi32>
    %slice3A_1238 = vector.extract_strided_slice %add3A_1222 {offsets = [1], sizes = [1], strides = [1]} : vector<16xi32> to vector<1xi32>
    %squeeze3A_1239 = vector.extract %slice3A_1238[0] : i32 from vector<1xi32>
    %add3A_1240 = arith.addi %add3A_1232, %squeeze3A_1239 : i32
    %eq3A_1241 = arith.constant 2 : i32
    %eq3A_1242 = vector.broadcast %eq3A_1241 : i32 to vector<16xi32>
    %eq3A_1243 = arith.cmpi eq, %iota3A, %eq3A_1242 : vector<16xi32>
    %broadcast_in_dim3A_1244 = vector.broadcast %add3A_1240 : i32 to vector<16xi32>
    %select_n3A_1245 = arith.select %eq3A_1243, %broadcast_in_dim3A_1244, %select_n3A_1237 : vector<16xi1>, vector<16xi32>
    %slice3A_1246 = vector.extract_strided_slice %add3A_1222 {offsets = [2], sizes = [1], strides = [1]} : vector<16xi32> to vector<1xi32>
    %squeeze3A_1247 = vector.extract %slice3A_1246[0] : i32 from vector<1xi32>
    %add3A_1248 = arith.addi %add3A_1240, %squeeze3A_1247 : i32
    %eq3A_1249 = arith.constant 3 : i32
    %eq3A_1250 = vector.broadcast %eq3A_1249 : i32 to vector<16xi32>
    %eq3A_1251 = arith.cmpi eq, %iota3A, %eq3A_1250 : vector<16xi32>
    %broadcast_in_dim3A_1252 = vector.broadcast %add3A_1248 : i32 to vector<16xi32>
    %select_n3A_1253 = arith.select %eq3A_1251, %broadcast_in_dim3A_1252, %select_n3A_1245 : vector<16xi1>, vector<16xi32>
    %slice3A_1254 = vector.extract_strided_slice %add3A_1222 {offsets = [3], sizes = [1], strides = [1]} : vector<16xi32> to vector<1xi32>
    %squeeze3A_1255 = vector.extract %slice3A_1254[0] : i32 from vector<1xi32>
    %add3A_1256 = arith.addi %add3A_1248, %squeeze3A_1255 : i32
    %eq3A_1257 = arith.constant 4 : i32
    %eq3A_1258 = vector.broadcast %eq3A_1257 : i32 to vector<16xi32>
    %eq3A_1259 = arith.cmpi eq, %iota3A, %eq3A_1258 : vector<16xi32>
    %broadcast_in_dim3A_1260 = vector.broadcast %add3A_1256 : i32 to vector<16xi32>
    %select_n3A_1261 = arith.select %eq3A_1259, %broadcast_in_dim3A_1260, %select_n3A_1253 : vector<16xi1>, vector<16xi32>
    %slice3A_1262 = vector.extract_strided_slice %add3A_1222 {offsets = [4], sizes = [1], strides = [1]} : vector<16xi32> to vector<1xi32>
    %squeeze3A_1263 = vector.extract %slice3A_1262[0] : i32 from vector<1xi32>
    %add3A_1264 = arith.addi %add3A_1256, %squeeze3A_1263 : i32
    %eq3A_1265 = arith.constant 5 : i32
    %eq3A_1266 = vector.broadcast %eq3A_1265 : i32 to vector<16xi32>
    %eq3A_1267 = arith.cmpi eq, %iota3A, %eq3A_1266 : vector<16xi32>
    %broadcast_in_dim3A_1268 = vector.broadcast %add3A_1264 : i32 to vector<16xi32>
    %select_n3A_1269 = arith.select %eq3A_1267, %broadcast_in_dim3A_1268, %select_n3A_1261 : vector<16xi1>, vector<16xi32>
    %slice3A_1270 = vector.extract_strided_slice %add3A_1222 {offsets = [5], sizes = [1], strides = [1]} : vector<16xi32> to vector<1xi32>
    %squeeze3A_1271 = vector.extract %slice3A_1270[0] : i32 from vector<1xi32>
    %add3A_1272 = arith.addi %add3A_1264, %squeeze3A_1271 : i32
    %eq3A_1273 = arith.constant 6 : i32
    %eq3A_1274 = vector.broadcast %eq3A_1273 : i32 to vector<16xi32>
    %eq3A_1275 = arith.cmpi eq, %iota3A, %eq3A_1274 : vector<16xi32>
    %broadcast_in_dim3A_1276 = vector.broadcast %add3A_1272 : i32 to vector<16xi32>
    %select_n3A_1277 = arith.select %eq3A_1275, %broadcast_in_dim3A_1276, %select_n3A_1269 : vector<16xi1>, vector<16xi32>
    %slice3A_1278 = vector.extract_strided_slice %add3A_1222 {offsets = [6], sizes = [1], strides = [1]} : vector<16xi32> to vector<1xi32>
    %squeeze3A_1279 = vector.extract %slice3A_1278[0] : i32 from vector<1xi32>
    %add3A_1280 = arith.addi %add3A_1272, %squeeze3A_1279 : i32
    %eq3A_1281 = arith.constant 7 : i32
    %eq3A_1282 = vector.broadcast %eq3A_1281 : i32 to vector<16xi32>
    %eq3A_1283 = arith.cmpi eq, %iota3A, %eq3A_1282 : vector<16xi32>
    %broadcast_in_dim3A_1284 = vector.broadcast %add3A_1280 : i32 to vector<16xi32>
    %select_n3A_1285 = arith.select %eq3A_1283, %broadcast_in_dim3A_1284, %select_n3A_1277 : vector<16xi1>, vector<16xi32>
    %slice3A_1286 = vector.extract_strided_slice %add3A_1222 {offsets = [7], sizes = [1], strides = [1]} : vector<16xi32> to vector<1xi32>
    %squeeze3A_1287 = vector.extract %slice3A_1286[0] : i32 from vector<1xi32>
    %add3A_1288 = arith.addi %add3A_1280, %squeeze3A_1287 : i32
    %eq3A_1289 = arith.constant 8 : i32
    %eq3A_1290 = vector.broadcast %eq3A_1289 : i32 to vector<16xi32>
    %eq3A_1291 = arith.cmpi eq, %iota3A, %eq3A_1290 : vector<16xi32>
    %broadcast_in_dim3A_1292 = vector.broadcast %add3A_1288 : i32 to vector<16xi32>
    %select_n3A_1293 = arith.select %eq3A_1291, %broadcast_in_dim3A_1292, %select_n3A_1285 : vector<16xi1>, vector<16xi32>
    %slice3A_1294 = vector.extract_strided_slice %add3A_1222 {offsets = [8], sizes = [1], strides = [1]} : vector<16xi32> to vector<1xi32>
    %squeeze3A_1295 = vector.extract %slice3A_1294[0] : i32 from vector<1xi32>
    %add3A_1296 = arith.addi %add3A_1288, %squeeze3A_1295 : i32
    %eq3A_1297 = arith.constant 9 : i32
    %eq3A_1298 = vector.broadcast %eq3A_1297 : i32 to vector<16xi32>
    %eq3A_1299 = arith.cmpi eq, %iota3A, %eq3A_1298 : vector<16xi32>
    %broadcast_in_dim3A_1300 = vector.broadcast %add3A_1296 : i32 to vector<16xi32>
    %select_n3A_1301 = arith.select %eq3A_1299, %broadcast_in_dim3A_1300, %select_n3A_1293 : vector<16xi1>, vector<16xi32>
    %slice3A_1302 = vector.extract_strided_slice %add3A_1222 {offsets = [9], sizes = [1], strides = [1]} : vector<16xi32> to vector<1xi32>
    %squeeze3A_1303 = vector.extract %slice3A_1302[0] : i32 from vector<1xi32>
    %add3A_1304 = arith.addi %add3A_1296, %squeeze3A_1303 : i32
    %eq3A_1305 = arith.constant 10 : i32
    %eq3A_1306 = vector.broadcast %eq3A_1305 : i32 to vector<16xi32>
    %eq3A_1307 = arith.cmpi eq, %iota3A, %eq3A_1306 : vector<16xi32>
    %broadcast_in_dim3A_1308 = vector.broadcast %add3A_1304 : i32 to vector<16xi32>
    %select_n3A_1309 = arith.select %eq3A_1307, %broadcast_in_dim3A_1308, %select_n3A_1301 : vector<16xi1>, vector<16xi32>
    %slice3A_1310 = vector.extract_strided_slice %add3A_1222 {offsets = [10], sizes = [1], strides = [1]} : vector<16xi32> to vector<1xi32>
    %squeeze3A_1311 = vector.extract %slice3A_1310[0] : i32 from vector<1xi32>
    %add3A_1312 = arith.addi %add3A_1304, %squeeze3A_1311 : i32
    %eq3A_1313 = arith.constant 11 : i32
    %eq3A_1314 = vector.broadcast %eq3A_1313 : i32 to vector<16xi32>
    %eq3A_1315 = arith.cmpi eq, %iota3A, %eq3A_1314 : vector<16xi32>
    %broadcast_in_dim3A_1316 = vector.broadcast %add3A_1312 : i32 to vector<16xi32>
    %select_n3A_1317 = arith.select %eq3A_1315, %broadcast_in_dim3A_1316, %select_n3A_1309 : vector<16xi1>, vector<16xi32>
    %slice3A_1318 = vector.extract_strided_slice %add3A_1222 {offsets = [11], sizes = [1], strides = [1]} : vector<16xi32> to vector<1xi32>
    %squeeze3A_1319 = vector.extract %slice3A_1318[0] : i32 from vector<1xi32>
    %add3A_1320 = arith.addi %add3A_1312, %squeeze3A_1319 : i32
    %eq3A_1321 = arith.constant 12 : i32
    %eq3A_1322 = vector.broadcast %eq3A_1321 : i32 to vector<16xi32>
    %eq3A_1323 = arith.cmpi eq, %iota3A, %eq3A_1322 : vector<16xi32>
    %broadcast_in_dim3A_1324 = vector.broadcast %add3A_1320 : i32 to vector<16xi32>
    %select_n3A_1325 = arith.select %eq3A_1323, %broadcast_in_dim3A_1324, %select_n3A_1317 : vector<16xi1>, vector<16xi32>
    %slice3A_1326 = vector.extract_strided_slice %add3A_1222 {offsets = [12], sizes = [1], strides = [1]} : vector<16xi32> to vector<1xi32>
    %squeeze3A_1327 = vector.extract %slice3A_1326[0] : i32 from vector<1xi32>
    %add3A_1328 = arith.addi %add3A_1320, %squeeze3A_1327 : i32
    %eq3A_1329 = arith.constant 13 : i32
    %eq3A_1330 = vector.broadcast %eq3A_1329 : i32 to vector<16xi32>
    %eq3A_1331 = arith.cmpi eq, %iota3A, %eq3A_1330 : vector<16xi32>
    %broadcast_in_dim3A_1332 = vector.broadcast %add3A_1328 : i32 to vector<16xi32>
    %select_n3A_1333 = arith.select %eq3A_1331, %broadcast_in_dim3A_1332, %select_n3A_1325 : vector<16xi1>, vector<16xi32>
    %slice3A_1334 = vector.extract_strided_slice %add3A_1222 {offsets = [13], sizes = [1], strides = [1]} : vector<16xi32> to vector<1xi32>
    %squeeze3A_1335 = vector.extract %slice3A_1334[0] : i32 from vector<1xi32>
    %add3A_1336 = arith.addi %add3A_1328, %squeeze3A_1335 : i32
    %eq3A_1337 = arith.constant 14 : i32
    %eq3A_1338 = vector.broadcast %eq3A_1337 : i32 to vector<16xi32>
    %eq3A_1339 = arith.cmpi eq, %iota3A, %eq3A_1338 : vector<16xi32>
    %broadcast_in_dim3A_1340 = vector.broadcast %add3A_1336 : i32 to vector<16xi32>
    %select_n3A_1341 = arith.select %eq3A_1339, %broadcast_in_dim3A_1340, %select_n3A_1333 : vector<16xi1>, vector<16xi32>
    %slice3A_1342 = vector.extract_strided_slice %add3A_1222 {offsets = [14], sizes = [1], strides = [1]} : vector<16xi32> to vector<1xi32>
    %squeeze3A_1343 = vector.extract %slice3A_1342[0] : i32 from vector<1xi32>
    %add3A_1344 = arith.addi %add3A_1336, %squeeze3A_1343 : i32
    %eq3A_1345 = arith.constant 15 : i32
    %eq3A_1346 = vector.broadcast %eq3A_1345 : i32 to vector<16xi32>
    %eq3A_1347 = arith.cmpi eq, %iota3A, %eq3A_1346 : vector<16xi32>
    %broadcast_in_dim3A_1348 = vector.broadcast %add3A_1344 : i32 to vector<16xi32>
    %select_n3A_1349 = arith.select %eq3A_1347, %broadcast_in_dim3A_1348, %select_n3A_1341 : vector<16xi1>, vector<16xi32>
    %slice3A_1350 = vector.extract_strided_slice %add3A_1222 {offsets = [15], sizes = [1], strides = [1]} : vector<16xi32> to vector<1xi32>
    %squeeze3A_1351 = vector.extract %slice3A_1350[0] : i32 from vector<1xi32>
    %add3A_1352 = arith.addi %add3A_1344, %squeeze3A_1351 : i32
    %broadcast_in_dim3A_1353 = arith.constant 0 : i32
    %broadcast_in_dim3A_1354 = vector.broadcast %broadcast_in_dim3A_1353 : i32 to vector<16xi32>
    %while3A_1355 = arith.constant 0 : i32
    %while3A_1356 = arith.subi %arg1, %while3A_1355 : i32
    %while3A_1357 = arith.addi %while3A_1355, %while3A_1356 : i32
    %while3A_1358 = arith.constant 1 : i32
    %while3A_1359 = arith.divsi %while3A_1356, %while3A_1358 : i32
    %while3A_1360 = arith.muli %while3A_1359, %while3A_1358 : i32
    %while3A_1361 = arith.addi %while3A_1355, %while3A_1360 : i32
    %while3A_1362 = arith.constant 1 : i32
    %while3A_1363 = scf.for %while3A_2118 = %while3A_1355 to %while3A_1361 step %while3A_1362 iter_args(%while3A_2119 = %broadcast_in_dim3A_1354) -> (vector<16xi32>)  : i32 {
      %get3A_2120 = arith.index_cast %while3A_2118 : i32 to index
      %get3A_2121 = arith.constant 16 : index
      %get3A_2122 = tpu.vector_load %arg11[%get3A_2120, %get3A_2121] {strides = array<i32>} : memref<16x64xi32, #tpu.memory_space<vmem>>, vector<1x16xi32>,
      %get3A_2123 = vector.shape_cast %get3A_2122 : vector<1x16xi32> to vector<16xi32>
      %add3A_2124 = arith.addi %while3A_2119, %get3A_2123 : vector<16xi32>
      scf.yield %add3A_2124 : vector<16xi32>
    }
    %while3A_1364 = arith.constant 1 : i32
    %while3A_1365 = scf.for %while3A_2118 = %while3A_1361 to %while3A_1357 step %while3A_1364 iter_args(%while3A_2119 = %while3A_1363) -> (vector<16xi32>)  : i32 {
      %get3A_2120 = arith.index_cast %while3A_2118 : i32 to index
      %get3A_2121 = arith.constant 16 : index
      %get3A_2122 = tpu.vector_load %arg11[%get3A_2120, %get3A_2121] {strides = array<i32>} : memref<16x64xi32, #tpu.memory_space<vmem>>, vector<1x16xi32>,
      %get3A_2123 = vector.shape_cast %get3A_2122 : vector<1x16xi32> to vector<16xi32>
      %add3A_2124 = arith.addi %while3A_2119, %get3A_2123 : vector<16xi32>
      scf.yield %add3A_2124 : vector<16xi32>
    }
    %add3A_1366 = arith.addi %select_n3A_1349, %while3A_1365 : vector<16xi32>
    %swap3A_1367 = arith.constant 16 : index
    %swap3A_1368 = tpu.vector_load %arg12[%swap3A_1367] {strides = array<i32>} : memref<64xi32, #tpu.memory_space<vmem>>, vector<16xi32>,
    %swap3A_1369 = vector.shape_cast %swap3A_1368 : vector<16xi32> to vector<16xi32>
    %swap3A_1370 = vector.shape_cast %add3A_1366 : vector<16xi32> to vector<16xi32>
    tpu.vector_store %arg12[%swap3A_1367], %swap3A_1370 {strides = array<i32>} : memref<64xi32, #tpu.memory_space<vmem>>, vector<16xi32>,
    %slice3A_1371 = vector.extract_strided_slice %add3A_1366 {offsets = [0], sizes = [1], strides = [1]} : vector<16xi32> to vector<1xi32>
    %squeeze3A_1372 = vector.extract %slice3A_1371[0] : i32 from vector<1xi32>
    %swap3A_1373 = arith.constant 16 : i32
    %swap3A_1374 = arith.index_cast %swap3A_1373 : i32 to index
    %swap3A_1375 = memref.load %arg15[%swap3A_1374] : memref<64xi32, #tpu.memory_space<smem>>
    memref.store %squeeze3A_1372, %arg15[%swap3A_1374] : memref<64xi32, #tpu.memory_space<smem>>
    %slice3A_1376 = vector.extract_strided_slice %add3A_1366 {offsets = [1], sizes = [1], strides = [1]} : vector<16xi32> to vector<1xi32>
    %squeeze3A_1377 = vector.extract %slice3A_1376[0] : i32 from vector<1xi32>
    %swap3A_1378 = arith.constant 17 : i32
    %swap3A_1379 = arith.index_cast %swap3A_1378 : i32 to index
    %swap3A_1380 = memref.load %arg15[%swap3A_1379] : memref<64xi32, #tpu.memory_space<smem>>
    memref.store %squeeze3A_1377, %arg15[%swap3A_1379] : memref<64xi32, #tpu.memory_space<smem>>
    %slice3A_1381 = vector.extract_strided_slice %add3A_1366 {offsets = [2], sizes = [1], strides = [1]} : vector<16xi32> to vector<1xi32>
    %squeeze3A_1382 = vector.extract %slice3A_1381[0] : i32 from vector<1xi32>
    %swap3A_1383 = arith.constant 18 : i32
    %swap3A_1384 = arith.index_cast %swap3A_1383 : i32 to index
    %swap3A_1385 = memref.load %arg15[%swap3A_1384] : memref<64xi32, #tpu.memory_space<smem>>
    memref.store %squeeze3A_1382, %arg15[%swap3A_1384] : memref<64xi32, #tpu.memory_space<smem>>
    %slice3A_1386 = vector.extract_strided_slice %add3A_1366 {offsets = [3], sizes = [1], strides = [1]} : vector<16xi32> to vector<1xi32>
    %squeeze3A_1387 = vector.extract %slice3A_1386[0] : i32 from vector<1xi32>
    %swap3A_1388 = arith.constant 19 : i32
    %swap3A_1389 = arith.index_cast %swap3A_1388 : i32 to index
    %swap3A_1390 = memref.load %arg15[%swap3A_1389] : memref<64xi32, #tpu.memory_space<smem>>
    memref.store %squeeze3A_1387, %arg15[%swap3A_1389] : memref<64xi32, #tpu.memory_space<smem>>
    %slice3A_1391 = vector.extract_strided_slice %add3A_1366 {offsets = [4], sizes = [1], strides = [1]} : vector<16xi32> to vector<1xi32>
    %squeeze3A_1392 = vector.extract %slice3A_1391[0] : i32 from vector<1xi32>
    %swap3A_1393 = arith.constant 20 : i32
    %swap3A_1394 = arith.index_cast %swap3A_1393 : i32 to index
    %swap3A_1395 = memref.load %arg15[%swap3A_1394] : memref<64xi32, #tpu.memory_space<smem>>
    memref.store %squeeze3A_1392, %arg15[%swap3A_1394] : memref<64xi32, #tpu.memory_space<smem>>
    %slice3A_1396 = vector.extract_strided_slice %add3A_1366 {offsets = [5], sizes = [1], strides = [1]} : vector<16xi32> to vector<1xi32>
    %squeeze3A_1397 = vector.extract %slice3A_1396[0] : i32 from vector<1xi32>
    %swap3A_1398 = arith.constant 21 : i32
    %swap3A_1399 = arith.index_cast %swap3A_1398 : i32 to index
    %swap3A_1400 = memref.load %arg15[%swap3A_1399] : memref<64xi32, #tpu.memory_space<smem>>
    memref.store %squeeze3A_1397, %arg15[%swap3A_1399] : memref<64xi32, #tpu.memory_space<smem>>
    %slice3A_1401 = vector.extract_strided_slice %add3A_1366 {offsets = [6], sizes = [1], strides = [1]} : vector<16xi32> to vector<1xi32>
    %squeeze3A_1402 = vector.extract %slice3A_1401[0] : i32 from vector<1xi32>
    %swap3A_1403 = arith.constant 22 : i32
    %swap3A_1404 = arith.index_cast %swap3A_1403 : i32 to index
    %swap3A_1405 = memref.load %arg15[%swap3A_1404] : memref<64xi32, #tpu.memory_space<smem>>
    memref.store %squeeze3A_1402, %arg15[%swap3A_1404] : memref<64xi32, #tpu.memory_space<smem>>
    %slice3A_1406 = vector.extract_strided_slice %add3A_1366 {offsets = [7], sizes = [1], strides = [1]} : vector<16xi32> to vector<1xi32>
    %squeeze3A_1407 = vector.extract %slice3A_1406[0] : i32 from vector<1xi32>
    %swap3A_1408 = arith.constant 23 : i32
    %swap3A_1409 = arith.index_cast %swap3A_1408 : i32 to index
    %swap3A_1410 = memref.load %arg15[%swap3A_1409] : memref<64xi32, #tpu.memory_space<smem>>
    memref.store %squeeze3A_1407, %arg15[%swap3A_1409] : memref<64xi32, #tpu.memory_space<smem>>
    %slice3A_1411 = vector.extract_strided_slice %add3A_1366 {offsets = [8], sizes = [1], strides = [1]} : vector<16xi32> to vector<1xi32>
    %squeeze3A_1412 = vector.extract %slice3A_1411[0] : i32 from vector<1xi32>
    %swap3A_1413 = arith.constant 24 : i32
    %swap3A_1414 = arith.index_cast %swap3A_1413 : i32 to index
    %swap3A_1415 = memref.load %arg15[%swap3A_1414] : memref<64xi32, #tpu.memory_space<smem>>
    memref.store %squeeze3A_1412, %arg15[%swap3A_1414] : memref<64xi32, #tpu.memory_space<smem>>
    %slice3A_1416 = vector.extract_strided_slice %add3A_1366 {offsets = [9], sizes = [1], strides = [1]} : vector<16xi32> to vector<1xi32>
    %squeeze3A_1417 = vector.extract %slice3A_1416[0] : i32 from vector<1xi32>
    %swap3A_1418 = arith.constant 25 : i32
    %swap3A_1419 = arith.index_cast %swap3A_1418 : i32 to index
    %swap3A_1420 = memref.load %arg15[%swap3A_1419] : memref<64xi32, #tpu.memory_space<smem>>
    memref.store %squeeze3A_1417, %arg15[%swap3A_1419] : memref<64xi32, #tpu.memory_space<smem>>
    %slice3A_1421 = vector.extract_strided_slice %add3A_1366 {offsets = [10], sizes = [1], strides = [1]} : vector<16xi32> to vector<1xi32>
    %squeeze3A_1422 = vector.extract %slice3A_1421[0] : i32 from vector<1xi32>
    %swap3A_1423 = arith.constant 26 : i32
    %swap3A_1424 = arith.index_cast %swap3A_1423 : i32 to index
    %swap3A_1425 = memref.load %arg15[%swap3A_1424] : memref<64xi32, #tpu.memory_space<smem>>
    memref.store %squeeze3A_1422, %arg15[%swap3A_1424] : memref<64xi32, #tpu.memory_space<smem>>
    %slice3A_1426 = vector.extract_strided_slice %add3A_1366 {offsets = [11], sizes = [1], strides = [1]} : vector<16xi32> to vector<1xi32>
    %squeeze3A_1427 = vector.extract %slice3A_1426[0] : i32 from vector<1xi32>
    %swap3A_1428 = arith.constant 27 : i32
    %swap3A_1429 = arith.index_cast %swap3A_1428 : i32 to index
    %swap3A_1430 = memref.load %arg15[%swap3A_1429] : memref<64xi32, #tpu.memory_space<smem>>
    memref.store %squeeze3A_1427, %arg15[%swap3A_1429] : memref<64xi32, #tpu.memory_space<smem>>
    %slice3A_1431 = vector.extract_strided_slice %add3A_1366 {offsets = [12], sizes = [1], strides = [1]} : vector<16xi32> to vector<1xi32>
    %squeeze3A_1432 = vector.extract %slice3A_1431[0] : i32 from vector<1xi32>
    %swap3A_1433 = arith.constant 28 : i32
    %swap3A_1434 = arith.index_cast %swap3A_1433 : i32 to index
    %swap3A_1435 = memref.load %arg15[%swap3A_1434] : memref<64xi32, #tpu.memory_space<smem>>
    memref.store %squeeze3A_1432, %arg15[%swap3A_1434] : memref<64xi32, #tpu.memory_space<smem>>
    %slice3A_1436 = vector.extract_strided_slice %add3A_1366 {offsets = [13], sizes = [1], strides = [1]} : vector<16xi32> to vector<1xi32>
    %squeeze3A_1437 = vector.extract %slice3A_1436[0] : i32 from vector<1xi32>
    %swap3A_1438 = arith.constant 29 : i32
    %swap3A_1439 = arith.index_cast %swap3A_1438 : i32 to index
    %swap3A_1440 = memref.load %arg15[%swap3A_1439] : memref<64xi32, #tpu.memory_space<smem>>
    memref.store %squeeze3A_1437, %arg15[%swap3A_1439] : memref<64xi32, #tpu.memory_space<smem>>
    %slice3A_1441 = vector.extract_strided_slice %add3A_1366 {offsets = [14], sizes = [1], strides = [1]} : vector<16xi32> to vector<1xi32>
    %squeeze3A_1442 = vector.extract %slice3A_1441[0] : i32 from vector<1xi32>
    %swap3A_1443 = arith.constant 30 : i32
    %swap3A_1444 = arith.index_cast %swap3A_1443 : i32 to index
    %swap3A_1445 = memref.load %arg15[%swap3A_1444] : memref<64xi32, #tpu.memory_space<smem>>
    memref.store %squeeze3A_1442, %arg15[%swap3A_1444] : memref<64xi32, #tpu.memory_space<smem>>
    %slice3A_1446 = vector.extract_strided_slice %add3A_1366 {offsets = [15], sizes = [1], strides = [1]} : vector<16xi32> to vector<1xi32>
    %squeeze3A_1447 = vector.extract %slice3A_1446[0] : i32 from vector<1xi32>
    %swap3A_1448 = arith.constant 31 : i32
    %swap3A_1449 = arith.index_cast %swap3A_1448 : i32 to index
    %swap3A_1450 = memref.load %arg15[%swap3A_1449] : memref<64xi32, #tpu.memory_space<smem>>
    memref.store %squeeze3A_1447, %arg15[%swap3A_1449] : memref<64xi32, #tpu.memory_space<smem>>
    %broadcast_in_dim3A_1451 = arith.constant 0 : i32
    %broadcast_in_dim3A_1452 = vector.broadcast %broadcast_in_dim3A_1451 : i32 to vector<16xi32>
    %get3A_1453 = arith.constant 0 : i32
    %get3A_1454 = arith.index_cast %get3A_1453 : i32 to index
    %get3A_1455 = arith.constant 32 : index
    %get3A_1456 = tpu.vector_load %arg11[%get3A_1454, %get3A_1455] {strides = array<i32>} : memref<16x64xi32, #tpu.memory_space<vmem>>, vector<1x16xi32>,
    %get3A_1457 = vector.shape_cast %get3A_1456 : vector<1x16xi32> to vector<16xi32>
    %add3A_1458 = arith.addi %broadcast_in_dim3A_1452, %get3A_1457 : vector<16xi32>
    %get3A_1459 = arith.constant 1 : i32
    %get3A_1460 = arith.index_cast %get3A_1459 : i32 to index
    %get3A_1461 = arith.constant 32 : index
    %get3A_1462 = tpu.vector_load %arg11[%get3A_1460, %get3A_1461] {strides = array<i32>} : memref<16x64xi32, #tpu.memory_space<vmem>>, vector<1x16xi32>,
    %get3A_1463 = vector.shape_cast %get3A_1462 : vector<1x16xi32> to vector<16xi32>
    %add3A_1464 = arith.addi %add3A_1458, %get3A_1463 : vector<16xi32>
    %get3A_1465 = arith.constant 2 : i32
    %get3A_1466 = arith.index_cast %get3A_1465 : i32 to index
    %get3A_1467 = arith.constant 32 : index
    %get3A_1468 = tpu.vector_load %arg11[%get3A_1466, %get3A_1467] {strides = array<i32>} : memref<16x64xi32, #tpu.memory_space<vmem>>, vector<1x16xi32>,
    %get3A_1469 = vector.shape_cast %get3A_1468 : vector<1x16xi32> to vector<16xi32>
    %add3A_1470 = arith.addi %add3A_1464, %get3A_1469 : vector<16xi32>
    %get3A_1471 = arith.constant 3 : i32
    %get3A_1472 = arith.index_cast %get3A_1471 : i32 to index
    %get3A_1473 = arith.constant 32 : index
    %get3A_1474 = tpu.vector_load %arg11[%get3A_1472, %get3A_1473] {strides = array<i32>} : memref<16x64xi32, #tpu.memory_space<vmem>>, vector<1x16xi32>,
    %get3A_1475 = vector.shape_cast %get3A_1474 : vector<1x16xi32> to vector<16xi32>
    %add3A_1476 = arith.addi %add3A_1470, %get3A_1475 : vector<16xi32>
    %get3A_1477 = arith.constant 4 : i32
    %get3A_1478 = arith.index_cast %get3A_1477 : i32 to index
    %get3A_1479 = arith.constant 32 : index
    %get3A_1480 = tpu.vector_load %arg11[%get3A_1478, %get3A_1479] {strides = array<i32>} : memref<16x64xi32, #tpu.memory_space<vmem>>, vector<1x16xi32>,
    %get3A_1481 = vector.shape_cast %get3A_1480 : vector<1x16xi32> to vector<16xi32>
    %add3A_1482 = arith.addi %add3A_1476, %get3A_1481 : vector<16xi32>
    %get3A_1483 = arith.constant 5 : i32
    %get3A_1484 = arith.index_cast %get3A_1483 : i32 to index
    %get3A_1485 = arith.constant 32 : index
    %get3A_1486 = tpu.vector_load %arg11[%get3A_1484, %get3A_1485] {strides = array<i32>} : memref<16x64xi32, #tpu.memory_space<vmem>>, vector<1x16xi32>,
    %get3A_1487 = vector.shape_cast %get3A_1486 : vector<1x16xi32> to vector<16xi32>
    %add3A_1488 = arith.addi %add3A_1482, %get3A_1487 : vector<16xi32>
    %get3A_1489 = arith.constant 6 : i32
    %get3A_1490 = arith.index_cast %get3A_1489 : i32 to index
    %get3A_1491 = arith.constant 32 : index
    %get3A_1492 = tpu.vector_load %arg11[%get3A_1490, %get3A_1491] {strides = array<i32>} : memref<16x64xi32, #tpu.memory_space<vmem>>, vector<1x16xi32>,
    %get3A_1493 = vector.shape_cast %get3A_1492 : vector<1x16xi32> to vector<16xi32>
    %add3A_1494 = arith.addi %add3A_1488, %get3A_1493 : vector<16xi32>
    %get3A_1495 = arith.constant 7 : i32
    %get3A_1496 = arith.index_cast %get3A_1495 : i32 to index
    %get3A_1497 = arith.constant 32 : index
    %get3A_1498 = tpu.vector_load %arg11[%get3A_1496, %get3A_1497] {strides = array<i32>} : memref<16x64xi32, #tpu.memory_space<vmem>>, vector<1x16xi32>,
    %get3A_1499 = vector.shape_cast %get3A_1498 : vector<1x16xi32> to vector<16xi32>
    %add3A_1500 = arith.addi %add3A_1494, %get3A_1499 : vector<16xi32>
    %get3A_1501 = arith.constant 8 : i32
    %get3A_1502 = arith.index_cast %get3A_1501 : i32 to index
    %get3A_1503 = arith.constant 32 : index
    %get3A_1504 = tpu.vector_load %arg11[%get3A_1502, %get3A_1503] {strides = array<i32>} : memref<16x64xi32, #tpu.memory_space<vmem>>, vector<1x16xi32>,
    %get3A_1505 = vector.shape_cast %get3A_1504 : vector<1x16xi32> to vector<16xi32>
    %add3A_1506 = arith.addi %add3A_1500, %get3A_1505 : vector<16xi32>
    %get3A_1507 = arith.constant 9 : i32
    %get3A_1508 = arith.index_cast %get3A_1507 : i32 to index
    %get3A_1509 = arith.constant 32 : index
    %get3A_1510 = tpu.vector_load %arg11[%get3A_1508, %get3A_1509] {strides = array<i32>} : memref<16x64xi32, #tpu.memory_space<vmem>>, vector<1x16xi32>,
    %get3A_1511 = vector.shape_cast %get3A_1510 : vector<1x16xi32> to vector<16xi32>
    %add3A_1512 = arith.addi %add3A_1506, %get3A_1511 : vector<16xi32>
    %get3A_1513 = arith.constant 10 : i32
    %get3A_1514 = arith.index_cast %get3A_1513 : i32 to index
    %get3A_1515 = arith.constant 32 : index
    %get3A_1516 = tpu.vector_load %arg11[%get3A_1514, %get3A_1515] {strides = array<i32>} : memref<16x64xi32, #tpu.memory_space<vmem>>, vector<1x16xi32>,
    %get3A_1517 = vector.shape_cast %get3A_1516 : vector<1x16xi32> to vector<16xi32>
    %add3A_1518 = arith.addi %add3A_1512, %get3A_1517 : vector<16xi32>
    %get3A_1519 = arith.constant 11 : i32
    %get3A_1520 = arith.index_cast %get3A_1519 : i32 to index
    %get3A_1521 = arith.constant 32 : index
    %get3A_1522 = tpu.vector_load %arg11[%get3A_1520, %get3A_1521] {strides = array<i32>} : memref<16x64xi32, #tpu.memory_space<vmem>>, vector<1x16xi32>,
    %get3A_1523 = vector.shape_cast %get3A_1522 : vector<1x16xi32> to vector<16xi32>
    %add3A_1524 = arith.addi %add3A_1518, %get3A_1523 : vector<16xi32>
    %get3A_1525 = arith.constant 12 : i32
    %get3A_1526 = arith.index_cast %get3A_1525 : i32 to index
    %get3A_1527 = arith.constant 32 : index
    %get3A_1528 = tpu.vector_load %arg11[%get3A_1526, %get3A_1527] {strides = array<i32>} : memref<16x64xi32, #tpu.memory_space<vmem>>, vector<1x16xi32>,
    %get3A_1529 = vector.shape_cast %get3A_1528 : vector<1x16xi32> to vector<16xi32>
    %add3A_1530 = arith.addi %add3A_1524, %get3A_1529 : vector<16xi32>
    %get3A_1531 = arith.constant 13 : i32
    %get3A_1532 = arith.index_cast %get3A_1531 : i32 to index
    %get3A_1533 = arith.constant 32 : index
    %get3A_1534 = tpu.vector_load %arg11[%get3A_1532, %get3A_1533] {strides = array<i32>} : memref<16x64xi32, #tpu.memory_space<vmem>>, vector<1x16xi32>,
    %get3A_1535 = vector.shape_cast %get3A_1534 : vector<1x16xi32> to vector<16xi32>
    %add3A_1536 = arith.addi %add3A_1530, %get3A_1535 : vector<16xi32>
    %get3A_1537 = arith.constant 14 : i32
    %get3A_1538 = arith.index_cast %get3A_1537 : i32 to index
    %get3A_1539 = arith.constant 32 : index
    %get3A_1540 = tpu.vector_load %arg11[%get3A_1538, %get3A_1539] {strides = array<i32>} : memref<16x64xi32, #tpu.memory_space<vmem>>, vector<1x16xi32>,
    %get3A_1541 = vector.shape_cast %get3A_1540 : vector<1x16xi32> to vector<16xi32>
    %add3A_1542 = arith.addi %add3A_1536, %get3A_1541 : vector<16xi32>
    %get3A_1543 = arith.constant 15 : i32
    %get3A_1544 = arith.index_cast %get3A_1543 : i32 to index
    %get3A_1545 = arith.constant 32 : index
    %get3A_1546 = tpu.vector_load %arg11[%get3A_1544, %get3A_1545] {strides = array<i32>} : memref<16x64xi32, #tpu.memory_space<vmem>>, vector<1x16xi32>,
    %get3A_1547 = vector.shape_cast %get3A_1546 : vector<1x16xi32> to vector<16xi32>
    %add3A_1548 = arith.addi %add3A_1542, %get3A_1547 : vector<16xi32>
    %broadcast_in_dim3A_1549 = arith.constant 0 : i32
    %broadcast_in_dim3A_1550 = vector.broadcast %broadcast_in_dim3A_1549 : i32 to vector<16xi32>
    %eq3A_1551 = arith.constant 0 : i32
    %eq3A_1552 = vector.broadcast %eq3A_1551 : i32 to vector<16xi32>
    %eq3A_1553 = arith.cmpi eq, %iota3A, %eq3A_1552 : vector<16xi32>
    %broadcast_in_dim3A_1554 = vector.broadcast %add3A_1352 : i32 to vector<16xi32>
    %select_n3A_1555 = arith.select %eq3A_1553, %broadcast_in_dim3A_1554, %broadcast_in_dim3A_1550 : vector<16xi1>, vector<16xi32>
    %slice3A_1556 = vector.extract_strided_slice %add3A_1548 {offsets = [0], sizes = [1], strides = [1]} : vector<16xi32> to vector<1xi32>
    %squeeze3A_1557 = vector.extract %slice3A_1556[0] : i32 from vector<1xi32>
    %add3A_1558 = arith.addi %add3A_1352, %squeeze3A_1557 : i32
    %eq3A_1559 = arith.constant 1 : i32
    %eq3A_1560 = vector.broadcast %eq3A_1559 : i32 to vector<16xi32>
    %eq3A_1561 = arith.cmpi eq, %iota3A, %eq3A_1560 : vector<16xi32>
    %broadcast_in_dim3A_1562 = vector.broadcast %add3A_1558 : i32 to vector<16xi32>
    %select_n3A_1563 = arith.select %eq3A_1561, %broadcast_in_dim3A_1562, %select_n3A_1555 : vector<16xi1>, vector<16xi32>
    %slice3A_1564 = vector.extract_strided_slice %add3A_1548 {offsets = [1], sizes = [1], strides = [1]} : vector<16xi32> to vector<1xi32>
    %squeeze3A_1565 = vector.extract %slice3A_1564[0] : i32 from vector<1xi32>
    %add3A_1566 = arith.addi %add3A_1558, %squeeze3A_1565 : i32
    %eq3A_1567 = arith.constant 2 : i32
    %eq3A_1568 = vector.broadcast %eq3A_1567 : i32 to vector<16xi32>
    %eq3A_1569 = arith.cmpi eq, %iota3A, %eq3A_1568 : vector<16xi32>
    %broadcast_in_dim3A_1570 = vector.broadcast %add3A_1566 : i32 to vector<16xi32>
    %select_n3A_1571 = arith.select %eq3A_1569, %broadcast_in_dim3A_1570, %select_n3A_1563 : vector<16xi1>, vector<16xi32>
    %slice3A_1572 = vector.extract_strided_slice %add3A_1548 {offsets = [2], sizes = [1], strides = [1]} : vector<16xi32> to vector<1xi32>
    %squeeze3A_1573 = vector.extract %slice3A_1572[0] : i32 from vector<1xi32>
    %add3A_1574 = arith.addi %add3A_1566, %squeeze3A_1573 : i32
    %eq3A_1575 = arith.constant 3 : i32
    %eq3A_1576 = vector.broadcast %eq3A_1575 : i32 to vector<16xi32>
    %eq3A_1577 = arith.cmpi eq, %iota3A, %eq3A_1576 : vector<16xi32>
    %broadcast_in_dim3A_1578 = vector.broadcast %add3A_1574 : i32 to vector<16xi32>
    %select_n3A_1579 = arith.select %eq3A_1577, %broadcast_in_dim3A_1578, %select_n3A_1571 : vector<16xi1>, vector<16xi32>
    %slice3A_1580 = vector.extract_strided_slice %add3A_1548 {offsets = [3], sizes = [1], strides = [1]} : vector<16xi32> to vector<1xi32>
    %squeeze3A_1581 = vector.extract %slice3A_1580[0] : i32 from vector<1xi32>
    %add3A_1582 = arith.addi %add3A_1574, %squeeze3A_1581 : i32
    %eq3A_1583 = arith.constant 4 : i32
    %eq3A_1584 = vector.broadcast %eq3A_1583 : i32 to vector<16xi32>
    %eq3A_1585 = arith.cmpi eq, %iota3A, %eq3A_1584 : vector<16xi32>
    %broadcast_in_dim3A_1586 = vector.broadcast %add3A_1582 : i32 to vector<16xi32>
    %select_n3A_1587 = arith.select %eq3A_1585, %broadcast_in_dim3A_1586, %select_n3A_1579 : vector<16xi1>, vector<16xi32>
    %slice3A_1588 = vector.extract_strided_slice %add3A_1548 {offsets = [4], sizes = [1], strides = [1]} : vector<16xi32> to vector<1xi32>
    %squeeze3A_1589 = vector.extract %slice3A_1588[0] : i32 from vector<1xi32>
    %add3A_1590 = arith.addi %add3A_1582, %squeeze3A_1589 : i32
    %eq3A_1591 = arith.constant 5 : i32
    %eq3A_1592 = vector.broadcast %eq3A_1591 : i32 to vector<16xi32>
    %eq3A_1593 = arith.cmpi eq, %iota3A, %eq3A_1592 : vector<16xi32>
    %broadcast_in_dim3A_1594 = vector.broadcast %add3A_1590 : i32 to vector<16xi32>
    %select_n3A_1595 = arith.select %eq3A_1593, %broadcast_in_dim3A_1594, %select_n3A_1587 : vector<16xi1>, vector<16xi32>
    %slice3A_1596 = vector.extract_strided_slice %add3A_1548 {offsets = [5], sizes = [1], strides = [1]} : vector<16xi32> to vector<1xi32>
    %squeeze3A_1597 = vector.extract %slice3A_1596[0] : i32 from vector<1xi32>
    %add3A_1598 = arith.addi %add3A_1590, %squeeze3A_1597 : i32
    %eq3A_1599 = arith.constant 6 : i32
    %eq3A_1600 = vector.broadcast %eq3A_1599 : i32 to vector<16xi32>
    %eq3A_1601 = arith.cmpi eq, %iota3A, %eq3A_1600 : vector<16xi32>
    %broadcast_in_dim3A_1602 = vector.broadcast %add3A_1598 : i32 to vector<16xi32>
    %select_n3A_1603 = arith.select %eq3A_1601, %broadcast_in_dim3A_1602, %select_n3A_1595 : vector<16xi1>, vector<16xi32>
    %slice3A_1604 = vector.extract_strided_slice %add3A_1548 {offsets = [6], sizes = [1], strides = [1]} : vector<16xi32> to vector<1xi32>
    %squeeze3A_1605 = vector.extract %slice3A_1604[0] : i32 from vector<1xi32>
    %add3A_1606 = arith.addi %add3A_1598, %squeeze3A_1605 : i32
    %eq3A_1607 = arith.constant 7 : i32
    %eq3A_1608 = vector.broadcast %eq3A_1607 : i32 to vector<16xi32>
    %eq3A_1609 = arith.cmpi eq, %iota3A, %eq3A_1608 : vector<16xi32>
    %broadcast_in_dim3A_1610 = vector.broadcast %add3A_1606 : i32 to vector<16xi32>
    %select_n3A_1611 = arith.select %eq3A_1609, %broadcast_in_dim3A_1610, %select_n3A_1603 : vector<16xi1>, vector<16xi32>
    %slice3A_1612 = vector.extract_strided_slice %add3A_1548 {offsets = [7], sizes = [1], strides = [1]} : vector<16xi32> to vector<1xi32>
    %squeeze3A_1613 = vector.extract %slice3A_1612[0] : i32 from vector<1xi32>
    %add3A_1614 = arith.addi %add3A_1606, %squeeze3A_1613 : i32
    %eq3A_1615 = arith.constant 8 : i32
    %eq3A_1616 = vector.broadcast %eq3A_1615 : i32 to vector<16xi32>
    %eq3A_1617 = arith.cmpi eq, %iota3A, %eq3A_1616 : vector<16xi32>
    %broadcast_in_dim3A_1618 = vector.broadcast %add3A_1614 : i32 to vector<16xi32>
    %select_n3A_1619 = arith.select %eq3A_1617, %broadcast_in_dim3A_1618, %select_n3A_1611 : vector<16xi1>, vector<16xi32>
    %slice3A_1620 = vector.extract_strided_slice %add3A_1548 {offsets = [8], sizes = [1], strides = [1]} : vector<16xi32> to vector<1xi32>
    %squeeze3A_1621 = vector.extract %slice3A_1620[0] : i32 from vector<1xi32>
    %add3A_1622 = arith.addi %add3A_1614, %squeeze3A_1621 : i32
    %eq3A_1623 = arith.constant 9 : i32
    %eq3A_1624 = vector.broadcast %eq3A_1623 : i32 to vector<16xi32>
    %eq3A_1625 = arith.cmpi eq, %iota3A, %eq3A_1624 : vector<16xi32>
    %broadcast_in_dim3A_1626 = vector.broadcast %add3A_1622 : i32 to vector<16xi32>
    %select_n3A_1627 = arith.select %eq3A_1625, %broadcast_in_dim3A_1626, %select_n3A_1619 : vector<16xi1>, vector<16xi32>
    %slice3A_1628 = vector.extract_strided_slice %add3A_1548 {offsets = [9], sizes = [1], strides = [1]} : vector<16xi32> to vector<1xi32>
    %squeeze3A_1629 = vector.extract %slice3A_1628[0] : i32 from vector<1xi32>
    %add3A_1630 = arith.addi %add3A_1622, %squeeze3A_1629 : i32
    %eq3A_1631 = arith.constant 10 : i32
    %eq3A_1632 = vector.broadcast %eq3A_1631 : i32 to vector<16xi32>
    %eq3A_1633 = arith.cmpi eq, %iota3A, %eq3A_1632 : vector<16xi32>
    %broadcast_in_dim3A_1634 = vector.broadcast %add3A_1630 : i32 to vector<16xi32>
    %select_n3A_1635 = arith.select %eq3A_1633, %broadcast_in_dim3A_1634, %select_n3A_1627 : vector<16xi1>, vector<16xi32>
    %slice3A_1636 = vector.extract_strided_slice %add3A_1548 {offsets = [10], sizes = [1], strides = [1]} : vector<16xi32> to vector<1xi32>
    %squeeze3A_1637 = vector.extract %slice3A_1636[0] : i32 from vector<1xi32>
    %add3A_1638 = arith.addi %add3A_1630, %squeeze3A_1637 : i32
    %eq3A_1639 = arith.constant 11 : i32
    %eq3A_1640 = vector.broadcast %eq3A_1639 : i32 to vector<16xi32>
    %eq3A_1641 = arith.cmpi eq, %iota3A, %eq3A_1640 : vector<16xi32>
    %broadcast_in_dim3A_1642 = vector.broadcast %add3A_1638 : i32 to vector<16xi32>
    %select_n3A_1643 = arith.select %eq3A_1641, %broadcast_in_dim3A_1642, %select_n3A_1635 : vector<16xi1>, vector<16xi32>
    %slice3A_1644 = vector.extract_strided_slice %add3A_1548 {offsets = [11], sizes = [1], strides = [1]} : vector<16xi32> to vector<1xi32>
    %squeeze3A_1645 = vector.extract %slice3A_1644[0] : i32 from vector<1xi32>
    %add3A_1646 = arith.addi %add3A_1638, %squeeze3A_1645 : i32
    %eq3A_1647 = arith.constant 12 : i32
    %eq3A_1648 = vector.broadcast %eq3A_1647 : i32 to vector<16xi32>
    %eq3A_1649 = arith.cmpi eq, %iota3A, %eq3A_1648 : vector<16xi32>
    %broadcast_in_dim3A_1650 = vector.broadcast %add3A_1646 : i32 to vector<16xi32>
    %select_n3A_1651 = arith.select %eq3A_1649, %broadcast_in_dim3A_1650, %select_n3A_1643 : vector<16xi1>, vector<16xi32>
    %slice3A_1652 = vector.extract_strided_slice %add3A_1548 {offsets = [12], sizes = [1], strides = [1]} : vector<16xi32> to vector<1xi32>
    %squeeze3A_1653 = vector.extract %slice3A_1652[0] : i32 from vector<1xi32>
    %add3A_1654 = arith.addi %add3A_1646, %squeeze3A_1653 : i32
    %eq3A_1655 = arith.constant 13 : i32
    %eq3A_1656 = vector.broadcast %eq3A_1655 : i32 to vector<16xi32>
    %eq3A_1657 = arith.cmpi eq, %iota3A, %eq3A_1656 : vector<16xi32>
    %broadcast_in_dim3A_1658 = vector.broadcast %add3A_1654 : i32 to vector<16xi32>
    %select_n3A_1659 = arith.select %eq3A_1657, %broadcast_in_dim3A_1658, %select_n3A_1651 : vector<16xi1>, vector<16xi32>
    %slice3A_1660 = vector.extract_strided_slice %add3A_1548 {offsets = [13], sizes = [1], strides = [1]} : vector<16xi32> to vector<1xi32>
    %squeeze3A_1661 = vector.extract %slice3A_1660[0] : i32 from vector<1xi32>
    %add3A_1662 = arith.addi %add3A_1654, %squeeze3A_1661 : i32
    %eq3A_1663 = arith.constant 14 : i32
    %eq3A_1664 = vector.broadcast %eq3A_1663 : i32 to vector<16xi32>
    %eq3A_1665 = arith.cmpi eq, %iota3A, %eq3A_1664 : vector<16xi32>
    %broadcast_in_dim3A_1666 = vector.broadcast %add3A_1662 : i32 to vector<16xi32>
    %select_n3A_1667 = arith.select %eq3A_1665, %broadcast_in_dim3A_1666, %select_n3A_1659 : vector<16xi1>, vector<16xi32>
    %slice3A_1668 = vector.extract_strided_slice %add3A_1548 {offsets = [14], sizes = [1], strides = [1]} : vector<16xi32> to vector<1xi32>
    %squeeze3A_1669 = vector.extract %slice3A_1668[0] : i32 from vector<1xi32>
    %add3A_1670 = arith.addi %add3A_1662, %squeeze3A_1669 : i32
    %eq3A_1671 = arith.constant 15 : i32
    %eq3A_1672 = vector.broadcast %eq3A_1671 : i32 to vector<16xi32>
    %eq3A_1673 = arith.cmpi eq, %iota3A, %eq3A_1672 : vector<16xi32>
    %broadcast_in_dim3A_1674 = vector.broadcast %add3A_1670 : i32 to vector<16xi32>
    %select_n3A_1675 = arith.select %eq3A_1673, %broadcast_in_dim3A_1674, %select_n3A_1667 : vector<16xi1>, vector<16xi32>
    %slice3A_1676 = vector.extract_strided_slice %add3A_1548 {offsets = [15], sizes = [1], strides = [1]} : vector<16xi32> to vector<1xi32>
    %squeeze3A_1677 = vector.extract %slice3A_1676[0] : i32 from vector<1xi32>
    %add3A_1678 = arith.addi %add3A_1670, %squeeze3A_1677 : i32
    %broadcast_in_dim3A_1679 = arith.constant 0 : i32
    %broadcast_in_dim3A_1680 = vector.broadcast %broadcast_in_dim3A_1679 : i32 to vector<16xi32>
    %while3A_1681 = arith.constant 0 : i32
    %while3A_1682 = arith.subi %arg1, %while3A_1681 : i32
    %while3A_1683 = arith.addi %while3A_1681, %while3A_1682 : i32
    %while3A_1684 = arith.constant 1 : i32
    %while3A_1685 = arith.divsi %while3A_1682, %while3A_1684 : i32
    %while3A_1686 = arith.muli %while3A_1685, %while3A_1684 : i32
    %while3A_1687 = arith.addi %while3A_1681, %while3A_1686 : i32
    %while3A_1688 = arith.constant 1 : i32
    %while3A_1689 = scf.for %while3A_2118 = %while3A_1681 to %while3A_1687 step %while3A_1688 iter_args(%while3A_2119 = %broadcast_in_dim3A_1680) -> (vector<16xi32>)  : i32 {
      %get3A_2120 = arith.index_cast %while3A_2118 : i32 to index
      %get3A_2121 = arith.constant 32 : index
      %get3A_2122 = tpu.vector_load %arg11[%get3A_2120, %get3A_2121] {strides = array<i32>} : memref<16x64xi32, #tpu.memory_space<vmem>>, vector<1x16xi32>,
      %get3A_2123 = vector.shape_cast %get3A_2122 : vector<1x16xi32> to vector<16xi32>
      %add3A_2124 = arith.addi %while3A_2119, %get3A_2123 : vector<16xi32>
      scf.yield %add3A_2124 : vector<16xi32>
    }
    %while3A_1690 = arith.constant 1 : i32
    %while3A_1691 = scf.for %while3A_2118 = %while3A_1687 to %while3A_1683 step %while3A_1690 iter_args(%while3A_2119 = %while3A_1689) -> (vector<16xi32>)  : i32 {
      %get3A_2120 = arith.index_cast %while3A_2118 : i32 to index
      %get3A_2121 = arith.constant 32 : index
      %get3A_2122 = tpu.vector_load %arg11[%get3A_2120, %get3A_2121] {strides = array<i32>} : memref<16x64xi32, #tpu.memory_space<vmem>>, vector<1x16xi32>,
      %get3A_2123 = vector.shape_cast %get3A_2122 : vector<1x16xi32> to vector<16xi32>
      %add3A_2124 = arith.addi %while3A_2119, %get3A_2123 : vector<16xi32>
      scf.yield %add3A_2124 : vector<16xi32>
    }
    %add3A_1692 = arith.addi %select_n3A_1675, %while3A_1691 : vector<16xi32>
    %swap3A_1693 = arith.constant 32 : index
    %swap3A_1694 = tpu.vector_load %arg12[%swap3A_1693] {strides = array<i32>} : memref<64xi32, #tpu.memory_space<vmem>>, vector<16xi32>,
    %swap3A_1695 = vector.shape_cast %swap3A_1694 : vector<16xi32> to vector<16xi32>
    %swap3A_1696 = vector.shape_cast %add3A_1692 : vector<16xi32> to vector<16xi32>
    tpu.vector_store %arg12[%swap3A_1693], %swap3A_1696 {strides = array<i32>} : memref<64xi32, #tpu.memory_space<vmem>>, vector<16xi32>,
    %slice3A_1697 = vector.extract_strided_slice %add3A_1692 {offsets = [0], sizes = [1], strides = [1]} : vector<16xi32> to vector<1xi32>
    %squeeze3A_1698 = vector.extract %slice3A_1697[0] : i32 from vector<1xi32>
    %swap3A_1699 = arith.constant 32 : i32
    %swap3A_1700 = arith.index_cast %swap3A_1699 : i32 to index
    %swap3A_1701 = memref.load %arg15[%swap3A_1700] : memref<64xi32, #tpu.memory_space<smem>>
    memref.store %squeeze3A_1698, %arg15[%swap3A_1700] : memref<64xi32, #tpu.memory_space<smem>>
    %slice3A_1702 = vector.extract_strided_slice %add3A_1692 {offsets = [1], sizes = [1], strides = [1]} : vector<16xi32> to vector<1xi32>
    %squeeze3A_1703 = vector.extract %slice3A_1702[0] : i32 from vector<1xi32>
    %swap3A_1704 = arith.constant 33 : i32
    %swap3A_1705 = arith.index_cast %swap3A_1704 : i32 to index
    %swap3A_1706 = memref.load %arg15[%swap3A_1705] : memref<64xi32, #tpu.memory_space<smem>>
    memref.store %squeeze3A_1703, %arg15[%swap3A_1705] : memref<64xi32, #tpu.memory_space<smem>>
    %slice3A_1707 = vector.extract_strided_slice %add3A_1692 {offsets = [2], sizes = [1], strides = [1]} : vector<16xi32> to vector<1xi32>
    %squeeze3A_1708 = vector.extract %slice3A_1707[0] : i32 from vector<1xi32>
    %swap3A_1709 = arith.constant 34 : i32
    %swap3A_1710 = arith.index_cast %swap3A_1709 : i32 to index
    %swap3A_1711 = memref.load %arg15[%swap3A_1710] : memref<64xi32, #tpu.memory_space<smem>>
    memref.store %squeeze3A_1708, %arg15[%swap3A_1710] : memref<64xi32, #tpu.memory_space<smem>>
    %slice3A_1712 = vector.extract_strided_slice %add3A_1692 {offsets = [3], sizes = [1], strides = [1]} : vector<16xi32> to vector<1xi32>
    %squeeze3A_1713 = vector.extract %slice3A_1712[0] : i32 from vector<1xi32>
    %swap3A_1714 = arith.constant 35 : i32
    %swap3A_1715 = arith.index_cast %swap3A_1714 : i32 to index
    %swap3A_1716 = memref.load %arg15[%swap3A_1715] : memref<64xi32, #tpu.memory_space<smem>>
    memref.store %squeeze3A_1713, %arg15[%swap3A_1715] : memref<64xi32, #tpu.memory_space<smem>>
    %slice3A_1717 = vector.extract_strided_slice %add3A_1692 {offsets = [4], sizes = [1], strides = [1]} : vector<16xi32> to vector<1xi32>
    %squeeze3A_1718 = vector.extract %slice3A_1717[0] : i32 from vector<1xi32>
    %swap3A_1719 = arith.constant 36 : i32
    %swap3A_1720 = arith.index_cast %swap3A_1719 : i32 to index
    %swap3A_1721 = memref.load %arg15[%swap3A_1720] : memref<64xi32, #tpu.memory_space<smem>>
    memref.store %squeeze3A_1718, %arg15[%swap3A_1720] : memref<64xi32, #tpu.memory_space<smem>>
    %slice3A_1722 = vector.extract_strided_slice %add3A_1692 {offsets = [5], sizes = [1], strides = [1]} : vector<16xi32> to vector<1xi32>
    %squeeze3A_1723 = vector.extract %slice3A_1722[0] : i32 from vector<1xi32>
    %swap3A_1724 = arith.constant 37 : i32
    %swap3A_1725 = arith.index_cast %swap3A_1724 : i32 to index
    %swap3A_1726 = memref.load %arg15[%swap3A_1725] : memref<64xi32, #tpu.memory_space<smem>>
    memref.store %squeeze3A_1723, %arg15[%swap3A_1725] : memref<64xi32, #tpu.memory_space<smem>>
    %slice3A_1727 = vector.extract_strided_slice %add3A_1692 {offsets = [6], sizes = [1], strides = [1]} : vector<16xi32> to vector<1xi32>
    %squeeze3A_1728 = vector.extract %slice3A_1727[0] : i32 from vector<1xi32>
    %swap3A_1729 = arith.constant 38 : i32
    %swap3A_1730 = arith.index_cast %swap3A_1729 : i32 to index
    %swap3A_1731 = memref.load %arg15[%swap3A_1730] : memref<64xi32, #tpu.memory_space<smem>>
    memref.store %squeeze3A_1728, %arg15[%swap3A_1730] : memref<64xi32, #tpu.memory_space<smem>>
    %slice3A_1732 = vector.extract_strided_slice %add3A_1692 {offsets = [7], sizes = [1], strides = [1]} : vector<16xi32> to vector<1xi32>
    %squeeze3A_1733 = vector.extract %slice3A_1732[0] : i32 from vector<1xi32>
    %swap3A_1734 = arith.constant 39 : i32
    %swap3A_1735 = arith.index_cast %swap3A_1734 : i32 to index
    %swap3A_1736 = memref.load %arg15[%swap3A_1735] : memref<64xi32, #tpu.memory_space<smem>>
    memref.store %squeeze3A_1733, %arg15[%swap3A_1735] : memref<64xi32, #tpu.memory_space<smem>>
    %slice3A_1737 = vector.extract_strided_slice %add3A_1692 {offsets = [8], sizes = [1], strides = [1]} : vector<16xi32> to vector<1xi32>
    %squeeze3A_1738 = vector.extract %slice3A_1737[0] : i32 from vector<1xi32>
    %swap3A_1739 = arith.constant 40 : i32
    %swap3A_1740 = arith.index_cast %swap3A_1739 : i32 to index
    %swap3A_1741 = memref.load %arg15[%swap3A_1740] : memref<64xi32, #tpu.memory_space<smem>>
    memref.store %squeeze3A_1738, %arg15[%swap3A_1740] : memref<64xi32, #tpu.memory_space<smem>>
    %slice3A_1742 = vector.extract_strided_slice %add3A_1692 {offsets = [9], sizes = [1], strides = [1]} : vector<16xi32> to vector<1xi32>
    %squeeze3A_1743 = vector.extract %slice3A_1742[0] : i32 from vector<1xi32>
    %swap3A_1744 = arith.constant 41 : i32
    %swap3A_1745 = arith.index_cast %swap3A_1744 : i32 to index
    %swap3A_1746 = memref.load %arg15[%swap3A_1745] : memref<64xi32, #tpu.memory_space<smem>>
    memref.store %squeeze3A_1743, %arg15[%swap3A_1745] : memref<64xi32, #tpu.memory_space<smem>>
    %slice3A_1747 = vector.extract_strided_slice %add3A_1692 {offsets = [10], sizes = [1], strides = [1]} : vector<16xi32> to vector<1xi32>
    %squeeze3A_1748 = vector.extract %slice3A_1747[0] : i32 from vector<1xi32>
    %swap3A_1749 = arith.constant 42 : i32
    %swap3A_1750 = arith.index_cast %swap3A_1749 : i32 to index
    %swap3A_1751 = memref.load %arg15[%swap3A_1750] : memref<64xi32, #tpu.memory_space<smem>>
    memref.store %squeeze3A_1748, %arg15[%swap3A_1750] : memref<64xi32, #tpu.memory_space<smem>>
    %slice3A_1752 = vector.extract_strided_slice %add3A_1692 {offsets = [11], sizes = [1], strides = [1]} : vector<16xi32> to vector<1xi32>
    %squeeze3A_1753 = vector.extract %slice3A_1752[0] : i32 from vector<1xi32>
    %swap3A_1754 = arith.constant 43 : i32
    %swap3A_1755 = arith.index_cast %swap3A_1754 : i32 to index
    %swap3A_1756 = memref.load %arg15[%swap3A_1755] : memref<64xi32, #tpu.memory_space<smem>>
    memref.store %squeeze3A_1753, %arg15[%swap3A_1755] : memref<64xi32, #tpu.memory_space<smem>>
    %slice3A_1757 = vector.extract_strided_slice %add3A_1692 {offsets = [12], sizes = [1], strides = [1]} : vector<16xi32> to vector<1xi32>
    %squeeze3A_1758 = vector.extract %slice3A_1757[0] : i32 from vector<1xi32>
    %swap3A_1759 = arith.constant 44 : i32
    %swap3A_1760 = arith.index_cast %swap3A_1759 : i32 to index
    %swap3A_1761 = memref.load %arg15[%swap3A_1760] : memref<64xi32, #tpu.memory_space<smem>>
    memref.store %squeeze3A_1758, %arg15[%swap3A_1760] : memref<64xi32, #tpu.memory_space<smem>>
    %slice3A_1762 = vector.extract_strided_slice %add3A_1692 {offsets = [13], sizes = [1], strides = [1]} : vector<16xi32> to vector<1xi32>
    %squeeze3A_1763 = vector.extract %slice3A_1762[0] : i32 from vector<1xi32>
    %swap3A_1764 = arith.constant 45 : i32
    %swap3A_1765 = arith.index_cast %swap3A_1764 : i32 to index
    %swap3A_1766 = memref.load %arg15[%swap3A_1765] : memref<64xi32, #tpu.memory_space<smem>>
    memref.store %squeeze3A_1763, %arg15[%swap3A_1765] : memref<64xi32, #tpu.memory_space<smem>>
    %slice3A_1767 = vector.extract_strided_slice %add3A_1692 {offsets = [14], sizes = [1], strides = [1]} : vector<16xi32> to vector<1xi32>
    %squeeze3A_1768 = vector.extract %slice3A_1767[0] : i32 from vector<1xi32>
    %swap3A_1769 = arith.constant 46 : i32
    %swap3A_1770 = arith.index_cast %swap3A_1769 : i32 to index
    %swap3A_1771 = memref.load %arg15[%swap3A_1770] : memref<64xi32, #tpu.memory_space<smem>>
    memref.store %squeeze3A_1768, %arg15[%swap3A_1770] : memref<64xi32, #tpu.memory_space<smem>>
    %slice3A_1772 = vector.extract_strided_slice %add3A_1692 {offsets = [15], sizes = [1], strides = [1]} : vector<16xi32> to vector<1xi32>
    %squeeze3A_1773 = vector.extract %slice3A_1772[0] : i32 from vector<1xi32>
    %swap3A_1774 = arith.constant 47 : i32
    %swap3A_1775 = arith.index_cast %swap3A_1774 : i32 to index
    %swap3A_1776 = memref.load %arg15[%swap3A_1775] : memref<64xi32, #tpu.memory_space<smem>>
    memref.store %squeeze3A_1773, %arg15[%swap3A_1775] : memref<64xi32, #tpu.memory_space<smem>>
    %broadcast_in_dim3A_1777 = arith.constant 0 : i32
    %broadcast_in_dim3A_1778 = vector.broadcast %broadcast_in_dim3A_1777 : i32 to vector<16xi32>
    %get3A_1779 = arith.constant 0 : i32
    %get3A_1780 = arith.index_cast %get3A_1779 : i32 to index
    %get3A_1781 = arith.constant 48 : index
    %get3A_1782 = tpu.vector_load %arg11[%get3A_1780, %get3A_1781] {strides = array<i32>} : memref<16x64xi32, #tpu.memory_space<vmem>>, vector<1x16xi32>,
    %get3A_1783 = vector.shape_cast %get3A_1782 : vector<1x16xi32> to vector<16xi32>
    %add3A_1784 = arith.addi %broadcast_in_dim3A_1778, %get3A_1783 : vector<16xi32>
    %get3A_1785 = arith.constant 1 : i32
    %get3A_1786 = arith.index_cast %get3A_1785 : i32 to index
    %get3A_1787 = arith.constant 48 : index
    %get3A_1788 = tpu.vector_load %arg11[%get3A_1786, %get3A_1787] {strides = array<i32>} : memref<16x64xi32, #tpu.memory_space<vmem>>, vector<1x16xi32>,
    %get3A_1789 = vector.shape_cast %get3A_1788 : vector<1x16xi32> to vector<16xi32>
    %add3A_1790 = arith.addi %add3A_1784, %get3A_1789 : vector<16xi32>
    %get3A_1791 = arith.constant 2 : i32
    %get3A_1792 = arith.index_cast %get3A_1791 : i32 to index
    %get3A_1793 = arith.constant 48 : index
    %get3A_1794 = tpu.vector_load %arg11[%get3A_1792, %get3A_1793] {strides = array<i32>} : memref<16x64xi32, #tpu.memory_space<vmem>>, vector<1x16xi32>,
    %get3A_1795 = vector.shape_cast %get3A_1794 : vector<1x16xi32> to vector<16xi32>
    %add3A_1796 = arith.addi %add3A_1790, %get3A_1795 : vector<16xi32>
    %get3A_1797 = arith.constant 3 : i32
    %get3A_1798 = arith.index_cast %get3A_1797 : i32 to index
    %get3A_1799 = arith.constant 48 : index
    %get3A_1800 = tpu.vector_load %arg11[%get3A_1798, %get3A_1799] {strides = array<i32>} : memref<16x64xi32, #tpu.memory_space<vmem>>, vector<1x16xi32>,
    %get3A_1801 = vector.shape_cast %get3A_1800 : vector<1x16xi32> to vector<16xi32>
    %add3A_1802 = arith.addi %add3A_1796, %get3A_1801 : vector<16xi32>
    %get3A_1803 = arith.constant 4 : i32
    %get3A_1804 = arith.index_cast %get3A_1803 : i32 to index
    %get3A_1805 = arith.constant 48 : index
    %get3A_1806 = tpu.vector_load %arg11[%get3A_1804, %get3A_1805] {strides = array<i32>} : memref<16x64xi32, #tpu.memory_space<vmem>>, vector<1x16xi32>,
    %get3A_1807 = vector.shape_cast %get3A_1806 : vector<1x16xi32> to vector<16xi32>
    %add3A_1808 = arith.addi %add3A_1802, %get3A_1807 : vector<16xi32>
    %get3A_1809 = arith.constant 5 : i32
    %get3A_1810 = arith.index_cast %get3A_1809 : i32 to index
    %get3A_1811 = arith.constant 48 : index
    %get3A_1812 = tpu.vector_load %arg11[%get3A_1810, %get3A_1811] {strides = array<i32>} : memref<16x64xi32, #tpu.memory_space<vmem>>, vector<1x16xi32>,
    %get3A_1813 = vector.shape_cast %get3A_1812 : vector<1x16xi32> to vector<16xi32>
    %add3A_1814 = arith.addi %add3A_1808, %get3A_1813 : vector<16xi32>
    %get3A_1815 = arith.constant 6 : i32
    %get3A_1816 = arith.index_cast %get3A_1815 : i32 to index
    %get3A_1817 = arith.constant 48 : index
    %get3A_1818 = tpu.vector_load %arg11[%get3A_1816, %get3A_1817] {strides = array<i32>} : memref<16x64xi32, #tpu.memory_space<vmem>>, vector<1x16xi32>,
    %get3A_1819 = vector.shape_cast %get3A_1818 : vector<1x16xi32> to vector<16xi32>
    %add3A_1820 = arith.addi %add3A_1814, %get3A_1819 : vector<16xi32>
    %get3A_1821 = arith.constant 7 : i32
    %get3A_1822 = arith.index_cast %get3A_1821 : i32 to index
    %get3A_1823 = arith.constant 48 : index
    %get3A_1824 = tpu.vector_load %arg11[%get3A_1822, %get3A_1823] {strides = array<i32>} : memref<16x64xi32, #tpu.memory_space<vmem>>, vector<1x16xi32>,
    %get3A_1825 = vector.shape_cast %get3A_1824 : vector<1x16xi32> to vector<16xi32>
    %add3A_1826 = arith.addi %add3A_1820, %get3A_1825 : vector<16xi32>
    %get3A_1827 = arith.constant 8 : i32
    %get3A_1828 = arith.index_cast %get3A_1827 : i32 to index
    %get3A_1829 = arith.constant 48 : index
    %get3A_1830 = tpu.vector_load %arg11[%get3A_1828, %get3A_1829] {strides = array<i32>} : memref<16x64xi32, #tpu.memory_space<vmem>>, vector<1x16xi32>,
    %get3A_1831 = vector.shape_cast %get3A_1830 : vector<1x16xi32> to vector<16xi32>
    %add3A_1832 = arith.addi %add3A_1826, %get3A_1831 : vector<16xi32>
    %get3A_1833 = arith.constant 9 : i32
    %get3A_1834 = arith.index_cast %get3A_1833 : i32 to index
    %get3A_1835 = arith.constant 48 : index
    %get3A_1836 = tpu.vector_load %arg11[%get3A_1834, %get3A_1835] {strides = array<i32>} : memref<16x64xi32, #tpu.memory_space<vmem>>, vector<1x16xi32>,
    %get3A_1837 = vector.shape_cast %get3A_1836 : vector<1x16xi32> to vector<16xi32>
    %add3A_1838 = arith.addi %add3A_1832, %get3A_1837 : vector<16xi32>
    %get3A_1839 = arith.constant 10 : i32
    %get3A_1840 = arith.index_cast %get3A_1839 : i32 to index
    %get3A_1841 = arith.constant 48 : index
    %get3A_1842 = tpu.vector_load %arg11[%get3A_1840, %get3A_1841] {strides = array<i32>} : memref<16x64xi32, #tpu.memory_space<vmem>>, vector<1x16xi32>,
    %get3A_1843 = vector.shape_cast %get3A_1842 : vector<1x16xi32> to vector<16xi32>
    %add3A_1844 = arith.addi %add3A_1838, %get3A_1843 : vector<16xi32>
    %get3A_1845 = arith.constant 11 : i32
    %get3A_1846 = arith.index_cast %get3A_1845 : i32 to index
    %get3A_1847 = arith.constant 48 : index
    %get3A_1848 = tpu.vector_load %arg11[%get3A_1846, %get3A_1847] {strides = array<i32>} : memref<16x64xi32, #tpu.memory_space<vmem>>, vector<1x16xi32>,
    %get3A_1849 = vector.shape_cast %get3A_1848 : vector<1x16xi32> to vector<16xi32>
    %add3A_1850 = arith.addi %add3A_1844, %get3A_1849 : vector<16xi32>
    %get3A_1851 = arith.constant 12 : i32
    %get3A_1852 = arith.index_cast %get3A_1851 : i32 to index
    %get3A_1853 = arith.constant 48 : index
    %get3A_1854 = tpu.vector_load %arg11[%get3A_1852, %get3A_1853] {strides = array<i32>} : memref<16x64xi32, #tpu.memory_space<vmem>>, vector<1x16xi32>,
    %get3A_1855 = vector.shape_cast %get3A_1854 : vector<1x16xi32> to vector<16xi32>
    %add3A_1856 = arith.addi %add3A_1850, %get3A_1855 : vector<16xi32>
    %get3A_1857 = arith.constant 13 : i32
    %get3A_1858 = arith.index_cast %get3A_1857 : i32 to index
    %get3A_1859 = arith.constant 48 : index
    %get3A_1860 = tpu.vector_load %arg11[%get3A_1858, %get3A_1859] {strides = array<i32>} : memref<16x64xi32, #tpu.memory_space<vmem>>, vector<1x16xi32>,
    %get3A_1861 = vector.shape_cast %get3A_1860 : vector<1x16xi32> to vector<16xi32>
    %add3A_1862 = arith.addi %add3A_1856, %get3A_1861 : vector<16xi32>
    %get3A_1863 = arith.constant 14 : i32
    %get3A_1864 = arith.index_cast %get3A_1863 : i32 to index
    %get3A_1865 = arith.constant 48 : index
    %get3A_1866 = tpu.vector_load %arg11[%get3A_1864, %get3A_1865] {strides = array<i32>} : memref<16x64xi32, #tpu.memory_space<vmem>>, vector<1x16xi32>,
    %get3A_1867 = vector.shape_cast %get3A_1866 : vector<1x16xi32> to vector<16xi32>
    %add3A_1868 = arith.addi %add3A_1862, %get3A_1867 : vector<16xi32>
    %get3A_1869 = arith.constant 15 : i32
    %get3A_1870 = arith.index_cast %get3A_1869 : i32 to index
    %get3A_1871 = arith.constant 48 : index
    %get3A_1872 = tpu.vector_load %arg11[%get3A_1870, %get3A_1871] {strides = array<i32>} : memref<16x64xi32, #tpu.memory_space<vmem>>, vector<1x16xi32>,
    %get3A_1873 = vector.shape_cast %get3A_1872 : vector<1x16xi32> to vector<16xi32>
    %add3A_1874 = arith.addi %add3A_1868, %get3A_1873 : vector<16xi32>
    %broadcast_in_dim3A_1875 = arith.constant 0 : i32
    %broadcast_in_dim3A_1876 = vector.broadcast %broadcast_in_dim3A_1875 : i32 to vector<16xi32>
    %eq3A_1877 = arith.constant 0 : i32
    %eq3A_1878 = vector.broadcast %eq3A_1877 : i32 to vector<16xi32>
    %eq3A_1879 = arith.cmpi eq, %iota3A, %eq3A_1878 : vector<16xi32>
    %broadcast_in_dim3A_1880 = vector.broadcast %add3A_1678 : i32 to vector<16xi32>
    %select_n3A_1881 = arith.select %eq3A_1879, %broadcast_in_dim3A_1880, %broadcast_in_dim3A_1876 : vector<16xi1>, vector<16xi32>
    %slice3A_1882 = vector.extract_strided_slice %add3A_1874 {offsets = [0], sizes = [1], strides = [1]} : vector<16xi32> to vector<1xi32>
    %squeeze3A_1883 = vector.extract %slice3A_1882[0] : i32 from vector<1xi32>
    %add3A_1884 = arith.addi %add3A_1678, %squeeze3A_1883 : i32
    %eq3A_1885 = arith.constant 1 : i32
    %eq3A_1886 = vector.broadcast %eq3A_1885 : i32 to vector<16xi32>
    %eq3A_1887 = arith.cmpi eq, %iota3A, %eq3A_1886 : vector<16xi32>
    %broadcast_in_dim3A_1888 = vector.broadcast %add3A_1884 : i32 to vector<16xi32>
    %select_n3A_1889 = arith.select %eq3A_1887, %broadcast_in_dim3A_1888, %select_n3A_1881 : vector<16xi1>, vector<16xi32>
    %slice3A_1890 = vector.extract_strided_slice %add3A_1874 {offsets = [1], sizes = [1], strides = [1]} : vector<16xi32> to vector<1xi32>
    %squeeze3A_1891 = vector.extract %slice3A_1890[0] : i32 from vector<1xi32>
    %add3A_1892 = arith.addi %add3A_1884, %squeeze3A_1891 : i32
    %eq3A_1893 = arith.constant 2 : i32
    %eq3A_1894 = vector.broadcast %eq3A_1893 : i32 to vector<16xi32>
    %eq3A_1895 = arith.cmpi eq, %iota3A, %eq3A_1894 : vector<16xi32>
    %broadcast_in_dim3A_1896 = vector.broadcast %add3A_1892 : i32 to vector<16xi32>
    %select_n3A_1897 = arith.select %eq3A_1895, %broadcast_in_dim3A_1896, %select_n3A_1889 : vector<16xi1>, vector<16xi32>
    %slice3A_1898 = vector.extract_strided_slice %add3A_1874 {offsets = [2], sizes = [1], strides = [1]} : vector<16xi32> to vector<1xi32>
    %squeeze3A_1899 = vector.extract %slice3A_1898[0] : i32 from vector<1xi32>
    %add3A_1900 = arith.addi %add3A_1892, %squeeze3A_1899 : i32
    %eq3A_1901 = arith.constant 3 : i32
    %eq3A_1902 = vector.broadcast %eq3A_1901 : i32 to vector<16xi32>
    %eq3A_1903 = arith.cmpi eq, %iota3A, %eq3A_1902 : vector<16xi32>
    %broadcast_in_dim3A_1904 = vector.broadcast %add3A_1900 : i32 to vector<16xi32>
    %select_n3A_1905 = arith.select %eq3A_1903, %broadcast_in_dim3A_1904, %select_n3A_1897 : vector<16xi1>, vector<16xi32>
    %slice3A_1906 = vector.extract_strided_slice %add3A_1874 {offsets = [3], sizes = [1], strides = [1]} : vector<16xi32> to vector<1xi32>
    %squeeze3A_1907 = vector.extract %slice3A_1906[0] : i32 from vector<1xi32>
    %add3A_1908 = arith.addi %add3A_1900, %squeeze3A_1907 : i32
    %eq3A_1909 = arith.constant 4 : i32
    %eq3A_1910 = vector.broadcast %eq3A_1909 : i32 to vector<16xi32>
    %eq3A_1911 = arith.cmpi eq, %iota3A, %eq3A_1910 : vector<16xi32>
    %broadcast_in_dim3A_1912 = vector.broadcast %add3A_1908 : i32 to vector<16xi32>
    %select_n3A_1913 = arith.select %eq3A_1911, %broadcast_in_dim3A_1912, %select_n3A_1905 : vector<16xi1>, vector<16xi32>
    %slice3A_1914 = vector.extract_strided_slice %add3A_1874 {offsets = [4], sizes = [1], strides = [1]} : vector<16xi32> to vector<1xi32>
    %squeeze3A_1915 = vector.extract %slice3A_1914[0] : i32 from vector<1xi32>
    %add3A_1916 = arith.addi %add3A_1908, %squeeze3A_1915 : i32
    %eq3A_1917 = arith.constant 5 : i32
    %eq3A_1918 = vector.broadcast %eq3A_1917 : i32 to vector<16xi32>
    %eq3A_1919 = arith.cmpi eq, %iota3A, %eq3A_1918 : vector<16xi32>
    %broadcast_in_dim3A_1920 = vector.broadcast %add3A_1916 : i32 to vector<16xi32>
    %select_n3A_1921 = arith.select %eq3A_1919, %broadcast_in_dim3A_1920, %select_n3A_1913 : vector<16xi1>, vector<16xi32>
    %slice3A_1922 = vector.extract_strided_slice %add3A_1874 {offsets = [5], sizes = [1], strides = [1]} : vector<16xi32> to vector<1xi32>
    %squeeze3A_1923 = vector.extract %slice3A_1922[0] : i32 from vector<1xi32>
    %add3A_1924 = arith.addi %add3A_1916, %squeeze3A_1923 : i32
    %eq3A_1925 = arith.constant 6 : i32
    %eq3A_1926 = vector.broadcast %eq3A_1925 : i32 to vector<16xi32>
    %eq3A_1927 = arith.cmpi eq, %iota3A, %eq3A_1926 : vector<16xi32>
    %broadcast_in_dim3A_1928 = vector.broadcast %add3A_1924 : i32 to vector<16xi32>
    %select_n3A_1929 = arith.select %eq3A_1927, %broadcast_in_dim3A_1928, %select_n3A_1921 : vector<16xi1>, vector<16xi32>
    %slice3A_1930 = vector.extract_strided_slice %add3A_1874 {offsets = [6], sizes = [1], strides = [1]} : vector<16xi32> to vector<1xi32>
    %squeeze3A_1931 = vector.extract %slice3A_1930[0] : i32 from vector<1xi32>
    %add3A_1932 = arith.addi %add3A_1924, %squeeze3A_1931 : i32
    %eq3A_1933 = arith.constant 7 : i32
    %eq3A_1934 = vector.broadcast %eq3A_1933 : i32 to vector<16xi32>
    %eq3A_1935 = arith.cmpi eq, %iota3A, %eq3A_1934 : vector<16xi32>
    %broadcast_in_dim3A_1936 = vector.broadcast %add3A_1932 : i32 to vector<16xi32>
    %select_n3A_1937 = arith.select %eq3A_1935, %broadcast_in_dim3A_1936, %select_n3A_1929 : vector<16xi1>, vector<16xi32>
    %slice3A_1938 = vector.extract_strided_slice %add3A_1874 {offsets = [7], sizes = [1], strides = [1]} : vector<16xi32> to vector<1xi32>
    %squeeze3A_1939 = vector.extract %slice3A_1938[0] : i32 from vector<1xi32>
    %add3A_1940 = arith.addi %add3A_1932, %squeeze3A_1939 : i32
    %eq3A_1941 = arith.constant 8 : i32
    %eq3A_1942 = vector.broadcast %eq3A_1941 : i32 to vector<16xi32>
    %eq3A_1943 = arith.cmpi eq, %iota3A, %eq3A_1942 : vector<16xi32>
    %broadcast_in_dim3A_1944 = vector.broadcast %add3A_1940 : i32 to vector<16xi32>
    %select_n3A_1945 = arith.select %eq3A_1943, %broadcast_in_dim3A_1944, %select_n3A_1937 : vector<16xi1>, vector<16xi32>
    %slice3A_1946 = vector.extract_strided_slice %add3A_1874 {offsets = [8], sizes = [1], strides = [1]} : vector<16xi32> to vector<1xi32>
    %squeeze3A_1947 = vector.extract %slice3A_1946[0] : i32 from vector<1xi32>
    %add3A_1948 = arith.addi %add3A_1940, %squeeze3A_1947 : i32
    %eq3A_1949 = arith.constant 9 : i32
    %eq3A_1950 = vector.broadcast %eq3A_1949 : i32 to vector<16xi32>
    %eq3A_1951 = arith.cmpi eq, %iota3A, %eq3A_1950 : vector<16xi32>
    %broadcast_in_dim3A_1952 = vector.broadcast %add3A_1948 : i32 to vector<16xi32>
    %select_n3A_1953 = arith.select %eq3A_1951, %broadcast_in_dim3A_1952, %select_n3A_1945 : vector<16xi1>, vector<16xi32>
    %slice3A_1954 = vector.extract_strided_slice %add3A_1874 {offsets = [9], sizes = [1], strides = [1]} : vector<16xi32> to vector<1xi32>
    %squeeze3A_1955 = vector.extract %slice3A_1954[0] : i32 from vector<1xi32>
    %add3A_1956 = arith.addi %add3A_1948, %squeeze3A_1955 : i32
    %eq3A_1957 = arith.constant 10 : i32
    %eq3A_1958 = vector.broadcast %eq3A_1957 : i32 to vector<16xi32>
    %eq3A_1959 = arith.cmpi eq, %iota3A, %eq3A_1958 : vector<16xi32>
    %broadcast_in_dim3A_1960 = vector.broadcast %add3A_1956 : i32 to vector<16xi32>
    %select_n3A_1961 = arith.select %eq3A_1959, %broadcast_in_dim3A_1960, %select_n3A_1953 : vector<16xi1>, vector<16xi32>
    %slice3A_1962 = vector.extract_strided_slice %add3A_1874 {offsets = [10], sizes = [1], strides = [1]} : vector<16xi32> to vector<1xi32>
    %squeeze3A_1963 = vector.extract %slice3A_1962[0] : i32 from vector<1xi32>
    %add3A_1964 = arith.addi %add3A_1956, %squeeze3A_1963 : i32
    %eq3A_1965 = arith.constant 11 : i32
    %eq3A_1966 = vector.broadcast %eq3A_1965 : i32 to vector<16xi32>
    %eq3A_1967 = arith.cmpi eq, %iota3A, %eq3A_1966 : vector<16xi32>
    %broadcast_in_dim3A_1968 = vector.broadcast %add3A_1964 : i32 to vector<16xi32>
    %select_n3A_1969 = arith.select %eq3A_1967, %broadcast_in_dim3A_1968, %select_n3A_1961 : vector<16xi1>, vector<16xi32>
    %slice3A_1970 = vector.extract_strided_slice %add3A_1874 {offsets = [11], sizes = [1], strides = [1]} : vector<16xi32> to vector<1xi32>
    %squeeze3A_1971 = vector.extract %slice3A_1970[0] : i32 from vector<1xi32>
    %add3A_1972 = arith.addi %add3A_1964, %squeeze3A_1971 : i32
    %eq3A_1973 = arith.constant 12 : i32
    %eq3A_1974 = vector.broadcast %eq3A_1973 : i32 to vector<16xi32>
    %eq3A_1975 = arith.cmpi eq, %iota3A, %eq3A_1974 : vector<16xi32>
    %broadcast_in_dim3A_1976 = vector.broadcast %add3A_1972 : i32 to vector<16xi32>
    %select_n3A_1977 = arith.select %eq3A_1975, %broadcast_in_dim3A_1976, %select_n3A_1969 : vector<16xi1>, vector<16xi32>
    %slice3A_1978 = vector.extract_strided_slice %add3A_1874 {offsets = [12], sizes = [1], strides = [1]} : vector<16xi32> to vector<1xi32>
    %squeeze3A_1979 = vector.extract %slice3A_1978[0] : i32 from vector<1xi32>
    %add3A_1980 = arith.addi %add3A_1972, %squeeze3A_1979 : i32
    %eq3A_1981 = arith.constant 13 : i32
    %eq3A_1982 = vector.broadcast %eq3A_1981 : i32 to vector<16xi32>
    %eq3A_1983 = arith.cmpi eq, %iota3A, %eq3A_1982 : vector<16xi32>
    %broadcast_in_dim3A_1984 = vector.broadcast %add3A_1980 : i32 to vector<16xi32>
    %select_n3A_1985 = arith.select %eq3A_1983, %broadcast_in_dim3A_1984, %select_n3A_1977 : vector<16xi1>, vector<16xi32>
    %slice3A_1986 = vector.extract_strided_slice %add3A_1874 {offsets = [13], sizes = [1], strides = [1]} : vector<16xi32> to vector<1xi32>
    %squeeze3A_1987 = vector.extract %slice3A_1986[0] : i32 from vector<1xi32>
    %add3A_1988 = arith.addi %add3A_1980, %squeeze3A_1987 : i32
    %eq3A_1989 = arith.constant 14 : i32
    %eq3A_1990 = vector.broadcast %eq3A_1989 : i32 to vector<16xi32>
    %eq3A_1991 = arith.cmpi eq, %iota3A, %eq3A_1990 : vector<16xi32>
    %broadcast_in_dim3A_1992 = vector.broadcast %add3A_1988 : i32 to vector<16xi32>
    %select_n3A_1993 = arith.select %eq3A_1991, %broadcast_in_dim3A_1992, %select_n3A_1985 : vector<16xi1>, vector<16xi32>
    %slice3A_1994 = vector.extract_strided_slice %add3A_1874 {offsets = [14], sizes = [1], strides = [1]} : vector<16xi32> to vector<1xi32>
    %squeeze3A_1995 = vector.extract %slice3A_1994[0] : i32 from vector<1xi32>
    %add3A_1996 = arith.addi %add3A_1988, %squeeze3A_1995 : i32
    %eq3A_1997 = arith.constant 15 : i32
    %eq3A_1998 = vector.broadcast %eq3A_1997 : i32 to vector<16xi32>
    %eq3A_1999 = arith.cmpi eq, %iota3A, %eq3A_1998 : vector<16xi32>
    %broadcast_in_dim3A_2000 = vector.broadcast %add3A_1996 : i32 to vector<16xi32>
    %select_n3A_2001 = arith.select %eq3A_1999, %broadcast_in_dim3A_2000, %select_n3A_1993 : vector<16xi1>, vector<16xi32>
    %slice3A_2002 = vector.extract_strided_slice %add3A_1874 {offsets = [15], sizes = [1], strides = [1]} : vector<16xi32> to vector<1xi32>
    %squeeze3A_2003 = vector.extract %slice3A_2002[0] : i32 from vector<1xi32>
    %add3A_2004 = arith.addi %add3A_1996, %squeeze3A_2003 : i32
    %broadcast_in_dim3A_2005 = arith.constant 0 : i32
    %broadcast_in_dim3A_2006 = vector.broadcast %broadcast_in_dim3A_2005 : i32 to vector<16xi32>
    %while3A_2007 = arith.constant 0 : i32
    %while3A_2008 = arith.subi %arg1, %while3A_2007 : i32
    %while3A_2009 = arith.addi %while3A_2007, %while3A_2008 : i32
    %while3A_2010 = arith.constant 1 : i32
    %while3A_2011 = arith.divsi %while3A_2008, %while3A_2010 : i32
    %while3A_2012 = arith.muli %while3A_2011, %while3A_2010 : i32
    %while3A_2013 = arith.addi %while3A_2007, %while3A_2012 : i32
    %while3A_2014 = arith.constant 1 : i32
    %while3A_2015 = scf.for %while3A_2118 = %while3A_2007 to %while3A_2013 step %while3A_2014 iter_args(%while3A_2119 = %broadcast_in_dim3A_2006) -> (vector<16xi32>)  : i32 {
      %get3A_2120 = arith.index_cast %while3A_2118 : i32 to index
      %get3A_2121 = arith.constant 48 : index
      %get3A_2122 = tpu.vector_load %arg11[%get3A_2120, %get3A_2121] {strides = array<i32>} : memref<16x64xi32, #tpu.memory_space<vmem>>, vector<1x16xi32>,
      %get3A_2123 = vector.shape_cast %get3A_2122 : vector<1x16xi32> to vector<16xi32>
      %add3A_2124 = arith.addi %while3A_2119, %get3A_2123 : vector<16xi32>
      scf.yield %add3A_2124 : vector<16xi32>
    }
    %while3A_2016 = arith.constant 1 : i32
    %while3A_2017 = scf.for %while3A_2118 = %while3A_2013 to %while3A_2009 step %while3A_2016 iter_args(%while3A_2119 = %while3A_2015) -> (vector<16xi32>)  : i32 {
      %get3A_2120 = arith.index_cast %while3A_2118 : i32 to index
      %get3A_2121 = arith.constant 48 : index
      %get3A_2122 = tpu.vector_load %arg11[%get3A_2120, %get3A_2121] {strides = array<i32>} : memref<16x64xi32, #tpu.memory_space<vmem>>, vector<1x16xi32>,
      %get3A_2123 = vector.shape_cast %get3A_2122 : vector<1x16xi32> to vector<16xi32>
      %add3A_2124 = arith.addi %while3A_2119, %get3A_2123 : vector<16xi32>
      scf.yield %add3A_2124 : vector<16xi32>
    }
    %add3A_2018 = arith.addi %select_n3A_2001, %while3A_2017 : vector<16xi32>
    %swap3A_2019 = arith.constant 48 : index
    %swap3A_2020 = tpu.vector_load %arg12[%swap3A_2019] {strides = array<i32>} : memref<64xi32, #tpu.memory_space<vmem>>, vector<16xi32>,
    %swap3A_2021 = vector.shape_cast %swap3A_2020 : vector<16xi32> to vector<16xi32>
    %swap3A_2022 = vector.shape_cast %add3A_2018 : vector<16xi32> to vector<16xi32>
    tpu.vector_store %arg12[%swap3A_2019], %swap3A_2022 {strides = array<i32>} : memref<64xi32, #tpu.memory_space<vmem>>, vector<16xi32>,
    %slice3A_2023 = vector.extract_strided_slice %add3A_2018 {offsets = [0], sizes = [1], strides = [1]} : vector<16xi32> to vector<1xi32>
    %squeeze3A_2024 = vector.extract %slice3A_2023[0] : i32 from vector<1xi32>
    %swap3A_2025 = arith.constant 48 : i32
    %swap3A_2026 = arith.index_cast %swap3A_2025 : i32 to index
    %swap3A_2027 = memref.load %arg15[%swap3A_2026] : memref<64xi32, #tpu.memory_space<smem>>
    memref.store %squeeze3A_2024, %arg15[%swap3A_2026] : memref<64xi32, #tpu.memory_space<smem>>
    %slice3A_2028 = vector.extract_strided_slice %add3A_2018 {offsets = [1], sizes = [1], strides = [1]} : vector<16xi32> to vector<1xi32>
    %squeeze3A_2029 = vector.extract %slice3A_2028[0] : i32 from vector<1xi32>
    %swap3A_2030 = arith.constant 49 : i32
    %swap3A_2031 = arith.index_cast %swap3A_2030 : i32 to index
    %swap3A_2032 = memref.load %arg15[%swap3A_2031] : memref<64xi32, #tpu.memory_space<smem>>
    memref.store %squeeze3A_2029, %arg15[%swap3A_2031] : memref<64xi32, #tpu.memory_space<smem>>
    %slice3A_2033 = vector.extract_strided_slice %add3A_2018 {offsets = [2], sizes = [1], strides = [1]} : vector<16xi32> to vector<1xi32>
    %squeeze3A_2034 = vector.extract %slice3A_2033[0] : i32 from vector<1xi32>
    %swap3A_2035 = arith.constant 50 : i32
    %swap3A_2036 = arith.index_cast %swap3A_2035 : i32 to index
    %swap3A_2037 = memref.load %arg15[%swap3A_2036] : memref<64xi32, #tpu.memory_space<smem>>
    memref.store %squeeze3A_2034, %arg15[%swap3A_2036] : memref<64xi32, #tpu.memory_space<smem>>
    %slice3A_2038 = vector.extract_strided_slice %add3A_2018 {offsets = [3], sizes = [1], strides = [1]} : vector<16xi32> to vector<1xi32>
    %squeeze3A_2039 = vector.extract %slice3A_2038[0] : i32 from vector<1xi32>
    %swap3A_2040 = arith.constant 51 : i32
    %swap3A_2041 = arith.index_cast %swap3A_2040 : i32 to index
    %swap3A_2042 = memref.load %arg15[%swap3A_2041] : memref<64xi32, #tpu.memory_space<smem>>
    memref.store %squeeze3A_2039, %arg15[%swap3A_2041] : memref<64xi32, #tpu.memory_space<smem>>
    %slice3A_2043 = vector.extract_strided_slice %add3A_2018 {offsets = [4], sizes = [1], strides = [1]} : vector<16xi32> to vector<1xi32>
    %squeeze3A_2044 = vector.extract %slice3A_2043[0] : i32 from vector<1xi32>
    %swap3A_2045 = arith.constant 52 : i32
    %swap3A_2046 = arith.index_cast %swap3A_2045 : i32 to index
    %swap3A_2047 = memref.load %arg15[%swap3A_2046] : memref<64xi32, #tpu.memory_space<smem>>
    memref.store %squeeze3A_2044, %arg15[%swap3A_2046] : memref<64xi32, #tpu.memory_space<smem>>
    %slice3A_2048 = vector.extract_strided_slice %add3A_2018 {offsets = [5], sizes = [1], strides = [1]} : vector<16xi32> to vector<1xi32>
    %squeeze3A_2049 = vector.extract %slice3A_2048[0] : i32 from vector<1xi32>
    %swap3A_2050 = arith.constant 53 : i32
    %swap3A_2051 = arith.index_cast %swap3A_2050 : i32 to index
    %swap3A_2052 = memref.load %arg15[%swap3A_2051] : memref<64xi32, #tpu.memory_space<smem>>
    memref.store %squeeze3A_2049, %arg15[%swap3A_2051] : memref<64xi32, #tpu.memory_space<smem>>
    %slice3A_2053 = vector.extract_strided_slice %add3A_2018 {offsets = [6], sizes = [1], strides = [1]} : vector<16xi32> to vector<1xi32>
    %squeeze3A_2054 = vector.extract %slice3A_2053[0] : i32 from vector<1xi32>
    %swap3A_2055 = arith.constant 54 : i32
    %swap3A_2056 = arith.index_cast %swap3A_2055 : i32 to index
    %swap3A_2057 = memref.load %arg15[%swap3A_2056] : memref<64xi32, #tpu.memory_space<smem>>
    memref.store %squeeze3A_2054, %arg15[%swap3A_2056] : memref<64xi32, #tpu.memory_space<smem>>
    %slice3A_2058 = vector.extract_strided_slice %add3A_2018 {offsets = [7], sizes = [1], strides = [1]} : vector<16xi32> to vector<1xi32>
    %squeeze3A_2059 = vector.extract %slice3A_2058[0] : i32 from vector<1xi32>
    %swap3A_2060 = arith.constant 55 : i32
    %swap3A_2061 = arith.index_cast %swap3A_2060 : i32 to index
    %swap3A_2062 = memref.load %arg15[%swap3A_2061] : memref<64xi32, #tpu.memory_space<smem>>
    memref.store %squeeze3A_2059, %arg15[%swap3A_2061] : memref<64xi32, #tpu.memory_space<smem>>
    %slice3A_2063 = vector.extract_strided_slice %add3A_2018 {offsets = [8], sizes = [1], strides = [1]} : vector<16xi32> to vector<1xi32>
    %squeeze3A_2064 = vector.extract %slice3A_2063[0] : i32 from vector<1xi32>
    %swap3A_2065 = arith.constant 56 : i32
    %swap3A_2066 = arith.index_cast %swap3A_2065 : i32 to index
    %swap3A_2067 = memref.load %arg15[%swap3A_2066] : memref<64xi32, #tpu.memory_space<smem>>
    memref.store %squeeze3A_2064, %arg15[%swap3A_2066] : memref<64xi32, #tpu.memory_space<smem>>
    %slice3A_2068 = vector.extract_strided_slice %add3A_2018 {offsets = [9], sizes = [1], strides = [1]} : vector<16xi32> to vector<1xi32>
    %squeeze3A_2069 = vector.extract %slice3A_2068[0] : i32 from vector<1xi32>
    %swap3A_2070 = arith.constant 57 : i32
    %swap3A_2071 = arith.index_cast %swap3A_2070 : i32 to index
    %swap3A_2072 = memref.load %arg15[%swap3A_2071] : memref<64xi32, #tpu.memory_space<smem>>
    memref.store %squeeze3A_2069, %arg15[%swap3A_2071] : memref<64xi32, #tpu.memory_space<smem>>
    %slice3A_2073 = vector.extract_strided_slice %add3A_2018 {offsets = [10], sizes = [1], strides = [1]} : vector<16xi32> to vector<1xi32>
    %squeeze3A_2074 = vector.extract %slice3A_2073[0] : i32 from vector<1xi32>
    %swap3A_2075 = arith.constant 58 : i32
    %swap3A_2076 = arith.index_cast %swap3A_2075 : i32 to index
    %swap3A_2077 = memref.load %arg15[%swap3A_2076] : memref<64xi32, #tpu.memory_space<smem>>
    memref.store %squeeze3A_2074, %arg15[%swap3A_2076] : memref<64xi32, #tpu.memory_space<smem>>
    %slice3A_2078 = vector.extract_strided_slice %add3A_2018 {offsets = [11], sizes = [1], strides = [1]} : vector<16xi32> to vector<1xi32>
    %squeeze3A_2079 = vector.extract %slice3A_2078[0] : i32 from vector<1xi32>
    %swap3A_2080 = arith.constant 59 : i32
    %swap3A_2081 = arith.index_cast %swap3A_2080 : i32 to index
    %swap3A_2082 = memref.load %arg15[%swap3A_2081] : memref<64xi32, #tpu.memory_space<smem>>
    memref.store %squeeze3A_2079, %arg15[%swap3A_2081] : memref<64xi32, #tpu.memory_space<smem>>
    %slice3A_2083 = vector.extract_strided_slice %add3A_2018 {offsets = [12], sizes = [1], strides = [1]} : vector<16xi32> to vector<1xi32>
    %squeeze3A_2084 = vector.extract %slice3A_2083[0] : i32 from vector<1xi32>
    %swap3A_2085 = arith.constant 60 : i32
    %swap3A_2086 = arith.index_cast %swap3A_2085 : i32 to index
    %swap3A_2087 = memref.load %arg15[%swap3A_2086] : memref<64xi32, #tpu.memory_space<smem>>
    memref.store %squeeze3A_2084, %arg15[%swap3A_2086] : memref<64xi32, #tpu.memory_space<smem>>
    %slice3A_2088 = vector.extract_strided_slice %add3A_2018 {offsets = [13], sizes = [1], strides = [1]} : vector<16xi32> to vector<1xi32>
    %squeeze3A_2089 = vector.extract %slice3A_2088[0] : i32 from vector<1xi32>
    %swap3A_2090 = arith.constant 61 : i32
    %swap3A_2091 = arith.index_cast %swap3A_2090 : i32 to index
    %swap3A_2092 = memref.load %arg15[%swap3A_2091] : memref<64xi32, #tpu.memory_space<smem>>
    memref.store %squeeze3A_2089, %arg15[%swap3A_2091] : memref<64xi32, #tpu.memory_space<smem>>
    %slice3A_2093 = vector.extract_strided_slice %add3A_2018 {offsets = [14], sizes = [1], strides = [1]} : vector<16xi32> to vector<1xi32>
    %squeeze3A_2094 = vector.extract %slice3A_2093[0] : i32 from vector<1xi32>
    %swap3A_2095 = arith.constant 62 : i32
    %swap3A_2096 = arith.index_cast %swap3A_2095 : i32 to index
    %swap3A_2097 = memref.load %arg15[%swap3A_2096] : memref<64xi32, #tpu.memory_space<smem>>
    memref.store %squeeze3A_2094, %arg15[%swap3A_2096] : memref<64xi32, #tpu.memory_space<smem>>
    %slice3A_2098 = vector.extract_strided_slice %add3A_2018 {offsets = [15], sizes = [1], strides = [1]} : vector<16xi32> to vector<1xi32>
    %squeeze3A_2099 = vector.extract %slice3A_2098[0] : i32 from vector<1xi32>
    %swap3A_2100 = arith.constant 63 : i32
    %swap3A_2101 = arith.index_cast %swap3A_2100 : i32 to index
    %swap3A_2102 = memref.load %arg15[%swap3A_2101] : memref<64xi32, #tpu.memory_space<smem>>
    memref.store %squeeze3A_2099, %arg15[%swap3A_2101] : memref<64xi32, #tpu.memory_space<smem>>
    %eq3A_2103 = arith.constant 0 : i32
    %eq3A_2104 = arith.cmpi eq, %arg1, %eq3A_2103 : i32
    %convert_element_type3A_2105 = arith.extui %eq3A_2104 : i1 to i32
    %cond3A_2106 = arith.constant 0 : i32
    %cond3A_2107 = arith.cmpi ne, %convert_element_type3A_2105, %cond3A_2106 : i32
    scf.if %cond3A_2107 {
      "tpu.region"() ({
        %run_scoped3A = tpu.sem_alloc : memref<!tpu.dma_semaphore, #tpu.memory_space<semaphore_mem>>
        tpu.enqueue_dma source(%arg12 : memref<64xi32, #tpu.memory_space<vmem>>) target(%arg5 : memref<64xi32, #tpu.memory_space<hbm>>) target_semaphore(%run_scoped3A : memref<!tpu.dma_semaphore, #tpu.memory_space<semaphore_mem>>)
        tpu.wait_dma2 semaphore(%run_scoped3A : memref<!tpu.dma_semaphore, #tpu.memory_space<semaphore_mem>>) src(%arg12 : memref<64xi32, #tpu.memory_space<vmem>>) dst(%arg5 : memref<64xi32, #tpu.memory_space<hbm>>)
        tpu.yield
      }) : () -> ()
    } else {
    }
    %scan3A_2108 = arith.constant 0 : i32
    %scan3A_2109 = arith.constant 0 : i32
    %scan3A_2110 = arith.constant 20 : i32
    %scan3A_2111 = arith.addi %scan3A_2109, %scan3A_2110 : i32
    %scan3A_2112 = arith.constant 1 : i32
    scf.for %scan3A_2118 = %scan3A_2109 to %scan3A_2111 step %scan3A_2112  : i32 {
      %mul3A_2119 = arith.constant 16 : i32
      %mul3A_2120 = arith.muli %scan3A_2118, %mul3A_2119 : i32
      %get3A_2121 = arith.index_cast %mul3A_2120 : i32 to index
      %get3A_2122 = tpu.vector_load %arg8[%get3A_2121] {strides = array<i32>} : memref<320xi32, #tpu.memory_space<vmem>>, vector<16xi32>,
      %get3A_2123 = vector.shape_cast %get3A_2122 : vector<16xi32> to vector<16xi32>
      %broadcast_in_dim3A_2124 = arith.constant 0 : i32
      %broadcast_in_dim3A_2125 = vector.broadcast %broadcast_in_dim3A_2124 : i32 to vector<16xi32>
      %slice3A_2126 = vector.extract_strided_slice %get3A_2123 {offsets = [0], sizes = [1], strides = [1]} : vector<16xi32> to vector<1xi32>
      %squeeze3A_2127 = vector.extract %slice3A_2126[0] : i32 from vector<1xi32>
      %get3A_2128 = arith.index_cast %squeeze3A_2127 : i32 to index
      %get3A_2129 = memref.load %arg15[%get3A_2128] : memref<64xi32, #tpu.memory_space<smem>>
      %add3A_2130 = arith.constant 1 : i32
      %add3A_2131 = arith.addi %get3A_2129, %add3A_2130 : i32
      %swap3A_2132 = arith.index_cast %squeeze3A_2127 : i32 to index
      %swap3A_2133 = memref.load %arg15[%swap3A_2132] : memref<64xi32, #tpu.memory_space<smem>>
      memref.store %add3A_2131, %arg15[%swap3A_2132] : memref<64xi32, #tpu.memory_space<smem>>
      %eq3A_2134 = arith.constant 0 : i32
      %eq3A_2135 = vector.broadcast %eq3A_2134 : i32 to vector<16xi32>
      %eq3A_2136 = arith.cmpi eq, %iota3A, %eq3A_2135 : vector<16xi32>
      %broadcast_in_dim3A_2137 = vector.broadcast %get3A_2129 : i32 to vector<16xi32>
      %select_n3A_2138 = arith.select %eq3A_2136, %broadcast_in_dim3A_2137, %broadcast_in_dim3A_2125 : vector<16xi1>, vector<16xi32>
      %slice3A_2139 = vector.extract_strided_slice %get3A_2123 {offsets = [1], sizes = [1], strides = [1]} : vector<16xi32> to vector<1xi32>
      %squeeze3A_2140 = vector.extract %slice3A_2139[0] : i32 from vector<1xi32>
      %get3A_2141 = arith.index_cast %squeeze3A_2140 : i32 to index
      %get3A_2142 = memref.load %arg15[%get3A_2141] : memref<64xi32, #tpu.memory_space<smem>>
      %add3A_2143 = arith.constant 1 : i32
      %add3A_2144 = arith.addi %get3A_2142, %add3A_2143 : i32
      %swap3A_2145 = arith.index_cast %squeeze3A_2140 : i32 to index
      %swap3A_2146 = memref.load %arg15[%swap3A_2145] : memref<64xi32, #tpu.memory_space<smem>>
      memref.store %add3A_2144, %arg15[%swap3A_2145] : memref<64xi32, #tpu.memory_space<smem>>
      %eq3A_2147 = arith.constant 1 : i32
      %eq3A_2148 = vector.broadcast %eq3A_2147 : i32 to vector<16xi32>
      %eq3A_2149 = arith.cmpi eq, %iota3A, %eq3A_2148 : vector<16xi32>
      %broadcast_in_dim3A_2150 = vector.broadcast %get3A_2142 : i32 to vector<16xi32>
      %select_n3A_2151 = arith.select %eq3A_2149, %broadcast_in_dim3A_2150, %select_n3A_2138 : vector<16xi1>, vector<16xi32>
      %slice3A_2152 = vector.extract_strided_slice %get3A_2123 {offsets = [2], sizes = [1], strides = [1]} : vector<16xi32> to vector<1xi32>
      %squeeze3A_2153 = vector.extract %slice3A_2152[0] : i32 from vector<1xi32>
      %get3A_2154 = arith.index_cast %squeeze3A_2153 : i32 to index
      %get3A_2155 = memref.load %arg15[%get3A_2154] : memref<64xi32, #tpu.memory_space<smem>>
      %add3A_2156 = arith.constant 1 : i32
      %add3A_2157 = arith.addi %get3A_2155, %add3A_2156 : i32
      %swap3A_2158 = arith.index_cast %squeeze3A_2153 : i32 to index
      %swap3A_2159 = memref.load %arg15[%swap3A_2158] : memref<64xi32, #tpu.memory_space<smem>>
      memref.store %add3A_2157, %arg15[%swap3A_2158] : memref<64xi32, #tpu.memory_space<smem>>
      %eq3A_2160 = arith.constant 2 : i32
      %eq3A_2161 = vector.broadcast %eq3A_2160 : i32 to vector<16xi32>
      %eq3A_2162 = arith.cmpi eq, %iota3A, %eq3A_2161 : vector<16xi32>
      %broadcast_in_dim3A_2163 = vector.broadcast %get3A_2155 : i32 to vector<16xi32>
      %select_n3A_2164 = arith.select %eq3A_2162, %broadcast_in_dim3A_2163, %select_n3A_2151 : vector<16xi1>, vector<16xi32>
      %slice3A_2165 = vector.extract_strided_slice %get3A_2123 {offsets = [3], sizes = [1], strides = [1]} : vector<16xi32> to vector<1xi32>
      %squeeze3A_2166 = vector.extract %slice3A_2165[0] : i32 from vector<1xi32>
      %get3A_2167 = arith.index_cast %squeeze3A_2166 : i32 to index
      %get3A_2168 = memref.load %arg15[%get3A_2167] : memref<64xi32, #tpu.memory_space<smem>>
      %add3A_2169 = arith.constant 1 : i32
      %add3A_2170 = arith.addi %get3A_2168, %add3A_2169 : i32
      %swap3A_2171 = arith.index_cast %squeeze3A_2166 : i32 to index
      %swap3A_2172 = memref.load %arg15[%swap3A_2171] : memref<64xi32, #tpu.memory_space<smem>>
      memref.store %add3A_2170, %arg15[%swap3A_2171] : memref<64xi32, #tpu.memory_space<smem>>
      %eq3A_2173 = arith.constant 3 : i32
      %eq3A_2174 = vector.broadcast %eq3A_2173 : i32 to vector<16xi32>
      %eq3A_2175 = arith.cmpi eq, %iota3A, %eq3A_2174 : vector<16xi32>
      %broadcast_in_dim3A_2176 = vector.broadcast %get3A_2168 : i32 to vector<16xi32>
      %select_n3A_2177 = arith.select %eq3A_2175, %broadcast_in_dim3A_2176, %select_n3A_2164 : vector<16xi1>, vector<16xi32>
      %slice3A_2178 = vector.extract_strided_slice %get3A_2123 {offsets = [4], sizes = [1], strides = [1]} : vector<16xi32> to vector<1xi32>
      %squeeze3A_2179 = vector.extract %slice3A_2178[0] : i32 from vector<1xi32>
      %get3A_2180 = arith.index_cast %squeeze3A_2179 : i32 to index
      %get3A_2181 = memref.load %arg15[%get3A_2180] : memref<64xi32, #tpu.memory_space<smem>>
      %add3A_2182 = arith.constant 1 : i32
      %add3A_2183 = arith.addi %get3A_2181, %add3A_2182 : i32
      %swap3A_2184 = arith.index_cast %squeeze3A_2179 : i32 to index
      %swap3A_2185 = memref.load %arg15[%swap3A_2184] : memref<64xi32, #tpu.memory_space<smem>>
      memref.store %add3A_2183, %arg15[%swap3A_2184] : memref<64xi32, #tpu.memory_space<smem>>
      %eq3A_2186 = arith.constant 4 : i32
      %eq3A_2187 = vector.broadcast %eq3A_2186 : i32 to vector<16xi32>
      %eq3A_2188 = arith.cmpi eq, %iota3A, %eq3A_2187 : vector<16xi32>
      %broadcast_in_dim3A_2189 = vector.broadcast %get3A_2181 : i32 to vector<16xi32>
      %select_n3A_2190 = arith.select %eq3A_2188, %broadcast_in_dim3A_2189, %select_n3A_2177 : vector<16xi1>, vector<16xi32>
      %slice3A_2191 = vector.extract_strided_slice %get3A_2123 {offsets = [5], sizes = [1], strides = [1]} : vector<16xi32> to vector<1xi32>
      %squeeze3A_2192 = vector.extract %slice3A_2191[0] : i32 from vector<1xi32>
      %get3A_2193 = arith.index_cast %squeeze3A_2192 : i32 to index
      %get3A_2194 = memref.load %arg15[%get3A_2193] : memref<64xi32, #tpu.memory_space<smem>>
      %add3A_2195 = arith.constant 1 : i32
      %add3A_2196 = arith.addi %get3A_2194, %add3A_2195 : i32
      %swap3A_2197 = arith.index_cast %squeeze3A_2192 : i32 to index
      %swap3A_2198 = memref.load %arg15[%swap3A_2197] : memref<64xi32, #tpu.memory_space<smem>>
      memref.store %add3A_2196, %arg15[%swap3A_2197] : memref<64xi32, #tpu.memory_space<smem>>
      %eq3A_2199 = arith.constant 5 : i32
      %eq3A_2200 = vector.broadcast %eq3A_2199 : i32 to vector<16xi32>
      %eq3A_2201 = arith.cmpi eq, %iota3A, %eq3A_2200 : vector<16xi32>
      %broadcast_in_dim3A_2202 = vector.broadcast %get3A_2194 : i32 to vector<16xi32>
      %select_n3A_2203 = arith.select %eq3A_2201, %broadcast_in_dim3A_2202, %select_n3A_2190 : vector<16xi1>, vector<16xi32>
      %slice3A_2204 = vector.extract_strided_slice %get3A_2123 {offsets = [6], sizes = [1], strides = [1]} : vector<16xi32> to vector<1xi32>
      %squeeze3A_2205 = vector.extract %slice3A_2204[0] : i32 from vector<1xi32>
      %get3A_2206 = arith.index_cast %squeeze3A_2205 : i32 to index
      %get3A_2207 = memref.load %arg15[%get3A_2206] : memref<64xi32, #tpu.memory_space<smem>>
      %add3A_2208 = arith.constant 1 : i32
      %add3A_2209 = arith.addi %get3A_2207, %add3A_2208 : i32
      %swap3A_2210 = arith.index_cast %squeeze3A_2205 : i32 to index
      %swap3A_2211 = memref.load %arg15[%swap3A_2210] : memref<64xi32, #tpu.memory_space<smem>>
      memref.store %add3A_2209, %arg15[%swap3A_2210] : memref<64xi32, #tpu.memory_space<smem>>
      %eq3A_2212 = arith.constant 6 : i32
      %eq3A_2213 = vector.broadcast %eq3A_2212 : i32 to vector<16xi32>
      %eq3A_2214 = arith.cmpi eq, %iota3A, %eq3A_2213 : vector<16xi32>
      %broadcast_in_dim3A_2215 = vector.broadcast %get3A_2207 : i32 to vector<16xi32>
      %select_n3A_2216 = arith.select %eq3A_2214, %broadcast_in_dim3A_2215, %select_n3A_2203 : vector<16xi1>, vector<16xi32>
      %slice3A_2217 = vector.extract_strided_slice %get3A_2123 {offsets = [7], sizes = [1], strides = [1]} : vector<16xi32> to vector<1xi32>
      %squeeze3A_2218 = vector.extract %slice3A_2217[0] : i32 from vector<1xi32>
      %get3A_2219 = arith.index_cast %squeeze3A_2218 : i32 to index
      %get3A_2220 = memref.load %arg15[%get3A_2219] : memref<64xi32, #tpu.memory_space<smem>>
      %add3A_2221 = arith.constant 1 : i32
      %add3A_2222 = arith.addi %get3A_2220, %add3A_2221 : i32
      %swap3A_2223 = arith.index_cast %squeeze3A_2218 : i32 to index
      %swap3A_2224 = memref.load %arg15[%swap3A_2223] : memref<64xi32, #tpu.memory_space<smem>>
      memref.store %add3A_2222, %arg15[%swap3A_2223] : memref<64xi32, #tpu.memory_space<smem>>
      %eq3A_2225 = arith.constant 7 : i32
      %eq3A_2226 = vector.broadcast %eq3A_2225 : i32 to vector<16xi32>
      %eq3A_2227 = arith.cmpi eq, %iota3A, %eq3A_2226 : vector<16xi32>
      %broadcast_in_dim3A_2228 = vector.broadcast %get3A_2220 : i32 to vector<16xi32>
      %select_n3A_2229 = arith.select %eq3A_2227, %broadcast_in_dim3A_2228, %select_n3A_2216 : vector<16xi1>, vector<16xi32>
      %slice3A_2230 = vector.extract_strided_slice %get3A_2123 {offsets = [8], sizes = [1], strides = [1]} : vector<16xi32> to vector<1xi32>
      %squeeze3A_2231 = vector.extract %slice3A_2230[0] : i32 from vector<1xi32>
      %get3A_2232 = arith.index_cast %squeeze3A_2231 : i32 to index
      %get3A_2233 = memref.load %arg15[%get3A_2232] : memref<64xi32, #tpu.memory_space<smem>>
      %add3A_2234 = arith.constant 1 : i32
      %add3A_2235 = arith.addi %get3A_2233, %add3A_2234 : i32
      %swap3A_2236 = arith.index_cast %squeeze3A_2231 : i32 to index
      %swap3A_2237 = memref.load %arg15[%swap3A_2236] : memref<64xi32, #tpu.memory_space<smem>>
      memref.store %add3A_2235, %arg15[%swap3A_2236] : memref<64xi32, #tpu.memory_space<smem>>
      %eq3A_2238 = arith.constant 8 : i32
      %eq3A_2239 = vector.broadcast %eq3A_2238 : i32 to vector<16xi32>
      %eq3A_2240 = arith.cmpi eq, %iota3A, %eq3A_2239 : vector<16xi32>
      %broadcast_in_dim3A_2241 = vector.broadcast %get3A_2233 : i32 to vector<16xi32>
      %select_n3A_2242 = arith.select %eq3A_2240, %broadcast_in_dim3A_2241, %select_n3A_2229 : vector<16xi1>, vector<16xi32>
      %slice3A_2243 = vector.extract_strided_slice %get3A_2123 {offsets = [9], sizes = [1], strides = [1]} : vector<16xi32> to vector<1xi32>
      %squeeze3A_2244 = vector.extract %slice3A_2243[0] : i32 from vector<1xi32>
      %get3A_2245 = arith.index_cast %squeeze3A_2244 : i32 to index
      %get3A_2246 = memref.load %arg15[%get3A_2245] : memref<64xi32, #tpu.memory_space<smem>>
      %add3A_2247 = arith.constant 1 : i32
      %add3A_2248 = arith.addi %get3A_2246, %add3A_2247 : i32
      %swap3A_2249 = arith.index_cast %squeeze3A_2244 : i32 to index
      %swap3A_2250 = memref.load %arg15[%swap3A_2249] : memref<64xi32, #tpu.memory_space<smem>>
      memref.store %add3A_2248, %arg15[%swap3A_2249] : memref<64xi32, #tpu.memory_space<smem>>
      %eq3A_2251 = arith.constant 9 : i32
      %eq3A_2252 = vector.broadcast %eq3A_2251 : i32 to vector<16xi32>
      %eq3A_2253 = arith.cmpi eq, %iota3A, %eq3A_2252 : vector<16xi32>
      %broadcast_in_dim3A_2254 = vector.broadcast %get3A_2246 : i32 to vector<16xi32>
      %select_n3A_2255 = arith.select %eq3A_2253, %broadcast_in_dim3A_2254, %select_n3A_2242 : vector<16xi1>, vector<16xi32>
      %slice3A_2256 = vector.extract_strided_slice %get3A_2123 {offsets = [10], sizes = [1], strides = [1]} : vector<16xi32> to vector<1xi32>
      %squeeze3A_2257 = vector.extract %slice3A_2256[0] : i32 from vector<1xi32>
      %get3A_2258 = arith.index_cast %squeeze3A_2257 : i32 to index
      %get3A_2259 = memref.load %arg15[%get3A_2258] : memref<64xi32, #tpu.memory_space<smem>>
      %add3A_2260 = arith.constant 1 : i32
      %add3A_2261 = arith.addi %get3A_2259, %add3A_2260 : i32
      %swap3A_2262 = arith.index_cast %squeeze3A_2257 : i32 to index
      %swap3A_2263 = memref.load %arg15[%swap3A_2262] : memref<64xi32, #tpu.memory_space<smem>>
      memref.store %add3A_2261, %arg15[%swap3A_2262] : memref<64xi32, #tpu.memory_space<smem>>
      %eq3A_2264 = arith.constant 10 : i32
      %eq3A_2265 = vector.broadcast %eq3A_2264 : i32 to vector<16xi32>
      %eq3A_2266 = arith.cmpi eq, %iota3A, %eq3A_2265 : vector<16xi32>
      %broadcast_in_dim3A_2267 = vector.broadcast %get3A_2259 : i32 to vector<16xi32>
      %select_n3A_2268 = arith.select %eq3A_2266, %broadcast_in_dim3A_2267, %select_n3A_2255 : vector<16xi1>, vector<16xi32>
      %slice3A_2269 = vector.extract_strided_slice %get3A_2123 {offsets = [11], sizes = [1], strides = [1]} : vector<16xi32> to vector<1xi32>
      %squeeze3A_2270 = vector.extract %slice3A_2269[0] : i32 from vector<1xi32>
      %get3A_2271 = arith.index_cast %squeeze3A_2270 : i32 to index
      %get3A_2272 = memref.load %arg15[%get3A_2271] : memref<64xi32, #tpu.memory_space<smem>>
      %add3A_2273 = arith.constant 1 : i32
      %add3A_2274 = arith.addi %get3A_2272, %add3A_2273 : i32
      %swap3A_2275 = arith.index_cast %squeeze3A_2270 : i32 to index
      %swap3A_2276 = memref.load %arg15[%swap3A_2275] : memref<64xi32, #tpu.memory_space<smem>>
      memref.store %add3A_2274, %arg15[%swap3A_2275] : memref<64xi32, #tpu.memory_space<smem>>
      %eq3A_2277 = arith.constant 11 : i32
      %eq3A_2278 = vector.broadcast %eq3A_2277 : i32 to vector<16xi32>
      %eq3A_2279 = arith.cmpi eq, %iota3A, %eq3A_2278 : vector<16xi32>
      %broadcast_in_dim3A_2280 = vector.broadcast %get3A_2272 : i32 to vector<16xi32>
      %select_n3A_2281 = arith.select %eq3A_2279, %broadcast_in_dim3A_2280, %select_n3A_2268 : vector<16xi1>, vector<16xi32>
      %slice3A_2282 = vector.extract_strided_slice %get3A_2123 {offsets = [12], sizes = [1], strides = [1]} : vector<16xi32> to vector<1xi32>
      %squeeze3A_2283 = vector.extract %slice3A_2282[0] : i32 from vector<1xi32>
      %get3A_2284 = arith.index_cast %squeeze3A_2283 : i32 to index
      %get3A_2285 = memref.load %arg15[%get3A_2284] : memref<64xi32, #tpu.memory_space<smem>>
      %add3A_2286 = arith.constant 1 : i32
      %add3A_2287 = arith.addi %get3A_2285, %add3A_2286 : i32
      %swap3A_2288 = arith.index_cast %squeeze3A_2283 : i32 to index
      %swap3A_2289 = memref.load %arg15[%swap3A_2288] : memref<64xi32, #tpu.memory_space<smem>>
      memref.store %add3A_2287, %arg15[%swap3A_2288] : memref<64xi32, #tpu.memory_space<smem>>
      %eq3A_2290 = arith.constant 12 : i32
      %eq3A_2291 = vector.broadcast %eq3A_2290 : i32 to vector<16xi32>
      %eq3A_2292 = arith.cmpi eq, %iota3A, %eq3A_2291 : vector<16xi32>
      %broadcast_in_dim3A_2293 = vector.broadcast %get3A_2285 : i32 to vector<16xi32>
      %select_n3A_2294 = arith.select %eq3A_2292, %broadcast_in_dim3A_2293, %select_n3A_2281 : vector<16xi1>, vector<16xi32>
      %slice3A_2295 = vector.extract_strided_slice %get3A_2123 {offsets = [13], sizes = [1], strides = [1]} : vector<16xi32> to vector<1xi32>
      %squeeze3A_2296 = vector.extract %slice3A_2295[0] : i32 from vector<1xi32>
      %get3A_2297 = arith.index_cast %squeeze3A_2296 : i32 to index
      %get3A_2298 = memref.load %arg15[%get3A_2297] : memref<64xi32, #tpu.memory_space<smem>>
      %add3A_2299 = arith.constant 1 : i32
      %add3A_2300 = arith.addi %get3A_2298, %add3A_2299 : i32
      %swap3A_2301 = arith.index_cast %squeeze3A_2296 : i32 to index
      %swap3A_2302 = memref.load %arg15[%swap3A_2301] : memref<64xi32, #tpu.memory_space<smem>>
      memref.store %add3A_2300, %arg15[%swap3A_2301] : memref<64xi32, #tpu.memory_space<smem>>
      %eq3A_2303 = arith.constant 13 : i32
      %eq3A_2304 = vector.broadcast %eq3A_2303 : i32 to vector<16xi32>
      %eq3A_2305 = arith.cmpi eq, %iota3A, %eq3A_2304 : vector<16xi32>
      %broadcast_in_dim3A_2306 = vector.broadcast %get3A_2298 : i32 to vector<16xi32>
      %select_n3A_2307 = arith.select %eq3A_2305, %broadcast_in_dim3A_2306, %select_n3A_2294 : vector<16xi1>, vector<16xi32>
      %slice3A_2308 = vector.extract_strided_slice %get3A_2123 {offsets = [14], sizes = [1], strides = [1]} : vector<16xi32> to vector<1xi32>
      %squeeze3A_2309 = vector.extract %slice3A_2308[0] : i32 from vector<1xi32>
      %get3A_2310 = arith.index_cast %squeeze3A_2309 : i32 to index
      %get3A_2311 = memref.load %arg15[%get3A_2310] : memref<64xi32, #tpu.memory_space<smem>>
      %add3A_2312 = arith.constant 1 : i32
      %add3A_2313 = arith.addi %get3A_2311, %add3A_2312 : i32
      %swap3A_2314 = arith.index_cast %squeeze3A_2309 : i32 to index
      %swap3A_2315 = memref.load %arg15[%swap3A_2314] : memref<64xi32, #tpu.memory_space<smem>>
      memref.store %add3A_2313, %arg15[%swap3A_2314] : memref<64xi32, #tpu.memory_space<smem>>
      %eq3A_2316 = arith.constant 14 : i32
      %eq3A_2317 = vector.broadcast %eq3A_2316 : i32 to vector<16xi32>
      %eq3A_2318 = arith.cmpi eq, %iota3A, %eq3A_2317 : vector<16xi32>
      %broadcast_in_dim3A_2319 = vector.broadcast %get3A_2311 : i32 to vector<16xi32>
      %select_n3A_2320 = arith.select %eq3A_2318, %broadcast_in_dim3A_2319, %select_n3A_2307 : vector<16xi1>, vector<16xi32>
      %slice3A_2321 = vector.extract_strided_slice %get3A_2123 {offsets = [15], sizes = [1], strides = [1]} : vector<16xi32> to vector<1xi32>
      %squeeze3A_2322 = vector.extract %slice3A_2321[0] : i32 from vector<1xi32>
      %get3A_2323 = arith.index_cast %squeeze3A_2322 : i32 to index
      %get3A_2324 = memref.load %arg15[%get3A_2323] : memref<64xi32, #tpu.memory_space<smem>>
      %add3A_2325 = arith.constant 1 : i32
      %add3A_2326 = arith.addi %get3A_2324, %add3A_2325 : i32
      %swap3A_2327 = arith.index_cast %squeeze3A_2322 : i32 to index
      %swap3A_2328 = memref.load %arg15[%swap3A_2327] : memref<64xi32, #tpu.memory_space<smem>>
      memref.store %add3A_2326, %arg15[%swap3A_2327] : memref<64xi32, #tpu.memory_space<smem>>
      %eq3A_2329 = arith.constant 15 : i32
      %eq3A_2330 = vector.broadcast %eq3A_2329 : i32 to vector<16xi32>
      %eq3A_2331 = arith.cmpi eq, %iota3A, %eq3A_2330 : vector<16xi32>
      %broadcast_in_dim3A_2332 = vector.broadcast %get3A_2324 : i32 to vector<16xi32>
      %select_n3A_2333 = arith.select %eq3A_2331, %broadcast_in_dim3A_2332, %select_n3A_2320 : vector<16xi1>, vector<16xi32>
      %mul3A_2334 = arith.constant 16 : i32
      %mul3A_2335 = arith.muli %scan3A_2118, %mul3A_2334 : i32
      %swap3A_2336 = arith.index_cast %mul3A_2335 : i32 to index
      %swap3A_2337 = tpu.vector_load %arg9[%swap3A_2336] {strides = array<i32>} : memref<320xi32, #tpu.memory_space<vmem>>, vector<16xi32>,
      %swap3A_2338 = vector.shape_cast %swap3A_2337 : vector<16xi32> to vector<16xi32>
      %swap3A_2339 = vector.shape_cast %select_n3A_2333 : vector<16xi32> to vector<16xi32>
      tpu.vector_store %arg9[%swap3A_2336], %swap3A_2339 {strides = array<i32>} : memref<320xi32, #tpu.memory_space<vmem>>, vector<16xi32>,
    }
    %scan3A_2113 = arith.constant 20 : i32
    %dma_start3A = arith.constant 0 : i32
    %dma_start3A_2114 = arith.constant 0 : i32
    %dma_start3A_2115 = tpu.memref_slice %arg4[%dma_start3A, %dma_start3A_2114] : memref<5632x128xf32, #tpu.memory_space<hbm>> -> memref<5632x128xf32, #tpu.memory_space<hbm>>
    tpu.enqueue_indirect_dma source(%arg7 : memref<320x128xf32, #tpu.memory_space<vmem>>) target(%dma_start3A_2115 : memref<5632x128xf32, #tpu.memory_space<hbm>>) offsets(%arg9 : memref<320xi32, #tpu.memory_space<vmem>>) semaphore(%arg16 : memref<!tpu.dma_semaphore, #tpu.memory_space<semaphore_mem>>)
    %dma_wait3A = arith.constant 0 : i32
    %dma_wait3A_2116 = arith.constant 0 : i32
    %dma_wait3A_2117 = tpu.memref_slice %arg4[%dma_wait3A, %dma_wait3A_2116] : memref<5632x128xf32, #tpu.memory_space<hbm>> -> memref<5632x128xf32, #tpu.memory_space<hbm>>
    tpu.wait_indirect_dma semaphore(%arg16 : memref<!tpu.dma_semaphore, #tpu.memory_space<semaphore_mem>>) src(%arg7 : memref<320x128xf32, #tpu.memory_space<vmem>>) dst(%dma_wait3A_2117 : memref<5632x128xf32, #tpu.memory_space<hbm>>)
    return
  }
}

module attributes {stable_mosaic.version = 14 : i64} {
  func.func @_nms_decay_body(%arg0: i32, %arg1: memref<10xi32, #tpu.memory_space<smem>>, %arg2: memref<10xi32, #tpu.memory_space<smem>>, %arg3: memref<5632x128xf32, #tpu.memory_space<vmem>>, %arg4: memref<512x1xf32, #tpu.memory_space<vmem>>) attributes {dimension_semantics = [#tpu.dimension_semantics<arbitrary>], iteration_bounds = array<i64: 10>, scalar_prefetch = 0 : i64, scratch_operands = 0 : i64, tpu.core_type = #tpu.core_type<tc>, window_params = [{transform_indices = @transform_0, window_bounds = array<i64: 10>}, {transform_indices = @transform_1, window_bounds = array<i64: 10>}, {pipeline_mode = #tpu.pipeline_mode<synchronous>, transform_indices = @transform_2, window_bounds = array<i64: 5632, 128>}, {transform_indices = @transform_3, window_bounds = array<i64: 512, 1>}]} {
    %get3A = arith.index_cast %arg0 : i32 to index
    %get3A_0 = memref.load %arg1[%get3A] : memref<10xi32, #tpu.memory_space<smem>>
    %get3A_1 = arith.index_cast %arg0 : i32 to index
    %get3A_2 = memref.load %arg2[%get3A_1] : memref<10xi32, #tpu.memory_space<smem>>
    %mul3A = arith.constant 512 : i32
    %mul3A_3 = arith.muli %arg0, %mul3A : i32
    %multiple_of3A = tpu.assume_multiple %mul3A_3, 512 : i32
    %get3A_4 = arith.index_cast %multiple_of3A : i32 to index
    %get3A_5 = arith.constant 0 : index
    %get3A_6 = vector.load %arg3[%get3A_4, %get3A_5] : memref<5632x128xf32, #tpu.memory_space<vmem>>, vector<512x128xf32>
    %slice3A = vector.extract_strided_slice %get3A_6 {offsets = [0, 0], sizes = [512, 1], strides = [1, 1]} : vector<512x128xf32> to vector<512x1xf32>
    %slice3A_7 = vector.extract_strided_slice %get3A_6 {offsets = [0, 1], sizes = [512, 1], strides = [1, 1]} : vector<512x128xf32> to vector<512x1xf32>
    %slice3A_8 = vector.extract_strided_slice %get3A_6 {offsets = [0, 2], sizes = [512, 1], strides = [1, 1]} : vector<512x128xf32> to vector<512x1xf32>
    %slice3A_9 = vector.extract_strided_slice %get3A_6 {offsets = [0, 3], sizes = [512, 1], strides = [1, 1]} : vector<512x128xf32> to vector<512x1xf32>
    %slice3A_10 = vector.extract_strided_slice %get3A_6 {offsets = [0, 4], sizes = [512, 1], strides = [1, 1]} : vector<512x128xf32> to vector<512x1xf32>
    %sub3A = arith.subf %slice3A_8, %slice3A : vector<512x1xf32>
    %sub3A_11 = arith.subf %slice3A_9, %slice3A_7 : vector<512x1xf32>
    %mul3A_12 = arith.mulf %sub3A, %sub3A_11 : vector<512x1xf32>
    %broadcast_in_dim3A = arith.constant 1.000000e+00 : f32
    %broadcast_in_dim3A_13 = vector.broadcast %broadcast_in_dim3A : f32 to vector<512x512xf32>
    %while3A = arith.constant 0 : i32
    %while3A_14 = arith.subi %get3A_2, %while3A : i32
    %while3A_15 = arith.addi %while3A, %while3A_14 : i32
    %while3A_16 = arith.constant 1 : i32
    %while3A_17 = arith.divsi %while3A_14, %while3A_16 : i32
    %while3A_18 = arith.muli %while3A_17, %while3A_16 : i32
    %while3A_19 = arith.addi %while3A, %while3A_18 : i32
    %while3A_20 = arith.constant 1 : i32
    %while3A_21 = scf.for %while3A_54 = %while3A to %while3A_19 step %while3A_20 iter_args(%while3A_55 = %broadcast_in_dim3A_13) -> (vector<512x512xf32>)  : i32 {
      %mul3A_56 = arith.constant 512 : i32
      %mul3A_57 = arith.muli %while3A_54, %mul3A_56 : i32
      %add3A = arith.addi %get3A_0, %mul3A_57 : i32
      %multiple_of3A_58 = tpu.assume_multiple %add3A, 128 : i32
      %get3A_59 = arith.index_cast %multiple_of3A_58 : i32 to index
      %get3A_60 = arith.constant 0 : index
      %get3A_61 = vector.load %arg3[%get3A_59, %get3A_60] : memref<5632x128xf32, #tpu.memory_space<vmem>>, vector<512x128xf32>
      %slice3A_62 = vector.extract_strided_slice %get3A_61 {offsets = [0, 0], sizes = [512, 1], strides = [1, 1]} : vector<512x128xf32> to vector<512x1xf32>
      %reshape3A = vector.shape_cast %slice3A_62 : vector<512x1xf32> to vector<1x512xf32>
      %slice3A_63 = vector.extract_strided_slice %get3A_61 {offsets = [0, 1], sizes = [512, 1], strides = [1, 1]} : vector<512x128xf32> to vector<512x1xf32>
      %reshape3A_64 = vector.shape_cast %slice3A_63 : vector<512x1xf32> to vector<1x512xf32>
      %slice3A_65 = vector.extract_strided_slice %get3A_61 {offsets = [0, 2], sizes = [512, 1], strides = [1, 1]} : vector<512x128xf32> to vector<512x1xf32>
      %reshape3A_66 = vector.shape_cast %slice3A_65 : vector<512x1xf32> to vector<1x512xf32>
      %slice3A_67 = vector.extract_strided_slice %get3A_61 {offsets = [0, 3], sizes = [512, 1], strides = [1, 1]} : vector<512x128xf32> to vector<512x1xf32>
      %reshape3A_68 = vector.shape_cast %slice3A_67 : vector<512x1xf32> to vector<1x512xf32>
      %slice3A_69 = vector.extract_strided_slice %get3A_61 {offsets = [0, 4], sizes = [512, 1], strides = [1, 1]} : vector<512x128xf32> to vector<512x1xf32>
      %reshape3A_70 = vector.shape_cast %slice3A_69 : vector<512x1xf32> to vector<1x512xf32>
      %sub3A_71 = arith.subf %reshape3A_66, %reshape3A : vector<1x512xf32>
      %sub3A_72 = arith.subf %reshape3A_68, %reshape3A_64 : vector<1x512xf32>
      %mul3A_73 = arith.mulf %sub3A_71, %sub3A_72 : vector<1x512xf32>
      %min3A = vector.broadcast %slice3A_8 : vector<512x1xf32> to vector<512x512xf32>
      %min3A_74 = vector.broadcast %reshape3A_66 : vector<1x512xf32> to vector<512x512xf32>
      %min3A_75 = arith.minimumf %min3A, %min3A_74 : vector<512x512xf32>
      %max3A = vector.broadcast %slice3A : vector<512x1xf32> to vector<512x512xf32>
      %max3A_76 = vector.broadcast %reshape3A : vector<1x512xf32> to vector<512x512xf32>
      %max3A_77 = arith.maximumf %max3A, %max3A_76 : vector<512x512xf32>
      %sub3A_78 = arith.subf %min3A_75, %max3A_77 : vector<512x512xf32>
      %max3A_79 = arith.constant 0.000000e+00 : f32
      %max3A_80 = vector.broadcast %max3A_79 : f32 to vector<512x512xf32>
      %max3A_81 = arith.maximumf %sub3A_78, %max3A_80 : vector<512x512xf32>
      %min3A_82 = vector.broadcast %slice3A_9 : vector<512x1xf32> to vector<512x512xf32>
      %min3A_83 = vector.broadcast %reshape3A_68 : vector<1x512xf32> to vector<512x512xf32>
      %min3A_84 = arith.minimumf %min3A_82, %min3A_83 : vector<512x512xf32>
      %max3A_85 = vector.broadcast %slice3A_7 : vector<512x1xf32> to vector<512x512xf32>
      %max3A_86 = vector.broadcast %reshape3A_64 : vector<1x512xf32> to vector<512x512xf32>
      %max3A_87 = arith.maximumf %max3A_85, %max3A_86 : vector<512x512xf32>
      %sub3A_88 = arith.subf %min3A_84, %max3A_87 : vector<512x512xf32>
      %max3A_89 = arith.constant 0.000000e+00 : f32
      %max3A_90 = vector.broadcast %max3A_89 : f32 to vector<512x512xf32>
      %max3A_91 = arith.maximumf %sub3A_88, %max3A_90 : vector<512x512xf32>
      %mul3A_92 = arith.mulf %max3A_81, %max3A_91 : vector<512x512xf32>
      %add3A_93 = vector.broadcast %mul3A_12 : vector<512x1xf32> to vector<512x512xf32>
      %add3A_94 = vector.broadcast %mul3A_73 : vector<1x512xf32> to vector<512x512xf32>
      %add3A_95 = arith.addf %add3A_93, %add3A_94 : vector<512x512xf32>
      %sub3A_96 = arith.subf %add3A_95, %mul3A_92 : vector<512x512xf32>
      %div3A = arith.divf %mul3A_92, %sub3A_96 : vector<512x512xf32>
      %gt3A = arith.constant 4.000000e-01 : f32
      %gt3A_97 = vector.broadcast %gt3A : f32 to vector<512x512xf32>
      %gt3A_98 = arith.cmpf ogt, %div3A, %gt3A_97 : vector<512x512xf32>
      %gt3A_99 = vector.broadcast %reshape3A_70 : vector<1x512xf32> to vector<512x512xf32>
      %gt3A_100 = vector.broadcast %slice3A_10 : vector<512x1xf32> to vector<512x512xf32>
      %gt3A_101 = arith.cmpf ogt, %gt3A_99, %gt3A_100 : vector<512x512xf32>
      %and3A = arith.andi %gt3A_98, %gt3A_101 : vector<512x512xi1>
      %sub3A_102 = arith.constant 1.000000e+00 : f32
      %sub3A_103 = vector.broadcast %sub3A_102 : f32 to vector<512x512xf32>
      %sub3A_104 = arith.subf %sub3A_103, %div3A : vector<512x512xf32>
      %jit3A = arith.constant 1.000000e+00 : f32
      %broadcast_in_dim3A_105 = vector.broadcast %jit3A : f32 to vector<512x512xf32>
      %select_n3A = arith.select %and3A, %sub3A_104, %broadcast_in_dim3A_105 : vector<512x512xi1>, vector<512x512xf32>
      %mul3A_106 = arith.mulf %while3A_55, %select_n3A : vector<512x512xf32>
      scf.yield %mul3A_106 : vector<512x512xf32>
    }
    %while3A_22 = arith.constant 1 : i32
    %while3A_23 = scf.for %while3A_54 = %while3A_19 to %while3A_15 step %while3A_22 iter_args(%while3A_55 = %while3A_21) -> (vector<512x512xf32>)  : i32 {
      %mul3A_56 = arith.constant 512 : i32
      %mul3A_57 = arith.muli %while3A_54, %mul3A_56 : i32
      %add3A = arith.addi %get3A_0, %mul3A_57 : i32
      %multiple_of3A_58 = tpu.assume_multiple %add3A, 128 : i32
      %get3A_59 = arith.index_cast %multiple_of3A_58 : i32 to index
      %get3A_60 = arith.constant 0 : index
      %get3A_61 = vector.load %arg3[%get3A_59, %get3A_60] : memref<5632x128xf32, #tpu.memory_space<vmem>>, vector<512x128xf32>
      %slice3A_62 = vector.extract_strided_slice %get3A_61 {offsets = [0, 0], sizes = [512, 1], strides = [1, 1]} : vector<512x128xf32> to vector<512x1xf32>
      %reshape3A = vector.shape_cast %slice3A_62 : vector<512x1xf32> to vector<1x512xf32>
      %slice3A_63 = vector.extract_strided_slice %get3A_61 {offsets = [0, 1], sizes = [512, 1], strides = [1, 1]} : vector<512x128xf32> to vector<512x1xf32>
      %reshape3A_64 = vector.shape_cast %slice3A_63 : vector<512x1xf32> to vector<1x512xf32>
      %slice3A_65 = vector.extract_strided_slice %get3A_61 {offsets = [0, 2], sizes = [512, 1], strides = [1, 1]} : vector<512x128xf32> to vector<512x1xf32>
      %reshape3A_66 = vector.shape_cast %slice3A_65 : vector<512x1xf32> to vector<1x512xf32>
      %slice3A_67 = vector.extract_strided_slice %get3A_61 {offsets = [0, 3], sizes = [512, 1], strides = [1, 1]} : vector<512x128xf32> to vector<512x1xf32>
      %reshape3A_68 = vector.shape_cast %slice3A_67 : vector<512x1xf32> to vector<1x512xf32>
      %slice3A_69 = vector.extract_strided_slice %get3A_61 {offsets = [0, 4], sizes = [512, 1], strides = [1, 1]} : vector<512x128xf32> to vector<512x1xf32>
      %reshape3A_70 = vector.shape_cast %slice3A_69 : vector<512x1xf32> to vector<1x512xf32>
      %sub3A_71 = arith.subf %reshape3A_66, %reshape3A : vector<1x512xf32>
      %sub3A_72 = arith.subf %reshape3A_68, %reshape3A_64 : vector<1x512xf32>
      %mul3A_73 = arith.mulf %sub3A_71, %sub3A_72 : vector<1x512xf32>
      %min3A = vector.broadcast %slice3A_8 : vector<512x1xf32> to vector<512x512xf32>
      %min3A_74 = vector.broadcast %reshape3A_66 : vector<1x512xf32> to vector<512x512xf32>
      %min3A_75 = arith.minimumf %min3A, %min3A_74 : vector<512x512xf32>
      %max3A = vector.broadcast %slice3A : vector<512x1xf32> to vector<512x512xf32>
      %max3A_76 = vector.broadcast %reshape3A : vector<1x512xf32> to vector<512x512xf32>
      %max3A_77 = arith.maximumf %max3A, %max3A_76 : vector<512x512xf32>
      %sub3A_78 = arith.subf %min3A_75, %max3A_77 : vector<512x512xf32>
      %max3A_79 = arith.constant 0.000000e+00 : f32
      %max3A_80 = vector.broadcast %max3A_79 : f32 to vector<512x512xf32>
      %max3A_81 = arith.maximumf %sub3A_78, %max3A_80 : vector<512x512xf32>
      %min3A_82 = vector.broadcast %slice3A_9 : vector<512x1xf32> to vector<512x512xf32>
      %min3A_83 = vector.broadcast %reshape3A_68 : vector<1x512xf32> to vector<512x512xf32>
      %min3A_84 = arith.minimumf %min3A_82, %min3A_83 : vector<512x512xf32>
      %max3A_85 = vector.broadcast %slice3A_7 : vector<512x1xf32> to vector<512x512xf32>
      %max3A_86 = vector.broadcast %reshape3A_64 : vector<1x512xf32> to vector<512x512xf32>
      %max3A_87 = arith.maximumf %max3A_85, %max3A_86 : vector<512x512xf32>
      %sub3A_88 = arith.subf %min3A_84, %max3A_87 : vector<512x512xf32>
      %max3A_89 = arith.constant 0.000000e+00 : f32
      %max3A_90 = vector.broadcast %max3A_89 : f32 to vector<512x512xf32>
      %max3A_91 = arith.maximumf %sub3A_88, %max3A_90 : vector<512x512xf32>
      %mul3A_92 = arith.mulf %max3A_81, %max3A_91 : vector<512x512xf32>
      %add3A_93 = vector.broadcast %mul3A_12 : vector<512x1xf32> to vector<512x512xf32>
      %add3A_94 = vector.broadcast %mul3A_73 : vector<1x512xf32> to vector<512x512xf32>
      %add3A_95 = arith.addf %add3A_93, %add3A_94 : vector<512x512xf32>
      %sub3A_96 = arith.subf %add3A_95, %mul3A_92 : vector<512x512xf32>
      %div3A = arith.divf %mul3A_92, %sub3A_96 : vector<512x512xf32>
      %gt3A = arith.constant 4.000000e-01 : f32
      %gt3A_97 = vector.broadcast %gt3A : f32 to vector<512x512xf32>
      %gt3A_98 = arith.cmpf ogt, %div3A, %gt3A_97 : vector<512x512xf32>
      %gt3A_99 = vector.broadcast %reshape3A_70 : vector<1x512xf32> to vector<512x512xf32>
      %gt3A_100 = vector.broadcast %slice3A_10 : vector<512x1xf32> to vector<512x512xf32>
      %gt3A_101 = arith.cmpf ogt, %gt3A_99, %gt3A_100 : vector<512x512xf32>
      %and3A = arith.andi %gt3A_98, %gt3A_101 : vector<512x512xi1>
      %sub3A_102 = arith.constant 1.000000e+00 : f32
      %sub3A_103 = vector.broadcast %sub3A_102 : f32 to vector<512x512xf32>
      %sub3A_104 = arith.subf %sub3A_103, %div3A : vector<512x512xf32>
      %jit3A = arith.constant 1.000000e+00 : f32
      %broadcast_in_dim3A_105 = vector.broadcast %jit3A : f32 to vector<512x512xf32>
      %select_n3A = arith.select %and3A, %sub3A_104, %broadcast_in_dim3A_105 : vector<512x512xi1>, vector<512x512xf32>
      %mul3A_106 = arith.mulf %while3A_55, %select_n3A : vector<512x512xf32>
      scf.yield %mul3A_106 : vector<512x512xf32>
    }
    %slice3A_24 = vector.extract_strided_slice %while3A_23 {offsets = [0, 0], sizes = [512, 256], strides = [1, 1]} : vector<512x512xf32> to vector<512x256xf32>
    %slice3A_25 = vector.extract_strided_slice %while3A_23 {offsets = [0, 256], sizes = [512, 256], strides = [1, 1]} : vector<512x512xf32> to vector<512x256xf32>
    %mul3A_26 = arith.mulf %slice3A_24, %slice3A_25 : vector<512x256xf32>
    %slice3A_27 = vector.extract_strided_slice %mul3A_26 {offsets = [0, 0], sizes = [512, 128], strides = [1, 1]} : vector<512x256xf32> to vector<512x128xf32>
    %slice3A_28 = vector.extract_strided_slice %mul3A_26 {offsets = [0, 128], sizes = [512, 128], strides = [1, 1]} : vector<512x256xf32> to vector<512x128xf32>
    %mul3A_29 = arith.mulf %slice3A_27, %slice3A_28 : vector<512x128xf32>
    %slice3A_30 = vector.extract_strided_slice %mul3A_29 {offsets = [0, 0], sizes = [512, 64], strides = [1, 1]} : vector<512x128xf32> to vector<512x64xf32>
    %slice3A_31 = vector.extract_strided_slice %mul3A_29 {offsets = [0, 64], sizes = [512, 64], strides = [1, 1]} : vector<512x128xf32> to vector<512x64xf32>
    %mul3A_32 = arith.mulf %slice3A_30, %slice3A_31 : vector<512x64xf32>
    %slice3A_33 = vector.extract_strided_slice %mul3A_32 {offsets = [0, 0], sizes = [512, 32], strides = [1, 1]} : vector<512x64xf32> to vector<512x32xf32>
    %slice3A_34 = vector.extract_strided_slice %mul3A_32 {offsets = [0, 32], sizes = [512, 32], strides = [1, 1]} : vector<512x64xf32> to vector<512x32xf32>
    %mul3A_35 = arith.mulf %slice3A_33, %slice3A_34 : vector<512x32xf32>
    %slice3A_36 = vector.extract_strided_slice %mul3A_35 {offsets = [0, 0], sizes = [512, 16], strides = [1, 1]} : vector<512x32xf32> to vector<512x16xf32>
    %slice3A_37 = vector.extract_strided_slice %mul3A_35 {offsets = [0, 16], sizes = [512, 16], strides = [1, 1]} : vector<512x32xf32> to vector<512x16xf32>
    %mul3A_38 = arith.mulf %slice3A_36, %slice3A_37 : vector<512x16xf32>
    %slice3A_39 = vector.extract_strided_slice %mul3A_38 {offsets = [0, 0], sizes = [512, 8], strides = [1, 1]} : vector<512x16xf32> to vector<512x8xf32>
    %slice3A_40 = vector.extract_strided_slice %mul3A_38 {offsets = [0, 8], sizes = [512, 8], strides = [1, 1]} : vector<512x16xf32> to vector<512x8xf32>
    %mul3A_41 = arith.mulf %slice3A_39, %slice3A_40 : vector<512x8xf32>
    %slice3A_42 = vector.extract_strided_slice %mul3A_41 {offsets = [0, 0], sizes = [512, 4], strides = [1, 1]} : vector<512x8xf32> to vector<512x4xf32>
    %slice3A_43 = vector.extract_strided_slice %mul3A_41 {offsets = [0, 4], sizes = [512, 4], strides = [1, 1]} : vector<512x8xf32> to vector<512x4xf32>
    %mul3A_44 = arith.mulf %slice3A_42, %slice3A_43 : vector<512x4xf32>
    %slice3A_45 = vector.extract_strided_slice %mul3A_44 {offsets = [0, 0], sizes = [512, 2], strides = [1, 1]} : vector<512x4xf32> to vector<512x2xf32>
    %slice3A_46 = vector.extract_strided_slice %mul3A_44 {offsets = [0, 2], sizes = [512, 2], strides = [1, 1]} : vector<512x4xf32> to vector<512x2xf32>
    %mul3A_47 = arith.mulf %slice3A_45, %slice3A_46 : vector<512x2xf32>
    %slice3A_48 = vector.extract_strided_slice %mul3A_47 {offsets = [0, 0], sizes = [512, 1], strides = [1, 1]} : vector<512x2xf32> to vector<512x1xf32>
    %slice3A_49 = vector.extract_strided_slice %mul3A_47 {offsets = [0, 1], sizes = [512, 1], strides = [1, 1]} : vector<512x2xf32> to vector<512x1xf32>
    %mul3A_50 = arith.mulf %slice3A_48, %slice3A_49 : vector<512x1xf32>
    %mul3A_51 = arith.mulf %slice3A_10, %mul3A_50 : vector<512x1xf32>
    %swap3A = arith.constant 0 : index
    %swap3A_52 = arith.constant 0 : index
    %swap3A_53 = vector.load %arg4[%swap3A, %swap3A_52] : memref<512x1xf32, #tpu.memory_space<vmem>>, vector<512x1xf32>
    tpu.vector_store %arg4[%swap3A, %swap3A_52], %mul3A_51 {strides = array<i32>} : memref<512x1xf32, #tpu.memory_space<vmem>>, vector<512x1xf32>,
    return
  }
  func.func @transform_0(%arg0: i32) -> i32 {
    %c0_i32 = arith.constant 0 : i32
    %c0_i32_0 = arith.constant 0 : i32
    return %c0_i32 : i32
  }
  func.func @transform_1(%arg0: i32) -> i32 {
    %c0_i32 = arith.constant 0 : i32
    %c0_i32_0 = arith.constant 0 : i32
    return %c0_i32 : i32
  }
  func.func @transform_2(%arg0: i32) -> (i32, i32) {
    %c0_i32 = arith.constant 0 : i32
    %c0_i32_0 = arith.constant 0 : i32
    %c0_i32_1 = arith.constant 0 : i32
    return %c0_i32, %c0_i32_0 : i32, i32
  }
  func.func @transform_3(%arg0: i32) -> (i32, i32) {
    %c0_i32 = arith.constant 0 : i32
    %c0_i32_0 = arith.constant 0 : i32
    return %arg0, %c0_i32 : i32, i32
  }
}

</mosaic_0001>

<sc_bundles>
// kernel: kernel.4.cloned.1.call-start
scs
__scs_entry_jumppad:
0x0: {  	(pc) =	sbr.rel $0x88, $3  }
0x1: {  	(tag) =	ssettag $0x0;
	lr =	simm.s32 $0x1  }
0x2: {  	[smem:$0x3F9F] =	sst lr;
	_ =	strace $0xD0000000  }
0x3: {  	_ = 	snop  }
0x4: {  	_ = 	snop  }
0x5: {  	_ = 	snop  }
0x6: {  	_ = 	snop  }
0x7: {  	_ = 	snop  }
__scs_overlays_trampoline_lowered:
0x8: {  	[smem:$0x3FAE] =	sst s0  }
0x9: {  	[smem:$0x3FAF] =	sst s1  }
0xa: {  	[smem:$0x3FB0] =	sst s2  }
0xb: {  	[smem:$0x3FB1] =	sst s3  }
0xc: {  	[smem:$0x3FB2] =	sst s4  }
0xd: {  	[smem:$0x3FB3] =	sst s5  }
0xe: {  	[smem:$0x3FB4] =	sst s6  }
0xf: {  	[smem:$0x3FB5] =	sst s7  }
0x10: {  	[smem:$0x3FB6] =	sst s8  }
0x11: {  	[smem:$0x3FB7] =	sst s9;
	s0 =	simm.s32 @!p0 $0x0  }
0x12: {  	s1 =	sld [smem:$0x3F9D];
	s0 =	simm.s32 @p0 $0x1  }
0x13: {  	[smem:$0x3FB8] =	sst s0;
	s0 =	simm.s32 @!p1 $0x0  }
0x14: {  	s2 =	sld [smem:$0x3F9C];
	s0 =	simm.s32 @p1 $0x1  }
0x15: {  	[smem:$0x3FB9] =	sst s0;
	s0 =	simm.s32 @!p2 $0x0  }
0x16: {  	s3 =	sld [smem:$0x3FDB];
	s0 =	simm.s32 @p2 $0x1  }
0x17: {  	s4 =	simm.s32 $0x1BF5;
	[smem:$0x3FBB] =	sst s0  }
0x18: {  	s0 =	sld [smem:$0x3F9E];
	_ =	swait.ge [sflag:s4], $0x0  }
0x19: {  	s7 =	sld [smem:$0x3F9F]  }
0x1a: {  	s8 =	sadd.s32 $0xFFFFE003, lr  }
0x1b: {  	s9 =	sadd.s32 $0xFFFFFEF7, lr;
	s5 =	simm.s32 $0xFFFFFFFF;
	p2 =	slt.u32 s8, $0xFFFFF086  }
0x1c: {  	p1 =	slt.u32 s9, $0xF7A;
	s5 =	simm.s32 @!p2 $0x0  }
0x1d: {  	s5 =	simm.s32 @p1 $0x1;
	p0 =	seq.s32 s7, s2  }
0x1e: {  	s7 =	smul.u32 @!p0 $0xF7A, s2;
	p2 =	seq.s32 @!p0 s5, $0x0  }
0x1f: {  	s9 =	smul.u32 $0xF7A, s1;
	s8 =	simm.s32 @!p0 $0x1BF5;
	p2 =	por !p2, p0  }
0x20: {  	[sflag:s8] =	ssyncset.s32 @!p0 $0xFFFFF086;
	s6 =	sadd.s32 @!p0 s3, s7;
	s7 =	simm.s32 @!p0 $0x108  }
0x21: {  	s3 =	sadd.s32 s3, s9;
	s6 =	sadd.s32 @!p0 $0x88, s6;
	s7 =	simm.s32 @p2 $0x1082  }
0x22: {  	[simem:s7], [sflag:s8] =	dma.local @!p0 [hbm:s6], $0xF7A  }
0x23: {  	s9 =	sor.u32 $0xD0000000, s2;
	s6 =	simm.s32 $0x108;
	_ =	swait.ge @!p0 [sflag:s8], $0x0  }
0x24: {  	s3 =	sadd.s32 $0x88, s3;
	s6 =	simm.s32 @!p1 $0x1082;
	[sflag:s4] =	ssyncset.s32 $0xFFFFF086  }
0x25: {  	[simem:s6], [sflag:s4] =	dma.local [hbm:s3], $0xF7A  }
0x26: {  	[smem:$0x3F9F] =	sst s1;
	(tag) =	ssettag s2;
	_ =	strace s9  }
0x27: {  	s1 =	sld [smem:$0x3FAF]  }
0x28: {  	s2 =	sld [smem:$0x3FB0]  }
0x29: {  	s4 =	sld [smem:$0x3FB2]  }
0x2a: {  	p0 =	seq.s32 s5, $0x0;
	s5 =	sld [smem:$0x3FB3]  }
0x2b: {  	s6 =	sld [smem:$0x3FB4]  }
0x2c: {  	s7 =	sld [smem:$0x3FB5]  }
0x2d: {  	s3 =	simm.s32 $0x108;
	s8 =	sld [smem:$0x3FB6]  }
0x2e: {  	s3 =	simm.s32 @!p0 $0x1082;
	s9 =	sld [smem:$0x3FB7]  }
0x2f: {  	lr =	sadd.s32 s0, s3;
	s0 =	sld [smem:$0x3FAE]  }
0x30: {  	s3 =	sld [smem:$0x3FB1]  }
0x31: {  	[smem:$0x3FBA] =	sst s10  }
0x32: {  	s10 =	sld [smem:$0x3FB8];
	_ =	sdelay $0x3  }
0x33: {  	p0 =	seq.s32 s10, $0x1;
	s10 =	sld [smem:$0x3FBA];
	_ =	sdelay $0x3  }
0x34: {  	[smem:$0x3FBA] =	sst s10  }
0x35: {  	s10 =	sld [smem:$0x3FB9];
	_ =	sdelay $0x3  }
0x36: {  	p1 =	seq.s32 s10, $0x1;
	s10 =	sld [smem:$0x3FBA];
	_ =	sdelay $0x3  }
0x37: {  	[smem:$0x3FBA] =	sst s10  }
0x38: {  	s10 =	sld [smem:$0x3FBB]  }
0x39: {  	_ = 	snop;
	(pc) =	sbr.ind lr, $3  }
0x3a: {  	_ = 	snop  }
0x3b: {  	_ = 	snop  }
0x3c: {  	p2 =	seq.s32 s10, $0x1;
	s10 =	sld [smem:$0x3FBA]  }
0x3d: {  	_ =	shalt  }
0x3e: {  	_ =	shalt  }
0x3f: {  	_ =	shalt  }
0x40: {  	_ =	shalt  }
0x41: {  	_ =	shalt  }
0x42: {  	_ =	shalt  }
0x43: {  	_ =	shalt  }
0x44: {  	_ =	shalt  }
0x45: {  	_ =	shalt  }
0x46: {  	_ =	shalt  }
0x47: {  	_ =	shalt  }
0x48: {  	_ =	shalt  }
0x49: {  	_ =	shalt  }
0x4a: {  	_ =	shalt  }
0x4b: {  	_ =	shalt  }
0x4c: {  	_ =	shalt  }
0x4d: {  	_ =	shalt  }
0x4e: {  	_ =	shalt  }
0x4f: {  	_ =	shalt  }
0x50: {  	_ =	shalt  }
0x51: {  	_ =	shalt  }
0x52: {  	_ =	shalt  }
0x53: {  	_ =	shalt  }
0x54: {  	_ =	shalt  }
0x55: {  	_ =	shalt  }
0x56: {  	_ =	shalt  }
0x57: {  	_ =	shalt  }
0x58: {  	_ =	shalt  }
0x59: {  	_ =	shalt  }
0x5a: {  	_ =	shalt  }
0x5b: {  	_ =	shalt  }
0x5c: {  	_ =	shalt  }
0x5d: {  	_ =	shalt  }
0x5e: {  	_ =	shalt  }
0x5f: {  	_ =	shalt  }
0x60: {  	_ =	shalt  }
0x61: {  	_ =	shalt  }
0x62: {  	_ =	shalt  }
0x63: {  	_ =	shalt  }
0x64: {  	_ =	shalt  }
0x65: {  	_ =	shalt  }
0x66: {  	_ =	shalt  }
0x67: {  	_ =	shalt  }
0x68: {  	_ =	shalt  }
0x69: {  	_ =	shalt  }
0x6a: {  	_ =	shalt  }
0x6b: {  	_ =	shalt  }
0x6c: {  	_ =	shalt  }
0x6d: {  	_ =	shalt  }
0x6e: {  	_ =	shalt  }
0x6f: {  	_ =	shalt  }
0x70: {  	_ =	shalt  }
0x71: {  	_ =	shalt  }
0x72: {  	_ =	shalt  }
0x73: {  	_ =	shalt  }
0x74: {  	_ =	shalt  }
0x75: {  	_ =	shalt  }
0x76: {  	_ =	shalt  }
0x77: {  	_ =	shalt  }
0x78: {  	_ =	shalt  }
0x79: {  	_ =	shalt  }
0x7a: {  	_ =	shalt  }
0x7b: {  	_ =	shalt  }
0x7c: {  	_ =	shalt  }
0x7d: {  	_ =	shalt  }
0x7e: {  	_ =	shalt  }
0x7f: {  	_ =	shalt  }
0x80: {  	_ =	shalt  }
0x81: {  	_ =	shalt  }
0x82: {  	_ =	shalt  }
0x83: {  	_ =	shalt  }
0x84: {  	_ =	shalt  }
0x85: {  	_ =	shalt  }
0x86: {  	_ =	shalt  }
0x87: {  	_ =	shalt  }
.Lfunc_end0:
.L_simem_size_0:
called_computation_lowered:
.L_overlay_start_0:
0x88: {  	s0 =	sld [smem:$0x3FD9]  }
0x89: {  	s1 =	sld [smem:$0x3FFE];
	_ =	sdelay $0x3  }
0x8a: {  	s0 =	sadd.s32 s1, s0  }
0x8b: {  	[smem:$0x3FC6] =	sst s0  }
0x8c: {  	_ = 	snop  }
0x8d: {  	s0 =	sld [smem:$0x3FD0];
	(tm) =	ssettm $0x1  }
0x8e: {  	s16 =	sld [smem:$0x3FFB];
	_ =	sdelay $0x3  }
0x8f: {  	_ =	strace s16  }
0x90: {  	s1 =	sld [smem:$0x3FFC];
	_ =	sdelay $0x3  }
0x91: {  	_ =	strace s1  }
0x92: {  	s1 =	sld [smem:$0x3FFD];
	_ =	sdelay $0x3  }
0x93: {  	_ =	strace s1  }
0x94: {  	_ =	strace $0x8FFFFFFF  }
0x95: {  	s17 =	sld [smem:$0x3FDB];
	_ =	sdelay $0x1  }
0x96: {  	s2 =	simm.s32 $_scs_section_size  }
0x97: {  	s3 =	simm.s32 $_size__tile_overlayer_lowered;
	s4 =	simm.s32 $_tile_overlayer_lowered  }
0x98: {  	s20 =	simm.s32 $0x1BFF;
	s19 =	sshll.u32 s4, $0x1;
	s1 =	sadd.s32 s2, s17  }
0x99: {  	s5 =	simm.s32 $0x0;
	s18 =	sshll.u32 s3, $0x1;
	s3 =	sadd.s32 s19, s1  }
0x9a: {  	[timem:s5], [sflag:s20] =	dma.local [hbm:s3], s18  }
0x9b: {  	_ =	swait.ge [sflag:s20], s18  }
0x9c: {  	s2 =	ssub.s32 $0x0, s18;
	[sflag:s20] =	ssyncset.done $0x0  }
0x9d: {  	[sflag:s20] =	ssyncadd.s32 s2;
	_ =	sdelay $0x1  }
0x9e: {  	s21 =	simm.s32 $0x1B8B  }
0x9f: {  	_ =	swait.ge [sflag:s21], $0x1  }
0xa0: {  	[sflag:s21] =	ssyncset.done $0x0  }
0xa1: {  	s23 =	simm.s32 $0x1B8E;
	s22 =	sld [smem:$0x3FFE];
	[sflag:s21] =	ssyncadd.s32 $0xFFFFFFFF  }
0xa2: {  	s24 =	simm.s32 $execute0_lowered;
	[smem:$0x3FD2] =	sst s23  }
0xa3: {  	s3 =	sshll.u32 s24, $0x1;
	_ =	strace $0x80000046;
	[dreg:$0x1] =	wrdreg $0xFFFFFFFF  }
0xa4: {  	s25 =	simm.s32 $_size_execute0_lowered;
	s1 =	sadd.s32 s1, s3;
	[dreg:$0x0] =	wrdreg $0x0  }
0xa5: {  	s3 =	sshll.u32 s25, $0x1;
	[dreg:$0x2] =	wrdreg s1  }
0xa6: {  	[dreg:$0x3] =	wrdreg s3  }
0xa7: {  	[dreg:$0x4] =	wrdreg $0xC0  }
0xa8: {  	_ =	task [dreg:s5], $0x5FFFF  }
0xa9: {  	[dreg:$0x1] =	wrdreg $0xFFFFFFFF  }
0xaa: {  	[dreg:$0x0] =	wrdreg $0x60  }
0xab: {  	[dreg:$0x2] =	wrdreg s22  }
0xac: {  	[dreg:$0x3] =	wrdreg s0  }
0xad: {  	[dreg:$0x4] =	wrdreg $0x9  }
0xae: {  	_ =	task.clear_ibuf [dreg:s5], $0x5FFFF;
	_ =	strace $0x90000046  }
0xaf: {  	s26 =	simm.s32 $0x9;
	_ =	strace $0x80000048  }
0xb0: {  	_ =	swait.ge [sflag:s26], $0x1  }
0xb1: {  	[sflag:s26] =	ssyncadd.s32 $0xFFFFFFFF  }
0xb2: {  	_ =	strace $0x90000048  }
0xb3: {  	_ =	sfence  }
0xb4: {  	s28 =	sld [smem:$0x0];
	_ =	sdelay $0x1  }
0xb5: {  	s29 =	srdreg.scid  }
0xb6: {  	s30 =	sshll.u32 s29, $0xD;
	s31 =	sshrl.u32 s29, $0x2  }
0xb7: {  	s2 =	sand.u32 $0x4000, s30;
	s1 =	sand.u32 $0x1, s29;
	s0 =	sadd.s32 s31, s28  }
0xb8: {  	s1 =	sor.u32 s2, s1;
	s0 =	sshll.u32 s0, $0x11  }
0xb9: {  	s0 =	sor.u32 s0, s1  }
0xba: {  	s0 =	sadd.s32 $0x8F2B, s0  }
0xbb: {  	[sflag:s0] =	ssyncadd.remote.s32 $0x1  }
0xbc: {  	_ =	sfence.sel $0xFFFF  }
0xbd: {  	[dreg:$0x0] =	wrdreg $0xFFFFFFFF;
	(pc) =	sbr.abs _section_cstart, $3  }
0xbe: {  	[dreg:$0x1] =	wrdreg $0xFFFFFFFF  }
0xbf: {  	_ =	task.clear_ibuf [dreg:s5], $0x2FFFF;
	_ =	strace $0x9FFFFFFF  }
0xc0: {  	(tm) =	ssettm $0x7FFFFFFF  }
0xc1: {  	_ =	shalt  }
tec
execute0_lowered:
.L_overlay_start_1:
0x0: {  	(tag) =	ssettag $0x1  }
0x1: {  	s0 =	rddreg [dreg:$0x0];
	s3 =	stileid.u32  }
0x2: {  	s1 =	rddreg [dreg:$0x1];
	s2 =	simm.s32 $0x0;
	s4 =	smul.u32 $0x1400, s3  }
0x3: {  	[smem:$0x7FF] =	sst s2  }
0x4: {  	s5 =	simm.s32 $0x2;
	_ =	strace $0x80000047;
	s4 =	sadd.s32 s0, s4  }
0x5: {  	[tilespmem:s2], [sflag:$0x2] =	stream.linear.gather [hbm4b:s4+s2], $0xA000, $0x38;
	[tilespmem:$0xEC00] =	vst v63  }
0x6: {  	s29 =	smul.u32 $0x28, s3;
	_ =	swait.ge [sflag:s5], $0xA000  }
0x7: {  	[sflag:s5] =	ssyncset.done $0x0  }
0x8: {  	s30 =	simm.s32 $0xA000;
	s1 =	sadd.s32 s1, s29;
	[sflag:s5] =	ssyncadd.s32 $0xFFFF6000  }
0x9: {  	[tilespmem:s30], [sflag:$0x2] =	stream.linear.gather [hbm4b:s1+s2], $0x140, $0x38;
	[tilespmem:$0xEC00] =	vst v63  }
0xa: {  	s31 =	sadd.s32 $0x14200, s0;
	s4 =	sadd.s32 $0x14000, s0;
	_ =	swait.ge [sflag:s5], $0x140  }
0xb: {  	s1 =	sadd.s32 $0x14400, s0;
	s0 =	simm.s32 $0x0;
	[sflag:s5] =	ssyncset.done $0x0  }
0xc: {  	v0 =	vimm.f32 $1.000000020e+30;
	s2 =	simm.s32 $0x200;
	[dreg:$0x4] =	wrdreg s31;
	[sflag:s5] =	ssyncadd.s32 $0xFFFFFEC0  }
.LBB2_1:
0xd: {  	p0 =	sne.s32 s2, $0xFE00;
	[tilespmem:s0+$0xAC70] =	vst v0  }
0xe: {  	[tilespmem:s0+$0xAC00] =	vst v0  }
0xf: {  	[tilespmem:s0+$0xAC10] =	vst v0  }
.Ltmp0:
0x10: {  	[tilespmem:s0+$0xAC20] =	vst v0;
	(pc) =	sbr.rel @p0 .LBB2_1-.Ltmp0, $4  }
0x11: {  	[tilespmem:s0+$0xAC30] =	vst v0  }
0x12: {  	[tilespmem:s0+$0xAC40] =	vst v0  }
0x13: {  	[tilespmem:s0+$0xAC50] =	vst v0  }
0x14: {  	[tilespmem:s0+$0xAC60] =	vst v0;
	s0 =	sshra.s32 s2, $0x2;
	s2 =	sadd.s32 $0x200, s2  }
0x15: {  	[tilespmem:s0+$0xAC70] =	vst v0  }
0x16: {  	[tilespmem:s0+$0xAC00] =	vst v0  }
0x17: {  	[tilespmem:s0+$0xAC10] =	vst v0  }
0x18: {  	[tilespmem:s0+$0xAC20] =	vst v0  }
0x19: {  	[tilespmem:s0+$0xAC30] =	vst v0  }
0x1a: {  	[tilespmem:s0+$0xAC40] =	vst v0;
	s3 =	stileid.u32  }
0x1b: {  	[tilespmem:s0+$0xAC50] =	vst v0;
	p0 =	sne.s32 s3, $0x0  }
0x1c: {  	[tilespmem:s0+$0xAC60] =	vst v0;
	s0 =	sadd.s32 @!p0 $0x14000, s1;
	s2 =	simm.s32 @!p0 $0x0;
	s5 =	simm.s32 @!p0 $0xAC00  }
0x1d: {  	[hbm4b:s0+s2] =	stream.linear.scatter @!p0 [tilespmem:s5], [sflag:$0x2], $0x4000, $0x38;
	[tilespmem:$0xEC00] =	vst v63  }
0x1e: {  	s0 =	simm.s32 @!p0 $0x2  }
0x1f: {  	_ =	swait.ge @!p0 [sflag:s0], $0x4000  }
0x20: {  	[sflag:s0] =	ssyncset.done @!p0 $0x0  }
0x21: {  	s6 =	sadd.s32 @!p0 $0x14800, s1;
	[sflag:s0] =	ssyncadd.s32 @!p0 $0xFFFFC000  }
0x22: {  	[hbm4b:s6+s2] =	stream.linear.scatter @!p0 [tilespmem:s5], [sflag:$0x2], $0x4000, $0x38;
	[tilespmem:$0xEC00] =	vst v63  }
0x23: {  	_ =	swait.ge @!p0 [sflag:s0], $0x4000  }
0x24: {  	[sflag:s0] =	ssyncset.done @!p0 $0x0  }
0x25: {  	s6 =	sadd.s32 @!p0 $0x15000, s1;
	[sflag:s0] =	ssyncadd.s32 @!p0 $0xFFFFC000  }
0x26: {  	[hbm4b:s6+s2] =	stream.linear.scatter @!p0 [tilespmem:s5], [sflag:$0x2], $0x4000, $0x38;
	[tilespmem:$0xEC00] =	vst v63  }
0x27: {  	_ =	swait.ge @!p0 [sflag:s0], $0x4000  }
0x28: {  	[sflag:s0] =	ssyncset.done @!p0 $0x0  }
0x29: {  	s6 =	sadd.s32 @!p0 $0x15800, s1;
	[dreg:$0x3] =	wrdreg s1;
	[sflag:s0] =	ssyncadd.s32 @!p0 $0xFFFFC000  }
0x2a: {  	[hbm4b:s6+s2] =	stream.linear.scatter @!p0 [tilespmem:s5], [sflag:$0x2], $0x4000, $0x38;
	[tilespmem:$0xEC00] =	vst v63  }
0x2b: {  	_ =	swait.ge @!p0 [sflag:s0], $0x4000  }
0x2c: {  	[sflag:s0] =	ssyncset.done @!p0 $0x0  }
0x2d: {  	s8 =	simm.s32 $0x0;
	[sflag:s0] =	ssyncadd.s32 @!p0 $0xFFFFC000  }
0x2e: {  	[smem:$0x0] =	sst s8  }
0x2f: {  	[smem:$0x1] =	sst s8  }
0x30: {  	[smem:$0x2] =	sst s8  }
0x31: {  	[smem:$0x3] =	sst s8  }
0x32: {  	[smem:$0x4] =	sst s8  }
0x33: {  	[smem:$0x5] =	sst s8  }
0x34: {  	[smem:$0x6] =	sst s8  }
0x35: {  	[smem:$0x7] =	sst s8  }
0x36: {  	[smem:$0x8] =	sst s8  }
0x37: {  	[smem:$0x9] =	sst s8  }
0x38: {  	[smem:$0xA] =	sst s8  }
0x39: {  	[smem:$0xB] =	sst s8  }
0x3a: {  	[smem:$0xC] =	sst s8  }
0x3b: {  	[smem:$0xD] =	sst s8  }
0x3c: {  	[smem:$0xE] =	sst s8  }
0x3d: {  	[smem:$0xF] =	sst s8  }
0x3e: {  	[smem:$0x10] =	sst s8  }
0x3f: {  	[smem:$0x11] =	sst s8  }
0x40: {  	[smem:$0x12] =	sst s8  }
0x41: {  	[smem:$0x13] =	sst s8  }
0x42: {  	[smem:$0x14] =	sst s8  }
0x43: {  	[smem:$0x15] =	sst s8  }
0x44: {  	[smem:$0x16] =	sst s8  }
0x45: {  	[smem:$0x17] =	sst s8  }
0x46: {  	[smem:$0x18] =	sst s8  }
0x47: {  	[smem:$0x19] =	sst s8  }
0x48: {  	[smem:$0x1A] =	sst s8  }
0x49: {  	[smem:$0x1B] =	sst s8  }
0x4a: {  	[smem:$0x1C] =	sst s8  }
0x4b: {  	[smem:$0x1D] =	sst s8  }
0x4c: {  	[smem:$0x1E] =	sst s8  }
0x4d: {  	[smem:$0x1F] =	sst s8  }
0x4e: {  	[smem:$0x20] =	sst s8  }
0x4f: {  	[smem:$0x21] =	sst s8  }
0x50: {  	[smem:$0x22] =	sst s8  }
0x51: {  	[smem:$0x23] =	sst s8  }
0x52: {  	[smem:$0x24] =	sst s8  }
0x53: {  	[smem:$0x25] =	sst s8  }
0x54: {  	[smem:$0x26] =	sst s8  }
0x55: {  	[smem:$0x27] =	sst s8  }
0x56: {  	[smem:$0x28] =	sst s8  }
0x57: {  	[smem:$0x29] =	sst s8  }
0x58: {  	s9 =	simm.s32 $0x0;
	[smem:$0x2A] =	sst s8  }
0x59: {  	v0 =	vld [tilespmem:s9+$0xA000];
	[smem:$0x2B] =	sst s8  }
0x5a: {  	[smem:$0x2C] =	sst s8  }
0x5b: {  	[smem:$0x2D] =	sst s8  }
0x5c: {  	[smem:$0x2E] =	sst s8  }
0x5d: {  	[smem:$0x2F] =	sst s8  }
0x5e: {  	(v2sf) =	vpush v0, $0x0;
	[smem:$0x30] =	sst s8  }
0x5f: {  	[smem:$0x31] =	sst s8  }
0x60: {  	[smem:$0x32] =	sst s8  }
0x61: {  	[smem:$0x33] =	sst s8  }
0x62: {  	(v2sf) =	vpush v0, $0x3;
	[smem:$0x34] =	sst s8  }
0x63: {  	(v2sf) =	vpush v0, $0x1;
	[smem:$0x35] =	sst s8  }
0x64: {  	[smem:$0x36] =	sst s8  }
0x65: {  	[smem:$0x37] =	sst s8  }
0x66: {  	[smem:$0x38] =	sst s8  }
0x67: {  	[smem:$0x39] =	sst s8  }
0x68: {  	(v2sf) =	vpush v0, $0x2;
	[smem:$0x3A] =	sst s8  }
0x69: {  	[smem:$0x3B] =	sst s8  }
0x6a: {  	[smem:$0x3C] =	sst s8  }
0x6b: {  	[smem:$0x3D] =	sst s8  }
0x6c: {  	[smem:$0x3E] =	sst s8  }
0x6d: {  	s10 =	spop (v2sf);
	[smem:$0x3F] =	sst s8  }
0x6e: {  	s11 =	sld [smem:s10+$0x0];
	_ =	sdelay $0x2  }
0x6f: {  	s12 =	spop (v2sf);
	s2 =	sadd.s32 $0x1, s11  }
0x70: {  	(v2sf) =	vpush v0, $0x4;
	s13 =	spop (v2sf);
	[smem:s10] =	sst s2  }
0x71: {  	s2 =	sld [smem:s13+$0x0];
	_ =	sdelay $0x2  }
0x72: {  	s2 =	sadd.s32 $0x1, s2  }
0x73: {  	s14 =	spop (v2sf);
	(v2sf) =	vpush v0, $0x5;
	[smem:s13] =	sst s2  }
0x74: {  	s2 =	sld [smem:s14+$0x0];
	_ =	sdelay $0x2  }
0x75: {  	s2 =	sadd.s32 $0x1, s2  }
0x76: {  	(v2sf) =	vpush v0, $0x6;
	[smem:s14] =	sst s2  }
0x77: {  	s0 =	sld [smem:s12+$0x0];
	_ =	sdelay $0x2  }
0x78: {  	s0 =	sadd.s32 $0x1, s0  }
0x79: {  	(v2sf) =	vpush v0, $0x7;
	s15 =	spop (v2sf);
	[smem:s12] =	sst s0  }
0x7a: {  	s2 =	sld [smem:s15+$0x0];
	_ =	sdelay $0x2  }
0x7b: {  	s2 =	sadd.s32 $0x1, s2  }
0x7c: {  	s16 =	spop (v2sf);
	(v2sf) =	vpush v0, $0x8;
	[smem:s15] =	sst s2  }
0x7d: {  	s2 =	sld [smem:s16+$0x0];
	_ =	sdelay $0x2  }
0x7e: {  	s2 =	sadd.s32 $0x1, s2  }
0x7f: {  	s17 =	spop (v2sf);
	(v2sf) =	vpush v0, $0x9;
	[smem:s16] =	sst s2  }
0x80: {  	s2 =	sld [smem:s17+$0x0];
	_ =	sdelay $0x2  }
0x81: {  	s2 =	sadd.s32 $0x1, s2  }
0x82: {  	s18 =	spop (v2sf);
	(v2sf) =	vpush v0, $0xA;
	[smem:s17] =	sst s2  }
0x83: {  	s2 =	sld [smem:s18+$0x0];
	_ =	sdelay $0x2  }
0x84: {  	s2 =	sadd.s32 $0x1, s2  }
0x85: {  	s19 =	spop (v2sf);
	(v2sf) =	vpush v0, $0xB;
	[smem:s18] =	sst s2  }
0x86: {  	s2 =	sld [smem:s19+$0x0];
	_ =	sdelay $0x2  }
0x87: {  	s2 =	sadd.s32 $0x1, s2  }
0x88: {  	s20 =	spop (v2sf);
	(v2sf) =	vpush v0, $0xC;
	[smem:s19] =	sst s2  }
0x89: {  	s2 =	sld [smem:s20+$0x0];
	_ =	sdelay $0x2  }
0x8a: {  	s2 =	sadd.s32 $0x1, s2  }
0x8b: {  	s21 =	spop (v2sf);
	(v2sf) =	vpush v0, $0xD;
	[smem:s20] =	sst s2  }
0x8c: {  	s2 =	sld [smem:s21+$0x0];
	_ =	sdelay $0x2  }
0x8d: {  	s2 =	sadd.s32 $0x1, s2  }
0x8e: {  	(v2sf) =	vpush v0, $0xE;
	s22 =	spop (v2sf);
	[smem:s21] =	sst s2  }
0x8f: {  	s2 =	sld [smem:s22+$0x0];
	_ =	sdelay $0x2  }
0x90: {  	(v2sf) =	vpush v0, $0xF;
	s2 =	sadd.s32 $0x1, s2  }
0x91: {  	s23 =	spop (v2sf);
	[smem:s22] =	sst s2  }
0x92: {  	s2 =	sld [smem:s23+$0x0];
	_ =	sdelay $0x2  }
0x93: {  	s2 =	sadd.s32 $0x1, s2  }
0x94: {  	s24 =	spop (v2sf);
	[smem:s23] =	sst s2  }
0x95: {  	s2 =	sld [smem:s24+$0x0];
	_ =	sdelay $0x1  }
0x96: {  	s25 =	simm.s32 $0x10  }
0x97: {  	v0 =	vld [tilespmem:s25+$0xA000];
	s2 =	sadd.s32 $0x1, s2  }
0x98: {  	s26 =	spop (v2sf);
	[smem:s24] =	sst s2  }
0x99: {  	s0 =	sld [smem:s26+$0x0];
	_ =	sdelay $0x2  }
0x9a: {  	s28 =	sadd.s32 $0x1, s0;
	s0 =	spop (v2sf);
	(v2sf) =	vpush v0, $0x0;
	_ =	sdelay $0x1  }
0x9b: {  	(v2sf) =	vpush v0, $0x3;
	_ =	sdelay $0x3  }
0x9c: {  	(v2sf) =	vpush v0, $0x1;
	_ =	sdelay $0x3  }
0x9d: {  	[smem:s26] =	sst s28  }
0x9e: {  	s29 =	sld [smem:s0+$0x0];
	(v2sf) =	vpush v0, $0x2  }
0x9f: {  	s30 =	sshll.u32 s3, $0x4  }
0xa0: {  	s31 =	sadd.s32 s4, s30;
	[dreg:$0x5] =	wrdreg s4  }
0xa1: {  	[dreg:$0x6] =	wrdreg s31;
	s2 =	simm.s32 $0x80;
	s7 =	sadd.s32 $0x1, s29  }
.LBB2_3:
0xa2: {  	s8 =	spop (v2sf)  }
0xa3: {  	[smem:s0] =	sst s7;
	s7 =	smov.u32 s2;
	s6 =	sadd.s32 $0x40, s2  }
0xa4: {  	p1 =	sne.s32 s2, $0x4C0;
	s0 =	sld [smem:s8+$0x0];
	s2 =	spop (v2sf)  }
0xa5: {  	_ =	sdelay $0x1  }
0xa6: {  	s0 =	sadd.s32 $0x1, s0  }
0xa7: {  	[smem:s8] =	sst s0;
	s0 =	spop (v2sf);
	(v2sf) =	vpush v0, $0x4  }
0xa8: {  	s8 =	sld [smem:s0+$0x0];
	_ =	sdelay $0x2  }
0xa9: {  	s8 =	sadd.s32 $0x1, s8  }
0xaa: {  	[smem:s0] =	sst s8;
	s0 =	spop (v2sf);
	(v2sf) =	vpush v0, $0x5  }
0xab: {  	s8 =	sld [smem:s0+$0x0];
	_ =	sdelay $0x2  }
0xac: {  	s8 =	sadd.s32 $0x1, s8  }
0xad: {  	[smem:s0] =	sst s8;
	(v2sf) =	vpush v0, $0x6  }
0xae: {  	s0 =	sld [smem:s2+$0x0];
	_ =	sdelay $0x2  }
0xaf: {  	s0 =	sadd.s32 $0x1, s0  }
0xb0: {  	[smem:s2] =	sst s0;
	s0 =	spop (v2sf);
	(v2sf) =	vpush v0, $0x7  }
0xb1: {  	s2 =	sld [smem:s0+$0x0];
	_ =	sdelay $0x2  }
0xb2: {  	s2 =	sadd.s32 $0x1, s2  }
0xb3: {  	[smem:s0] =	sst s2;
	s0 =	spop (v2sf);
	(v2sf) =	vpush v0, $0x8  }
0xb4: {  	s2 =	sld [smem:s0+$0x0];
	_ =	sdelay $0x2  }
0xb5: {  	s2 =	sadd.s32 $0x1, s2  }
0xb6: {  	[smem:s0] =	sst s2;
	s0 =	spop (v2sf);
	(v2sf) =	vpush v0, $0x9  }
0xb7: {  	s2 =	sld [smem:s0+$0x0];
	_ =	sdelay $0x2  }
0xb8: {  	s2 =	sadd.s32 $0x1, s2  }
0xb9: {  	[smem:s0] =	sst s2;
	s0 =	spop (v2sf);
	(v2sf) =	vpush v0, $0xA  }
0xba: {  	s2 =	sld [smem:s0+$0x0];
	_ =	sdelay $0x2  }
0xbb: {  	s2 =	sadd.s32 $0x1, s2  }
0xbc: {  	[smem:s0] =	sst s2;
	s0 =	spop (v2sf);
	(v2sf) =	vpush v0, $0xB  }
0xbd: {  	s2 =	sld [smem:s0+$0x0];
	_ =	sdelay $0x2  }
0xbe: {  	s2 =	sadd.s32 $0x1, s2  }
0xbf: {  	[smem:s0] =	sst s2;
	s0 =	spop (v2sf);
	(v2sf) =	vpush v0, $0xC  }
0xc0: {  	s2 =	sld [smem:s0+$0x0];
	_ =	sdelay $0x2  }
0xc1: {  	s2 =	sadd.s32 $0x1, s2  }
0xc2: {  	[smem:s0] =	sst s2;
	s0 =	spop (v2sf);
	(v2sf) =	vpush v0, $0xD  }
0xc3: {  	s2 =	sld [smem:s0+$0x0];
	_ =	sdelay $0x2  }
0xc4: {  	s2 =	sadd.s32 $0x1, s2  }
0xc5: {  	[smem:s0] =	sst s2;
	s0 =	spop (v2sf);
	(v2sf) =	vpush v0, $0xE  }
0xc6: {  	s2 =	sld [smem:s0+$0x0];
	_ =	sdelay $0x2  }
0xc7: {  	s7 =	sshra.s32 s7, $0x2;
	s2 =	sadd.s32 $0x1, s2;
	(v2sf) =	vpush v0, $0xF  }
0xc8: {  	v0 =	vld [tilespmem:s7+$0xA000];
	[smem:s0] =	sst s2;
	s0 =	spop (v2sf)  }
0xc9: {  	s2 =	sld [smem:s0+$0x0];
	_ =	sdelay $0x2  }
0xca: {  	s2 =	sadd.s32 $0x1, s2  }
0xcb: {  	(v2sf) =	vpush v0, $0x0;
	[smem:s0] =	sst s2;
	s0 =	spop (v2sf)  }
0xcc: {  	(v2sf) =	vpush v0, $0x3;
	s2 =	sld [smem:s0+$0x0];
	_ =	sdelay $0x2  }
0xcd: {  	s2 =	sadd.s32 $0x1, s2  }
0xce: {  	(v2sf) =	vpush v0, $0x1;
	[smem:s0] =	sst s2;
	s2 =	spop (v2sf)  }
0xcf: {  	s0 =	sld [smem:s2+$0x0];
	_ =	sdelay $0x2  }
0xd0: {  	s7 =	sadd.s32 $0x1, s0;
	s0 =	spop (v2sf)  }
.Ltmp1:
0xd1: {  	(v2sf) =	vpush v0, $0x2;
	[smem:s2] =	sst s7;
	(pc) =	sbr.rel @p1 .LBB2_3-.Ltmp1, $2  }
0xd2: {  	s2 =	sld [smem:s0+$0x0];
	_ =	sdelay $0x2  }
0xd3: {  	s7 =	sadd.s32 $0x1, s2;
	s2 =	smov.u32 s6  }
0xd4: {  	s2 =	spop (v2sf);
	[smem:s0] =	sst s7  }
0xd5: {  	s0 =	sld [smem:s2+$0x0];
	_ =	sdelay $0x2  }
0xd6: {  	s6 =	spop (v2sf);
	s0 =	sadd.s32 $0x1, s0  }
0xd7: {  	(v2sf) =	vpush v0, $0x4;
	[smem:s2] =	sst s0;
	s25 =	spop (v2sf)  }
0xd8: {  	s2 =	sld [smem:s25+$0x0];
	_ =	sdelay $0x2  }
0xd9: {  	s2 =	sadd.s32 $0x1, s2  }
0xda: {  	(v2sf) =	vpush v0, $0x5;
	[smem:s25] =	sst s2;
	s26 =	spop (v2sf)  }
0xdb: {  	s2 =	sld [smem:s26+$0x0];
	_ =	sdelay $0x2  }
0xdc: {  	s2 =	sadd.s32 $0x1, s2  }
0xdd: {  	(v2sf) =	vpush v0, $0x6;
	[smem:s26] =	sst s2  }
0xde: {  	s0 =	sld [smem:s6+$0x0];
	_ =	sdelay $0x2  }
0xdf: {  	s0 =	sadd.s32 $0x1, s0  }
0xe0: {  	(v2sf) =	vpush v0, $0x7;
	s28 =	spop (v2sf);
	[smem:s6] =	sst s0  }
0xe1: {  	s2 =	sld [smem:s28+$0x0];
	_ =	sdelay $0x2  }
0xe2: {  	s2 =	sadd.s32 $0x1, s2  }
0xe3: {  	(v2sf) =	vpush v0, $0x8;
	s29 =	spop (v2sf);
	[smem:s28] =	sst s2  }
0xe4: {  	s2 =	sld [smem:s29+$0x0];
	_ =	sdelay $0x2  }
0xe5: {  	s2 =	sadd.s32 $0x1, s2  }
0xe6: {  	(v2sf) =	vpush v0, $0x9;
	s30 =	spop (v2sf);
	[smem:s29] =	sst s2  }
0xe7: {  	s2 =	sld [smem:s30+$0x0];
	_ =	sdelay $0x2  }
0xe8: {  	s2 =	sadd.s32 $0x1, s2  }
0xe9: {  	(v2sf) =	vpush v0, $0xA;
	s31 =	spop (v2sf);
	[smem:s30] =	sst s2  }
0xea: {  	s2 =	sld [smem:s31+$0x0];
	_ =	sdelay $0x2  }
0xeb: {  	s2 =	sadd.s32 $0x1, s2  }
0xec: {  	(v2sf) =	vpush v0, $0xB;
	s1 =	spop (v2sf);
	[smem:s31] =	sst s2  }
0xed: {  	s2 =	sld [smem:s1+$0x0];
	_ =	sdelay $0x2  }
0xee: {  	s2 =	sadd.s32 $0x1, s2  }
0xef: {  	(v2sf) =	vpush v0, $0xC;
	s3 =	spop (v2sf);
	[smem:s1] =	sst s2  }
0xf0: {  	s2 =	sld [smem:s3+$0x0];
	_ =	sdelay $0x2  }
0xf1: {  	s2 =	sadd.s32 $0x1, s2  }
0xf2: {  	(v2sf) =	vpush v0, $0xD;
	s4 =	spop (v2sf);
	[smem:s3] =	sst s2  }
0xf3: {  	s2 =	sld [smem:s4+$0x0];
	_ =	sdelay $0x2  }
0xf4: {  	s2 =	sadd.s32 $0x1, s2  }
0xf5: {  	(v2sf) =	vpush v0, $0xE;
	s5 =	spop (v2sf);
	[smem:s4] =	sst s2  }
0xf6: {  	s2 =	sld [smem:s5+$0x0];
	_ =	sdelay $0x2  }
0xf7: {  	s2 =	sadd.s32 $0x1, s2  }
0xf8: {  	(v2sf) =	vpush v0, $0xF;
	s6 =	spop (v2sf);
	[smem:s5] =	sst s2  }
0xf9: {  	s2 =	sld [smem:s6+$0x0];
	_ =	sdelay $0x2  }
0xfa: {  	s2 =	sadd.s32 $0x1, s2  }
0xfb: {  	s7 =	spop (v2sf);
	[smem:s6] =	sst s2  }
0xfc: {  	s2 =	sld [smem:s7+$0x0];
	_ =	sdelay $0x2  }
0xfd: {  	s2 =	sadd.s32 $0x1, s2  }
0xfe: {  	s8 =	spop (v2sf);
	[smem:s7] =	sst s2  }
0xff: {  	s2 =	sld [smem:s8+$0x0];
	_ =	sdelay $0x2  }
0x100: {  	s2 =	sadd.s32 $0x1, s2  }
0x101: {  	s9 =	spop (v2sf);
	[smem:s8] =	sst s2  }
0x102: {  	s0 =	sld [smem:s9+$0x0];
	_ =	sdelay $0x2  }
0x103: {  	s0 =	sadd.s32 $0x1, s0  }
0x104: {  	[smem:s9] =	sst s0  }
0x105: {  	s0 =	sld [smem:$0x0]  }
0x106: {  	s2 =	sld [smem:$0x1]  }
0x107: {  	s18 =	sld [smem:$0x2]  }
0x108: {  	s19 =	sld [smem:$0x3]  }
0x109: {  	s21 =	sld [smem:$0x4]  }
0x10a: {  	s22 =	sld [smem:$0x5]  }
0x10b: {  	s24 =	sld [smem:$0x6]  }
0x10c: {  	s3 =	sld [smem:$0x7]  }
0x10d: {  	s4 =	sld [smem:$0x8]  }
0x10e: {  	s6 =	sld [smem:$0x9]  }
0x10f: {  	s8 =	sld [smem:$0xA]  }
0x110: {  	s9 =	sld [smem:$0xB]  }
0x111: {  	s12 =	sld [smem:$0xC]  }
0x112: {  	s31 =	sld [smem:$0xD]  }
0x113: {  	s25 =	sld [smem:$0xE]  }
0x114: {  	s26 =	sld [smem:$0xF]  }
0x115: {  	s28 =	sld [smem:$0x10]  }
0x116: {  	s23 =	sld [smem:$0x11]  }
0x117: {  	s20 =	sld [smem:$0x12]  }
0x118: {  	s17 =	sld [smem:$0x13]  }
0x119: {  	s16 =	sld [smem:$0x14]  }
0x11a: {  	s15 =	sld [smem:$0x15]  }
0x11b: {  	s14 =	sld [smem:$0x16]  }
0x11c: {  	s1 =	sld [smem:$0x17]  }
0x11d: {  	s10 =	sld [smem:$0x18]  }
0x11e: {  	s11 =	sld [smem:$0x19]  }
0x11f: {  	s13 =	sld [smem:$0x1A]  }
0x120: {  	s29 =	sld [smem:$0x1B]  }
0x121: {  	s30 =	sld [smem:$0x1C]  }
0x122: {  	s5 =	sld [smem:$0x1D]  }
0x123: {  	s7 =	sld [smem:$0x1E]  }
0x124: {  	[dreg:$0xe] =	wrdreg s1  }
0x125: {  	[dreg:$0xd] =	wrdreg s10  }
0x126: {  	[dreg:$0xc] =	wrdreg s11  }
0x127: {  	[dreg:$0xb] =	wrdreg s13  }
0x128: {  	[dreg:$0xa] =	wrdreg s29  }
0x129: {  	[dreg:$0x9] =	wrdreg s30  }
0x12a: {  	[dreg:$0x8] =	wrdreg s5  }
0x12b: {  	[dreg:$0x7] =	wrdreg s7  }
0x12c: {  	s1 =	sld [smem:$0x1F]  }
0x12d: {  	s5 =	sld [smem:$0x20]  }
0x12e: {  	s7 =	sld [smem:$0x21]  }
0x12f: {  	s10 =	sld [smem:$0x22]  }
0x130: {  	s11 =	sld [smem:$0x23]  }
0x131: {  	s13 =	sld [smem:$0x26]  }
0x132: {  	s30 =	sld [smem:$0x27]  }
0x133: {  	s29 =	sld [smem:$0x28]  }
0x134: {  	vm0 =	vcmask $0x300;
	v0 =	vmov s26;
	s26 =	sld [smem:$0x29]  }
0x135: {  	vm1 =	vcmask $0x704;
	v0 =	vsel vm0, s0, v0;
	s0 =	sld [smem:$0x24]  }
0x136: {  	vm2 =	vcmask $0xB08;
	v0 =	vsel vm1, s2, v0;
	s2 =	sld [smem:$0x25]  }
0x137: {  	vm3 =	vcmask $0xF0C;
	v0 =	vsel vm2, s18, v0;
	s18 =	sld [smem:$0x2D]  }
0x138: {  	v1 =	vmov s1;
	v0 =	vsel vm3, s19, v0;
	s19 =	sld [smem:$0x2E]  }
0x139: {  	vm4 =	vcmask $0x1310;
	v1 =	vsel vm0, s28, v1;
	s28 =	rddreg [dreg:$0xb]  }
0x13a: {  	v0 =	vsel vm4, s21, v0;
	s21 =	sld [smem:$0x2C]  }
0x13b: {  	vm5 =	vcmask $0x1714;
	v1 =	vsel vm1, s23, v1;
	s23 =	rddreg [dreg:$0xc]  }
0x13c: {  	v0 =	vsel vm5, s22, v0;
	s22 =	sld [smem:$0x2B]  }
0x13d: {  	vm6 =	vcmask $0x1B18;
	v1 =	vsel vm2, s20, v1;
	s20 =	sld [smem:$0x39]  }
0x13e: {  	v0 =	vsel vm6, s24, v0;
	s24 =	sld [smem:$0x2A]  }
0x13f: {  	vm7 =	vcmask $0x1F1C;
	v1 =	vsel vm3, s17, v1;
	s17 =	rddreg [dreg:$0xd]  }
0x140: {  	vm8 =	vcmask $0x2320;
	v0 =	vsel vm7, s3, v0;
	v1 =	vsel vm4, s16, v1;
	s16 =	sld [smem:$0x38]  }
0x141: {  	vm9 =	vcmask $0x2724;
	v0 =	vsel vm8, s4, v0;
	v1 =	vsel vm5, s15, v1;
	s15 =	rddreg [dreg:$0xe]  }
0x142: {  	vm10 =	vcmask $0x2B28;
	s4 =	rddreg [dreg:$0x9];
	v0 =	vsel vm9, s6, v0  }
0x143: {  	vm11 =	vcmask $0x2F2C;
	s6 =	sld [smem:$0x31];
	v0 =	vsel vm10, s8, v0  }
0x144: {  	vm12 =	vcmask $0x3330;
	v0 =	vsel vm11, s9, v0;
	s9 =	sld [smem:$0x2F]  }
0x145: {  	vm13 =	vcmask $0x3734;
	v0 =	vsel vm12, s12, v0;
	s12 =	sld [smem:$0x3F]  }
0x146: {  	v0 =	vsel vm13, s31, v0;
	s31 =	sld [smem:$0x30]  }
0x147: {  	v1 =	vsel vm6, s14, v1;
	s14 =	sld [smem:$0x37];
	v2 =	vmov s9  }
0x148: {  	s8 =	sld [smem:$0x32];
	v2 =	vsel vm0, s5, v2;
	v3 =	vmov s12  }
0x149: {  	s9 =	sld [smem:$0x33];
	v2 =	vsel vm1, s7, v2;
	v3 =	vsel vm0, s31, v3  }
0x14a: {  	v2 =	vsel vm2, s10, v2;
	v3 =	vsel vm1, s6, v3;
	s10 =	sld [smem:$0x34]  }
0x14b: {  	v2 =	vsel vm3, s11, v2;
	v3 =	vsel vm2, s8, v3;
	s11 =	sld [smem:$0x35]  }
0x14c: {  	vm14 =	vcmask $0x3B38;
	s12 =	sld [smem:$0x36];
	v2 =	vsel vm4, s0, v2;
	v3 =	vsel vm3, s9, v3  }
0x14d: {  	v0 =	vsel vm14, s25, v0;
	s25 =	sld [smem:$0x3A];
	v2 =	vsel vm5, s2, v2;
	v3 =	vsel vm4, s10, v3  }
0x14e: {  	v1 =	vsel vm7, s15, v1;
	s5 =	sld [smem:$0x3D];
	v2 =	vsel vm6, s13, v2;
	v3 =	vsel vm5, s11, v3  }
0x14f: {  	v1 =	vsel vm8, s17, v1;
	s31 =	sld [smem:$0x3C];
	v2 =	vsel vm7, s30, v2;
	v3 =	vsel vm6, s12, v3  }
0x150: {  	v1 =	vsel vm9, s23, v1;
	s30 =	rddreg [dreg:$0xa];
	v2 =	vsel vm8, s29, v2;
	v3 =	vsel vm7, s14, v3  }
0x151: {  	v1 =	vsel vm10, s28, v1;
	s29 =	sld [smem:$0x3B];
	v2 =	vsel vm9, s26, v2;
	v3 =	vsel vm8, s16, v3  }
0x152: {  	s7 =	sld [smem:$0x3E];
	v1 =	vsel vm11, s30, v1;
	v2 =	vsel vm10, s24, v2;
	v3 =	vsel vm9, s20, v3  }
0x153: {  	s6 =	rddreg [dreg:$0x8];
	v1 =	vsel vm12, s4, v1;
	v2 =	vsel vm11, s22, v2;
	v3 =	vsel vm10, s25, v3  }
0x154: {  	s8 =	rddreg [dreg:$0x7];
	v1 =	vsel vm13, s6, v1;
	v2 =	vsel vm12, s21, v2;
	v3 =	vsel vm11, s29, v3  }
0x155: {  	[tilespmem:$0xA300] =	vst v0;
	v0 =	vsel vm14, s8, v1;
	v1 =	vsel vm13, s18, v2;
	v2 =	vsel vm12, s31, v3  }
0x156: {  	[tilespmem:$0xA310] =	vst v0;
	v0 =	vsel vm14, s19, v1;
	v1 =	vsel vm13, s5, v2  }
0x157: {  	s9 =	simm.s32 $0x0;
	[tilespmem:$0xA320] =	vst v0;
	v0 =	vsel vm14, s7, v1  }
0x158: {  	s10 =	simm.s32 $0xA300;
	s11 =	rddreg [dreg:$0x6];
	s12 =	simm.s32 $0x2;
	[tilespmem:$0xA330] =	vst v0  }
0x159: {  	[hbm4b:s11+s9] =	stream.linear.scatter [tilespmem:s10], [sflag:$0x2], $0x80, $0x38;
	[tilespmem:$0xEC00] =	vst v63  }
0x15a: {  	_ =	swait.ge [sflag:s12], $0x80  }
0x15b: {  	[sflag:s12] =	ssyncset.done $0x0  }
0x15c: {  	[sflag:s12] =	ssyncadd.s32 $0xFFFFFF80  }
0x15d: {  	[bflag:$0x0] =	sbarrier.arrive $0xFFFF  }
0x15e: {  	s5 =	simm.s32 $0xA380;
	s13 =	rddreg [dreg:$0x5]  }
0x15f: {  	[tilespmem:s5], [sflag:$0x2] =	stream.linear.gather [hbm4b:s13+s9], $0x800, $0x38;
	[tilespmem:$0xEC00] =	vst v63  }
0x160: {  	_ =	swait.ge [sflag:s12], $0x800  }
0x161: {  	[sflag:s12] =	ssyncset.done $0x0  }
0x162: {  	[sflag:s12] =	ssyncadd.s32 $0xFFFFF800  }
0x163: {  	v0 =	vld [tilespmem:$0xA380]  }
0x164: {  	v1 =	vld [tilespmem:$0xA400]  }
0x165: {  	v2 =	vld [tilespmem:$0xA480]  }
0x166: {  	v3 =	vld [tilespmem:$0xA500]  }
0x167: {  	v4 =	vld [tilespmem:$0xA580]  }
0x168: {  	v5 =	vld [tilespmem:$0xA600]  }
0x169: {  	v0 =	vadd.s32 v0, v1;
	v1 =	vld [tilespmem:$0xA680]  }
0x16a: {  	v0 =	vadd.s32 v2, v0;
	v2 =	vld [tilespmem:$0xA700]  }
0x16b: {  	v0 =	vadd.s32 v3, v0;
	v3 =	vld [tilespmem:$0xA780]  }
0x16c: {  	v60 =	vld [tilespmem:$0xA800];
	v0 =	vadd.s32 v4, v0  }
0x16d: {  	v61 =	vld [tilespmem:$0xA880];
	v0 =	vadd.s32 v5, v0  }
0x16e: {  	v0 =	vadd.s32 v1, v0;
	v1 =	vld [tilespmem:$0xA900]  }
0x16f: {  	v0 =	vadd.s32 v2, v0;
	v2 =	vld [tilespmem:$0xA980]  }
0x170: {  	v0 =	vadd.s32 v3, v0;
	v3 =	vld [tilespmem:$0xAA00]  }
0x171: {  	v62 =	vld [tilespmem:$0xAA80];
	v0 =	vadd.s32 v60, v0  }
0x172: {  	v63 =	vld [tilespmem:$0xAB00];
	v0 =	vadd.s32 v61, v0  }
0x173: {  	v0 =	vadd.s32 v1, v0  }
0x174: {  	v0 =	vadd.s32 v2, v0  }
0x175: {  	v0 =	vadd.s32 v3, v0  }
0x176: {  	v0 =	vadd.s32 v62, v0  }
0x177: {  	v0 =	vadd.s32 v63, v0  }
0x178: {  	(v2sf) =	vpush v0, $0x0  }
0x179: {  	(v2sf) =	vpush v0, $0x1  }
0x17a: {  	(v2sf) =	vpush v0, $0x2  }
0x17b: {  	(v2sf) =	vpush v0, $0x3  }
0x17c: {  	(v2sf) =	vpush v0, $0x4  }
0x17d: {  	(v2sf) =	vpush v0, $0x5  }
0x17e: {  	(v2sf) =	vpush v0, $0x6  }
0x17f: {  	(v2sf) =	vpush v0, $0x7  }
0x180: {  	(v2sf) =	vpush v0, $0x8  }
0x181: {  	(v2sf) =	vpush v0, $0x9  }
0x182: {  	(v2sf) =	vpush v0, $0xA  }
0x183: {  	(v2sf) =	vpush v0, $0xB  }
0x184: {  	(v2sf) =	vpush v0, $0xC  }
0x185: {  	(v2sf) =	vpush v0, $0xD  }
0x186: {  	(v2sf) =	vpush v0, $0xE  }
0x187: {  	v2 =	vlaneseq.u32;
	v1 =	vbroadcast v0, $0x0;
	s14 =	spop (v2sf);
	(v2sf) =	vpush v0, $0xF  }
0x188: {  	vm15 =	veq.s32 v2, $0x0;
	s15 =	spop (v2sf)  }
0x189: {  	v0 =	vsel vm15, $0x0, v1;
	vm15 =	veq.s32 v2, $0x2;
	s16 =	spop (v2sf);
	s0 =	sadd.s32 s15, s14  }
0x18a: {  	s17 =	spop (v2sf);
	v0 =	vsel vm15, s0, v0;
	s0 =	sadd.s32 s16, s0;
	vm15 =	veq.s32 v2, $0x3  }
0x18b: {  	s18 =	spop (v2sf);
	v0 =	vsel vm15, s0, v0;
	s0 =	sadd.s32 s17, s0;
	vm15 =	veq.s32 v2, $0x4  }
0x18c: {  	s19 =	spop (v2sf);
	v0 =	vsel vm15, s0, v0;
	s0 =	sadd.s32 s18, s0;
	vm15 =	veq.s32 v2, $0x5  }
0x18d: {  	s20 =	spop (v2sf);
	v0 =	vsel vm15, s0, v0;
	s0 =	sadd.s32 s19, s0;
	vm15 =	veq.s32 v2, $0x6  }
0x18e: {  	s21 =	spop (v2sf);
	v0 =	vsel vm15, s0, v0;
	s0 =	sadd.s32 s20, s0;
	vm15 =	veq.s32 v2, $0x7  }
0x18f: {  	s22 =	spop (v2sf);
	v0 =	vsel vm15, s0, v0;
	s0 =	sadd.s32 s21, s0;
	vm15 =	veq.s32 v2, $0x8  }
0x190: {  	s23 =	spop (v2sf);
	v0 =	vsel vm15, s0, v0;
	s0 =	sadd.s32 s22, s0;
	vm15 =	veq.s32 v2, $0x9  }
0x191: {  	s30 =	stileid.u32;
	s24 =	spop (v2sf);
	v0 =	vsel vm15, s0, v0;
	s0 =	sadd.s32 s23, s0;
	vm15 =	veq.s32 v2, $0xA  }
0x192: {  	p1 =	seq.s32 s30, $0x0;
	s25 =	spop (v2sf);
	v0 =	vsel vm15, s0, v0;
	s0 =	sadd.s32 s24, s0;
	vm15 =	veq.s32 v2, $0xB  }
.Ltmp2:
0x193: {  	v0 =	vsel vm15, s0, v0;
	s0 =	sadd.s32 s25, s0;
	vm15 =	veq.s32 v2, $0xC;
	s26 =	spop (v2sf);
	(pc) =	sbr.rel @p1 .LBB2_8-.Ltmp2, $4  }
0x194: {  	v0 =	vsel vm15, s0, v0;
	s0 =	sadd.s32 s26, s0;
	vm15 =	veq.s32 v2, $0xD;
	s28 =	spop (v2sf)  }
0x195: {  	v0 =	vsel vm15, s0, v0;
	s0 =	sadd.s32 s28, s0;
	vm15 =	veq.s32 v2, $0xE;
	s29 =	spop (v2sf)  }
0x196: {  	v0 =	vsel vm15, s0, v0;
	s0 =	sadd.s32 s29, s0;
	vm15 =	veq.s32 v2, $0xF;
	s31 =	spop (v2sf)  }
0x197: {  	v2 =	vimm.s32 $0x0;
	v1 =	vsel vm15, s0, v0;
	s4 =	sadd.s32 s31, s0;
	v0 =	vimm.s32 $0x0  }
0x198: {  	s0 =	stileid.u32  }
0x199: {  	p2 =	sne.s32 s0, $0x1  }
.Ltmp3:
0x19a: {  	_ = 	snop;
	(pc) =	sbr.rel @!p2 .LBB2_7-.Ltmp3, $2  }
0x19b: {  	_ =	sdelay $0x2  }
0x19c: {  	v3 =	vld [tilespmem:s5+$0x0];
	v2 =	vimm.s32 $0x0;
	s0 =	sadd.s32 $0xFFFFFFFF, s0  }
.LBB2_6:
0x19d: {  	p2 =	sne.s32 s0, $0x1  }
.Ltmp4:
0x19e: {  	_ = 	snop;
	(pc) =	sbr.rel @p2 .LBB2_6-.Ltmp4, $3  }
0x19f: {  	_ =	sdelay $0x1  }
0x1a0: {  	s0 =	sadd.s32 $0xFFFFFFFF, s0;
	s5 =	sadd.s32 $0x80, s5;
	v2 =	vadd.s32 v2, v3  }
0x1a1: {  	v3 =	vld [tilespmem:s5+$0x0]  }
.LBB2_7:
0x1a2: {  	_ =	sdelay $0x3  }
0x1a3: {  	v2 =	vadd.s32 v2, v3  }
.LBB2_8:
0x1a4: {  	v3 =	vld [tilespmem:$0xA390]  }
0x1a5: {  	v4 =	vld [tilespmem:$0xA410]  }
0x1a6: {  	v5 =	vld [tilespmem:$0xA490]  }
0x1a7: {  	v6 =	vld [tilespmem:$0xA510]  }
0x1a8: {  	v1 =	vadd.s32 v1, v2;
	v2 =	vld [tilespmem:$0xA590]  }
0x1a9: {  	v7 =	vld [tilespmem:$0xA610];
	(v2sf) =	vpush v1, $0x0  }
0x1aa: {  	v56 =	vld [tilespmem:$0xA690];
	(v2sf) =	vpush v1, $0x1;
	v3 =	vadd.s32 v3, v4  }
0x1ab: {  	v57 =	vld [tilespmem:$0xA710];
	(v2sf) =	vpush v1, $0x2;
	v3 =	vadd.s32 v5, v3  }
0x1ac: {  	v58 =	vld [tilespmem:$0xA790];
	(v2sf) =	vpush v1, $0x3;
	v3 =	vadd.s32 v6, v3  }
0x1ad: {  	(v2sf) =	vpush v1, $0x4;
	v2 =	vadd.s32 v2, v3;
	v3 =	vld [tilespmem:$0xA810]  }
0x1ae: {  	v59 =	vld [tilespmem:$0xA890];
	(v2sf) =	vpush v1, $0x5;
	v2 =	vadd.s32 v7, v2  }
0x1af: {  	v60 =	vld [tilespmem:$0xA910];
	(v2sf) =	vpush v1, $0x6;
	v2 =	vadd.s32 v56, v2  }
0x1b0: {  	v61 =	vld [tilespmem:$0xA990];
	(v2sf) =	vpush v1, $0x7;
	v2 =	vadd.s32 v57, v2  }
0x1b1: {  	v62 =	vld [tilespmem:$0xAA10];
	(v2sf) =	vpush v1, $0x8;
	v2 =	vadd.s32 v58, v2  }
0x1b2: {  	(v2sf) =	vpush v1, $0x9;
	v2 =	vadd.s32 v3, v2;
	v3 =	vld [tilespmem:$0xAA90]  }
0x1b3: {  	v63 =	vld [tilespmem:$0xAB10];
	(v2sf) =	vpush v1, $0xA;
	v2 =	vadd.s32 v59, v2  }
0x1b4: {  	(v2sf) =	vpush v1, $0xB;
	v2 =	vadd.s32 v60, v2  }
0x1b5: {  	(v2sf) =	vpush v1, $0xC;
	v2 =	vadd.s32 v61, v2  }
0x1b6: {  	(v2sf) =	vpush v1, $0xD;
	v2 =	vadd.s32 v62, v2  }
0x1b7: {  	(v2sf) =	vpush v1, $0xE;
	v2 =	vadd.s32 v3, v2  }
0x1b8: {  	s5 =	spop (v2sf);
	(v2sf) =	vpush v1, $0xF;
	v2 =	vadd.s32 v63, v2  }
0x1b9: {  	s2 =	spop (v2sf);
	(v2sf) =	vpush v2, $0x0  }
0x1ba: {  	s6 =	spop (v2sf);
	(v2sf) =	vpush v2, $0x1  }
0x1bb: {  	s7 =	spop (v2sf);
	(v2sf) =	vpush v2, $0x2  }
0x1bc: {  	s8 =	spop (v2sf);
	(v2sf) =	vpush v2, $0x3  }
0x1bd: {  	s9 =	spop (v2sf);
	(v2sf) =	vpush v2, $0x4  }
0x1be: {  	s10 =	spop (v2sf);
	(v2sf) =	vpush v2, $0x5  }
0x1bf: {  	s11 =	spop (v2sf);
	(v2sf) =	vpush v2, $0x6  }
0x1c0: {  	s12 =	spop (v2sf);
	(v2sf) =	vpush v2, $0x7  }
0x1c1: {  	s13 =	spop (v2sf);
	(v2sf) =	vpush v2, $0x8  }
0x1c2: {  	s14 =	spop (v2sf);
	(v2sf) =	vpush v2, $0x9  }
0x1c3: {  	s15 =	spop (v2sf);
	(v2sf) =	vpush v2, $0xA  }
0x1c4: {  	s16 =	spop (v2sf);
	(v2sf) =	vpush v2, $0xB  }
0x1c5: {  	s17 =	spop (v2sf);
	(v2sf) =	vpush v2, $0xC  }
0x1c6: {  	s18 =	spop (v2sf);
	(v2sf) =	vpush v2, $0xD  }
0x1c7: {  	s0 =	spop (v2sf);
	(v2sf) =	vpush v2, $0xE  }
0x1c8: {  	s1 =	spop (v2sf)  }
0x1c9: {  	s3 =	spop (v2sf);
	s1 =	sadd.s32 s4, s1  }
0x1ca: {  	s19 =	spop (v2sf);
	s3 =	sadd.s32 s3, s1  }
0x1cb: {  	s20 =	spop (v2sf);
	s19 =	sadd.s32 s19, s3  }
0x1cc: {  	s21 =	spop (v2sf);
	s20 =	sadd.s32 s20, s19  }
0x1cd: {  	s22 =	spop (v2sf);
	s21 =	sadd.s32 s21, s20  }
0x1ce: {  	s23 =	spop (v2sf);
	s22 =	sadd.s32 s22, s21  }
0x1cf: {  	s24 =	spop (v2sf);
	s23 =	sadd.s32 s23, s22  }
0x1d0: {  	s25 =	spop (v2sf);
	s24 =	sadd.s32 s24, s23  }
0x1d1: {  	s25 =	sadd.s32 s25, s24;
	s26 =	spop (v2sf)  }
0x1d2: {  	s26 =	sadd.s32 s26, s25;
	s28 =	spop (v2sf)  }
0x1d3: {  	s28 =	sadd.s32 s28, s26;
	s29 =	spop (v2sf)  }
0x1d4: {  	s29 =	sadd.s32 s29, s28;
	s30 =	spop (v2sf)  }
0x1d5: {  	[dreg:$0xf] =	wrdreg s0;
	s30 =	sadd.s32 s30, s29;
	s31 =	spop (v2sf)  }
0x1d6: {  	s0 =	smov.u32 s4;
	s31 =	sadd.s32 s31, s30;
	s4 =	spop (v2sf)  }
0x1d7: {  	[smem:$0x80] =	sst s5;
	(v2sf) =	vpush v2, $0xF;
	s4 =	sadd.s32 s4, s31  }
0x1d8: {  	[smem:$0x81] =	sst s2;
	v2 =	vmov s4  }
0x1d9: {  	[smem:$0x82] =	sst s6;
	v2 =	vsel vm0, s0, v2  }
0x1da: {  	[smem:$0x83] =	sst s7;
	v2 =	vsel vm1, s1, v2  }
0x1db: {  	[smem:$0x84] =	sst s8;
	v2 =	vsel vm2, s3, v2  }
0x1dc: {  	[smem:$0x85] =	sst s9;
	v2 =	vsel vm3, s19, v2  }
0x1dd: {  	[smem:$0x86] =	sst s10;
	v2 =	vsel vm4, s20, v2  }
0x1de: {  	[smem:$0x87] =	sst s11;
	v2 =	vsel vm5, s21, v2  }
0x1df: {  	[smem:$0x88] =	sst s12;
	v2 =	vsel vm6, s22, v2  }
0x1e0: {  	[smem:$0x89] =	sst s13;
	v2 =	vsel vm7, s23, v2  }
0x1e1: {  	[smem:$0x8A] =	sst s14;
	v2 =	vsel vm8, s24, v2  }
0x1e2: {  	[smem:$0x8B] =	sst s15;
	v2 =	vsel vm9, s25, v2  }
.Ltmp5:
0x1e3: {  	[smem:$0x8C] =	sst s16;
	v2 =	vsel vm10, s26, v2;
	(pc) =	sbr.rel @p1 .LBB2_12-.Ltmp5, $4  }
0x1e4: {  	[smem:$0x8D] =	sst s17;
	v2 =	vsel vm11, s28, v2  }
0x1e5: {  	[smem:$0x8E] =	sst s18;
	v2 =	vsel vm12, s29, v2  }
0x1e6: {  	s29 =	spop (v2sf);
	v2 =	vsel vm13, s30, v2;
	s30 =	rddreg [dreg:$0xf]  }
0x1e7: {  	[tilespmem:$0xAB80] =	vst v1;
	s4 =	sadd.s32 s29, s4;
	[smem:$0x8F] =	sst s30;
	v1 =	vsel vm14, s31, v2  }
0x1e8: {  	s1 =	stileid.u32  }
0x1e9: {  	p2 =	sne.s32 s1, $0x1  }
.Ltmp6:
0x1ea: {  	_ = 	snop;
	(pc) =	sbr.rel @!p2 .LBB2_11-.Ltmp6, $3  }
0x1eb: {  	_ =	sdelay $0x1  }
0x1ec: {  	s0 =	simm.s32 $0xA390  }
0x1ed: {  	v0 =	vimm.s32 $0x0;
	s2 =	sadd.s32 $0xFFFFFFFF, s1;
	v2 =	vld [tilespmem:s0+$0x0]  }
.LBB2_10:
0x1ee: {  	p2 =	sne.s32 s2, $0x1  }
.Ltmp7:
0x1ef: {  	_ = 	snop;
	(pc) =	sbr.rel @p2 .LBB2_10-.Ltmp7, $3  }
0x1f0: {  	_ =	sdelay $0x1  }
0x1f1: {  	s2 =	sadd.s32 $0xFFFFFFFF, s2;
	s0 =	sadd.s32 $0x80, s0;
	v0 =	vadd.s32 v0, v2  }
0x1f2: {  	v2 =	vld [tilespmem:s0+$0x0]  }
.LBB2_11:
0x1f3: {  	_ =	sdelay $0x3  }
0x1f4: {  	v0 =	vadd.s32 v0, v2  }
.LBB2_12:
0x1f5: {  	v2 =	vld [tilespmem:$0xA3A0]  }
0x1f6: {  	v3 =	vld [tilespmem:$0xA420]  }
0x1f7: {  	v4 =	vld [tilespmem:$0xA4A0]  }
0x1f8: {  	v5 =	vld [tilespmem:$0xA520]  }
0x1f9: {  	v0 =	vadd.s32 v1, v0;
	v1 =	vld [tilespmem:$0xA5A0]  }
0x1fa: {  	v6 =	vld [tilespmem:$0xA620];
	(v2sf) =	vpush v0, $0x0  }
0x1fb: {  	(v2sf) =	vpush v0, $0x1;
	v2 =	vadd.s32 v2, v3;
	v3 =	vld [tilespmem:$0xA6A0]  }
0x1fc: {  	v58 =	vld [tilespmem:$0xA720];
	(v2sf) =	vpush v0, $0x2;
	v2 =	vadd.s32 v4, v2  }
0x1fd: {  	v59 =	vld [tilespmem:$0xA7A0];
	(v2sf) =	vpush v0, $0x3;
	v2 =	vadd.s32 v5, v2  }
0x1fe: {  	(v2sf) =	vpush v0, $0x4;
	v1 =	vadd.s32 v1, v2;
	v2 =	vld [tilespmem:$0xA820]  }
0x1ff: {  	v60 =	vld [tilespmem:$0xA8A0];
	(v2sf) =	vpush v0, $0x5;
	v1 =	vadd.s32 v6, v1  }
0x200: {  	(v2sf) =	vpush v0, $0x6;
	v1 =	vadd.s32 v3, v1;
	v3 =	vld [tilespmem:$0xA920]  }
0x201: {  	v61 =	vld [tilespmem:$0xA9A0];
	(v2sf) =	vpush v0, $0x7;
	v1 =	vadd.s32 v58, v1  }
0x202: {  	v62 =	vld [tilespmem:$0xAA20];
	(v2sf) =	vpush v0, $0x8;
	v1 =	vadd.s32 v59, v1  }
0x203: {  	(v2sf) =	vpush v0, $0x9;
	v1 =	vadd.s32 v2, v1;
	v2 =	vld [tilespmem:$0xAAA0]  }
0x204: {  	v63 =	vld [tilespmem:$0xAB20];
	(v2sf) =	vpush v0, $0xA;
	v1 =	vadd.s32 v60, v1  }
0x205: {  	(v2sf) =	vpush v0, $0xB;
	v1 =	vadd.s32 v3, v1  }
0x206: {  	(v2sf) =	vpush v0, $0xC;
	v1 =	vadd.s32 v61, v1  }
0x207: {  	(v2sf) =	vpush v0, $0xD;
	v1 =	vadd.s32 v62, v1  }
0x208: {  	(v2sf) =	vpush v0, $0xE;
	v1 =	vadd.s32 v2, v1  }
0x209: {  	s5 =	spop (v2sf);
	(v2sf) =	vpush v0, $0xF;
	v1 =	vadd.s32 v63, v1  }
0x20a: {  	s2 =	spop (v2sf);
	(v2sf) =	vpush v1, $0x0  }
0x20b: {  	s6 =	spop (v2sf);
	(v2sf) =	vpush v1, $0x1  }
0x20c: {  	s7 =	spop (v2sf);
	(v2sf) =	vpush v1, $0x2  }
0x20d: {  	s8 =	spop (v2sf);
	(v2sf) =	vpush v1, $0x3  }
0x20e: {  	s9 =	spop (v2sf);
	(v2sf) =	vpush v1, $0x4  }
0x20f: {  	s10 =	spop (v2sf);
	(v2sf) =	vpush v1, $0x5  }
0x210: {  	s11 =	spop (v2sf);
	(v2sf) =	vpush v1, $0x6  }
0x211: {  	s12 =	spop (v2sf);
	(v2sf) =	vpush v1, $0x7  }
0x212: {  	s13 =	spop (v2sf);
	(v2sf) =	vpush v1, $0x8  }
0x213: {  	s14 =	spop (v2sf);
	(v2sf) =	vpush v1, $0x9  }
0x214: {  	s15 =	spop (v2sf);
	(v2sf) =	vpush v1, $0xA  }
0x215: {  	s16 =	spop (v2sf);
	(v2sf) =	vpush v1, $0xB  }
0x216: {  	s17 =	spop (v2sf);
	(v2sf) =	vpush v1, $0xC  }
0x217: {  	s18 =	spop (v2sf);
	(v2sf) =	vpush v1, $0xD  }
0x218: {  	s0 =	spop (v2sf);
	(v2sf) =	vpush v1, $0xE  }
0x219: {  	s1 =	spop (v2sf)  }
0x21a: {  	s3 =	spop (v2sf);
	s1 =	sadd.s32 s4, s1  }
0x21b: {  	s19 =	spop (v2sf);
	s3 =	sadd.s32 s3, s1  }
0x21c: {  	s20 =	spop (v2sf);
	s19 =	sadd.s32 s19, s3  }
0x21d: {  	s21 =	spop (v2sf);
	s20 =	sadd.s32 s20, s19  }
0x21e: {  	s22 =	spop (v2sf);
	s21 =	sadd.s32 s21, s20  }
0x21f: {  	s23 =	spop (v2sf);
	s22 =	sadd.s32 s22, s21  }
0x220: {  	s24 =	spop (v2sf);
	s23 =	sadd.s32 s23, s22  }
0x221: {  	s25 =	spop (v2sf);
	s24 =	sadd.s32 s24, s23  }
0x222: {  	s25 =	sadd.s32 s25, s24;
	s26 =	spop (v2sf)  }
0x223: {  	s26 =	sadd.s32 s26, s25;
	s28 =	spop (v2sf)  }
0x224: {  	s28 =	sadd.s32 s28, s26;
	s29 =	spop (v2sf)  }
0x225: {  	s29 =	sadd.s32 s29, s28;
	s30 =	spop (v2sf)  }
0x226: {  	[dreg:$0x10] =	wrdreg s0;
	s30 =	sadd.s32 s30, s29;
	s31 =	spop (v2sf)  }
0x227: {  	s0 =	smov.u32 s4;
	s31 =	sadd.s32 s31, s30;
	s4 =	spop (v2sf)  }
0x228: {  	[smem:$0x90] =	sst s5;
	(v2sf) =	vpush v1, $0xF;
	s4 =	sadd.s32 s4, s31  }
0x229: {  	[smem:$0x91] =	sst s2;
	v1 =	vmov s4  }
0x22a: {  	[smem:$0x92] =	sst s6;
	v1 =	vsel vm0, s0, v1  }
0x22b: {  	[smem:$0x93] =	sst s7;
	v1 =	vsel vm1, s1, v1  }
0x22c: {  	[smem:$0x94] =	sst s8;
	v1 =	vsel vm2, s3, v1  }
0x22d: {  	[smem:$0x95] =	sst s9;
	v1 =	vsel vm3, s19, v1  }
0x22e: {  	[smem:$0x96] =	sst s10;
	v1 =	vsel vm4, s20, v1  }
0x22f: {  	[smem:$0x97] =	sst s11;
	v1 =	vsel vm5, s21, v1  }
0x230: {  	[smem:$0x98] =	sst s12;
	v1 =	vsel vm6, s22, v1  }
0x231: {  	[smem:$0x99] =	sst s13;
	v1 =	vsel vm7, s23, v1  }
0x232: {  	[smem:$0x9A] =	sst s14;
	v1 =	vsel vm8, s24, v1  }
0x233: {  	[smem:$0x9B] =	sst s15;
	v1 =	vsel vm9, s25, v1  }
.Ltmp8:
0x234: {  	[smem:$0x9C] =	sst s16;
	v1 =	vsel vm10, s26, v1;
	(pc) =	sbr.rel @p1 .LBB2_16-.Ltmp8, $4  }
0x235: {  	[smem:$0x9D] =	sst s17;
	v1 =	vsel vm11, s28, v1  }
0x236: {  	[smem:$0x9E] =	sst s18;
	v1 =	vsel vm12, s29, v1  }
0x237: {  	s29 =	spop (v2sf);
	v1 =	vsel vm13, s30, v1;
	s30 =	rddreg [dreg:$0x10]  }
0x238: {  	[tilespmem:$0xAB90] =	vst v0;
	v0 =	vimm.s32 $0x0;
	v2 =	vimm.s32 $0x0;
	s4 =	sadd.s32 s29, s4;
	[smem:$0x9F] =	sst s30;
	v1 =	vsel vm14, s31, v1  }
0x239: {  	s1 =	stileid.u32  }
0x23a: {  	p2 =	sne.s32 s1, $0x1  }
.Ltmp9:
0x23b: {  	_ = 	snop;
	(pc) =	sbr.rel @!p2 .LBB2_15-.Ltmp9, $3  }
0x23c: {  	_ =	sdelay $0x1  }
0x23d: {  	s0 =	simm.s32 $0xA3A0  }
0x23e: {  	v2 =	vimm.s32 $0x0;
	s2 =	sadd.s32 $0xFFFFFFFF, s1;
	v3 =	vld [tilespmem:s0+$0x0]  }
.LBB2_14:
0x23f: {  	p2 =	sne.s32 s2, $0x1  }
.Ltmp10:
0x240: {  	_ = 	snop;
	(pc) =	sbr.rel @p2 .LBB2_14-.Ltmp10, $3  }
0x241: {  	_ =	sdelay $0x1  }
0x242: {  	s2 =	sadd.s32 $0xFFFFFFFF, s2;
	s0 =	sadd.s32 $0x80, s0;
	v2 =	vadd.s32 v2, v3  }
0x243: {  	v3 =	vld [tilespmem:s0+$0x0]  }
.LBB2_15:
0x244: {  	_ =	sdelay $0x3  }
0x245: {  	v2 =	vadd.s32 v2, v3  }
.LBB2_16:
0x246: {  	v3 =	vld [tilespmem:$0xA3B0]  }
0x247: {  	v4 =	vld [tilespmem:$0xA430]  }
0x248: {  	v5 =	vld [tilespmem:$0xA4B0]  }
0x249: {  	v6 =	vld [tilespmem:$0xA530]  }
0x24a: {  	v1 =	vadd.s32 v1, v2;
	v2 =	vld [tilespmem:$0xA5B0]  }
0x24b: {  	v7 =	vld [tilespmem:$0xA630];
	(v2sf) =	vpush v1, $0x0  }
0x24c: {  	v56 =	vld [tilespmem:$0xA6B0];
	(v2sf) =	vpush v1, $0x1;
	v3 =	vadd.s32 v3, v4  }
0x24d: {  	v57 =	vld [tilespmem:$0xA730];
	(v2sf) =	vpush v1, $0x2;
	v3 =	vadd.s32 v5, v3  }
0x24e: {  	v58 =	vld [tilespmem:$0xA7B0];
	(v2sf) =	vpush v1, $0x3;
	v3 =	vadd.s32 v6, v3  }
0x24f: {  	(v2sf) =	vpush v1, $0x4;
	v2 =	vadd.s32 v2, v3;
	v3 =	vld [tilespmem:$0xA830]  }
0x250: {  	v59 =	vld [tilespmem:$0xA8B0];
	(v2sf) =	vpush v1, $0x5;
	v2 =	vadd.s32 v7, v2  }
0x251: {  	v60 =	vld [tilespmem:$0xA930];
	(v2sf) =	vpush v1, $0x6;
	v2 =	vadd.s32 v56, v2  }
0x252: {  	v61 =	vld [tilespmem:$0xA9B0];
	(v2sf) =	vpush v1, $0x7;
	v2 =	vadd.s32 v57, v2  }
0x253: {  	v62 =	vld [tilespmem:$0xAA30];
	(v2sf) =	vpush v1, $0x8;
	v2 =	vadd.s32 v58, v2  }
0x254: {  	(v2sf) =	vpush v1, $0x9;
	v2 =	vadd.s32 v3, v2;
	v3 =	vld [tilespmem:$0xAAB0]  }
0x255: {  	v63 =	vld [tilespmem:$0xAB30];
	(v2sf) =	vpush v1, $0xA;
	v2 =	vadd.s32 v59, v2  }
0x256: {  	(v2sf) =	vpush v1, $0xB;
	v2 =	vadd.s32 v60, v2  }
0x257: {  	(v2sf) =	vpush v1, $0xC;
	v2 =	vadd.s32 v61, v2  }
0x258: {  	(v2sf) =	vpush v1, $0xD;
	v2 =	vadd.s32 v62, v2  }
0x259: {  	(v2sf) =	vpush v1, $0xE;
	v2 =	vadd.s32 v3, v2  }
0x25a: {  	s1 =	spop (v2sf);
	(v2sf) =	vpush v1, $0xF;
	v2 =	vadd.s32 v63, v2  }
0x25b: {  	s2 =	spop (v2sf);
	(v2sf) =	vpush v2, $0x0  }
0x25c: {  	s3 =	spop (v2sf);
	(v2sf) =	vpush v2, $0x1  }
0x25d: {  	s5 =	spop (v2sf);
	(v2sf) =	vpush v2, $0x2  }
0x25e: {  	s6 =	spop (v2sf);
	(v2sf) =	vpush v2, $0x3  }
0x25f: {  	s7 =	spop (v2sf);
	(v2sf) =	vpush v2, $0x4  }
0x260: {  	s8 =	spop (v2sf);
	(v2sf) =	vpush v2, $0x5  }
0x261: {  	s9 =	spop (v2sf);
	(v2sf) =	vpush v2, $0x6  }
0x262: {  	s10 =	spop (v2sf);
	(v2sf) =	vpush v2, $0x7  }
0x263: {  	s11 =	spop (v2sf);
	(v2sf) =	vpush v2, $0x8  }
0x264: {  	s12 =	spop (v2sf);
	(v2sf) =	vpush v2, $0x9  }
0x265: {  	s13 =	spop (v2sf);
	(v2sf) =	vpush v2, $0xA  }
0x266: {  	s14 =	spop (v2sf);
	(v2sf) =	vpush v2, $0xB  }
0x267: {  	s15 =	spop (v2sf);
	(v2sf) =	vpush v2, $0xC  }
0x268: {  	s16 =	spop (v2sf);
	(v2sf) =	vpush v2, $0xD  }
0x269: {  	s0 =	spop (v2sf);
	(v2sf) =	vpush v2, $0xE  }
0x26a: {  	s17 =	spop (v2sf)  }
0x26b: {  	s18 =	spop (v2sf);
	s17 =	sadd.s32 s4, s17  }
0x26c: {  	s19 =	spop (v2sf);
	s18 =	sadd.s32 s18, s17  }
0x26d: {  	s20 =	spop (v2sf);
	s19 =	sadd.s32 s19, s18  }
0x26e: {  	s21 =	spop (v2sf);
	s20 =	sadd.s32 s20, s19  }
0x26f: {  	s22 =	spop (v2sf);
	s21 =	sadd.s32 s21, s20  }
0x270: {  	s23 =	spop (v2sf);
	s22 =	sadd.s32 s22, s21  }
0x271: {  	s24 =	spop (v2sf);
	s23 =	sadd.s32 s23, s22  }
0x272: {  	s25 =	spop (v2sf);
	s24 =	sadd.s32 s24, s23  }
0x273: {  	s25 =	sadd.s32 s25, s24;
	s26 =	spop (v2sf)  }
0x274: {  	s26 =	sadd.s32 s26, s25;
	s28 =	spop (v2sf)  }
0x275: {  	s28 =	sadd.s32 s28, s26;
	s29 =	spop (v2sf)  }
0x276: {  	s29 =	sadd.s32 s29, s28;
	s30 =	spop (v2sf)  }
0x277: {  	[dreg:$0x11] =	wrdreg s0;
	s30 =	sadd.s32 s30, s29;
	s31 =	spop (v2sf)  }
0x278: {  	s0 =	smov.u32 s4;
	s31 =	sadd.s32 s31, s30;
	s4 =	spop (v2sf)  }
0x279: {  	[smem:$0xA0] =	sst s1;
	s4 =	sadd.s32 s4, s31  }
0x27a: {  	[smem:$0xA1] =	sst s2;
	v2 =	vmov s4  }
0x27b: {  	[smem:$0xA2] =	sst s3;
	v2 =	vsel vm0, s0, v2  }
0x27c: {  	[smem:$0xA3] =	sst s5;
	v2 =	vsel vm1, s17, v2  }
0x27d: {  	[smem:$0xA4] =	sst s6;
	v2 =	vsel vm2, s18, v2  }
0x27e: {  	[smem:$0xA5] =	sst s7;
	v2 =	vsel vm3, s19, v2  }
0x27f: {  	[smem:$0xA6] =	sst s8;
	v2 =	vsel vm4, s20, v2  }
0x280: {  	[smem:$0xA7] =	sst s9;
	v2 =	vsel vm5, s21, v2  }
0x281: {  	[smem:$0xA8] =	sst s10;
	v2 =	vsel vm6, s22, v2  }
0x282: {  	[smem:$0xA9] =	sst s11;
	v2 =	vsel vm7, s23, v2  }
0x283: {  	[smem:$0xAA] =	sst s12;
	v2 =	vsel vm8, s24, v2  }
0x284: {  	[smem:$0xAB] =	sst s13;
	v2 =	vsel vm9, s25, v2  }
.Ltmp11:
0x285: {  	[smem:$0xAC] =	sst s14;
	v2 =	vsel vm10, s26, v2;
	(pc) =	sbr.rel @p1 .LBB2_20-.Ltmp11, $4  }
0x286: {  	[smem:$0xAD] =	sst s15;
	v2 =	vsel vm11, s28, v2  }
0x287: {  	[smem:$0xAE] =	sst s16;
	v2 =	vsel vm12, s29, v2  }
0x288: {  	v2 =	vsel vm13, s30, v2;
	s30 =	rddreg [dreg:$0x11]  }
0x289: {  	[tilespmem:$0xABA0] =	vst v1;
	[smem:$0xAF] =	sst s30;
	v1 =	vsel vm14, s31, v2  }
0x28a: {  	s1 =	stileid.u32  }
0x28b: {  	p1 =	sne.s32 s1, $0x1  }
.Ltmp12:
0x28c: {  	_ = 	snop;
	(pc) =	sbr.rel @!p1 .LBB2_19-.Ltmp12, $3  }
0x28d: {  	_ =	sdelay $0x1  }
0x28e: {  	s0 =	simm.s32 $0xA3B0  }
0x28f: {  	v0 =	vimm.s32 $0x0;
	s2 =	sadd.s32 $0xFFFFFFFF, s1;
	v2 =	vld [tilespmem:s0+$0x0]  }
.LBB2_18:
0x290: {  	p1 =	sne.s32 s2, $0x1  }
.Ltmp13:
0x291: {  	_ = 	snop;
	(pc) =	sbr.rel @p1 .LBB2_18-.Ltmp13, $3  }
0x292: {  	_ =	sdelay $0x1  }
0x293: {  	s2 =	sadd.s32 $0xFFFFFFFF, s2;
	s0 =	sadd.s32 $0x80, s0;
	v0 =	vadd.s32 v0, v2  }
0x294: {  	v2 =	vld [tilespmem:s0+$0x0]  }
.LBB2_19:
0x295: {  	_ =	sdelay $0x3  }
0x296: {  	v0 =	vadd.s32 v0, v2  }
.LBB2_20:
0x297: {  	v0 =	vadd.s32 v1, v0  }
0x298: {  	(v2sf) =	vpush v0, $0x0  }
0x299: {  	(v2sf) =	vpush v0, $0x1  }
0x29a: {  	(v2sf) =	vpush v0, $0x2  }
0x29b: {  	(v2sf) =	vpush v0, $0x3  }
0x29c: {  	(v2sf) =	vpush v0, $0x4;
	_ =	sdelay $0x1  }
0x29d: {  	(v2sf) =	vpush v0, $0x5  }
0x29e: {  	(v2sf) =	vpush v0, $0x6  }
0x29f: {  	(v2sf) =	vpush v0, $0x7  }
0x2a0: {  	(v2sf) =	vpush v0, $0x8  }
0x2a1: {  	(v2sf) =	vpush v0, $0x9  }
0x2a2: {  	(v2sf) =	vpush v0, $0xA  }
0x2a3: {  	(v2sf) =	vpush v0, $0xB  }
0x2a4: {  	(v2sf) =	vpush v0, $0xC  }
0x2a5: {  	(v2sf) =	vpush v0, $0xD  }
0x2a6: {  	s3 =	rddreg [dreg:$0x4];
	(v2sf) =	vpush v0, $0xE;
	s0 =	spop (v2sf)  }
0x2a7: {  	[smem:$0xB0] =	sst s0;
	s7 =	spop (v2sf);
	(v2sf) =	vpush v0, $0xF  }
0x2a8: {  	s1 =	spop (v2sf);
	[smem:$0xB1] =	sst s7  }
0x2a9: {  	s2 =	simm.s32 @!p0 $0xAB80;
	s8 =	spop (v2sf);
	[smem:$0xB2] =	sst s1  }
0x2aa: {  	[tilespmem:$0xABB0] =	vst v0;
	s1 =	simm.s32 @!p0 $0x0;
	s9 =	spop (v2sf);
	[smem:$0xB3] =	sst s8  }
0x2ab: {  	[hbm4b:s3+s1] =	stream.linear.scatter @!p0 [tilespmem:s2], [sflag:$0x2], $0x80, $0x38;
	[tilespmem:$0xEC00] =	vst v63  }
0x2ac: {  	s10 =	spop (v2sf);
	[smem:$0xB4] =	sst s9  }
0x2ad: {  	s11 =	spop (v2sf);
	[smem:$0xB5] =	sst s10  }
0x2ae: {  	s12 =	spop (v2sf);
	[smem:$0xB6] =	sst s11  }
0x2af: {  	s13 =	spop (v2sf);
	[smem:$0xB7] =	sst s12  }
0x2b0: {  	s14 =	spop (v2sf);
	[smem:$0xB8] =	sst s13  }
0x2b1: {  	s15 =	spop (v2sf);
	[smem:$0xB9] =	sst s14  }
0x2b2: {  	[smem:$0xBA] =	sst s15;
	s16 =	spop (v2sf)  }
0x2b3: {  	[smem:$0xBB] =	sst s16;
	s17 =	spop (v2sf)  }
0x2b4: {  	[smem:$0xBC] =	sst s17;
	s18 =	spop (v2sf)  }
0x2b5: {  	[smem:$0xBD] =	sst s18;
	s19 =	spop (v2sf)  }
0x2b6: {  	[smem:$0xBE] =	sst s19;
	s20 =	spop (v2sf)  }
0x2b7: {  	s0 =	simm.s32 @!p0 $0x2;
	[smem:$0xBF] =	sst s20  }
0x2b8: {  	_ =	swait.ge @!p0 [sflag:s0], $0x80  }
0x2b9: {  	[sflag:s0] =	ssyncset.done @!p0 $0x0  }
0x2ba: {  	s2 =	simm.s32 $0x0;
	[sflag:s0] =	ssyncadd.s32 @!p0 $0xFFFFFF80  }
0x2bb: {  	v0 =	vld [tilespmem:s2+$0xA000];
	_ =	sdelay $0x4  }
0x2bc: {  	v0 =	vadd.s32 $0x80, v0  }
0x2bd: {  	(v2sf) =	vpush v0, $0x0;
	_ =	sdelay $0x3  }
0x2be: {  	(v2sf) =	vpush v0, $0x6  }
0x2bf: {  	(v2sf) =	vpush v0, $0x1;
	_ =	sdelay $0x4  }
0x2c0: {  	(v2sf) =	vpush v0, $0x2;
	_ =	sdelay $0x4  }
0x2c1: {  	(v2sf) =	vpush v0, $0x3;
	s21 =	spop (v2sf)  }
0x2c2: {  	s3 =	sld [smem:s21+$0x0];
	_ =	sdelay $0x2  }
0x2c3: {  	s22 =	spop (v2sf);
	s4 =	sadd.s32 $0x1, s3  }
0x2c4: {  	(v2sf) =	vpush v0, $0x4;
	s23 =	spop (v2sf);
	[smem:s21] =	sst s4  }
0x2c5: {  	s4 =	sld [smem:s23+$0x0];
	_ =	sdelay $0x2  }
0x2c6: {  	s5 =	sadd.s32 $0x1, s4  }
0x2c7: {  	s7 =	spop (v2sf);
	(v2sf) =	vpush v0, $0x5;
	[smem:s23] =	sst s5  }
0x2c8: {  	s6 =	sld [smem:s7+$0x0];
	_ =	sdelay $0x2  }
0x2c9: {  	s24 =	sadd.s32 $0x1, s6  }
0x2ca: {  	s25 =	spop (v2sf);
	[smem:s7] =	sst s24  }
0x2cb: {  	s7 =	sld [smem:s25+$0x0];
	_ =	sdelay $0x2  }
0x2cc: {  	s26 =	sadd.s32 $0x1, s7  }
0x2cd: {  	(v2sf) =	vpush v0, $0x7;
	s28 =	spop (v2sf);
	[smem:s25] =	sst s26  }
0x2ce: {  	s8 =	sld [smem:s28+$0x0];
	_ =	sdelay $0x2  }
0x2cf: {  	s29 =	sadd.s32 $0x1, s8  }
0x2d0: {  	(v2sf) =	vpush v0, $0x8;
	s30 =	spop (v2sf);
	[smem:s28] =	sst s29  }
0x2d1: {  	s9 =	sld [smem:s30+$0x0];
	_ =	sdelay $0x2  }
0x2d2: {  	s31 =	sadd.s32 $0x1, s9  }
0x2d3: {  	(v2sf) =	vpush v0, $0x9;
	[smem:s30] =	sst s31  }
0x2d4: {  	s11 =	sld [smem:s22+$0x0];
	_ =	sdelay $0x2  }
0x2d5: {  	s10 =	sadd.s32 $0x1, s11  }
0x2d6: {  	(v2sf) =	vpush v0, $0xA;
	s12 =	spop (v2sf);
	[smem:s22] =	sst s10  }
0x2d7: {  	s1 =	sld [smem:s12+$0x0];
	_ =	sdelay $0x2  }
0x2d8: {  	s13 =	sadd.s32 $0x1, s1  }
0x2d9: {  	(v2sf) =	vpush v0, $0xB;
	s14 =	spop (v2sf);
	[smem:s12] =	sst s13  }
0x2da: {  	s12 =	sld [smem:s14+$0x0];
	_ =	sdelay $0x2  }
0x2db: {  	s15 =	sadd.s32 $0x1, s12  }
0x2dc: {  	s16 =	spop (v2sf);
	(v2sf) =	vpush v0, $0xC;
	[smem:s14] =	sst s15  }
0x2dd: {  	s13 =	sld [smem:s16+$0x0];
	_ =	sdelay $0x2  }
0x2de: {  	s17 =	sadd.s32 $0x1, s13  }
0x2df: {  	s18 =	spop (v2sf);
	(v2sf) =	vpush v0, $0xD;
	[smem:s16] =	sst s17  }
0x2e0: {  	s14 =	sld [smem:s18+$0x0];
	_ =	sdelay $0x2  }
0x2e1: {  	s19 =	sadd.s32 $0x1, s14  }
0x2e2: {  	s20 =	spop (v2sf);
	(v2sf) =	vpush v0, $0xE;
	[smem:s18] =	sst s19  }
0x2e3: {  	s15 =	sld [smem:s20+$0x0]  }
0x2e4: {  	s5 =	simm.s32 $0x10  }
0x2e5: {  	v1 =	vld [tilespmem:s5+$0xA000]  }
0x2e6: {  	s10 =	sadd.s32 $0x1, s15  }
0x2e7: {  	(v2sf) =	vpush v0, $0xF;
	s21 =	spop (v2sf);
	[smem:s20] =	sst s10  }
0x2e8: {  	s16 =	sld [smem:s21+$0x0];
	_ =	sdelay $0x1  }
0x2e9: {  	v0 =	vadd.s32 $0x80, v1  }
0x2ea: {  	(v2sf) =	vpush v0, $0x0;
	s22 =	sadd.s32 $0x1, s16  }
0x2eb: {  	s23 =	spop (v2sf);
	(v2sf) =	vpush v0, $0x6;
	[smem:s21] =	sst s22  }
0x2ec: {  	s17 =	sld [smem:s23+$0x0];
	_ =	sdelay $0x2  }
0x2ed: {  	s24 =	sadd.s32 $0x1, s17  }
0x2ee: {  	(v2sf) =	vpush v0, $0x1;
	s25 =	spop (v2sf);
	[smem:s23] =	sst s24  }
0x2ef: {  	(v2sf) =	vpush v0, $0x2;
	s18 =	sld [smem:s25+$0x0];
	_ =	sdelay $0x2  }
0x2f0: {  	s26 =	sadd.s32 $0x1, s18  }
0x2f1: {  	s28 =	spop (v2sf);
	[smem:s25] =	sst s26  }
0x2f2: {  	s10 =	sld [smem:s28+$0x0];
	_ =	sdelay $0x2  }
0x2f3: {  	s20 =	spop (v2sf);
	s19 =	sadd.s32 $0x1, s10;
	v1 =	vmov s10  }
0x2f4: {  	s10 =	spop (v2sf);
	(v2sf) =	vpush v0, $0x3;
	[smem:s28] =	sst s19;
	v1 =	vsel vm0, s3, v1  }
0x2f5: {  	s3 =	sld [smem:s20+$0x0];
	v1 =	vsel vm1, s4, v1  }
0x2f6: {  	v1 =	vsel vm2, s6, v1  }
0x2f7: {  	v1 =	vsel vm3, s7, v1  }
0x2f8: {  	s29 =	sadd.s32 $0x1, s3;
	v1 =	vsel vm4, s8, v1  }
0x2f9: {  	s30 =	spop (v2sf);
	[smem:s20] =	sst s29;
	v1 =	vsel vm5, s9, v1  }
0x2fa: {  	s0 =	spop (v2sf);
	(v2sf) =	vpush v0, $0x4;
	s4 =	sld [smem:s30+$0x0];
	v1 =	vsel vm6, s11, v1  }
0x2fb: {  	v1 =	vsel vm7, s1, v1  }
0x2fc: {  	v1 =	vsel vm8, s12, v1  }
0x2fd: {  	s31 =	sadd.s32 $0x1, s4;
	v1 =	vsel vm9, s13, v1  }
0x2fe: {  	[smem:s30] =	sst s31;
	v1 =	vsel vm10, s14, v1  }
0x2ff: {  	(v2sf) =	vpush v0, $0x5;
	s6 =	sld [smem:s0+$0x0];
	v1 =	vsel vm11, s15, v1  }
0x300: {  	v1 =	vsel vm12, s16, v1  }
0x301: {  	v1 =	vsel vm13, s17, v1  }
0x302: {  	s8 =	simm.s32 $0x80;
	s9 =	sadd.s32 $0x1, s6;
	v1 =	vsel vm14, s18, v1  }
.LBB2_21:
0x303: {  	[smem:s0] =	sst s9;
	s0 =	spop (v2sf)  }
0x304: {  	[tilespmem:s2+$0xA180] =	vst v1;
	s18 =	smov.u32 s8;
	s7 =	sadd.s32 $0x40, s8;
	s2 =	smov.u32 s5  }
0x305: {  	p1 =	sne.s32 s8, $0x4C0;
	s8 =	sld [smem:s0+$0x0];
	_ =	sdelay $0x2  }
0x306: {  	s1 =	sadd.s32 $0x1, s8  }
0x307: {  	[smem:s0] =	sst s1;
	s0 =	spop (v2sf);
	(v2sf) =	vpush v0, $0x7  }
0x308: {  	s9 =	sld [smem:s0+$0x0];
	_ =	sdelay $0x2  }
0x309: {  	s1 =	sadd.s32 $0x1, s9  }
0x30a: {  	[smem:s0] =	sst s1;
	s0 =	spop (v2sf);
	(v2sf) =	vpush v0, $0x8  }
0x30b: {  	s11 =	sld [smem:s0+$0x0];
	_ =	sdelay $0x2  }
0x30c: {  	s1 =	sadd.s32 $0x1, s11  }
0x30d: {  	[smem:s0] =	sst s1;
	(v2sf) =	vpush v0, $0x9  }
0x30e: {  	s12 =	sld [smem:s10+$0x0];
	_ =	sdelay $0x2  }
0x30f: {  	s0 =	sadd.s32 $0x1, s12  }
0x310: {  	[smem:s10] =	sst s0;
	s0 =	spop (v2sf);
	(v2sf) =	vpush v0, $0xA  }
0x311: {  	s13 =	sld [smem:s0+$0x0];
	_ =	sdelay $0x2  }
0x312: {  	s1 =	sadd.s32 $0x1, s13  }
0x313: {  	[smem:s0] =	sst s1;
	s0 =	spop (v2sf);
	(v2sf) =	vpush v0, $0xB  }
0x314: {  	s14 =	sld [smem:s0+$0x0];
	_ =	sdelay $0x2  }
0x315: {  	s1 =	sadd.s32 $0x1, s14  }
0x316: {  	[smem:s0] =	sst s1;
	s0 =	spop (v2sf);
	(v2sf) =	vpush v0, $0xC  }
0x317: {  	s15 =	sld [smem:s0+$0x0];
	_ =	sdelay $0x2  }
0x318: {  	s1 =	sadd.s32 $0x1, s15  }
0x319: {  	[smem:s0] =	sst s1;
	s0 =	spop (v2sf);
	(v2sf) =	vpush v0, $0xD  }
0x31a: {  	s16 =	sld [smem:s0+$0x0];
	_ =	sdelay $0x2  }
0x31b: {  	s1 =	sadd.s32 $0x1, s16  }
0x31c: {  	[smem:s0] =	sst s1;
	s0 =	spop (v2sf);
	(v2sf) =	vpush v0, $0xE  }
0x31d: {  	s17 =	sld [smem:s0+$0x0];
	_ =	sdelay $0x1  }
0x31e: {  	s5 =	sshra.s32 s18, $0x2  }
0x31f: {  	v1 =	vld [tilespmem:s5+$0xA000];
	s1 =	sadd.s32 $0x1, s17  }
0x320: {  	[smem:s0] =	sst s1;
	s0 =	spop (v2sf);
	(v2sf) =	vpush v0, $0xF  }
0x321: {  	s18 =	sld [smem:s0+$0x0];
	_ =	sdelay $0x2  }
0x322: {  	v0 =	vadd.s32 $0x80, v1;
	s1 =	sadd.s32 $0x1, s18  }
0x323: {  	(v2sf) =	vpush v0, $0x0;
	[smem:s0] =	sst s1;
	s0 =	spop (v2sf)  }
0x324: {  	(v2sf) =	vpush v0, $0x6;
	s19 =	sld [smem:s0+$0x0];
	_ =	sdelay $0x2  }
0x325: {  	s1 =	sadd.s32 $0x1, s19  }
0x326: {  	(v2sf) =	vpush v0, $0x1;
	[smem:s0] =	sst s1;
	s0 =	spop (v2sf)  }
0x327: {  	s1 =	sld [smem:s0+$0x0];
	_ =	sdelay $0x2  }
0x328: {  	(v2sf) =	vpush v0, $0x2;
	s10 =	sadd.s32 $0x1, s1  }
0x329: {  	[smem:s0] =	sst s10;
	s0 =	spop (v2sf)  }
0x32a: {  	s10 =	sld [smem:s0+$0x0];
	_ =	sdelay $0x2  }
0x32b: {  	s20 =	sadd.s32 $0x1, s10;
	v1 =	vmov s10  }
0x32c: {  	s21 =	spop (v2sf);
	(v2sf) =	vpush v0, $0x3;
	[smem:s0] =	sst s20;
	v1 =	vsel vm0, s3, v1  }
0x32d: {  	s3 =	sld [smem:s21+$0x0];
	s10 =	spop (v2sf);
	v1 =	vsel vm1, s4, v1  }
0x32e: {  	v1 =	vsel vm2, s6, v1  }
0x32f: {  	v1 =	vsel vm3, s8, v1  }
0x330: {  	s0 =	sadd.s32 $0x1, s3;
	v1 =	vsel vm4, s9, v1  }
0x331: {  	[smem:s21] =	sst s0;
	s6 =	spop (v2sf);
	(v2sf) =	vpush v0, $0x4;
	v1 =	vsel vm5, s11, v1  }
0x332: {  	s4 =	sld [smem:s6+$0x0];
	v1 =	vsel vm6, s12, v1  }
0x333: {  	v1 =	vsel vm7, s13, v1  }
0x334: {  	v1 =	vsel vm8, s14, v1  }
0x335: {  	s8 =	sadd.s32 $0x1, s4;
	s0 =	spop (v2sf);
	v1 =	vsel vm9, s15, v1  }
.Ltmp14:
0x336: {  	[smem:s6] =	sst s8;
	(v2sf) =	vpush v0, $0x5;
	v1 =	vsel vm10, s16, v1;
	(pc) =	sbr.rel @p1 .LBB2_21-.Ltmp14, $4  }
0x337: {  	s6 =	sld [smem:s0+$0x0];
	v1 =	vsel vm11, s17, v1  }
0x338: {  	v1 =	vsel vm12, s18, v1  }
0x339: {  	v1 =	vsel vm13, s19, v1  }
0x33a: {  	s8 =	smov.u32 s7;
	s9 =	sadd.s32 $0x1, s6;
	v1 =	vsel vm14, s1, v1  }
0x33b: {  	[smem:s0] =	sst s9;
	s11 =	spop (v2sf)  }
0x33c: {  	s1 =	sld [smem:s11+$0x0];
	_ =	sdelay $0x2  }
0x33d: {  	s7 =	sadd.s32 $0x1, s1  }
0x33e: {  	(v2sf) =	vpush v0, $0x7;
	[smem:s11] =	sst s7;
	s12 =	spop (v2sf)  }
0x33f: {  	s7 =	sld [smem:s12+$0x0];
	_ =	sdelay $0x2  }
0x340: {  	s8 =	sadd.s32 $0x1, s7  }
0x341: {  	(v2sf) =	vpush v0, $0x8;
	[smem:s12] =	sst s8;
	s13 =	spop (v2sf)  }
0x342: {  	s8 =	sld [smem:s13+$0x0];
	_ =	sdelay $0x2  }
0x343: {  	s14 =	sadd.s32 $0x1, s8  }
0x344: {  	(v2sf) =	vpush v0, $0x9;
	[smem:s13] =	sst s14  }
0x345: {  	s0 =	sld [smem:s10+$0x0];
	_ =	sdelay $0x2  }
0x346: {  	s15 =	sadd.s32 $0x1, s0  }
0x347: {  	s16 =	spop (v2sf);
	(v2sf) =	vpush v0, $0xA;
	[smem:s10] =	sst s15  }
0x348: {  	s10 =	sld [smem:s16+$0x0];
	_ =	sdelay $0x2  }
0x349: {  	s11 =	sadd.s32 $0x1, s10  }
0x34a: {  	s17 =	spop (v2sf);
	(v2sf) =	vpush v0, $0xB;
	[smem:s16] =	sst s11  }
0x34b: {  	s11 =	sld [smem:s17+$0x0];
	_ =	sdelay $0x2  }
0x34c: {  	s12 =	sadd.s32 $0x1, s11  }
0x34d: {  	s18 =	spop (v2sf);
	(v2sf) =	vpush v0, $0xC;
	[smem:s17] =	sst s12  }
0x34e: {  	s12 =	sld [smem:s18+$0x0];
	_ =	sdelay $0x2  }
0x34f: {  	s13 =	sadd.s32 $0x1, s12  }
0x350: {  	s19 =	spop (v2sf);
	(v2sf) =	vpush v0, $0xD;
	[smem:s18] =	sst s13  }
0x351: {  	s13 =	sld [smem:s19+$0x0];
	_ =	sdelay $0x2  }
0x352: {  	s14 =	sadd.s32 $0x1, s13  }
0x353: {  	s20 =	spop (v2sf);
	(v2sf) =	vpush v0, $0xE;
	[smem:s19] =	sst s14  }
0x354: {  	s14 =	sld [smem:s20+$0x0];
	_ =	sdelay $0x2  }
0x355: {  	s15 =	sadd.s32 $0x1, s14  }
0x356: {  	s21 =	spop (v2sf);
	(v2sf) =	vpush v0, $0xF;
	[smem:s20] =	sst s15  }
0x357: {  	s15 =	sld [smem:s21+$0x0];
	_ =	sdelay $0x2  }
0x358: {  	s16 =	sadd.s32 $0x1, s15  }
0x359: {  	s22 =	spop (v2sf);
	[smem:s21] =	sst s16  }
0x35a: {  	s16 =	sld [smem:s22+$0x0];
	_ =	sdelay $0x2  }
0x35b: {  	s17 =	sadd.s32 $0x1, s16  }
0x35c: {  	s23 =	spop (v2sf);
	[smem:s22] =	sst s17  }
0x35d: {  	s17 =	sld [smem:s23+$0x0];
	_ =	sdelay $0x2  }
0x35e: {  	s18 =	sadd.s32 $0x1, s17  }
0x35f: {  	s24 =	spop (v2sf);
	[smem:s23] =	sst s18  }
0x360: {  	s18 =	sld [smem:s24+$0x0];
	_ =	sdelay $0x2  }
0x361: {  	v63 =	vmov s18  }
0x362: {  	v0 =	vsel vm0, s3, v63  }
0x363: {  	v0 =	vsel vm1, s4, v0  }
0x364: {  	v0 =	vsel vm2, s6, v0  }
0x365: {  	v0 =	vsel vm3, s1, v0  }
0x366: {  	v0 =	vsel vm4, s7, v0  }
0x367: {  	v0 =	vsel vm5, s8, v0  }
0x368: {  	v0 =	vsel vm6, s0, v0  }
0x369: {  	v0 =	vsel vm7, s10, v0  }
0x36a: {  	v0 =	vsel vm8, s11, v0  }
0x36b: {  	v0 =	vsel vm9, s12, v0  }
0x36c: {  	v0 =	vsel vm10, s13, v0  }
0x36d: {  	v0 =	vsel vm11, s14, v0  }
0x36e: {  	v0 =	vsel vm12, s15, v0  }
0x36f: {  	s26 =	simm.s32 $0x140;
	v0 =	vsel vm13, s16, v0  }
0x370: {  	[tilespmem:s2+$0xA180] =	vst v1;
	s28 =	simm.s32 $0xA180;
	s30 =	rddreg [dreg:$0x3];
	s25 =	sadd.s32 $0x1, s18;
	v0 =	vsel vm14, s17, v0  }
0x371: {  	s29 =	simm.s32 $0x0;
	s31 =	simm.s32 $0x1;
	[smem:s24] =	sst s25;
	[tilespmem:s5+$0xA180] =	vst v0  }
0x372: {  	[hbm4b:s30+s26] =	stream.indirect.scatter [tilespmem:s29], [sflag:$0x1], $0x80, s28, s26, $0xb8;
	[tilespmem:$0xEC00] =	vst v63  }
0x373: {  	_ =	swait.ge [sflag:s31], $0xA000  }
0x374: {  	[sflag:s31] =	ssyncset.done $0x0  }
0x375: {  	[sflag:s31] =	ssyncadd.s32 $0xFFFF6000  }
0x376: {  	_ =	sfence.sel $0x180000  }
0x377: {  	[bflag:$0x0] =	sbarrier.arrive $0xFFFF  }
0x378: {  	_ =	strace $0x90000047  }
0x379: {  	[bflag:$0x2] =	sbarrier.arrive $0xFFFF  }
0x37a: {  	s0 =	rddreg [dreg:$0x2]  }
0x37b: {  	s0 =	sadd.s32 @!p0 $0x100000, s0  }
0x37c: {  	[sflag:s0] =	ssyncadd.tile.s32 @!p0 $0x1;
	_ =	shalt  }
.Lfunc_end2:
_tile_overlayer_lowered:
.L_overlay_start_2:
0x37d: {  	(tag) =	ssettag $0x2  }
0x37e: {  	s0 =	rddreg [dreg:$0x0];
	s2 =	stileid.u32  }
0x37f: {  	s1 =	rddreg [dreg:$0x1];
	p0 =	sne.s32 s2, $0x0  }
0x380: {  	s3 =	rddreg [dreg:$0x2];
	[bflag:$0x3] =	sbarrier.arrive $0xFFFF;
	s2 =	simm.s32 @!p0 $0x1C02  }
0x381: {  	[timem:s3], [sflag:s2] =	dma.local @!p0 [hbm:s0], s1  }
0x382: {  	s0 =	simm.s32 @!p0 $0x2  }
0x383: {  	_ =	swait.ge @!p0 [sflag:s0], s1  }
0x384: {  	s1 =	ssub.s32 @!p0 $0x0, s1;
	[sflag:s0] =	ssyncset.done @!p0 $0x0  }
0x385: {  	[sflag:s0] =	ssyncadd.s32 @!p0 s1  }
0x386: {  	[bflag:$0x3] =	sbarrier.arrive $0xFFFF  }
0x387: {  	_ =	shalt  }

</sc_bundles>
